<compile_context>
chip_gen: v7x
topology: tpu7x:2x2x1
jax: 0.10.2.dev20260603
libtpu: 0.0.44.dev20260713+nightly
codegen_flags: <defaults>
</compile_context>

<pallas_src>
import functools
import math

import jax
import jax.numpy as jnp
from jax import lax
from jax.experimental import pallas as pl
from jax.experimental.pallas import tpu as pltpu
from jax.experimental.pallas import tpu_sc as plsc

FEAT = 128
N_RBF_ = 20
CUT = 5.0
NODES = 10000
EDGES = 160000

NODE_BLK = 1000
EDGE_BLK = 1280

NC = 2
NS = 16
TRNG = 160
NPASS = 2
NPAD = NPASS * NC * NS * TRNG + 16
GRP = 1600
NGRP = EDGES // GRP
K = 16


def _mlp_body(s_ref, w1_ref, b1_ref, w2_ref, b2_ref, out_ref):
    h = jnp.dot(s_ref[...], w1_ref[...], preferred_element_type=jnp.float32)
    h = h + b1_ref[...]
    h = h * jax.nn.sigmoid(h)
    out_ref[...] = (
        jnp.dot(h, w2_ref[...], preferred_element_type=jnp.float32) + b2_ref[...]
    )


def _node_mlp(s_j, W1, b1, W2, b2):
    return pl.pallas_call(
        _mlp_body,
        grid=(NODES // NODE_BLK,),
        in_specs=[
            pl.BlockSpec((NODE_BLK, FEAT), lambda i: (i, 0)),
            pl.BlockSpec((FEAT, FEAT), lambda i: (0, 0)),
            pl.BlockSpec((1, FEAT), lambda i: (0, 0)),
            pl.BlockSpec((FEAT, 4 * FEAT), lambda i: (0, 0)),
            pl.BlockSpec((1, 4 * FEAT), lambda i: (0, 0)),
        ],
        out_specs=pl.BlockSpec((NODE_BLK, 4 * FEAT), lambda i: (i, 0)),
        out_shape=jax.ShapeDtypeStruct((NODES, 4 * FEAT), jnp.float32),
    )(s_j, W1, b1.reshape(1, FEAT), W2, b2.reshape(1, 4 * FEAT))


def _ws_body(r_ref, wr_ref, br_ref, ws_ref):
    r = r_ref[...]
    dist = jnp.sqrt(jnp.sum(r * r + 1e-8, axis=1, keepdims=True))
    unit = r / dist

    n = jax.lax.broadcasted_iota(jnp.int32, (1, N_RBF_), 1).astype(jnp.float32) + 1.0
    arg = dist * n * (math.pi / CUT)
    rbf = jnp.sin(arg) / dist
    rbf_feats = jnp.dot(rbf, wr_ref[...], preferred_element_type=jnp.float32)
    rbf_feats = rbf_feats + br_ref[...]
    env = jnp.where(dist < CUT, 0.5 * (jnp.cos(dist * (math.pi / CUT)) + 1.0), 0.0)
    w_s = rbf_feats * env
    ws_ref[...] = jnp.concatenate(
        [w_s, unit, jnp.zeros((unit.shape[0], 125), jnp.float32)], axis=1
    )


def _edge_ws(r_ij, W_rbf, b_rbf):
    return pl.pallas_call(
        _ws_body,
        grid=(EDGES // EDGE_BLK,),
        in_specs=[
            pl.BlockSpec((EDGE_BLK, 3), lambda i: (i, 0)),
            pl.BlockSpec((N_RBF_, 4 * FEAT), lambda i: (0, 0)),
            pl.BlockSpec((1, 4 * FEAT), lambda i: (0, 0)),
        ],
        out_specs=pl.BlockSpec((EDGE_BLK, 5 * FEAT), lambda i: (i, 0)),
        out_shape=jax.ShapeDtypeStruct((EDGES, 5 * FEAT), jnp.float32),
    )(r_ij, W_rbf, b_rbf.reshape(1, 4 * FEAT))


def _sc_body(
    src_hbm, dst_hbm, ws_hbm, phi_hbm, v3_hbm,
    out_hbm,
    acc, srcb, dstb, ce, cs, cd, eb, sb, db, locs,
    ws_r, phi_r, vd_r, vs_r, sem,
):
    c = lax.axis_index("c")
    s = lax.axis_index("s")
    wid = s * NC + c

    for p in range(NPASS):
        base = (p * NC * NS + wid) * TRNG

        def zrow(i, _):
            for j in range(4 * FEAT // 16):
                acc[i, pl.ds(j * 16, 16)] = jnp.zeros((16,), jnp.float32)
            return 0

        lax.fori_loop(0, TRNG + 1, zrow, 0)

        def grp_body(g, _):
            glo = g * GRP
            pltpu.sync_copy(src_hbm.at[pl.ds(glo, GRP)], srcb)
            pltpu.sync_copy(dst_hbm.at[pl.ds(glo, GRP)], dstb)

            def cbody(i, pos):
                sv = srcb[pl.ds(i * 16, 16)]
                dv = dstb[pl.ds(i * 16, 16)]
                m = (sv >= base) & (sv < base + TRNG)
                eid = glo + i * 16 + lax.broadcasted_iota(jnp.int32, (16,), 0)
                mi = m.astype(jnp.int32)
                idx = pos + plsc.cumsum(mi) - mi
                plsc.store_scatter(ce, [idx], eid, mask=m)
                plsc.store_scatter(cs, [idx], sv, mask=m)
                plsc.store_scatter(cd, [idx], dv, mask=m)
                return pos + plsc.all_reduce_population_count(m)[0]

            pos0 = lax.fori_loop(0, GRP // 16, cbody, 0)

            zi = jnp.zeros((16,), jnp.int32)
            di = jnp.full((16,), base + TRNG, jnp.int32)
            ce[pl.ds(pos0, 16)] = zi
            cs[pl.ds(pos0, 16)] = di
            cd[pl.ds(pos0, 16)] = zi

            nch = (pos0 + K - 1) // K

            def pbody(ci, _):
                cst = ci * K
                ebv = ce[pl.ds(cst, 16)]
                sbv = cs[pl.ds(cst, 16)]
                dbv = cd[pl.ds(cst, 16)]
                eb[pl.ds(0, 16)] = ebv
                sb[pl.ds(0, 16)] = sbv
                db[pl.ds(0, 16)] = dbv
                lv = sbv - base
                for j in range(K):
                    locs[j] = lv[j]
                d1 = pltpu.async_copy(ws_hbm.at[eb], ws_r, sem)
                d3 = pltpu.async_copy(phi_hbm.at[db], phi_r, sem)
                d4 = pltpu.async_copy(v3_hbm.at[db], vd_r, sem)
                d5 = pltpu.async_copy(v3_hbm.at[sb], vs_r, sem)
                d1.wait(); d3.wait(); d4.wait(); d5.wait()

                def ebody(e, _):
                    le = locs[e]
                    upv = ws_r[e, pl.ds(4 * FEAT, 16)]
                    u0 = upv[0]
                    u1 = upv[1]
                    u2 = upv[2]
                    us = (u0, u1, u2)
                    for f in range(FEAT // 16):
                        sl = [pl.ds(q * FEAT + f * 16, 16) for q in range(4)]
                        s0 = phi_r[e, sl[0]] * ws_r[e, sl[0]]
                        s1 = phi_r[e, sl[1]] * ws_r[e, sl[1]]
                        s2 = phi_r[e, sl[2]] * ws_r[e, sl[2]]
                        s3 = phi_r[e, sl[3]] * ws_r[e, sl[3]]
                        vd0 = vd_r[e, sl[0]]
                        vd1 = vd_r[e, sl[1]]
                        vd2 = vd_r[e, sl[2]]
                        vs0 = vs_r[e, sl[0]]
                        vs1 = vs_r[e, sl[1]]
                        vs2 = vs_r[e, sl[2]]
                        cr0 = vs1 * vd2 - vs2 * vd1
                        cr1 = vs2 * vd0 - vs0 * vd2
                        cr2 = vs0 * vd1 - vs1 * vd0
                        acc[le, sl[0]] += s2 * us[0] + s0 * vd0 + s3 * cr0
                        acc[le, sl[1]] += s2 * us[1] + s0 * vd1 + s3 * cr1
                        acc[le, sl[2]] += s2 * us[2] + s0 * vd2 + s3 * cr2
                        acc[le, pl.ds(3 * FEAT + f * 16, 16)] += s1
                    return 0

                lax.fori_loop(0, K, ebody, 0)
                return 0

            lax.fori_loop(0, nch, pbody, 0)
            return 0

        lax.fori_loop(0, NGRP, grp_body, 0)

        pltpu.sync_copy(acc.at[pl.ds(0, TRNG)], out_hbm.at[pl.ds(base, TRNG)])


def _sc_scatter(src, dst, w_s, phi_p, v3_p):
    mesh = plsc.VectorSubcoreMesh(core_axis_name="c", subcore_axis_name="s")
    f = pl.kernel(
        _sc_body,
        out_type=jax.ShapeDtypeStruct((NPASS * NC * NS * TRNG, 4 * FEAT), jnp.float32),
        mesh=mesh,
        compiler_params=pltpu.CompilerParams(needs_layout_passes=False),
        scratch_types=[
            pltpu.VMEM((TRNG + 1, 4 * FEAT), jnp.float32),
            pltpu.VMEM((GRP,), jnp.int32),
            pltpu.VMEM((GRP,), jnp.int32),
            pltpu.VMEM((GRP + K,), jnp.int32),
            pltpu.VMEM((GRP + K,), jnp.int32),
            pltpu.VMEM((GRP + K,), jnp.int32),
            pltpu.VMEM((K,), jnp.int32),
            pltpu.VMEM((K,), jnp.int32),
            pltpu.VMEM((K,), jnp.int32),
            pltpu.SMEM((K,), jnp.int32),
            pltpu.VMEM((K, 5 * FEAT), jnp.float32),
            pltpu.VMEM((K, 4 * FEAT), jnp.float32),
            pltpu.VMEM((K, 3 * FEAT), jnp.float32),
            pltpu.VMEM((K, 3 * FEAT), jnp.float32),
            pltpu.SemaphoreType.DMA,
        ],
    )
    return f(src, dst, w_s, phi_p, v3_p)


def kernel(s_j, v_j, r_ij, nbrs, W1, b1, W2, b2, W_rbf, b_rbf):
    src = nbrs[:, 0]
    dst = nbrs[:, 1]

    phi_nodes = _node_mlp(s_j, W1, b1, W2, b2)
    w_s = _edge_ws(r_ij, W_rbf, b_rbf)

    v3 = jnp.transpose(v_j, (0, 2, 1)).reshape(NODES, 3 * FEAT)
    phi_p = jnp.pad(phi_nodes, ((0, NPAD - NODES), (0, 0)))
    v3_p = jnp.pad(v3, ((0, NPAD - NODES), (0, 0)))

    out = _sc_scatter(src, dst, w_s, phi_p, v3_p)

    dh = out[:NODES, 3 * FEAT :]
    dv = jnp.transpose(out[:NODES, : 3 * FEAT].reshape(NODES, 3, FEAT), (0, 2, 1))
    return (dh, dv)

# --- scband reference (transcript-rebuilt; emitter-appended) ---
"""Pipeline reference for scband-equi-message-cross-34376918237210 (READ-ONLY COPY).

The authoritative reference and input builder live on the scoring server;
editing this copy changes nothing except your own understanding.
"""

import jax, jax.numpy as jnp
import numpy as np

FEAT_DIM = 128
N_RBF = 20
CUTOFF = 5.0
N_NODES = 10000
N_EDGES = 160000


def setup_inputs(seed: int = 0) -> dict:
    key = jax.random.key(seed)
    ks = jax.random.split(key, 10)
    s_j = jax.random.normal(ks[0], (N_NODES, FEAT_DIM), dtype=jnp.float32)
    v_j = jax.random.normal(ks[1], (N_NODES, FEAT_DIM, 3), dtype=jnp.float32)
    r_ij = jax.random.normal(ks[2], (N_EDGES, 3), dtype=jnp.float32)
    nbrs = jax.random.randint(ks[3], (N_EDGES, 2), 0, N_NODES)
    d = FEAT_DIM
    # InvariantMessage.inv_dense: Dense(d->d, silu) -> Dense(d->4d)
    W1 = jax.random.normal(ks[4], (d, d), dtype=jnp.float32) / np.sqrt(d)
    b1 = jnp.zeros((d,), dtype=jnp.float32)
    W2 = jax.random.normal(ks[5], (d, 4 * d), dtype=jnp.float32) / np.sqrt(d)
    b2 = jnp.zeros((4 * d,), dtype=jnp.float32)
    # DistanceEmbed: PainnRadialBasis(n_rbf) -> Dense(n_rbf -> 4d), cosine envelope
    W_rbf = jax.random.normal(ks[6], (N_RBF, 4 * d), dtype=jnp.float32) / np.sqrt(N_RBF)
    b_rbf = jnp.zeros((4 * d,), dtype=jnp.float32)
    return {"s_j": s_j, "v_j": v_j, "r_ij": r_ij, "nbrs": nbrs,
            "W1": W1, "b1": b1, "W2": W2, "b2": b2,
            "W_rbf": W_rbf, "b_rbf": b_rbf}


def reference(s_j, v_j, r_ij, nbrs, W1, b1, W2, b2, W_rbf, b_rbf):
    # preprocess_r
    dist = jnp.sqrt((r_ij ** 2 + 1e-08).sum(-1))
    unit = r_ij / dist.reshape(-1, 1)

    # InvariantMessage: inv_dense applied on nodes, gathered at nbrs[:, 1]
    h = jax.nn.silu(s_j @ W1 + b1)          # Dense(d->d, swish)
    phi_nodes = h @ W2 + b2                  # Dense(d->4d)
    phi = jnp.take(phi_nodes, nbrs[:, 1], axis=0)

    # DistanceEmbed: PaiNN radial basis sin(n*pi*d/cutoff)/d, Dense, cosine cutoff envelope
    n = jnp.arange(1, N_RBF + 1, dtype=jnp.float32)
    arg = dist[:, None] * n[None, :] * (jnp.pi / CUTOFF)
    rbf = jnp.sin(arg) / dist[:, None]
    rbf_feats = rbf @ W_rbf + b_rbf
    envelope = jnp.where(dist < CUTOFF, 0.5 * (jnp.cos(jnp.pi * dist / CUTOFF) + 1.0), 0.0)
    w_s = rbf_feats * envelope[:, None]

    inv_out = (phi * w_s).reshape(-1, 4, FEAT_DIM)
    split_0 = inv_out[:, 0, :][:, :, None]
    split_1 = inv_out[:, 1, :]
    split_2 = inv_out[:, 2, :][:, :, None]
    split_3 = inv_out[:, 3, :][:, :, None]

    unit_add = split_2 * unit[:, None, :]
    vj_dst = jnp.take(v_j, nbrs[:, 1], axis=0)
    vj_src = jnp.take(v_j, nbrs[:, 0], axis=0)
    delta_v_ij = unit_add + split_0 * vj_dst + split_3 * jnp.cross(vj_src, vj_dst)
    delta_s_ij = split_1

    dv = jax.ops.segment_sum(delta_v_ij, nbrs[:, 0], num_segments=N_NODES)
    dh = jax.ops.segment_sum(delta_s_ij, nbrs[:, 0], num_segments=N_NODES)
    return (dh, dv)

if __name__ == "__main__":
    import jax
    _d = setup_inputs()
    print(jax.jit(kernel)(*tuple(_d.values())))

</pallas_src>

<mosaic_0001>
#map = affine_map<(d0, d1) -> (0)>
#map1 = affine_map<(d0, d1) -> (0, 0)>
module attributes {stable_mosaic.version = 14 : i64} {
  func.func @_sc_body(%arg0: i32, %arg1: i32, %arg2: memref<160000xi32, #tpu.memory_space<hbm>>, %arg3: memref<160000xi32, #tpu.memory_space<hbm>>, %arg4: memref<160000x640xf32, #tpu.memory_space<hbm>>, %arg5: memref<10256x512xf32, #tpu.memory_space<hbm>>, %arg6: memref<10256x384xf32, #tpu.memory_space<hbm>>, %arg7: memref<10240x512xf32, #tpu.memory_space<hbm>>, %arg8: memref<161x512xf32, #tpu.memory_space<vmem>>, %arg9: memref<1600xi32, #tpu.memory_space<vmem>>, %arg10: memref<1600xi32, #tpu.memory_space<vmem>>, %arg11: memref<1616xi32, #tpu.memory_space<vmem>>, %arg12: memref<1616xi32, #tpu.memory_space<vmem>>, %arg13: memref<1616xi32, #tpu.memory_space<vmem>>, %arg14: memref<16xi32, #tpu.memory_space<vmem>>, %arg15: memref<16xi32, #tpu.memory_space<vmem>>, %arg16: memref<16xi32, #tpu.memory_space<vmem>>, %arg17: memref<16xi32, #tpu.memory_space<smem>>, %arg18: memref<16x640xf32, #tpu.memory_space<vmem>>, %arg19: memref<16x512xf32, #tpu.memory_space<vmem>>, %arg20: memref<16x384xf32, #tpu.memory_space<vmem>>, %arg21: memref<16x384xf32, #tpu.memory_space<vmem>>, %arg22: memref<!tpu.dma_semaphore, #tpu.memory_space<semaphore_mem>>) attributes {dimension_semantics = [#tpu.dimension_semantics<core_parallel>, #tpu.dimension_semantics<subcore_parallel>], iteration_bounds = array<i64: 2, 16>, scalar_prefetch = 0 : i64, scratch_operands = 15 : i64, tpu.core_type = #tpu.core_type<sc_vector_subcore>, window_params = [{transform_indices = #map}, {transform_indices = #map}, {transform_indices = #map1}, {transform_indices = #map1}, {transform_indices = #map1}, {transform_indices = #map1}]} {
    %mul3A = arith.constant 2 : i32
    %mul3A_0 = arith.muli %arg1, %mul3A : i32
    %add3A = arith.addi %mul3A_0, %arg0 : i32
    %add3A_1 = arith.constant 0 : i32
    %add3A_2 = arith.addi %add3A_1, %add3A : i32
    %mul3A_3 = arith.constant 160 : i32
    %mul3A_4 = arith.muli %add3A_2, %mul3A_3 : i32
    %scan3A = arith.constant 0 : i32
    %scan3A_5 = arith.constant 0 : i32
    %scan3A_6 = arith.constant 161 : i32
    %scan3A_7 = arith.addi %scan3A_5, %scan3A_6 : i32
    %scan3A_8 = arith.constant 1 : i32
    %scan3A_9 = scf.for %scan3A_36 = %scan3A_5 to %scan3A_7 step %scan3A_8 iter_args(%scan3A_37 = %scan3A) -> (i32)  : i32 {
      %broadcast_in_dim3A = arith.constant 0.000000e+00 : f32
      %broadcast_in_dim3A_38 = vector.broadcast %broadcast_in_dim3A : f32 to vector<16xf32>
      %swap3A = arith.index_cast %scan3A_36 : i32 to index
      %swap3A_39 = arith.constant 0 : index
      %swap3A_40 = tpu.vector_load %arg8[%swap3A, %swap3A_39] {strides = array<i32>} : memref<161x512xf32, #tpu.memory_space<vmem>>, vector<16xf32>,
      tpu.vector_store %arg8[%swap3A, %swap3A_39], %broadcast_in_dim3A_38 {strides = array<i32>} : memref<161x512xf32, #tpu.memory_space<vmem>>, vector<16xf32>,
      %broadcast_in_dim3A_41 = arith.constant 0.000000e+00 : f32
      %broadcast_in_dim3A_42 = vector.broadcast %broadcast_in_dim3A_41 : f32 to vector<16xf32>
      %swap3A_43 = arith.index_cast %scan3A_36 : i32 to index
      %swap3A_44 = arith.constant 16 : index
      %swap3A_45 = tpu.vector_load %arg8[%swap3A_43, %swap3A_44] {strides = array<i32>} : memref<161x512xf32, #tpu.memory_space<vmem>>, vector<16xf32>,
      tpu.vector_store %arg8[%swap3A_43, %swap3A_44], %broadcast_in_dim3A_42 {strides = array<i32>} : memref<161x512xf32, #tpu.memory_space<vmem>>, vector<16xf32>,
      %broadcast_in_dim3A_46 = arith.constant 0.000000e+00 : f32
      %broadcast_in_dim3A_47 = vector.broadcast %broadcast_in_dim3A_46 : f32 to vector<16xf32>
      %swap3A_48 = arith.index_cast %scan3A_36 : i32 to index
      %swap3A_49 = arith.constant 32 : index
      %swap3A_50 = tpu.vector_load %arg8[%swap3A_48, %swap3A_49] {strides = array<i32>} : memref<161x512xf32, #tpu.memory_space<vmem>>, vector<16xf32>,
      tpu.vector_store %arg8[%swap3A_48, %swap3A_49], %broadcast_in_dim3A_47 {strides = array<i32>} : memref<161x512xf32, #tpu.memory_space<vmem>>, vector<16xf32>,
      %broadcast_in_dim3A_51 = arith.constant 0.000000e+00 : f32
      %broadcast_in_dim3A_52 = vector.broadcast %broadcast_in_dim3A_51 : f32 to vector<16xf32>
      %swap3A_53 = arith.index_cast %scan3A_36 : i32 to index
      %swap3A_54 = arith.constant 48 : index
      %swap3A_55 = tpu.vector_load %arg8[%swap3A_53, %swap3A_54] {strides = array<i32>} : memref<161x512xf32, #tpu.memory_space<vmem>>, vector<16xf32>,
      tpu.vector_store %arg8[%swap3A_53, %swap3A_54], %broadcast_in_dim3A_52 {strides = array<i32>} : memref<161x512xf32, #tpu.memory_space<vmem>>, vector<16xf32>,
      %broadcast_in_dim3A_56 = arith.constant 0.000000e+00 : f32
      %broadcast_in_dim3A_57 = vector.broadcast %broadcast_in_dim3A_56 : f32 to vector<16xf32>
      %swap3A_58 = arith.index_cast %scan3A_36 : i32 to index
      %swap3A_59 = arith.constant 64 : index
      %swap3A_60 = tpu.vector_load %arg8[%swap3A_58, %swap3A_59] {strides = array<i32>} : memref<161x512xf32, #tpu.memory_space<vmem>>, vector<16xf32>,
      tpu.vector_store %arg8[%swap3A_58, %swap3A_59], %broadcast_in_dim3A_57 {strides = array<i32>} : memref<161x512xf32, #tpu.memory_space<vmem>>, vector<16xf32>,
      %broadcast_in_dim3A_61 = arith.constant 0.000000e+00 : f32
      %broadcast_in_dim3A_62 = vector.broadcast %broadcast_in_dim3A_61 : f32 to vector<16xf32>
      %swap3A_63 = arith.index_cast %scan3A_36 : i32 to index
      %swap3A_64 = arith.constant 80 : index
      %swap3A_65 = tpu.vector_load %arg8[%swap3A_63, %swap3A_64] {strides = array<i32>} : memref<161x512xf32, #tpu.memory_space<vmem>>, vector<16xf32>,
      tpu.vector_store %arg8[%swap3A_63, %swap3A_64], %broadcast_in_dim3A_62 {strides = array<i32>} : memref<161x512xf32, #tpu.memory_space<vmem>>, vector<16xf32>,
      %broadcast_in_dim3A_66 = arith.constant 0.000000e+00 : f32
      %broadcast_in_dim3A_67 = vector.broadcast %broadcast_in_dim3A_66 : f32 to vector<16xf32>
      %swap3A_68 = arith.index_cast %scan3A_36 : i32 to index
      %swap3A_69 = arith.constant 96 : index
      %swap3A_70 = tpu.vector_load %arg8[%swap3A_68, %swap3A_69] {strides = array<i32>} : memref<161x512xf32, #tpu.memory_space<vmem>>, vector<16xf32>,
      tpu.vector_store %arg8[%swap3A_68, %swap3A_69], %broadcast_in_dim3A_67 {strides = array<i32>} : memref<161x512xf32, #tpu.memory_space<vmem>>, vector<16xf32>,
      %broadcast_in_dim3A_71 = arith.constant 0.000000e+00 : f32
      %broadcast_in_dim3A_72 = vector.broadcast %broadcast_in_dim3A_71 : f32 to vector<16xf32>
      %swap3A_73 = arith.index_cast %scan3A_36 : i32 to index
      %swap3A_74 = arith.constant 112 : index
      %swap3A_75 = tpu.vector_load %arg8[%swap3A_73, %swap3A_74] {strides = array<i32>} : memref<161x512xf32, #tpu.memory_space<vmem>>, vector<16xf32>,
      tpu.vector_store %arg8[%swap3A_73, %swap3A_74], %broadcast_in_dim3A_72 {strides = array<i32>} : memref<161x512xf32, #tpu.memory_space<vmem>>, vector<16xf32>,
      %broadcast_in_dim3A_76 = arith.constant 0.000000e+00 : f32
      %broadcast_in_dim3A_77 = vector.broadcast %broadcast_in_dim3A_76 : f32 to vector<16xf32>
      %swap3A_78 = arith.index_cast %scan3A_36 : i32 to index
      %swap3A_79 = arith.constant 128 : index
      %swap3A_80 = tpu.vector_load %arg8[%swap3A_78, %swap3A_79] {strides = array<i32>} : memref<161x512xf32, #tpu.memory_space<vmem>>, vector<16xf32>,
      tpu.vector_store %arg8[%swap3A_78, %swap3A_79], %broadcast_in_dim3A_77 {strides = array<i32>} : memref<161x512xf32, #tpu.memory_space<vmem>>, vector<16xf32>,
      %broadcast_in_dim3A_81 = arith.constant 0.000000e+00 : f32
      %broadcast_in_dim3A_82 = vector.broadcast %broadcast_in_dim3A_81 : f32 to vector<16xf32>
      %swap3A_83 = arith.index_cast %scan3A_36 : i32 to index
      %swap3A_84 = arith.constant 144 : index
      %swap3A_85 = tpu.vector_load %arg8[%swap3A_83, %swap3A_84] {strides = array<i32>} : memref<161x512xf32, #tpu.memory_space<vmem>>, vector<16xf32>,
      tpu.vector_store %arg8[%swap3A_83, %swap3A_84], %broadcast_in_dim3A_82 {strides = array<i32>} : memref<161x512xf32, #tpu.memory_space<vmem>>, vector<16xf32>,
      %broadcast_in_dim3A_86 = arith.constant 0.000000e+00 : f32
      %broadcast_in_dim3A_87 = vector.broadcast %broadcast_in_dim3A_86 : f32 to vector<16xf32>
      %swap3A_88 = arith.index_cast %scan3A_36 : i32 to index
      %swap3A_89 = arith.constant 160 : index
      %swap3A_90 = tpu.vector_load %arg8[%swap3A_88, %swap3A_89] {strides = array<i32>} : memref<161x512xf32, #tpu.memory_space<vmem>>, vector<16xf32>,
      tpu.vector_store %arg8[%swap3A_88, %swap3A_89], %broadcast_in_dim3A_87 {strides = array<i32>} : memref<161x512xf32, #tpu.memory_space<vmem>>, vector<16xf32>,
      %broadcast_in_dim3A_91 = arith.constant 0.000000e+00 : f32
      %broadcast_in_dim3A_92 = vector.broadcast %broadcast_in_dim3A_91 : f32 to vector<16xf32>
      %swap3A_93 = arith.index_cast %scan3A_36 : i32 to index
      %swap3A_94 = arith.constant 176 : index
      %swap3A_95 = tpu.vector_load %arg8[%swap3A_93, %swap3A_94] {strides = array<i32>} : memref<161x512xf32, #tpu.memory_space<vmem>>, vector<16xf32>,
      tpu.vector_store %arg8[%swap3A_93, %swap3A_94], %broadcast_in_dim3A_92 {strides = array<i32>} : memref<161x512xf32, #tpu.memory_space<vmem>>, vector<16xf32>,
      %broadcast_in_dim3A_96 = arith.constant 0.000000e+00 : f32
      %broadcast_in_dim3A_97 = vector.broadcast %broadcast_in_dim3A_96 : f32 to vector<16xf32>
      %swap3A_98 = arith.index_cast %scan3A_36 : i32 to index
      %swap3A_99 = arith.constant 192 : index
      %swap3A_100 = tpu.vector_load %arg8[%swap3A_98, %swap3A_99] {strides = array<i32>} : memref<161x512xf32, #tpu.memory_space<vmem>>, vector<16xf32>,
      tpu.vector_store %arg8[%swap3A_98, %swap3A_99], %broadcast_in_dim3A_97 {strides = array<i32>} : memref<161x512xf32, #tpu.memory_space<vmem>>, vector<16xf32>,
      %broadcast_in_dim3A_101 = arith.constant 0.000000e+00 : f32
      %broadcast_in_dim3A_102 = vector.broadcast %broadcast_in_dim3A_101 : f32 to vector<16xf32>
      %swap3A_103 = arith.index_cast %scan3A_36 : i32 to index
      %swap3A_104 = arith.constant 208 : index
      %swap3A_105 = tpu.vector_load %arg8[%swap3A_103, %swap3A_104] {strides = array<i32>} : memref<161x512xf32, #tpu.memory_space<vmem>>, vector<16xf32>,
      tpu.vector_store %arg8[%swap3A_103, %swap3A_104], %broadcast_in_dim3A_102 {strides = array<i32>} : memref<161x512xf32, #tpu.memory_space<vmem>>, vector<16xf32>,
      %broadcast_in_dim3A_106 = arith.constant 0.000000e+00 : f32
      %broadcast_in_dim3A_107 = vector.broadcast %broadcast_in_dim3A_106 : f32 to vector<16xf32>
      %swap3A_108 = arith.index_cast %scan3A_36 : i32 to index
      %swap3A_109 = arith.constant 224 : index
      %swap3A_110 = tpu.vector_load %arg8[%swap3A_108, %swap3A_109] {strides = array<i32>} : memref<161x512xf32, #tpu.memory_space<vmem>>, vector<16xf32>,
      tpu.vector_store %arg8[%swap3A_108, %swap3A_109], %broadcast_in_dim3A_107 {strides = array<i32>} : memref<161x512xf32, #tpu.memory_space<vmem>>, vector<16xf32>,
      %broadcast_in_dim3A_111 = arith.constant 0.000000e+00 : f32
      %broadcast_in_dim3A_112 = vector.broadcast %broadcast_in_dim3A_111 : f32 to vector<16xf32>
      %swap3A_113 = arith.index_cast %scan3A_36 : i32 to index
      %swap3A_114 = arith.constant 240 : index
      %swap3A_115 = tpu.vector_load %arg8[%swap3A_113, %swap3A_114] {strides = array<i32>} : memref<161x512xf32, #tpu.memory_space<vmem>>, vector<16xf32>,
      tpu.vector_store %arg8[%swap3A_113, %swap3A_114], %broadcast_in_dim3A_112 {strides = array<i32>} : memref<161x512xf32, #tpu.memory_space<vmem>>, vector<16xf32>,
      %broadcast_in_dim3A_116 = arith.constant 0.000000e+00 : f32
      %broadcast_in_dim3A_117 = vector.broadcast %broadcast_in_dim3A_116 : f32 to vector<16xf32>
      %swap3A_118 = arith.index_cast %scan3A_36 : i32 to index
      %swap3A_119 = arith.constant 256 : index
      %swap3A_120 = tpu.vector_load %arg8[%swap3A_118, %swap3A_119] {strides = array<i32>} : memref<161x512xf32, #tpu.memory_space<vmem>>, vector<16xf32>,
      tpu.vector_store %arg8[%swap3A_118, %swap3A_119], %broadcast_in_dim3A_117 {strides = array<i32>} : memref<161x512xf32, #tpu.memory_space<vmem>>, vector<16xf32>,
      %broadcast_in_dim3A_121 = arith.constant 0.000000e+00 : f32
      %broadcast_in_dim3A_122 = vector.broadcast %broadcast_in_dim3A_121 : f32 to vector<16xf32>
      %swap3A_123 = arith.index_cast %scan3A_36 : i32 to index
      %swap3A_124 = arith.constant 272 : index
      %swap3A_125 = tpu.vector_load %arg8[%swap3A_123, %swap3A_124] {strides = array<i32>} : memref<161x512xf32, #tpu.memory_space<vmem>>, vector<16xf32>,
      tpu.vector_store %arg8[%swap3A_123, %swap3A_124], %broadcast_in_dim3A_122 {strides = array<i32>} : memref<161x512xf32, #tpu.memory_space<vmem>>, vector<16xf32>,
      %broadcast_in_dim3A_126 = arith.constant 0.000000e+00 : f32
      %broadcast_in_dim3A_127 = vector.broadcast %broadcast_in_dim3A_126 : f32 to vector<16xf32>
      %swap3A_128 = arith.index_cast %scan3A_36 : i32 to index
      %swap3A_129 = arith.constant 288 : index
      %swap3A_130 = tpu.vector_load %arg8[%swap3A_128, %swap3A_129] {strides = array<i32>} : memref<161x512xf32, #tpu.memory_space<vmem>>, vector<16xf32>,
      tpu.vector_store %arg8[%swap3A_128, %swap3A_129], %broadcast_in_dim3A_127 {strides = array<i32>} : memref<161x512xf32, #tpu.memory_space<vmem>>, vector<16xf32>,
      %broadcast_in_dim3A_131 = arith.constant 0.000000e+00 : f32
      %broadcast_in_dim3A_132 = vector.broadcast %broadcast_in_dim3A_131 : f32 to vector<16xf32>
      %swap3A_133 = arith.index_cast %scan3A_36 : i32 to index
      %swap3A_134 = arith.constant 304 : index
      %swap3A_135 = tpu.vector_load %arg8[%swap3A_133, %swap3A_134] {strides = array<i32>} : memref<161x512xf32, #tpu.memory_space<vmem>>, vector<16xf32>,
      tpu.vector_store %arg8[%swap3A_133, %swap3A_134], %broadcast_in_dim3A_132 {strides = array<i32>} : memref<161x512xf32, #tpu.memory_space<vmem>>, vector<16xf32>,
      %broadcast_in_dim3A_136 = arith.constant 0.000000e+00 : f32
      %broadcast_in_dim3A_137 = vector.broadcast %broadcast_in_dim3A_136 : f32 to vector<16xf32>
      %swap3A_138 = arith.index_cast %scan3A_36 : i32 to index
      %swap3A_139 = arith.constant 320 : index
      %swap3A_140 = tpu.vector_load %arg8[%swap3A_138, %swap3A_139] {strides = array<i32>} : memref<161x512xf32, #tpu.memory_space<vmem>>, vector<16xf32>,
      tpu.vector_store %arg8[%swap3A_138, %swap3A_139], %broadcast_in_dim3A_137 {strides = array<i32>} : memref<161x512xf32, #tpu.memory_space<vmem>>, vector<16xf32>,
      %broadcast_in_dim3A_141 = arith.constant 0.000000e+00 : f32
      %broadcast_in_dim3A_142 = vector.broadcast %broadcast_in_dim3A_141 : f32 to vector<16xf32>
      %swap3A_143 = arith.index_cast %scan3A_36 : i32 to index
      %swap3A_144 = arith.constant 336 : index
      %swap3A_145 = tpu.vector_load %arg8[%swap3A_143, %swap3A_144] {strides = array<i32>} : memref<161x512xf32, #tpu.memory_space<vmem>>, vector<16xf32>,
      tpu.vector_store %arg8[%swap3A_143, %swap3A_144], %broadcast_in_dim3A_142 {strides = array<i32>} : memref<161x512xf32, #tpu.memory_space<vmem>>, vector<16xf32>,
      %broadcast_in_dim3A_146 = arith.constant 0.000000e+00 : f32
      %broadcast_in_dim3A_147 = vector.broadcast %broadcast_in_dim3A_146 : f32 to vector<16xf32>
      %swap3A_148 = arith.index_cast %scan3A_36 : i32 to index
      %swap3A_149 = arith.constant 352 : index
      %swap3A_150 = tpu.vector_load %arg8[%swap3A_148, %swap3A_149] {strides = array<i32>} : memref<161x512xf32, #tpu.memory_space<vmem>>, vector<16xf32>,
      tpu.vector_store %arg8[%swap3A_148, %swap3A_149], %broadcast_in_dim3A_147 {strides = array<i32>} : memref<161x512xf32, #tpu.memory_space<vmem>>, vector<16xf32>,
      %broadcast_in_dim3A_151 = arith.constant 0.000000e+00 : f32
      %broadcast_in_dim3A_152 = vector.broadcast %broadcast_in_dim3A_151 : f32 to vector<16xf32>
      %swap3A_153 = arith.index_cast %scan3A_36 : i32 to index
      %swap3A_154 = arith.constant 368 : index
      %swap3A_155 = tpu.vector_load %arg8[%swap3A_153, %swap3A_154] {strides = array<i32>} : memref<161x512xf32, #tpu.memory_space<vmem>>, vector<16xf32>,
      tpu.vector_store %arg8[%swap3A_153, %swap3A_154], %broadcast_in_dim3A_152 {strides = array<i32>} : memref<161x512xf32, #tpu.memory_space<vmem>>, vector<16xf32>,
      %broadcast_in_dim3A_156 = arith.constant 0.000000e+00 : f32
      %broadcast_in_dim3A_157 = vector.broadcast %broadcast_in_dim3A_156 : f32 to vector<16xf32>
      %swap3A_158 = arith.index_cast %scan3A_36 : i32 to index
      %swap3A_159 = arith.constant 384 : index
      %swap3A_160 = tpu.vector_load %arg8[%swap3A_158, %swap3A_159] {strides = array<i32>} : memref<161x512xf32, #tpu.memory_space<vmem>>, vector<16xf32>,
      tpu.vector_store %arg8[%swap3A_158, %swap3A_159], %broadcast_in_dim3A_157 {strides = array<i32>} : memref<161x512xf32, #tpu.memory_space<vmem>>, vector<16xf32>,
      %broadcast_in_dim3A_161 = arith.constant 0.000000e+00 : f32
      %broadcast_in_dim3A_162 = vector.broadcast %broadcast_in_dim3A_161 : f32 to vector<16xf32>
      %swap3A_163 = arith.index_cast %scan3A_36 : i32 to index
      %swap3A_164 = arith.constant 400 : index
      %swap3A_165 = tpu.vector_load %arg8[%swap3A_163, %swap3A_164] {strides = array<i32>} : memref<161x512xf32, #tpu.memory_space<vmem>>, vector<16xf32>,
      tpu.vector_store %arg8[%swap3A_163, %swap3A_164], %broadcast_in_dim3A_162 {strides = array<i32>} : memref<161x512xf32, #tpu.memory_space<vmem>>, vector<16xf32>,
      %broadcast_in_dim3A_166 = arith.constant 0.000000e+00 : f32
      %broadcast_in_dim3A_167 = vector.broadcast %broadcast_in_dim3A_166 : f32 to vector<16xf32>
      %swap3A_168 = arith.index_cast %scan3A_36 : i32 to index
      %swap3A_169 = arith.constant 416 : index
      %swap3A_170 = tpu.vector_load %arg8[%swap3A_168, %swap3A_169] {strides = array<i32>} : memref<161x512xf32, #tpu.memory_space<vmem>>, vector<16xf32>,
      tpu.vector_store %arg8[%swap3A_168, %swap3A_169], %broadcast_in_dim3A_167 {strides = array<i32>} : memref<161x512xf32, #tpu.memory_space<vmem>>, vector<16xf32>,
      %broadcast_in_dim3A_171 = arith.constant 0.000000e+00 : f32
      %broadcast_in_dim3A_172 = vector.broadcast %broadcast_in_dim3A_171 : f32 to vector<16xf32>
      %swap3A_173 = arith.index_cast %scan3A_36 : i32 to index
      %swap3A_174 = arith.constant 432 : index
      %swap3A_175 = tpu.vector_load %arg8[%swap3A_173, %swap3A_174] {strides = array<i32>} : memref<161x512xf32, #tpu.memory_space<vmem>>, vector<16xf32>,
      tpu.vector_store %arg8[%swap3A_173, %swap3A_174], %broadcast_in_dim3A_172 {strides = array<i32>} : memref<161x512xf32, #tpu.memory_space<vmem>>, vector<16xf32>,
      %broadcast_in_dim3A_176 = arith.constant 0.000000e+00 : f32
      %broadcast_in_dim3A_177 = vector.broadcast %broadcast_in_dim3A_176 : f32 to vector<16xf32>
      %swap3A_178 = arith.index_cast %scan3A_36 : i32 to index
      %swap3A_179 = arith.constant 448 : index
      %swap3A_180 = tpu.vector_load %arg8[%swap3A_178, %swap3A_179] {strides = array<i32>} : memref<161x512xf32, #tpu.memory_space<vmem>>, vector<16xf32>,
      tpu.vector_store %arg8[%swap3A_178, %swap3A_179], %broadcast_in_dim3A_177 {strides = array<i32>} : memref<161x512xf32, #tpu.memory_space<vmem>>, vector<16xf32>,
      %broadcast_in_dim3A_181 = arith.constant 0.000000e+00 : f32
      %broadcast_in_dim3A_182 = vector.broadcast %broadcast_in_dim3A_181 : f32 to vector<16xf32>
      %swap3A_183 = arith.index_cast %scan3A_36 : i32 to index
      %swap3A_184 = arith.constant 464 : index
      %swap3A_185 = tpu.vector_load %arg8[%swap3A_183, %swap3A_184] {strides = array<i32>} : memref<161x512xf32, #tpu.memory_space<vmem>>, vector<16xf32>,
      tpu.vector_store %arg8[%swap3A_183, %swap3A_184], %broadcast_in_dim3A_182 {strides = array<i32>} : memref<161x512xf32, #tpu.memory_space<vmem>>, vector<16xf32>,
      %broadcast_in_dim3A_186 = arith.constant 0.000000e+00 : f32
      %broadcast_in_dim3A_187 = vector.broadcast %broadcast_in_dim3A_186 : f32 to vector<16xf32>
      %swap3A_188 = arith.index_cast %scan3A_36 : i32 to index
      %swap3A_189 = arith.constant 480 : index
      %swap3A_190 = tpu.vector_load %arg8[%swap3A_188, %swap3A_189] {strides = array<i32>} : memref<161x512xf32, #tpu.memory_space<vmem>>, vector<16xf32>,
      tpu.vector_store %arg8[%swap3A_188, %swap3A_189], %broadcast_in_dim3A_187 {strides = array<i32>} : memref<161x512xf32, #tpu.memory_space<vmem>>, vector<16xf32>,
      %broadcast_in_dim3A_191 = arith.constant 0.000000e+00 : f32
      %broadcast_in_dim3A_192 = vector.broadcast %broadcast_in_dim3A_191 : f32 to vector<16xf32>
      %swap3A_193 = arith.index_cast %scan3A_36 : i32 to index
      %swap3A_194 = arith.constant 496 : index
      %swap3A_195 = tpu.vector_load %arg8[%swap3A_193, %swap3A_194] {strides = array<i32>} : memref<161x512xf32, #tpu.memory_space<vmem>>, vector<16xf32>,
      tpu.vector_store %arg8[%swap3A_193, %swap3A_194], %broadcast_in_dim3A_192 {strides = array<i32>} : memref<161x512xf32, #tpu.memory_space<vmem>>, vector<16xf32>,
      %scan3A_196 = arith.constant 0 : i32
      scf.yield %scan3A_196 : i32
    }
    %scan3A_10 = arith.constant 161 : i32
    %scan3A_11 = arith.constant 0 : i32
    %scan3A_12 = arith.constant 0 : i32
    %scan3A_13 = arith.constant 100 : i32
    %scan3A_14 = arith.addi %scan3A_12, %scan3A_13 : i32
    %scan3A_15 = arith.constant 1 : i32
    %scan3A_16 = scf.for %scan3A_36 = %scan3A_12 to %scan3A_14 step %scan3A_15 iter_args(%scan3A_37 = %scan3A_11) -> (i32)  : i32 {
      %mul3A_38 = arith.constant 1600 : i32
      %mul3A_39 = arith.muli %scan3A_36, %mul3A_38 : i32
      "tpu.region"() ({
        %run_scoped3A = tpu.sem_alloc : memref<!tpu.dma_semaphore, #tpu.memory_space<semaphore_mem>>
        %dma_start3A = tpu.memref_slice %arg2[%mul3A_39] : memref<160000xi32, #tpu.memory_space<hbm>> -> memref<1600xi32, #tpu.memory_space<hbm>>
        %dma_start3A_88 = tpu.memref_slice %arg2[%mul3A_39] : memref<160000xi32, #tpu.memory_space<hbm>> -> memref<1600xi32, #tpu.memory_space<hbm>>
        tpu.enqueue_dma source(%dma_start3A_88 : memref<1600xi32, #tpu.memory_space<hbm>>) target(%arg9 : memref<1600xi32, #tpu.memory_space<vmem>>) target_semaphore(%run_scoped3A : memref<!tpu.dma_semaphore, #tpu.memory_space<semaphore_mem>>)
        %dma_wait3A = tpu.memref_slice %arg2[%mul3A_39] : memref<160000xi32, #tpu.memory_space<hbm>> -> memref<1600xi32, #tpu.memory_space<hbm>>
        %dma_wait3A_89 = tpu.memref_slice %arg2[%mul3A_39] : memref<160000xi32, #tpu.memory_space<hbm>> -> memref<1600xi32, #tpu.memory_space<hbm>>
        tpu.wait_dma2 semaphore(%run_scoped3A : memref<!tpu.dma_semaphore, #tpu.memory_space<semaphore_mem>>) src(%dma_wait3A_89 : memref<1600xi32, #tpu.memory_space<hbm>>) dst(%arg9 : memref<1600xi32, #tpu.memory_space<vmem>>)
        tpu.yield
      }) : () -> ()
      "tpu.region"() ({
        %run_scoped3A = tpu.sem_alloc : memref<!tpu.dma_semaphore, #tpu.memory_space<semaphore_mem>>
        %dma_start3A = tpu.memref_slice %arg3[%mul3A_39] : memref<160000xi32, #tpu.memory_space<hbm>> -> memref<1600xi32, #tpu.memory_space<hbm>>
        %dma_start3A_88 = tpu.memref_slice %arg3[%mul3A_39] : memref<160000xi32, #tpu.memory_space<hbm>> -> memref<1600xi32, #tpu.memory_space<hbm>>
        tpu.enqueue_dma source(%dma_start3A_88 : memref<1600xi32, #tpu.memory_space<hbm>>) target(%arg10 : memref<1600xi32, #tpu.memory_space<vmem>>) target_semaphore(%run_scoped3A : memref<!tpu.dma_semaphore, #tpu.memory_space<semaphore_mem>>)
        %dma_wait3A = tpu.memref_slice %arg3[%mul3A_39] : memref<160000xi32, #tpu.memory_space<hbm>> -> memref<1600xi32, #tpu.memory_space<hbm>>
        %dma_wait3A_89 = tpu.memref_slice %arg3[%mul3A_39] : memref<160000xi32, #tpu.memory_space<hbm>> -> memref<1600xi32, #tpu.memory_space<hbm>>
        tpu.wait_dma2 semaphore(%run_scoped3A : memref<!tpu.dma_semaphore, #tpu.memory_space<semaphore_mem>>) src(%dma_wait3A_89 : memref<1600xi32, #tpu.memory_space<hbm>>) dst(%arg10 : memref<1600xi32, #tpu.memory_space<vmem>>)
        tpu.yield
      }) : () -> ()
      %scan3A_40 = arith.constant 0 : i32
      %scan3A_41 = arith.constant 0 : i32
      %scan3A_42 = arith.constant 100 : i32
      %scan3A_43 = arith.addi %scan3A_41, %scan3A_42 : i32
      %scan3A_44 = arith.constant 1 : i32
      %scan3A_45 = scf.for %scan3A_88 = %scan3A_41 to %scan3A_43 step %scan3A_44 iter_args(%scan3A_89 = %scan3A_40) -> (i32)  : i32 {
        %mul3A_90 = arith.constant 16 : i32
        %mul3A_91 = arith.muli %scan3A_88, %mul3A_90 : i32
        %get3A = arith.index_cast %mul3A_91 : i32 to index
        %get3A_92 = tpu.vector_load %arg9[%get3A] {strides = array<i32>} : memref<1600xi32, #tpu.memory_space<vmem>>, vector<16xi32>,
        %mul3A_93 = arith.constant 16 : i32
        %mul3A_94 = arith.muli %scan3A_88, %mul3A_93 : i32
        %get3A_95 = arith.index_cast %mul3A_94 : i32 to index
        %get3A_96 = tpu.vector_load %arg10[%get3A_95] {strides = array<i32>} : memref<1600xi32, #tpu.memory_space<vmem>>, vector<16xi32>,
        %ge3A = vector.broadcast %mul3A_4 : i32 to vector<16xi32>
        %ge3A_97 = arith.cmpi sge, %get3A_92, %ge3A : vector<16xi32>
        %add3A_98 = arith.constant 160 : i32
        %add3A_99 = arith.addi %mul3A_4, %add3A_98 : i32
        %lt3A = vector.broadcast %add3A_99 : i32 to vector<16xi32>
        %lt3A_100 = arith.cmpi slt, %get3A_92, %lt3A : vector<16xi32>
        %and3A_101 = arith.andi %ge3A_97, %lt3A_100 : vector<16xi1>
        %mul3A_102 = arith.constant 16 : i32
        %mul3A_103 = arith.muli %scan3A_88, %mul3A_102 : i32
        %add3A_104 = arith.addi %mul3A_39, %mul3A_103 : i32
        %iota3A = tpu.iota {dimensions = array<i32: 0>} : vector<16xi32>
        %add3A_105 = vector.broadcast %add3A_104 : i32 to vector<16xi32>
        %add3A_106 = arith.addi %add3A_105, %iota3A : vector<16xi32>
        %convert_element_type3A = arith.extui %and3A_101 : vector<16xi1> to vector<16xi32>
        %broadcast_in_dim3A_107 = arith.constant true
        %broadcast_in_dim3A_108 = vector.broadcast %broadcast_in_dim3A_107 : i1 to vector<16xi1>
        %masked_cumsum3A = tpu.scan <sum>, %convert_element_type3A masked %broadcast_in_dim3A_108 : vector<16xi32>, vector<16xi1> -> vector<16xi32>
        %add3A_109 = vector.broadcast %scan3A_89 : i32 to vector<16xi32>
        %add3A_110 = arith.addi %add3A_109, %masked_cumsum3A : vector<16xi32>
        %sub3A_111 = arith.subi %add3A_110, %convert_element_type3A : vector<16xi32>
        tpu.vector_store_idx %arg11[%sub3A_111], %add3A_106 masked %and3A_101 : memref<1616xi32, #tpu.memory_space<vmem>>[vector<16xi32>], vector<16xi32>, vector<16xi1>
        tpu.vector_store_idx %arg12[%sub3A_111], %get3A_92 masked %and3A_101 : memref<1616xi32, #tpu.memory_space<vmem>>[vector<16xi32>], vector<16xi32>, vector<16xi1>
        tpu.vector_store_idx %arg13[%sub3A_111], %get3A_96 masked %and3A_101 : memref<1616xi32, #tpu.memory_space<vmem>>[vector<16xi32>], vector<16xi32>, vector<16xi1>
        %all_reduce_population_count3A = tpu.all_reduce %and3A_101 {dim = 0 : i64, kind = #tpu.reduction_kind<sum>} : vector<16xi1> -> vector<16xi32>
        %slice3A = vector.extract_strided_slice %all_reduce_population_count3A {offsets = [0], sizes = [1], strides = [1]} : vector<16xi32> to vector<1xi32>
        %squeeze3A = vector.extract %slice3A[0] : i32 from vector<1xi32>
        %add3A_112 = arith.addi %scan3A_89, %squeeze3A : i32
        scf.yield %add3A_112 : i32
      }
      %scan3A_46 = arith.constant 100 : i32
      %broadcast_in_dim3A = arith.constant 0 : i32
      %broadcast_in_dim3A_47 = vector.broadcast %broadcast_in_dim3A : i32 to vector<16xi32>
      %add3A_48 = arith.constant 160 : i32
      %add3A_49 = arith.addi %mul3A_4, %add3A_48 : i32
      %broadcast_in_dim3A_50 = vector.broadcast %add3A_49 : i32 to vector<16xi32>
      %swap3A = arith.index_cast %scan3A_45 : i32 to index
      %swap3A_51 = tpu.vector_load %arg11[%swap3A] {strides = array<i32>} : memref<1616xi32, #tpu.memory_space<vmem>>, vector<16xi32>,
      tpu.vector_store %arg11[%swap3A], %broadcast_in_dim3A_47 {strides = array<i32>} : memref<1616xi32, #tpu.memory_space<vmem>>, vector<16xi32>,
      %swap3A_52 = arith.index_cast %scan3A_45 : i32 to index
      %swap3A_53 = tpu.vector_load %arg12[%swap3A_52] {strides = array<i32>} : memref<1616xi32, #tpu.memory_space<vmem>>, vector<16xi32>,
      tpu.vector_store %arg12[%swap3A_52], %broadcast_in_dim3A_50 {strides = array<i32>} : memref<1616xi32, #tpu.memory_space<vmem>>, vector<16xi32>,
      %swap3A_54 = arith.index_cast %scan3A_45 : i32 to index
      %swap3A_55 = tpu.vector_load %arg13[%swap3A_54] {strides = array<i32>} : memref<1616xi32, #tpu.memory_space<vmem>>, vector<16xi32>,
      tpu.vector_store %arg13[%swap3A_54], %broadcast_in_dim3A_47 {strides = array<i32>} : memref<1616xi32, #tpu.memory_space<vmem>>, vector<16xi32>,
      %add3A_56 = arith.constant 16 : i32
      %add3A_57 = arith.addi %scan3A_45, %add3A_56 : i32
      %sub3A = arith.constant 1 : i32
      %sub3A_58 = arith.subi %add3A_57, %sub3A : i32
      %jit3A = arith.constant 16 : i32
      %div3A = arith.divsi %sub3A_58, %jit3A : i32
      %sign3A = arith.constant 0 : i32
      %sign3A_59 = arith.cmpi sgt, %sub3A_58, %sign3A : i32
      %sign3A_60 = arith.extui %sign3A_59 : i1 to i32
      %sign3A_61 = arith.constant 0 : i32
      %sign3A_62 = arith.cmpi slt, %sub3A_58, %sign3A_61 : i32
      %sign3A_63 = arith.extui %sign3A_62 : i1 to i32
      %sign3A_64 = arith.subi %sign3A_60, %sign3A_63 : i32
      %sign3A_65 = arith.constant 0 : i32
      %sign3A_66 = arith.cmpi sgt, %jit3A, %sign3A_65 : i32
      %sign3A_67 = arith.extui %sign3A_66 : i1 to i32
      %sign3A_68 = arith.constant 0 : i32
      %sign3A_69 = arith.cmpi slt, %jit3A, %sign3A_68 : i32
      %sign3A_70 = arith.extui %sign3A_69 : i1 to i32
      %sign3A_71 = arith.subi %sign3A_67, %sign3A_70 : i32
      %ne3A = arith.cmpi ne, %sign3A_64, %sign3A_71 : i32
      %rem3A = arith.remsi %sub3A_58, %jit3A : i32
      %ne3A_72 = arith.constant 0 : i32
      %ne3A_73 = arith.cmpi ne, %rem3A, %ne3A_72 : i32
      %and3A = arith.andi %ne3A, %ne3A_73 : i1
      %sub3A_74 = arith.constant 1 : i32
      %sub3A_75 = arith.subi %div3A, %sub3A_74 : i32
      %select_n3A = arith.select %and3A, %sub3A_75, %div3A : i32
      %while3A = arith.constant 0 : i32
      %while3A_76 = arith.constant 0 : i32
      %while3A_77 = arith.subi %select_n3A, %while3A : i32
      %while3A_78 = arith.addi %while3A, %while3A_77 : i32
      %while3A_79 = arith.constant 1 : i32
      %while3A_80 = arith.divsi %while3A_77, %while3A_79 : i32
      %while3A_81 = arith.muli %while3A_80, %while3A_79 : i32
      %while3A_82 = arith.addi %while3A, %while3A_81 : i32
      %while3A_83 = arith.constant 1 : i32
      %while3A_84 = scf.for %while3A_88 = %while3A to %while3A_82 step %while3A_83 iter_args(%while3A_89 = %while3A_76) -> (i32)  : i32 {
        %mul3A_90 = arith.constant 16 : i32
        %mul3A_91 = arith.muli %while3A_88, %mul3A_90 : i32
        %get3A = arith.index_cast %mul3A_91 : i32 to index
        %get3A_92 = tpu.vector_load %arg11[%get3A] {strides = array<i32>} : memref<1616xi32, #tpu.memory_space<vmem>>, vector<16xi32>,
        %get3A_93 = arith.index_cast %mul3A_91 : i32 to index
        %get3A_94 = tpu.vector_load %arg12[%get3A_93] {strides = array<i32>} : memref<1616xi32, #tpu.memory_space<vmem>>, vector<16xi32>,
        %get3A_95 = arith.index_cast %mul3A_91 : i32 to index
        %get3A_96 = tpu.vector_load %arg13[%get3A_95] {strides = array<i32>} : memref<1616xi32, #tpu.memory_space<vmem>>, vector<16xi32>,
        %swap3A_97 = arith.constant 0 : index
        %swap3A_98 = tpu.vector_load %arg14[%swap3A_97] {strides = array<i32>} : memref<16xi32, #tpu.memory_space<vmem>>, vector<16xi32>,
        tpu.vector_store %arg14[%swap3A_97], %get3A_92 {strides = array<i32>} : memref<16xi32, #tpu.memory_space<vmem>>, vector<16xi32>,
        %swap3A_99 = arith.constant 0 : index
        %swap3A_100 = tpu.vector_load %arg15[%swap3A_99] {strides = array<i32>} : memref<16xi32, #tpu.memory_space<vmem>>, vector<16xi32>,
        tpu.vector_store %arg15[%swap3A_99], %get3A_94 {strides = array<i32>} : memref<16xi32, #tpu.memory_space<vmem>>, vector<16xi32>,
        %swap3A_101 = arith.constant 0 : index
        %swap3A_102 = tpu.vector_load %arg16[%swap3A_101] {strides = array<i32>} : memref<16xi32, #tpu.memory_space<vmem>>, vector<16xi32>,
        tpu.vector_store %arg16[%swap3A_101], %get3A_96 {strides = array<i32>} : memref<16xi32, #tpu.memory_space<vmem>>, vector<16xi32>,
        %sub3A_103 = vector.broadcast %mul3A_4 : i32 to vector<16xi32>
        %sub3A_104 = arith.subi %get3A_94, %sub3A_103 : vector<16xi32>
        %slice3A = vector.extract_strided_slice %sub3A_104 {offsets = [0], sizes = [1], strides = [1]} : vector<16xi32> to vector<1xi32>
        %squeeze3A = vector.extract %slice3A[0] : i32 from vector<1xi32>
        %swap3A_105 = arith.constant 0 : i32
        %swap3A_106 = arith.index_cast %swap3A_105 : i32 to index
        %swap3A_107 = memref.load %arg17[%swap3A_106] : memref<16xi32, #tpu.memory_space<smem>>
        memref.store %squeeze3A, %arg17[%swap3A_106] : memref<16xi32, #tpu.memory_space<smem>>
        %slice3A_108 = vector.extract_strided_slice %sub3A_104 {offsets = [1], sizes = [1], strides = [1]} : vector<16xi32> to vector<1xi32>
        %squeeze3A_109 = vector.extract %slice3A_108[0] : i32 from vector<1xi32>
        %swap3A_110 = arith.constant 1 : i32
        %swap3A_111 = arith.index_cast %swap3A_110 : i32 to index
        %swap3A_112 = memref.load %arg17[%swap3A_111] : memref<16xi32, #tpu.memory_space<smem>>
        memref.store %squeeze3A_109, %arg17[%swap3A_111] : memref<16xi32, #tpu.memory_space<smem>>
        %slice3A_113 = vector.extract_strided_slice %sub3A_104 {offsets = [2], sizes = [1], strides = [1]} : vector<16xi32> to vector<1xi32>
        %squeeze3A_114 = vector.extract %slice3A_113[0] : i32 from vector<1xi32>
        %swap3A_115 = arith.constant 2 : i32
        %swap3A_116 = arith.index_cast %swap3A_115 : i32 to index
        %swap3A_117 = memref.load %arg17[%swap3A_116] : memref<16xi32, #tpu.memory_space<smem>>
        memref.store %squeeze3A_114, %arg17[%swap3A_116] : memref<16xi32, #tpu.memory_space<smem>>
        %slice3A_118 = vector.extract_strided_slice %sub3A_104 {offsets = [3], sizes = [1], strides = [1]} : vector<16xi32> to vector<1xi32>
        %squeeze3A_119 = vector.extract %slice3A_118[0] : i32 from vector<1xi32>
        %swap3A_120 = arith.constant 3 : i32
        %swap3A_121 = arith.index_cast %swap3A_120 : i32 to index
        %swap3A_122 = memref.load %arg17[%swap3A_121] : memref<16xi32, #tpu.memory_space<smem>>
        memref.store %squeeze3A_119, %arg17[%swap3A_121] : memref<16xi32, #tpu.memory_space<smem>>
        %slice3A_123 = vector.extract_strided_slice %sub3A_104 {offsets = [4], sizes = [1], strides = [1]} : vector<16xi32> to vector<1xi32>
        %squeeze3A_124 = vector.extract %slice3A_123[0] : i32 from vector<1xi32>
        %swap3A_125 = arith.constant 4 : i32
        %swap3A_126 = arith.index_cast %swap3A_125 : i32 to index
        %swap3A_127 = memref.load %arg17[%swap3A_126] : memref<16xi32, #tpu.memory_space<smem>>
        memref.store %squeeze3A_124, %arg17[%swap3A_126] : memref<16xi32, #tpu.memory_space<smem>>
        %slice3A_128 = vector.extract_strided_slice %sub3A_104 {offsets = [5], sizes = [1], strides = [1]} : vector<16xi32> to vector<1xi32>
        %squeeze3A_129 = vector.extract %slice3A_128[0] : i32 from vector<1xi32>
        %swap3A_130 = arith.constant 5 : i32
        %swap3A_131 = arith.index_cast %swap3A_130 : i32 to index
        %swap3A_132 = memref.load %arg17[%swap3A_131] : memref<16xi32, #tpu.memory_space<smem>>
        memref.store %squeeze3A_129, %arg17[%swap3A_131] : memref<16xi32, #tpu.memory_space<smem>>
        %slice3A_133 = vector.extract_strided_slice %sub3A_104 {offsets = [6], sizes = [1], strides = [1]} : vector<16xi32> to vector<1xi32>
        %squeeze3A_134 = vector.extract %slice3A_133[0] : i32 from vector<1xi32>
        %swap3A_135 = arith.constant 6 : i32
        %swap3A_136 = arith.index_cast %swap3A_135 : i32 to index
        %swap3A_137 = memref.load %arg17[%swap3A_136] : memref<16xi32, #tpu.memory_space<smem>>
        memref.store %squeeze3A_134, %arg17[%swap3A_136] : memref<16xi32, #tpu.memory_space<smem>>
        %slice3A_138 = vector.extract_strided_slice %sub3A_104 {offsets = [7], sizes = [1], strides = [1]} : vector<16xi32> to vector<1xi32>
        %squeeze3A_139 = vector.extract %slice3A_138[0] : i32 from vector<1xi32>
        %swap3A_140 = arith.constant 7 : i32
        %swap3A_141 = arith.index_cast %swap3A_140 : i32 to index
        %swap3A_142 = memref.load %arg17[%swap3A_141] : memref<16xi32, #tpu.memory_space<smem>>
        memref.store %squeeze3A_139, %arg17[%swap3A_141] : memref<16xi32, #tpu.memory_space<smem>>
        %slice3A_143 = vector.extract_strided_slice %sub3A_104 {offsets = [8], sizes = [1], strides = [1]} : vector<16xi32> to vector<1xi32>
        %squeeze3A_144 = vector.extract %slice3A_143[0] : i32 from vector<1xi32>
        %swap3A_145 = arith.constant 8 : i32
        %swap3A_146 = arith.index_cast %swap3A_145 : i32 to index
        %swap3A_147 = memref.load %arg17[%swap3A_146] : memref<16xi32, #tpu.memory_space<smem>>
        memref.store %squeeze3A_144, %arg17[%swap3A_146] : memref<16xi32, #tpu.memory_space<smem>>
        %slice3A_148 = vector.extract_strided_slice %sub3A_104 {offsets = [9], sizes = [1], strides = [1]} : vector<16xi32> to vector<1xi32>
        %squeeze3A_149 = vector.extract %slice3A_148[0] : i32 from vector<1xi32>
        %swap3A_150 = arith.constant 9 : i32
        %swap3A_151 = arith.index_cast %swap3A_150 : i32 to index
        %swap3A_152 = memref.load %arg17[%swap3A_151] : memref<16xi32, #tpu.memory_space<smem>>
        memref.store %squeeze3A_149, %arg17[%swap3A_151] : memref<16xi32, #tpu.memory_space<smem>>
        %slice3A_153 = vector.extract_strided_slice %sub3A_104 {offsets = [10], sizes = [1], strides = [1]} : vector<16xi32> to vector<1xi32>
        %squeeze3A_154 = vector.extract %slice3A_153[0] : i32 from vector<1xi32>
        %swap3A_155 = arith.constant 10 : i32
        %swap3A_156 = arith.index_cast %swap3A_155 : i32 to index
        %swap3A_157 = memref.load %arg17[%swap3A_156] : memref<16xi32, #tpu.memory_space<smem>>
        memref.store %squeeze3A_154, %arg17[%swap3A_156] : memref<16xi32, #tpu.memory_space<smem>>
        %slice3A_158 = vector.extract_strided_slice %sub3A_104 {offsets = [11], sizes = [1], strides = [1]} : vector<16xi32> to vector<1xi32>
        %squeeze3A_159 = vector.extract %slice3A_158[0] : i32 from vector<1xi32>
        %swap3A_160 = arith.constant 11 : i32
        %swap3A_161 = arith.index_cast %swap3A_160 : i32 to index
        %swap3A_162 = memref.load %arg17[%swap3A_161] : memref<16xi32, #tpu.memory_space<smem>>
        memref.store %squeeze3A_159, %arg17[%swap3A_161] : memref<16xi32, #tpu.memory_space<smem>>
        %slice3A_163 = vector.extract_strided_slice %sub3A_104 {offsets = [12], sizes = [1], strides = [1]} : vector<16xi32> to vector<1xi32>
        %squeeze3A_164 = vector.extract %slice3A_163[0] : i32 from vector<1xi32>
        %swap3A_165 = arith.constant 12 : i32
        %swap3A_166 = arith.index_cast %swap3A_165 : i32 to index
        %swap3A_167 = memref.load %arg17[%swap3A_166] : memref<16xi32, #tpu.memory_space<smem>>
        memref.store %squeeze3A_164, %arg17[%swap3A_166] : memref<16xi32, #tpu.memory_space<smem>>
        %slice3A_168 = vector.extract_strided_slice %sub3A_104 {offsets = [13], sizes = [1], strides = [1]} : vector<16xi32> to vector<1xi32>
        %squeeze3A_169 = vector.extract %slice3A_168[0] : i32 from vector<1xi32>
        %swap3A_170 = arith.constant 13 : i32
        %swap3A_171 = arith.index_cast %swap3A_170 : i32 to index
        %swap3A_172 = memref.load %arg17[%swap3A_171] : memref<16xi32, #tpu.memory_space<smem>>
        memref.store %squeeze3A_169, %arg17[%swap3A_171] : memref<16xi32, #tpu.memory_space<smem>>
        %slice3A_173 = vector.extract_strided_slice %sub3A_104 {offsets = [14], sizes = [1], strides = [1]} : vector<16xi32> to vector<1xi32>
        %squeeze3A_174 = vector.extract %slice3A_173[0] : i32 from vector<1xi32>
        %swap3A_175 = arith.constant 14 : i32
        %swap3A_176 = arith.index_cast %swap3A_175 : i32 to index
        %swap3A_177 = memref.load %arg17[%swap3A_176] : memref<16xi32, #tpu.memory_space<smem>>
        memref.store %squeeze3A_174, %arg17[%swap3A_176] : memref<16xi32, #tpu.memory_space<smem>>
        %slice3A_178 = vector.extract_strided_slice %sub3A_104 {offsets = [15], sizes = [1], strides = [1]} : vector<16xi32> to vector<1xi32>
        %squeeze3A_179 = vector.extract %slice3A_178[0] : i32 from vector<1xi32>
        %swap3A_180 = arith.constant 15 : i32
        %swap3A_181 = arith.index_cast %swap3A_180 : i32 to index
        %swap3A_182 = memref.load %arg17[%swap3A_181] : memref<16xi32, #tpu.memory_space<smem>>
        memref.store %squeeze3A_179, %arg17[%swap3A_181] : memref<16xi32, #tpu.memory_space<smem>>
        %dma_start3A = arith.constant 0 : i32
        %dma_start3A_183 = arith.constant 0 : i32
        %dma_start3A_184 = tpu.memref_slice %arg4[%dma_start3A, %dma_start3A_183] : memref<160000x640xf32, #tpu.memory_space<hbm>> -> memref<160000x640xf32, #tpu.memory_space<hbm>>
        tpu.enqueue_indirect_dma source(%dma_start3A_184 : memref<160000x640xf32, #tpu.memory_space<hbm>>) target(%arg18 : memref<16x640xf32, #tpu.memory_space<vmem>>) offsets(%arg14 : memref<16xi32, #tpu.memory_space<vmem>>) semaphore(%arg22 : memref<!tpu.dma_semaphore, #tpu.memory_space<semaphore_mem>>)
        %dma_start3A_185 = arith.constant 0 : i32
        %dma_start3A_186 = arith.constant 0 : i32
        %dma_start3A_187 = tpu.memref_slice %arg5[%dma_start3A_185, %dma_start3A_186] : memref<10256x512xf32, #tpu.memory_space<hbm>> -> memref<10256x512xf32, #tpu.memory_space<hbm>>
        tpu.enqueue_indirect_dma source(%dma_start3A_187 : memref<10256x512xf32, #tpu.memory_space<hbm>>) target(%arg19 : memref<16x512xf32, #tpu.memory_space<vmem>>) offsets(%arg16 : memref<16xi32, #tpu.memory_space<vmem>>) semaphore(%arg22 : memref<!tpu.dma_semaphore, #tpu.memory_space<semaphore_mem>>)
        %dma_start3A_188 = arith.constant 0 : i32
        %dma_start3A_189 = arith.constant 0 : i32
        %dma_start3A_190 = tpu.memref_slice %arg6[%dma_start3A_188, %dma_start3A_189] : memref<10256x384xf32, #tpu.memory_space<hbm>> -> memref<10256x384xf32, #tpu.memory_space<hbm>>
        tpu.enqueue_indirect_dma source(%dma_start3A_190 : memref<10256x384xf32, #tpu.memory_space<hbm>>) target(%arg20 : memref<16x384xf32, #tpu.memory_space<vmem>>) offsets(%arg16 : memref<16xi32, #tpu.memory_space<vmem>>) semaphore(%arg22 : memref<!tpu.dma_semaphore, #tpu.memory_space<semaphore_mem>>)
        %dma_start3A_191 = arith.constant 0 : i32
        %dma_start3A_192 = arith.constant 0 : i32
        %dma_start3A_193 = tpu.memref_slice %arg6[%dma_start3A_191, %dma_start3A_192] : memref<10256x384xf32, #tpu.memory_space<hbm>> -> memref<10256x384xf32, #tpu.memory_space<hbm>>
        tpu.enqueue_indirect_dma source(%dma_start3A_193 : memref<10256x384xf32, #tpu.memory_space<hbm>>) target(%arg21 : memref<16x384xf32, #tpu.memory_space<vmem>>) offsets(%arg15 : memref<16xi32, #tpu.memory_space<vmem>>) semaphore(%arg22 : memref<!tpu.dma_semaphore, #tpu.memory_space<semaphore_mem>>)
        %dma_wait3A = arith.constant 0 : i32
        %dma_wait3A_194 = arith.constant 0 : i32
        %dma_wait3A_195 = tpu.memref_slice %arg4[%dma_wait3A, %dma_wait3A_194] : memref<160000x640xf32, #tpu.memory_space<hbm>> -> memref<160000x640xf32, #tpu.memory_space<hbm>>
        tpu.wait_indirect_dma semaphore(%arg22 : memref<!tpu.dma_semaphore, #tpu.memory_space<semaphore_mem>>) src(%dma_wait3A_195 : memref<160000x640xf32, #tpu.memory_space<hbm>>) dst(%arg18 : memref<16x640xf32, #tpu.memory_space<vmem>>)
        %dma_wait3A_196 = arith.constant 0 : i32
        %dma_wait3A_197 = arith.constant 0 : i32
        %dma_wait3A_198 = tpu.memref_slice %arg5[%dma_wait3A_196, %dma_wait3A_197] : memref<10256x512xf32, #tpu.memory_space<hbm>> -> memref<10256x512xf32, #tpu.memory_space<hbm>>
        tpu.wait_indirect_dma semaphore(%arg22 : memref<!tpu.dma_semaphore, #tpu.memory_space<semaphore_mem>>) src(%dma_wait3A_198 : memref<10256x512xf32, #tpu.memory_space<hbm>>) dst(%arg19 : memref<16x512xf32, #tpu.memory_space<vmem>>)
        %dma_wait3A_199 = arith.constant 0 : i32
        %dma_wait3A_200 = arith.constant 0 : i32
        %dma_wait3A_201 = tpu.memref_slice %arg6[%dma_wait3A_199, %dma_wait3A_200] : memref<10256x384xf32, #tpu.memory_space<hbm>> -> memref<10256x384xf32, #tpu.memory_space<hbm>>
        tpu.wait_indirect_dma semaphore(%arg22 : memref<!tpu.dma_semaphore, #tpu.memory_space<semaphore_mem>>) src(%dma_wait3A_201 : memref<10256x384xf32, #tpu.memory_space<hbm>>) dst(%arg20 : memref<16x384xf32, #tpu.memory_space<vmem>>)
        %dma_wait3A_202 = arith.constant 0 : i32
        %dma_wait3A_203 = arith.constant 0 : i32
        %dma_wait3A_204 = tpu.memref_slice %arg6[%dma_wait3A_202, %dma_wait3A_203] : memref<10256x384xf32, #tpu.memory_space<hbm>> -> memref<10256x384xf32, #tpu.memory_space<hbm>>
        tpu.wait_indirect_dma semaphore(%arg22 : memref<!tpu.dma_semaphore, #tpu.memory_space<semaphore_mem>>) src(%dma_wait3A_204 : memref<10256x384xf32, #tpu.memory_space<hbm>>) dst(%arg21 : memref<16x384xf32, #tpu.memory_space<vmem>>)
        %scan3A_205 = arith.constant 0 : i32
        %scan3A_206 = arith.constant 0 : i32
        %scan3A_207 = arith.constant 16 : i32
        %scan3A_208 = arith.addi %scan3A_206, %scan3A_207 : i32
        %scan3A_209 = arith.constant 1 : i32
        %scan3A_210 = scf.for %scan3A_213 = %scan3A_206 to %scan3A_208 step %scan3A_209 iter_args(%scan3A_214 = %scan3A_205) -> (i32)  : i32 {
          %get3A_215 = arith.index_cast %scan3A_213 : i32 to index
          %get3A_216 = memref.load %arg17[%get3A_215] : memref<16xi32, #tpu.memory_space<smem>>
          %get3A_217 = arith.index_cast %scan3A_213 : i32 to index
          %get3A_218 = arith.constant 512 : index
          %get3A_219 = tpu.vector_load %arg18[%get3A_217, %get3A_218] {strides = array<i32>} : memref<16x640xf32, #tpu.memory_space<vmem>>, vector<16xf32>,
          %slice3A_220 = vector.extract_strided_slice %get3A_219 {offsets = [0], sizes = [1], strides = [1]} : vector<16xf32> to vector<1xf32>
          %squeeze3A_221 = vector.extract %slice3A_220[0] : f32 from vector<1xf32>
          %slice3A_222 = vector.extract_strided_slice %get3A_219 {offsets = [1], sizes = [1], strides = [1]} : vector<16xf32> to vector<1xf32>
          %squeeze3A_223 = vector.extract %slice3A_222[0] : f32 from vector<1xf32>
          %slice3A_224 = vector.extract_strided_slice %get3A_219 {offsets = [2], sizes = [1], strides = [1]} : vector<16xf32> to vector<1xf32>
          %squeeze3A_225 = vector.extract %slice3A_224[0] : f32 from vector<1xf32>
          %get3A_226 = arith.index_cast %scan3A_213 : i32 to index
          %get3A_227 = arith.constant 0 : index
          %get3A_228 = tpu.vector_load %arg19[%get3A_226, %get3A_227] {strides = array<i32>} : memref<16x512xf32, #tpu.memory_space<vmem>>, vector<16xf32>,
          %get3A_229 = arith.index_cast %scan3A_213 : i32 to index
          %get3A_230 = arith.constant 0 : index
          %get3A_231 = tpu.vector_load %arg18[%get3A_229, %get3A_230] {strides = array<i32>} : memref<16x640xf32, #tpu.memory_space<vmem>>, vector<16xf32>,
          %mul3A_232 = arith.mulf %get3A_228, %get3A_231 : vector<16xf32>
          %get3A_233 = arith.index_cast %scan3A_213 : i32 to index
          %get3A_234 = arith.constant 128 : index
          %get3A_235 = tpu.vector_load %arg19[%get3A_233, %get3A_234] {strides = array<i32>} : memref<16x512xf32, #tpu.memory_space<vmem>>, vector<16xf32>,
          %get3A_236 = arith.index_cast %scan3A_213 : i32 to index
          %get3A_237 = arith.constant 128 : index
          %get3A_238 = tpu.vector_load %arg18[%get3A_236, %get3A_237] {strides = array<i32>} : memref<16x640xf32, #tpu.memory_space<vmem>>, vector<16xf32>,
          %mul3A_239 = arith.mulf %get3A_235, %get3A_238 : vector<16xf32>
          %get3A_240 = arith.index_cast %scan3A_213 : i32 to index
          %get3A_241 = arith.constant 256 : index
          %get3A_242 = tpu.vector_load %arg19[%get3A_240, %get3A_241] {strides = array<i32>} : memref<16x512xf32, #tpu.memory_space<vmem>>, vector<16xf32>,
          %get3A_243 = arith.index_cast %scan3A_213 : i32 to index
          %get3A_244 = arith.constant 256 : index
          %get3A_245 = tpu.vector_load %arg18[%get3A_243, %get3A_244] {strides = array<i32>} : memref<16x640xf32, #tpu.memory_space<vmem>>, vector<16xf32>,
          %mul3A_246 = arith.mulf %get3A_242, %get3A_245 : vector<16xf32>
          %get3A_247 = arith.index_cast %scan3A_213 : i32 to index
          %get3A_248 = arith.constant 384 : index
          %get3A_249 = tpu.vector_load %arg19[%get3A_247, %get3A_248] {strides = array<i32>} : memref<16x512xf32, #tpu.memory_space<vmem>>, vector<16xf32>,
          %get3A_250 = arith.index_cast %scan3A_213 : i32 to index
          %get3A_251 = arith.constant 384 : index
          %get3A_252 = tpu.vector_load %arg18[%get3A_250, %get3A_251] {strides = array<i32>} : memref<16x640xf32, #tpu.memory_space<vmem>>, vector<16xf32>,
          %mul3A_253 = arith.mulf %get3A_249, %get3A_252 : vector<16xf32>
          %get3A_254 = arith.index_cast %scan3A_213 : i32 to index
          %get3A_255 = arith.constant 0 : index
          %get3A_256 = tpu.vector_load %arg20[%get3A_254, %get3A_255] {strides = array<i32>} : memref<16x384xf32, #tpu.memory_space<vmem>>, vector<16xf32>,
          %get3A_257 = arith.index_cast %scan3A_213 : i32 to index
          %get3A_258 = arith.constant 128 : index
          %get3A_259 = tpu.vector_load %arg20[%get3A_257, %get3A_258] {strides = array<i32>} : memref<16x384xf32, #tpu.memory_space<vmem>>, vector<16xf32>,
          %get3A_260 = arith.index_cast %scan3A_213 : i32 to index
          %get3A_261 = arith.constant 256 : index
          %get3A_262 = tpu.vector_load %arg20[%get3A_260, %get3A_261] {strides = array<i32>} : memref<16x384xf32, #tpu.memory_space<vmem>>, vector<16xf32>,
          %get3A_263 = arith.index_cast %scan3A_213 : i32 to index
          %get3A_264 = arith.constant 0 : index
          %get3A_265 = tpu.vector_load %arg21[%get3A_263, %get3A_264] {strides = array<i32>} : memref<16x384xf32, #tpu.memory_space<vmem>>, vector<16xf32>,
          %get3A_266 = arith.index_cast %scan3A_213 : i32 to index
          %get3A_267 = arith.constant 128 : index
          %get3A_268 = tpu.vector_load %arg21[%get3A_266, %get3A_267] {strides = array<i32>} : memref<16x384xf32, #tpu.memory_space<vmem>>, vector<16xf32>,
          %get3A_269 = arith.index_cast %scan3A_213 : i32 to index
          %get3A_270 = arith.constant 256 : index
          %get3A_271 = tpu.vector_load %arg21[%get3A_269, %get3A_270] {strides = array<i32>} : memref<16x384xf32, #tpu.memory_space<vmem>>, vector<16xf32>,
          %mul3A_272 = arith.mulf %get3A_268, %get3A_262 : vector<16xf32>
          %mul3A_273 = arith.mulf %get3A_271, %get3A_259 : vector<16xf32>
          %sub3A_274 = arith.subf %mul3A_272, %mul3A_273 : vector<16xf32>
          %mul3A_275 = arith.mulf %get3A_271, %get3A_256 : vector<16xf32>
          %mul3A_276 = arith.mulf %get3A_265, %get3A_262 : vector<16xf32>
          %sub3A_277 = arith.subf %mul3A_275, %mul3A_276 : vector<16xf32>
          %mul3A_278 = arith.mulf %get3A_265, %get3A_259 : vector<16xf32>
          %mul3A_279 = arith.mulf %get3A_268, %get3A_256 : vector<16xf32>
          %sub3A_280 = arith.subf %mul3A_278, %mul3A_279 : vector<16xf32>
          %get3A_281 = arith.index_cast %get3A_216 : i32 to index
          %get3A_282 = arith.constant 0 : index
          %get3A_283 = tpu.vector_load %arg8[%get3A_281, %get3A_282] {strides = array<i32>} : memref<161x512xf32, #tpu.memory_space<vmem>>, vector<16xf32>,
          %mul3A_284 = vector.broadcast %squeeze3A_221 : f32 to vector<16xf32>
          %mul3A_285 = arith.mulf %mul3A_246, %mul3A_284 : vector<16xf32>
          %mul3A_286 = arith.mulf %mul3A_232, %get3A_256 : vector<16xf32>
          %add3A_287 = arith.addf %mul3A_285, %mul3A_286 : vector<16xf32>
          %mul3A_288 = arith.mulf %mul3A_253, %sub3A_274 : vector<16xf32>
          %add3A_289 = arith.addf %add3A_287, %mul3A_288 : vector<16xf32>
          %add3A_290 = arith.addf %get3A_283, %add3A_289 : vector<16xf32>
          %swap3A_291 = arith.index_cast %get3A_216 : i32 to index
          %swap3A_292 = arith.constant 0 : index
          %swap3A_293 = tpu.vector_load %arg8[%swap3A_291, %swap3A_292] {strides = array<i32>} : memref<161x512xf32, #tpu.memory_space<vmem>>, vector<16xf32>,
          tpu.vector_store %arg8[%swap3A_291, %swap3A_292], %add3A_290 {strides = array<i32>} : memref<161x512xf32, #tpu.memory_space<vmem>>, vector<16xf32>,
          %get3A_294 = arith.index_cast %get3A_216 : i32 to index
          %get3A_295 = arith.constant 128 : index
          %get3A_296 = tpu.vector_load %arg8[%get3A_294, %get3A_295] {strides = array<i32>} : memref<161x512xf32, #tpu.memory_space<vmem>>, vector<16xf32>,
          %mul3A_297 = vector.broadcast %squeeze3A_223 : f32 to vector<16xf32>
          %mul3A_298 = arith.mulf %mul3A_246, %mul3A_297 : vector<16xf32>
          %mul3A_299 = arith.mulf %mul3A_232, %get3A_259 : vector<16xf32>
          %add3A_300 = arith.addf %mul3A_298, %mul3A_299 : vector<16xf32>
          %mul3A_301 = arith.mulf %mul3A_253, %sub3A_277 : vector<16xf32>
          %add3A_302 = arith.addf %add3A_300, %mul3A_301 : vector<16xf32>
          %add3A_303 = arith.addf %get3A_296, %add3A_302 : vector<16xf32>
          %swap3A_304 = arith.index_cast %get3A_216 : i32 to index
          %swap3A_305 = arith.constant 128 : index
          %swap3A_306 = tpu.vector_load %arg8[%swap3A_304, %swap3A_305] {strides = array<i32>} : memref<161x512xf32, #tpu.memory_space<vmem>>, vector<16xf32>,
          tpu.vector_store %arg8[%swap3A_304, %swap3A_305], %add3A_303 {strides = array<i32>} : memref<161x512xf32, #tpu.memory_space<vmem>>, vector<16xf32>,
          %get3A_307 = arith.index_cast %get3A_216 : i32 to index
          %get3A_308 = arith.constant 256 : index
          %get3A_309 = tpu.vector_load %arg8[%get3A_307, %get3A_308] {strides = array<i32>} : memref<161x512xf32, #tpu.memory_space<vmem>>, vector<16xf32>,
          %mul3A_310 = vector.broadcast %squeeze3A_225 : f32 to vector<16xf32>
          %mul3A_311 = arith.mulf %mul3A_246, %mul3A_310 : vector<16xf32>
          %mul3A_312 = arith.mulf %mul3A_232, %get3A_262 : vector<16xf32>
          %add3A_313 = arith.addf %mul3A_311, %mul3A_312 : vector<16xf32>
          %mul3A_314 = arith.mulf %mul3A_253, %sub3A_280 : vector<16xf32>
          %add3A_315 = arith.addf %add3A_313, %mul3A_314 : vector<16xf32>
          %add3A_316 = arith.addf %get3A_309, %add3A_315 : vector<16xf32>
          %swap3A_317 = arith.index_cast %get3A_216 : i32 to index
          %swap3A_318 = arith.constant 256 : index
          %swap3A_319 = tpu.vector_load %arg8[%swap3A_317, %swap3A_318] {strides = array<i32>} : memref<161x512xf32, #tpu.memory_space<vmem>>, vector<16xf32>,
          tpu.vector_store %arg8[%swap3A_317, %swap3A_318], %add3A_316 {strides = array<i32>} : memref<161x512xf32, #tpu.memory_space<vmem>>, vector<16xf32>,
          %get3A_320 = arith.index_cast %get3A_216 : i32 to index
          %get3A_321 = arith.constant 384 : index
          %get3A_322 = tpu.vector_load %arg8[%get3A_320, %get3A_321] {strides = array<i32>} : memref<161x512xf32, #tpu.memory_space<vmem>>, vector<16xf32>,
          %add3A_323 = arith.addf %get3A_322, %mul3A_239 : vector<16xf32>
          %swap3A_324 = arith.index_cast %get3A_216 : i32 to index
          %swap3A_325 = arith.constant 384 : index
          %swap3A_326 = tpu.vector_load %arg8[%swap3A_324, %swap3A_325] {strides = array<i32>} : memref<161x512xf32, #tpu.memory_space<vmem>>, vector<16xf32>,
          tpu.vector_store %arg8[%swap3A_324, %swap3A_325], %add3A_323 {strides = array<i32>} : memref<161x512xf32, #tpu.memory_space<vmem>>, vector<16xf32>,
          %get3A_327 = arith.index_cast %scan3A_213 : i32 to index
          %get3A_328 = arith.constant 16 : index
          %get3A_329 = tpu.vector_load %arg19[%get3A_327, %get3A_328] {strides = array<i32>} : memref<16x512xf32, #tpu.memory_space<vmem>>, vector<16xf32>,
          %get3A_330 = arith.index_cast %scan3A_213 : i32 to index
          %get3A_331 = arith.constant 16 : index
          %get3A_332 = tpu.vector_load %arg18[%get3A_330, %get3A_331] {strides = array<i32>} : memref<16x640xf32, #tpu.memory_space<vmem>>, vector<16xf32>,
          %mul3A_333 = arith.mulf %get3A_329, %get3A_332 : vector<16xf32>
          %get3A_334 = arith.index_cast %scan3A_213 : i32 to index
          %get3A_335 = arith.constant 144 : index
          %get3A_336 = tpu.vector_load %arg19[%get3A_334, %get3A_335] {strides = array<i32>} : memref<16x512xf32, #tpu.memory_space<vmem>>, vector<16xf32>,
          %get3A_337 = arith.index_cast %scan3A_213 : i32 to index
          %get3A_338 = arith.constant 144 : index
          %get3A_339 = tpu.vector_load %arg18[%get3A_337, %get3A_338] {strides = array<i32>} : memref<16x640xf32, #tpu.memory_space<vmem>>, vector<16xf32>,
          %mul3A_340 = arith.mulf %get3A_336, %get3A_339 : vector<16xf32>
          %get3A_341 = arith.index_cast %scan3A_213 : i32 to index
          %get3A_342 = arith.constant 272 : index
          %get3A_343 = tpu.vector_load %arg19[%get3A_341, %get3A_342] {strides = array<i32>} : memref<16x512xf32, #tpu.memory_space<vmem>>, vector<16xf32>,
          %get3A_344 = arith.index_cast %scan3A_213 : i32 to index
          %get3A_345 = arith.constant 272 : index
          %get3A_346 = tpu.vector_load %arg18[%get3A_344, %get3A_345] {strides = array<i32>} : memref<16x640xf32, #tpu.memory_space<vmem>>, vector<16xf32>,
          %mul3A_347 = arith.mulf %get3A_343, %get3A_346 : vector<16xf32>
          %get3A_348 = arith.index_cast %scan3A_213 : i32 to index
          %get3A_349 = arith.constant 400 : index
          %get3A_350 = tpu.vector_load %arg19[%get3A_348, %get3A_349] {strides = array<i32>} : memref<16x512xf32, #tpu.memory_space<vmem>>, vector<16xf32>,
          %get3A_351 = arith.index_cast %scan3A_213 : i32 to index
          %get3A_352 = arith.constant 400 : index
          %get3A_353 = tpu.vector_load %arg18[%get3A_351, %get3A_352] {strides = array<i32>} : memref<16x640xf32, #tpu.memory_space<vmem>>, vector<16xf32>,
          %mul3A_354 = arith.mulf %get3A_350, %get3A_353 : vector<16xf32>
          %get3A_355 = arith.index_cast %scan3A_213 : i32 to index
          %get3A_356 = arith.constant 16 : index
          %get3A_357 = tpu.vector_load %arg20[%get3A_355, %get3A_356] {strides = array<i32>} : memref<16x384xf32, #tpu.memory_space<vmem>>, vector<16xf32>,
          %get3A_358 = arith.index_cast %scan3A_213 : i32 to index
          %get3A_359 = arith.constant 144 : index
          %get3A_360 = tpu.vector_load %arg20[%get3A_358, %get3A_359] {strides = array<i32>} : memref<16x384xf32, #tpu.memory_space<vmem>>, vector<16xf32>,
          %get3A_361 = arith.index_cast %scan3A_213 : i32 to index
          %get3A_362 = arith.constant 272 : index
          %get3A_363 = tpu.vector_load %arg20[%get3A_361, %get3A_362] {strides = array<i32>} : memref<16x384xf32, #tpu.memory_space<vmem>>, vector<16xf32>,
          %get3A_364 = arith.index_cast %scan3A_213 : i32 to index
          %get3A_365 = arith.constant 16 : index
          %get3A_366 = tpu.vector_load %arg21[%get3A_364, %get3A_365] {strides = array<i32>} : memref<16x384xf32, #tpu.memory_space<vmem>>, vector<16xf32>,
          %get3A_367 = arith.index_cast %scan3A_213 : i32 to index
          %get3A_368 = arith.constant 144 : index
          %get3A_369 = tpu.vector_load %arg21[%get3A_367, %get3A_368] {strides = array<i32>} : memref<16x384xf32, #tpu.memory_space<vmem>>, vector<16xf32>,
          %get3A_370 = arith.index_cast %scan3A_213 : i32 to index
          %get3A_371 = arith.constant 272 : index
          %get3A_372 = tpu.vector_load %arg21[%get3A_370, %get3A_371] {strides = array<i32>} : memref<16x384xf32, #tpu.memory_space<vmem>>, vector<16xf32>,
          %mul3A_373 = arith.mulf %get3A_369, %get3A_363 : vector<16xf32>
          %mul3A_374 = arith.mulf %get3A_372, %get3A_360 : vector<16xf32>
          %sub3A_375 = arith.subf %mul3A_373, %mul3A_374 : vector<16xf32>
          %mul3A_376 = arith.mulf %get3A_372, %get3A_357 : vector<16xf32>
          %mul3A_377 = arith.mulf %get3A_366, %get3A_363 : vector<16xf32>
          %sub3A_378 = arith.subf %mul3A_376, %mul3A_377 : vector<16xf32>
          %mul3A_379 = arith.mulf %get3A_366, %get3A_360 : vector<16xf32>
          %mul3A_380 = arith.mulf %get3A_369, %get3A_357 : vector<16xf32>
          %sub3A_381 = arith.subf %mul3A_379, %mul3A_380 : vector<16xf32>
          %get3A_382 = arith.index_cast %get3A_216 : i32 to index
          %get3A_383 = arith.constant 16 : index
          %get3A_384 = tpu.vector_load %arg8[%get3A_382, %get3A_383] {strides = array<i32>} : memref<161x512xf32, #tpu.memory_space<vmem>>, vector<16xf32>,
          %mul3A_385 = vector.broadcast %squeeze3A_221 : f32 to vector<16xf32>
          %mul3A_386 = arith.mulf %mul3A_347, %mul3A_385 : vector<16xf32>
          %mul3A_387 = arith.mulf %mul3A_333, %get3A_357 : vector<16xf32>
          %add3A_388 = arith.addf %mul3A_386, %mul3A_387 : vector<16xf32>
          %mul3A_389 = arith.mulf %mul3A_354, %sub3A_375 : vector<16xf32>
          %add3A_390 = arith.addf %add3A_388, %mul3A_389 : vector<16xf32>
          %add3A_391 = arith.addf %get3A_384, %add3A_390 : vector<16xf32>
          %swap3A_392 = arith.index_cast %get3A_216 : i32 to index
          %swap3A_393 = arith.constant 16 : index
          %swap3A_394 = tpu.vector_load %arg8[%swap3A_392, %swap3A_393] {strides = array<i32>} : memref<161x512xf32, #tpu.memory_space<vmem>>, vector<16xf32>,
          tpu.vector_store %arg8[%swap3A_392, %swap3A_393], %add3A_391 {strides = array<i32>} : memref<161x512xf32, #tpu.memory_space<vmem>>, vector<16xf32>,
          %get3A_395 = arith.index_cast %get3A_216 : i32 to index
          %get3A_396 = arith.constant 144 : index
          %get3A_397 = tpu.vector_load %arg8[%get3A_395, %get3A_396] {strides = array<i32>} : memref<161x512xf32, #tpu.memory_space<vmem>>, vector<16xf32>,
          %mul3A_398 = vector.broadcast %squeeze3A_223 : f32 to vector<16xf32>
          %mul3A_399 = arith.mulf %mul3A_347, %mul3A_398 : vector<16xf32>
          %mul3A_400 = arith.mulf %mul3A_333, %get3A_360 : vector<16xf32>
          %add3A_401 = arith.addf %mul3A_399, %mul3A_400 : vector<16xf32>
          %mul3A_402 = arith.mulf %mul3A_354, %sub3A_378 : vector<16xf32>
          %add3A_403 = arith.addf %add3A_401, %mul3A_402 : vector<16xf32>
          %add3A_404 = arith.addf %get3A_397, %add3A_403 : vector<16xf32>
          %swap3A_405 = arith.index_cast %get3A_216 : i32 to index
          %swap3A_406 = arith.constant 144 : index
          %swap3A_407 = tpu.vector_load %arg8[%swap3A_405, %swap3A_406] {strides = array<i32>} : memref<161x512xf32, #tpu.memory_space<vmem>>, vector<16xf32>,
          tpu.vector_store %arg8[%swap3A_405, %swap3A_406], %add3A_404 {strides = array<i32>} : memref<161x512xf32, #tpu.memory_space<vmem>>, vector<16xf32>,
          %get3A_408 = arith.index_cast %get3A_216 : i32 to index
          %get3A_409 = arith.constant 272 : index
          %get3A_410 = tpu.vector_load %arg8[%get3A_408, %get3A_409] {strides = array<i32>} : memref<161x512xf32, #tpu.memory_space<vmem>>, vector<16xf32>,
          %mul3A_411 = vector.broadcast %squeeze3A_225 : f32 to vector<16xf32>
          %mul3A_412 = arith.mulf %mul3A_347, %mul3A_411 : vector<16xf32>
          %mul3A_413 = arith.mulf %mul3A_333, %get3A_363 : vector<16xf32>
          %add3A_414 = arith.addf %mul3A_412, %mul3A_413 : vector<16xf32>
          %mul3A_415 = arith.mulf %mul3A_354, %sub3A_381 : vector<16xf32>
          %add3A_416 = arith.addf %add3A_414, %mul3A_415 : vector<16xf32>
          %add3A_417 = arith.addf %get3A_410, %add3A_416 : vector<16xf32>
          %swap3A_418 = arith.index_cast %get3A_216 : i32 to index
          %swap3A_419 = arith.constant 272 : index
          %swap3A_420 = tpu.vector_load %arg8[%swap3A_418, %swap3A_419] {strides = array<i32>} : memref<161x512xf32, #tpu.memory_space<vmem>>, vector<16xf32>,
          tpu.vector_store %arg8[%swap3A_418, %swap3A_419], %add3A_417 {strides = array<i32>} : memref<161x512xf32, #tpu.memory_space<vmem>>, vector<16xf32>,
          %get3A_421 = arith.index_cast %get3A_216 : i32 to index
          %get3A_422 = arith.constant 400 : index
          %get3A_423 = tpu.vector_load %arg8[%get3A_421, %get3A_422] {strides = array<i32>} : memref<161x512xf32, #tpu.memory_space<vmem>>, vector<16xf32>,
          %add3A_424 = arith.addf %get3A_423, %mul3A_340 : vector<16xf32>
          %swap3A_425 = arith.index_cast %get3A_216 : i32 to index
          %swap3A_426 = arith.constant 400 : index
          %swap3A_427 = tpu.vector_load %arg8[%swap3A_425, %swap3A_426] {strides = array<i32>} : memref<161x512xf32, #tpu.memory_space<vmem>>, vector<16xf32>,
          tpu.vector_store %arg8[%swap3A_425, %swap3A_426], %add3A_424 {strides = array<i32>} : memref<161x512xf32, #tpu.memory_space<vmem>>, vector<16xf32>,
          %get3A_428 = arith.index_cast %scan3A_213 : i32 to index
          %get3A_429 = arith.constant 32 : index
          %get3A_430 = tpu.vector_load %arg19[%get3A_428, %get3A_429] {strides = array<i32>} : memref<16x512xf32, #tpu.memory_space<vmem>>, vector<16xf32>,
          %get3A_431 = arith.index_cast %scan3A_213 : i32 to index
          %get3A_432 = arith.constant 32 : index
          %get3A_433 = tpu.vector_load %arg18[%get3A_431, %get3A_432] {strides = array<i32>} : memref<16x640xf32, #tpu.memory_space<vmem>>, vector<16xf32>,
          %mul3A_434 = arith.mulf %get3A_430, %get3A_433 : vector<16xf32>
          %get3A_435 = arith.index_cast %scan3A_213 : i32 to index
          %get3A_436 = arith.constant 160 : index
          %get3A_437 = tpu.vector_load %arg19[%get3A_435, %get3A_436] {strides = array<i32>} : memref<16x512xf32, #tpu.memory_space<vmem>>, vector<16xf32>,
          %get3A_438 = arith.index_cast %scan3A_213 : i32 to index
          %get3A_439 = arith.constant 160 : index
          %get3A_440 = tpu.vector_load %arg18[%get3A_438, %get3A_439] {strides = array<i32>} : memref<16x640xf32, #tpu.memory_space<vmem>>, vector<16xf32>,
          %mul3A_441 = arith.mulf %get3A_437, %get3A_440 : vector<16xf32>
          %get3A_442 = arith.index_cast %scan3A_213 : i32 to index
          %get3A_443 = arith.constant 288 : index
          %get3A_444 = tpu.vector_load %arg19[%get3A_442, %get3A_443] {strides = array<i32>} : memref<16x512xf32, #tpu.memory_space<vmem>>, vector<16xf32>,
          %get3A_445 = arith.index_cast %scan3A_213 : i32 to index
          %get3A_446 = arith.constant 288 : index
          %get3A_447 = tpu.vector_load %arg18[%get3A_445, %get3A_446] {strides = array<i32>} : memref<16x640xf32, #tpu.memory_space<vmem>>, vector<16xf32>,
          %mul3A_448 = arith.mulf %get3A_444, %get3A_447 : vector<16xf32>
          %get3A_449 = arith.index_cast %scan3A_213 : i32 to index
          %get3A_450 = arith.constant 416 : index
          %get3A_451 = tpu.vector_load %arg19[%get3A_449, %get3A_450] {strides = array<i32>} : memref<16x512xf32, #tpu.memory_space<vmem>>, vector<16xf32>,
          %get3A_452 = arith.index_cast %scan3A_213 : i32 to index
          %get3A_453 = arith.constant 416 : index
          %get3A_454 = tpu.vector_load %arg18[%get3A_452, %get3A_453] {strides = array<i32>} : memref<16x640xf32, #tpu.memory_space<vmem>>, vector<16xf32>,
          %mul3A_455 = arith.mulf %get3A_451, %get3A_454 : vector<16xf32>
          %get3A_456 = arith.index_cast %scan3A_213 : i32 to index
          %get3A_457 = arith.constant 32 : index
          %get3A_458 = tpu.vector_load %arg20[%get3A_456, %get3A_457] {strides = array<i32>} : memref<16x384xf32, #tpu.memory_space<vmem>>, vector<16xf32>,
          %get3A_459 = arith.index_cast %scan3A_213 : i32 to index
          %get3A_460 = arith.constant 160 : index
          %get3A_461 = tpu.vector_load %arg20[%get3A_459, %get3A_460] {strides = array<i32>} : memref<16x384xf32, #tpu.memory_space<vmem>>, vector<16xf32>,
          %get3A_462 = arith.index_cast %scan3A_213 : i32 to index
          %get3A_463 = arith.constant 288 : index
          %get3A_464 = tpu.vector_load %arg20[%get3A_462, %get3A_463] {strides = array<i32>} : memref<16x384xf32, #tpu.memory_space<vmem>>, vector<16xf32>,
          %get3A_465 = arith.index_cast %scan3A_213 : i32 to index
          %get3A_466 = arith.constant 32 : index
          %get3A_467 = tpu.vector_load %arg21[%get3A_465, %get3A_466] {strides = array<i32>} : memref<16x384xf32, #tpu.memory_space<vmem>>, vector<16xf32>,
          %get3A_468 = arith.index_cast %scan3A_213 : i32 to index
          %get3A_469 = arith.constant 160 : index
          %get3A_470 = tpu.vector_load %arg21[%get3A_468, %get3A_469] {strides = array<i32>} : memref<16x384xf32, #tpu.memory_space<vmem>>, vector<16xf32>,
          %get3A_471 = arith.index_cast %scan3A_213 : i32 to index
          %get3A_472 = arith.constant 288 : index
          %get3A_473 = tpu.vector_load %arg21[%get3A_471, %get3A_472] {strides = array<i32>} : memref<16x384xf32, #tpu.memory_space<vmem>>, vector<16xf32>,
          %mul3A_474 = arith.mulf %get3A_470, %get3A_464 : vector<16xf32>
          %mul3A_475 = arith.mulf %get3A_473, %get3A_461 : vector<16xf32>
          %sub3A_476 = arith.subf %mul3A_474, %mul3A_475 : vector<16xf32>
          %mul3A_477 = arith.mulf %get3A_473, %get3A_458 : vector<16xf32>
          %mul3A_478 = arith.mulf %get3A_467, %get3A_464 : vector<16xf32>
          %sub3A_479 = arith.subf %mul3A_477, %mul3A_478 : vector<16xf32>
          %mul3A_480 = arith.mulf %get3A_467, %get3A_461 : vector<16xf32>
          %mul3A_481 = arith.mulf %get3A_470, %get3A_458 : vector<16xf32>
          %sub3A_482 = arith.subf %mul3A_480, %mul3A_481 : vector<16xf32>
          %get3A_483 = arith.index_cast %get3A_216 : i32 to index
          %get3A_484 = arith.constant 32 : index
          %get3A_485 = tpu.vector_load %arg8[%get3A_483, %get3A_484] {strides = array<i32>} : memref<161x512xf32, #tpu.memory_space<vmem>>, vector<16xf32>,
          %mul3A_486 = vector.broadcast %squeeze3A_221 : f32 to vector<16xf32>
          %mul3A_487 = arith.mulf %mul3A_448, %mul3A_486 : vector<16xf32>
          %mul3A_488 = arith.mulf %mul3A_434, %get3A_458 : vector<16xf32>
          %add3A_489 = arith.addf %mul3A_487, %mul3A_488 : vector<16xf32>
          %mul3A_490 = arith.mulf %mul3A_455, %sub3A_476 : vector<16xf32>
          %add3A_491 = arith.addf %add3A_489, %mul3A_490 : vector<16xf32>
          %add3A_492 = arith.addf %get3A_485, %add3A_491 : vector<16xf32>
          %swap3A_493 = arith.index_cast %get3A_216 : i32 to index
          %swap3A_494 = arith.constant 32 : index
          %swap3A_495 = tpu.vector_load %arg8[%swap3A_493, %swap3A_494] {strides = array<i32>} : memref<161x512xf32, #tpu.memory_space<vmem>>, vector<16xf32>,
          tpu.vector_store %arg8[%swap3A_493, %swap3A_494], %add3A_492 {strides = array<i32>} : memref<161x512xf32, #tpu.memory_space<vmem>>, vector<16xf32>,
          %get3A_496 = arith.index_cast %get3A_216 : i32 to index
          %get3A_497 = arith.constant 160 : index
          %get3A_498 = tpu.vector_load %arg8[%get3A_496, %get3A_497] {strides = array<i32>} : memref<161x512xf32, #tpu.memory_space<vmem>>, vector<16xf32>,
          %mul3A_499 = vector.broadcast %squeeze3A_223 : f32 to vector<16xf32>
          %mul3A_500 = arith.mulf %mul3A_448, %mul3A_499 : vector<16xf32>
          %mul3A_501 = arith.mulf %mul3A_434, %get3A_461 : vector<16xf32>
          %add3A_502 = arith.addf %mul3A_500, %mul3A_501 : vector<16xf32>
          %mul3A_503 = arith.mulf %mul3A_455, %sub3A_479 : vector<16xf32>
          %add3A_504 = arith.addf %add3A_502, %mul3A_503 : vector<16xf32>
          %add3A_505 = arith.addf %get3A_498, %add3A_504 : vector<16xf32>
          %swap3A_506 = arith.index_cast %get3A_216 : i32 to index
          %swap3A_507 = arith.constant 160 : index
          %swap3A_508 = tpu.vector_load %arg8[%swap3A_506, %swap3A_507] {strides = array<i32>} : memref<161x512xf32, #tpu.memory_space<vmem>>, vector<16xf32>,
          tpu.vector_store %arg8[%swap3A_506, %swap3A_507], %add3A_505 {strides = array<i32>} : memref<161x512xf32, #tpu.memory_space<vmem>>, vector<16xf32>,
          %get3A_509 = arith.index_cast %get3A_216 : i32 to index
          %get3A_510 = arith.constant 288 : index
          %get3A_511 = tpu.vector_load %arg8[%get3A_509, %get3A_510] {strides = array<i32>} : memref<161x512xf32, #tpu.memory_space<vmem>>, vector<16xf32>,
          %mul3A_512 = vector.broadcast %squeeze3A_225 : f32 to vector<16xf32>
          %mul3A_513 = arith.mulf %mul3A_448, %mul3A_512 : vector<16xf32>
          %mul3A_514 = arith.mulf %mul3A_434, %get3A_464 : vector<16xf32>
          %add3A_515 = arith.addf %mul3A_513, %mul3A_514 : vector<16xf32>
          %mul3A_516 = arith.mulf %mul3A_455, %sub3A_482 : vector<16xf32>
          %add3A_517 = arith.addf %add3A_515, %mul3A_516 : vector<16xf32>
          %add3A_518 = arith.addf %get3A_511, %add3A_517 : vector<16xf32>
          %swap3A_519 = arith.index_cast %get3A_216 : i32 to index
          %swap3A_520 = arith.constant 288 : index
          %swap3A_521 = tpu.vector_load %arg8[%swap3A_519, %swap3A_520] {strides = array<i32>} : memref<161x512xf32, #tpu.memory_space<vmem>>, vector<16xf32>,
          tpu.vector_store %arg8[%swap3A_519, %swap3A_520], %add3A_518 {strides = array<i32>} : memref<161x512xf32, #tpu.memory_space<vmem>>, vector<16xf32>,
          %get3A_522 = arith.index_cast %get3A_216 : i32 to index
          %get3A_523 = arith.constant 416 : index
          %get3A_524 = tpu.vector_load %arg8[%get3A_522, %get3A_523] {strides = array<i32>} : memref<161x512xf32, #tpu.memory_space<vmem>>, vector<16xf32>,
          %add3A_525 = arith.addf %get3A_524, %mul3A_441 : vector<16xf32>
          %swap3A_526 = arith.index_cast %get3A_216 : i32 to index
          %swap3A_527 = arith.constant 416 : index
          %swap3A_528 = tpu.vector_load %arg8[%swap3A_526, %swap3A_527] {strides = array<i32>} : memref<161x512xf32, #tpu.memory_space<vmem>>, vector<16xf32>,
          tpu.vector_store %arg8[%swap3A_526, %swap3A_527], %add3A_525 {strides = array<i32>} : memref<161x512xf32, #tpu.memory_space<vmem>>, vector<16xf32>,
          %get3A_529 = arith.index_cast %scan3A_213 : i32 to index
          %get3A_530 = arith.constant 48 : index
          %get3A_531 = tpu.vector_load %arg19[%get3A_529, %get3A_530] {strides = array<i32>} : memref<16x512xf32, #tpu.memory_space<vmem>>, vector<16xf32>,
          %get3A_532 = arith.index_cast %scan3A_213 : i32 to index
          %get3A_533 = arith.constant 48 : index
          %get3A_534 = tpu.vector_load %arg18[%get3A_532, %get3A_533] {strides = array<i32>} : memref<16x640xf32, #tpu.memory_space<vmem>>, vector<16xf32>,
          %mul3A_535 = arith.mulf %get3A_531, %get3A_534 : vector<16xf32>
          %get3A_536 = arith.index_cast %scan3A_213 : i32 to index
          %get3A_537 = arith.constant 176 : index
          %get3A_538 = tpu.vector_load %arg19[%get3A_536, %get3A_537] {strides = array<i32>} : memref<16x512xf32, #tpu.memory_space<vmem>>, vector<16xf32>,
          %get3A_539 = arith.index_cast %scan3A_213 : i32 to index
          %get3A_540 = arith.constant 176 : index
          %get3A_541 = tpu.vector_load %arg18[%get3A_539, %get3A_540] {strides = array<i32>} : memref<16x640xf32, #tpu.memory_space<vmem>>, vector<16xf32>,
          %mul3A_542 = arith.mulf %get3A_538, %get3A_541 : vector<16xf32>
          %get3A_543 = arith.index_cast %scan3A_213 : i32 to index
          %get3A_544 = arith.constant 304 : index
          %get3A_545 = tpu.vector_load %arg19[%get3A_543, %get3A_544] {strides = array<i32>} : memref<16x512xf32, #tpu.memory_space<vmem>>, vector<16xf32>,
          %get3A_546 = arith.index_cast %scan3A_213 : i32 to index
          %get3A_547 = arith.constant 304 : index
          %get3A_548 = tpu.vector_load %arg18[%get3A_546, %get3A_547] {strides = array<i32>} : memref<16x640xf32, #tpu.memory_space<vmem>>, vector<16xf32>,
          %mul3A_549 = arith.mulf %get3A_545, %get3A_548 : vector<16xf32>
          %get3A_550 = arith.index_cast %scan3A_213 : i32 to index
          %get3A_551 = arith.constant 432 : index
          %get3A_552 = tpu.vector_load %arg19[%get3A_550, %get3A_551] {strides = array<i32>} : memref<16x512xf32, #tpu.memory_space<vmem>>, vector<16xf32>,
          %get3A_553 = arith.index_cast %scan3A_213 : i32 to index
          %get3A_554 = arith.constant 432 : index
          %get3A_555 = tpu.vector_load %arg18[%get3A_553, %get3A_554] {strides = array<i32>} : memref<16x640xf32, #tpu.memory_space<vmem>>, vector<16xf32>,
          %mul3A_556 = arith.mulf %get3A_552, %get3A_555 : vector<16xf32>
          %get3A_557 = arith.index_cast %scan3A_213 : i32 to index
          %get3A_558 = arith.constant 48 : index
          %get3A_559 = tpu.vector_load %arg20[%get3A_557, %get3A_558] {strides = array<i32>} : memref<16x384xf32, #tpu.memory_space<vmem>>, vector<16xf32>,
          %get3A_560 = arith.index_cast %scan3A_213 : i32 to index
          %get3A_561 = arith.constant 176 : index
          %get3A_562 = tpu.vector_load %arg20[%get3A_560, %get3A_561] {strides = array<i32>} : memref<16x384xf32, #tpu.memory_space<vmem>>, vector<16xf32>,
          %get3A_563 = arith.index_cast %scan3A_213 : i32 to index
          %get3A_564 = arith.constant 304 : index
          %get3A_565 = tpu.vector_load %arg20[%get3A_563, %get3A_564] {strides = array<i32>} : memref<16x384xf32, #tpu.memory_space<vmem>>, vector<16xf32>,
          %get3A_566 = arith.index_cast %scan3A_213 : i32 to index
          %get3A_567 = arith.constant 48 : index
          %get3A_568 = tpu.vector_load %arg21[%get3A_566, %get3A_567] {strides = array<i32>} : memref<16x384xf32, #tpu.memory_space<vmem>>, vector<16xf32>,
          %get3A_569 = arith.index_cast %scan3A_213 : i32 to index
          %get3A_570 = arith.constant 176 : index
          %get3A_571 = tpu.vector_load %arg21[%get3A_569, %get3A_570] {strides = array<i32>} : memref<16x384xf32, #tpu.memory_space<vmem>>, vector<16xf32>,
          %get3A_572 = arith.index_cast %scan3A_213 : i32 to index
          %get3A_573 = arith.constant 304 : index
          %get3A_574 = tpu.vector_load %arg21[%get3A_572, %get3A_573] {strides = array<i32>} : memref<16x384xf32, #tpu.memory_space<vmem>>, vector<16xf32>,
          %mul3A_575 = arith.mulf %get3A_571, %get3A_565 : vector<16xf32>
          %mul3A_576 = arith.mulf %get3A_574, %get3A_562 : vector<16xf32>
          %sub3A_577 = arith.subf %mul3A_575, %mul3A_576 : vector<16xf32>
          %mul3A_578 = arith.mulf %get3A_574, %get3A_559 : vector<16xf32>
          %mul3A_579 = arith.mulf %get3A_568, %get3A_565 : vector<16xf32>
          %sub3A_580 = arith.subf %mul3A_578, %mul3A_579 : vector<16xf32>
          %mul3A_581 = arith.mulf %get3A_568, %get3A_562 : vector<16xf32>
          %mul3A_582 = arith.mulf %get3A_571, %get3A_559 : vector<16xf32>
          %sub3A_583 = arith.subf %mul3A_581, %mul3A_582 : vector<16xf32>
          %get3A_584 = arith.index_cast %get3A_216 : i32 to index
          %get3A_585 = arith.constant 48 : index
          %get3A_586 = tpu.vector_load %arg8[%get3A_584, %get3A_585] {strides = array<i32>} : memref<161x512xf32, #tpu.memory_space<vmem>>, vector<16xf32>,
          %mul3A_587 = vector.broadcast %squeeze3A_221 : f32 to vector<16xf32>
          %mul3A_588 = arith.mulf %mul3A_549, %mul3A_587 : vector<16xf32>
          %mul3A_589 = arith.mulf %mul3A_535, %get3A_559 : vector<16xf32>
          %add3A_590 = arith.addf %mul3A_588, %mul3A_589 : vector<16xf32>
          %mul3A_591 = arith.mulf %mul3A_556, %sub3A_577 : vector<16xf32>
          %add3A_592 = arith.addf %add3A_590, %mul3A_591 : vector<16xf32>
          %add3A_593 = arith.addf %get3A_586, %add3A_592 : vector<16xf32>
          %swap3A_594 = arith.index_cast %get3A_216 : i32 to index
          %swap3A_595 = arith.constant 48 : index
          %swap3A_596 = tpu.vector_load %arg8[%swap3A_594, %swap3A_595] {strides = array<i32>} : memref<161x512xf32, #tpu.memory_space<vmem>>, vector<16xf32>,
          tpu.vector_store %arg8[%swap3A_594, %swap3A_595], %add3A_593 {strides = array<i32>} : memref<161x512xf32, #tpu.memory_space<vmem>>, vector<16xf32>,
          %get3A_597 = arith.index_cast %get3A_216 : i32 to index
          %get3A_598 = arith.constant 176 : index
          %get3A_599 = tpu.vector_load %arg8[%get3A_597, %get3A_598] {strides = array<i32>} : memref<161x512xf32, #tpu.memory_space<vmem>>, vector<16xf32>,
          %mul3A_600 = vector.broadcast %squeeze3A_223 : f32 to vector<16xf32>
          %mul3A_601 = arith.mulf %mul3A_549, %mul3A_600 : vector<16xf32>
          %mul3A_602 = arith.mulf %mul3A_535, %get3A_562 : vector<16xf32>
          %add3A_603 = arith.addf %mul3A_601, %mul3A_602 : vector<16xf32>
          %mul3A_604 = arith.mulf %mul3A_556, %sub3A_580 : vector<16xf32>
          %add3A_605 = arith.addf %add3A_603, %mul3A_604 : vector<16xf32>
          %add3A_606 = arith.addf %get3A_599, %add3A_605 : vector<16xf32>
          %swap3A_607 = arith.index_cast %get3A_216 : i32 to index
          %swap3A_608 = arith.constant 176 : index
          %swap3A_609 = tpu.vector_load %arg8[%swap3A_607, %swap3A_608] {strides = array<i32>} : memref<161x512xf32, #tpu.memory_space<vmem>>, vector<16xf32>,
          tpu.vector_store %arg8[%swap3A_607, %swap3A_608], %add3A_606 {strides = array<i32>} : memref<161x512xf32, #tpu.memory_space<vmem>>, vector<16xf32>,
          %get3A_610 = arith.index_cast %get3A_216 : i32 to index
          %get3A_611 = arith.constant 304 : index
          %get3A_612 = tpu.vector_load %arg8[%get3A_610, %get3A_611] {strides = array<i32>} : memref<161x512xf32, #tpu.memory_space<vmem>>, vector<16xf32>,
          %mul3A_613 = vector.broadcast %squeeze3A_225 : f32 to vector<16xf32>
          %mul3A_614 = arith.mulf %mul3A_549, %mul3A_613 : vector<16xf32>
          %mul3A_615 = arith.mulf %mul3A_535, %get3A_565 : vector<16xf32>
          %add3A_616 = arith.addf %mul3A_614, %mul3A_615 : vector<16xf32>
          %mul3A_617 = arith.mulf %mul3A_556, %sub3A_583 : vector<16xf32>
          %add3A_618 = arith.addf %add3A_616, %mul3A_617 : vector<16xf32>
          %add3A_619 = arith.addf %get3A_612, %add3A_618 : vector<16xf32>
          %swap3A_620 = arith.index_cast %get3A_216 : i32 to index
          %swap3A_621 = arith.constant 304 : index
          %swap3A_622 = tpu.vector_load %arg8[%swap3A_620, %swap3A_621] {strides = array<i32>} : memref<161x512xf32, #tpu.memory_space<vmem>>, vector<16xf32>,
          tpu.vector_store %arg8[%swap3A_620, %swap3A_621], %add3A_619 {strides = array<i32>} : memref<161x512xf32, #tpu.memory_space<vmem>>, vector<16xf32>,
          %get3A_623 = arith.index_cast %get3A_216 : i32 to index
          %get3A_624 = arith.constant 432 : index
          %get3A_625 = tpu.vector_load %arg8[%get3A_623, %get3A_624] {strides = array<i32>} : memref<161x512xf32, #tpu.memory_space<vmem>>, vector<16xf32>,
          %add3A_626 = arith.addf %get3A_625, %mul3A_542 : vector<16xf32>
          %swap3A_627 = arith.index_cast %get3A_216 : i32 to index
          %swap3A_628 = arith.constant 432 : index
          %swap3A_629 = tpu.vector_load %arg8[%swap3A_627, %swap3A_628] {strides = array<i32>} : memref<161x512xf32, #tpu.memory_space<vmem>>, vector<16xf32>,
          tpu.vector_store %arg8[%swap3A_627, %swap3A_628], %add3A_626 {strides = array<i32>} : memref<161x512xf32, #tpu.memory_space<vmem>>, vector<16xf32>,
          %get3A_630 = arith.index_cast %scan3A_213 : i32 to index
          %get3A_631 = arith.constant 64 : index
          %get3A_632 = tpu.vector_load %arg19[%get3A_630, %get3A_631] {strides = array<i32>} : memref<16x512xf32, #tpu.memory_space<vmem>>, vector<16xf32>,
          %get3A_633 = arith.index_cast %scan3A_213 : i32 to index
          %get3A_634 = arith.constant 64 : index
          %get3A_635 = tpu.vector_load %arg18[%get3A_633, %get3A_634] {strides = array<i32>} : memref<16x640xf32, #tpu.memory_space<vmem>>, vector<16xf32>,
          %mul3A_636 = arith.mulf %get3A_632, %get3A_635 : vector<16xf32>
          %get3A_637 = arith.index_cast %scan3A_213 : i32 to index
          %get3A_638 = arith.constant 192 : index
          %get3A_639 = tpu.vector_load %arg19[%get3A_637, %get3A_638] {strides = array<i32>} : memref<16x512xf32, #tpu.memory_space<vmem>>, vector<16xf32>,
          %get3A_640 = arith.index_cast %scan3A_213 : i32 to index
          %get3A_641 = arith.constant 192 : index
          %get3A_642 = tpu.vector_load %arg18[%get3A_640, %get3A_641] {strides = array<i32>} : memref<16x640xf32, #tpu.memory_space<vmem>>, vector<16xf32>,
          %mul3A_643 = arith.mulf %get3A_639, %get3A_642 : vector<16xf32>
          %get3A_644 = arith.index_cast %scan3A_213 : i32 to index
          %get3A_645 = arith.constant 320 : index
          %get3A_646 = tpu.vector_load %arg19[%get3A_644, %get3A_645] {strides = array<i32>} : memref<16x512xf32, #tpu.memory_space<vmem>>, vector<16xf32>,
          %get3A_647 = arith.index_cast %scan3A_213 : i32 to index
          %get3A_648 = arith.constant 320 : index
          %get3A_649 = tpu.vector_load %arg18[%get3A_647, %get3A_648] {strides = array<i32>} : memref<16x640xf32, #tpu.memory_space<vmem>>, vector<16xf32>,
          %mul3A_650 = arith.mulf %get3A_646, %get3A_649 : vector<16xf32>
          %get3A_651 = arith.index_cast %scan3A_213 : i32 to index
          %get3A_652 = arith.constant 448 : index
          %get3A_653 = tpu.vector_load %arg19[%get3A_651, %get3A_652] {strides = array<i32>} : memref<16x512xf32, #tpu.memory_space<vmem>>, vector<16xf32>,
          %get3A_654 = arith.index_cast %scan3A_213 : i32 to index
          %get3A_655 = arith.constant 448 : index
          %get3A_656 = tpu.vector_load %arg18[%get3A_654, %get3A_655] {strides = array<i32>} : memref<16x640xf32, #tpu.memory_space<vmem>>, vector<16xf32>,
          %mul3A_657 = arith.mulf %get3A_653, %get3A_656 : vector<16xf32>
          %get3A_658 = arith.index_cast %scan3A_213 : i32 to index
          %get3A_659 = arith.constant 64 : index
          %get3A_660 = tpu.vector_load %arg20[%get3A_658, %get3A_659] {strides = array<i32>} : memref<16x384xf32, #tpu.memory_space<vmem>>, vector<16xf32>,
          %get3A_661 = arith.index_cast %scan3A_213 : i32 to index
          %get3A_662 = arith.constant 192 : index
          %get3A_663 = tpu.vector_load %arg20[%get3A_661, %get3A_662] {strides = array<i32>} : memref<16x384xf32, #tpu.memory_space<vmem>>, vector<16xf32>,
          %get3A_664 = arith.index_cast %scan3A_213 : i32 to index
          %get3A_665 = arith.constant 320 : index
          %get3A_666 = tpu.vector_load %arg20[%get3A_664, %get3A_665] {strides = array<i32>} : memref<16x384xf32, #tpu.memory_space<vmem>>, vector<16xf32>,
          %get3A_667 = arith.index_cast %scan3A_213 : i32 to index
          %get3A_668 = arith.constant 64 : index
          %get3A_669 = tpu.vector_load %arg21[%get3A_667, %get3A_668] {strides = array<i32>} : memref<16x384xf32, #tpu.memory_space<vmem>>, vector<16xf32>,
          %get3A_670 = arith.index_cast %scan3A_213 : i32 to index
          %get3A_671 = arith.constant 192 : index
          %get3A_672 = tpu.vector_load %arg21[%get3A_670, %get3A_671] {strides = array<i32>} : memref<16x384xf32, #tpu.memory_space<vmem>>, vector<16xf32>,
          %get3A_673 = arith.index_cast %scan3A_213 : i32 to index
          %get3A_674 = arith.constant 320 : index
          %get3A_675 = tpu.vector_load %arg21[%get3A_673, %get3A_674] {strides = array<i32>} : memref<16x384xf32, #tpu.memory_space<vmem>>, vector<16xf32>,
          %mul3A_676 = arith.mulf %get3A_672, %get3A_666 : vector<16xf32>
          %mul3A_677 = arith.mulf %get3A_675, %get3A_663 : vector<16xf32>
          %sub3A_678 = arith.subf %mul3A_676, %mul3A_677 : vector<16xf32>
          %mul3A_679 = arith.mulf %get3A_675, %get3A_660 : vector<16xf32>
          %mul3A_680 = arith.mulf %get3A_669, %get3A_666 : vector<16xf32>
          %sub3A_681 = arith.subf %mul3A_679, %mul3A_680 : vector<16xf32>
          %mul3A_682 = arith.mulf %get3A_669, %get3A_663 : vector<16xf32>
          %mul3A_683 = arith.mulf %get3A_672, %get3A_660 : vector<16xf32>
          %sub3A_684 = arith.subf %mul3A_682, %mul3A_683 : vector<16xf32>
          %get3A_685 = arith.index_cast %get3A_216 : i32 to index
          %get3A_686 = arith.constant 64 : index
          %get3A_687 = tpu.vector_load %arg8[%get3A_685, %get3A_686] {strides = array<i32>} : memref<161x512xf32, #tpu.memory_space<vmem>>, vector<16xf32>,
          %mul3A_688 = vector.broadcast %squeeze3A_221 : f32 to vector<16xf32>
          %mul3A_689 = arith.mulf %mul3A_650, %mul3A_688 : vector<16xf32>
          %mul3A_690 = arith.mulf %mul3A_636, %get3A_660 : vector<16xf32>
          %add3A_691 = arith.addf %mul3A_689, %mul3A_690 : vector<16xf32>
          %mul3A_692 = arith.mulf %mul3A_657, %sub3A_678 : vector<16xf32>
          %add3A_693 = arith.addf %add3A_691, %mul3A_692 : vector<16xf32>
          %add3A_694 = arith.addf %get3A_687, %add3A_693 : vector<16xf32>
          %swap3A_695 = arith.index_cast %get3A_216 : i32 to index
          %swap3A_696 = arith.constant 64 : index
          %swap3A_697 = tpu.vector_load %arg8[%swap3A_695, %swap3A_696] {strides = array<i32>} : memref<161x512xf32, #tpu.memory_space<vmem>>, vector<16xf32>,
          tpu.vector_store %arg8[%swap3A_695, %swap3A_696], %add3A_694 {strides = array<i32>} : memref<161x512xf32, #tpu.memory_space<vmem>>, vector<16xf32>,
          %get3A_698 = arith.index_cast %get3A_216 : i32 to index
          %get3A_699 = arith.constant 192 : index
          %get3A_700 = tpu.vector_load %arg8[%get3A_698, %get3A_699] {strides = array<i32>} : memref<161x512xf32, #tpu.memory_space<vmem>>, vector<16xf32>,
          %mul3A_701 = vector.broadcast %squeeze3A_223 : f32 to vector<16xf32>
          %mul3A_702 = arith.mulf %mul3A_650, %mul3A_701 : vector<16xf32>
          %mul3A_703 = arith.mulf %mul3A_636, %get3A_663 : vector<16xf32>
          %add3A_704 = arith.addf %mul3A_702, %mul3A_703 : vector<16xf32>
          %mul3A_705 = arith.mulf %mul3A_657, %sub3A_681 : vector<16xf32>
          %add3A_706 = arith.addf %add3A_704, %mul3A_705 : vector<16xf32>
          %add3A_707 = arith.addf %get3A_700, %add3A_706 : vector<16xf32>
          %swap3A_708 = arith.index_cast %get3A_216 : i32 to index
          %swap3A_709 = arith.constant 192 : index
          %swap3A_710 = tpu.vector_load %arg8[%swap3A_708, %swap3A_709] {strides = array<i32>} : memref<161x512xf32, #tpu.memory_space<vmem>>, vector<16xf32>,
          tpu.vector_store %arg8[%swap3A_708, %swap3A_709], %add3A_707 {strides = array<i32>} : memref<161x512xf32, #tpu.memory_space<vmem>>, vector<16xf32>,
          %get3A_711 = arith.index_cast %get3A_216 : i32 to index
          %get3A_712 = arith.constant 320 : index
          %get3A_713 = tpu.vector_load %arg8[%get3A_711, %get3A_712] {strides = array<i32>} : memref<161x512xf32, #tpu.memory_space<vmem>>, vector<16xf32>,
          %mul3A_714 = vector.broadcast %squeeze3A_225 : f32 to vector<16xf32>
          %mul3A_715 = arith.mulf %mul3A_650, %mul3A_714 : vector<16xf32>
          %mul3A_716 = arith.mulf %mul3A_636, %get3A_666 : vector<16xf32>
          %add3A_717 = arith.addf %mul3A_715, %mul3A_716 : vector<16xf32>
          %mul3A_718 = arith.mulf %mul3A_657, %sub3A_684 : vector<16xf32>
          %add3A_719 = arith.addf %add3A_717, %mul3A_718 : vector<16xf32>
          %add3A_720 = arith.addf %get3A_713, %add3A_719 : vector<16xf32>
          %swap3A_721 = arith.index_cast %get3A_216 : i32 to index
          %swap3A_722 = arith.constant 320 : index
          %swap3A_723 = tpu.vector_load %arg8[%swap3A_721, %swap3A_722] {strides = array<i32>} : memref<161x512xf32, #tpu.memory_space<vmem>>, vector<16xf32>,
          tpu.vector_store %arg8[%swap3A_721, %swap3A_722], %add3A_720 {strides = array<i32>} : memref<161x512xf32, #tpu.memory_space<vmem>>, vector<16xf32>,
          %get3A_724 = arith.index_cast %get3A_216 : i32 to index
          %get3A_725 = arith.constant 448 : index
          %get3A_726 = tpu.vector_load %arg8[%get3A_724, %get3A_725] {strides = array<i32>} : memref<161x512xf32, #tpu.memory_space<vmem>>, vector<16xf32>,
          %add3A_727 = arith.addf %get3A_726, %mul3A_643 : vector<16xf32>
          %swap3A_728 = arith.index_cast %get3A_216 : i32 to index
          %swap3A_729 = arith.constant 448 : index
          %swap3A_730 = tpu.vector_load %arg8[%swap3A_728, %swap3A_729] {strides = array<i32>} : memref<161x512xf32, #tpu.memory_space<vmem>>, vector<16xf32>,
          tpu.vector_store %arg8[%swap3A_728, %swap3A_729], %add3A_727 {strides = array<i32>} : memref<161x512xf32, #tpu.memory_space<vmem>>, vector<16xf32>,
          %get3A_731 = arith.index_cast %scan3A_213 : i32 to index
          %get3A_732 = arith.constant 80 : index
          %get3A_733 = tpu.vector_load %arg19[%get3A_731, %get3A_732] {strides = array<i32>} : memref<16x512xf32, #tpu.memory_space<vmem>>, vector<16xf32>,
          %get3A_734 = arith.index_cast %scan3A_213 : i32 to index
          %get3A_735 = arith.constant 80 : index
          %get3A_736 = tpu.vector_load %arg18[%get3A_734, %get3A_735] {strides = array<i32>} : memref<16x640xf32, #tpu.memory_space<vmem>>, vector<16xf32>,
          %mul3A_737 = arith.mulf %get3A_733, %get3A_736 : vector<16xf32>
          %get3A_738 = arith.index_cast %scan3A_213 : i32 to index
          %get3A_739 = arith.constant 208 : index
          %get3A_740 = tpu.vector_load %arg19[%get3A_738, %get3A_739] {strides = array<i32>} : memref<16x512xf32, #tpu.memory_space<vmem>>, vector<16xf32>,
          %get3A_741 = arith.index_cast %scan3A_213 : i32 to index
          %get3A_742 = arith.constant 208 : index
          %get3A_743 = tpu.vector_load %arg18[%get3A_741, %get3A_742] {strides = array<i32>} : memref<16x640xf32, #tpu.memory_space<vmem>>, vector<16xf32>,
          %mul3A_744 = arith.mulf %get3A_740, %get3A_743 : vector<16xf32>
          %get3A_745 = arith.index_cast %scan3A_213 : i32 to index
          %get3A_746 = arith.constant 336 : index
          %get3A_747 = tpu.vector_load %arg19[%get3A_745, %get3A_746] {strides = array<i32>} : memref<16x512xf32, #tpu.memory_space<vmem>>, vector<16xf32>,
          %get3A_748 = arith.index_cast %scan3A_213 : i32 to index
          %get3A_749 = arith.constant 336 : index
          %get3A_750 = tpu.vector_load %arg18[%get3A_748, %get3A_749] {strides = array<i32>} : memref<16x640xf32, #tpu.memory_space<vmem>>, vector<16xf32>,
          %mul3A_751 = arith.mulf %get3A_747, %get3A_750 : vector<16xf32>
          %get3A_752 = arith.index_cast %scan3A_213 : i32 to index
          %get3A_753 = arith.constant 464 : index
          %get3A_754 = tpu.vector_load %arg19[%get3A_752, %get3A_753] {strides = array<i32>} : memref<16x512xf32, #tpu.memory_space<vmem>>, vector<16xf32>,
          %get3A_755 = arith.index_cast %scan3A_213 : i32 to index
          %get3A_756 = arith.constant 464 : index
          %get3A_757 = tpu.vector_load %arg18[%get3A_755, %get3A_756] {strides = array<i32>} : memref<16x640xf32, #tpu.memory_space<vmem>>, vector<16xf32>,
          %mul3A_758 = arith.mulf %get3A_754, %get3A_757 : vector<16xf32>
          %get3A_759 = arith.index_cast %scan3A_213 : i32 to index
          %get3A_760 = arith.constant 80 : index
          %get3A_761 = tpu.vector_load %arg20[%get3A_759, %get3A_760] {strides = array<i32>} : memref<16x384xf32, #tpu.memory_space<vmem>>, vector<16xf32>,
          %get3A_762 = arith.index_cast %scan3A_213 : i32 to index
          %get3A_763 = arith.constant 208 : index
          %get3A_764 = tpu.vector_load %arg20[%get3A_762, %get3A_763] {strides = array<i32>} : memref<16x384xf32, #tpu.memory_space<vmem>>, vector<16xf32>,
          %get3A_765 = arith.index_cast %scan3A_213 : i32 to index
          %get3A_766 = arith.constant 336 : index
          %get3A_767 = tpu.vector_load %arg20[%get3A_765, %get3A_766] {strides = array<i32>} : memref<16x384xf32, #tpu.memory_space<vmem>>, vector<16xf32>,
          %get3A_768 = arith.index_cast %scan3A_213 : i32 to index
          %get3A_769 = arith.constant 80 : index
          %get3A_770 = tpu.vector_load %arg21[%get3A_768, %get3A_769] {strides = array<i32>} : memref<16x384xf32, #tpu.memory_space<vmem>>, vector<16xf32>,
          %get3A_771 = arith.index_cast %scan3A_213 : i32 to index
          %get3A_772 = arith.constant 208 : index
          %get3A_773 = tpu.vector_load %arg21[%get3A_771, %get3A_772] {strides = array<i32>} : memref<16x384xf32, #tpu.memory_space<vmem>>, vector<16xf32>,
          %get3A_774 = arith.index_cast %scan3A_213 : i32 to index
          %get3A_775 = arith.constant 336 : index
          %get3A_776 = tpu.vector_load %arg21[%get3A_774, %get3A_775] {strides = array<i32>} : memref<16x384xf32, #tpu.memory_space<vmem>>, vector<16xf32>,
          %mul3A_777 = arith.mulf %get3A_773, %get3A_767 : vector<16xf32>
          %mul3A_778 = arith.mulf %get3A_776, %get3A_764 : vector<16xf32>
          %sub3A_779 = arith.subf %mul3A_777, %mul3A_778 : vector<16xf32>
          %mul3A_780 = arith.mulf %get3A_776, %get3A_761 : vector<16xf32>
          %mul3A_781 = arith.mulf %get3A_770, %get3A_767 : vector<16xf32>
          %sub3A_782 = arith.subf %mul3A_780, %mul3A_781 : vector<16xf32>
          %mul3A_783 = arith.mulf %get3A_770, %get3A_764 : vector<16xf32>
          %mul3A_784 = arith.mulf %get3A_773, %get3A_761 : vector<16xf32>
          %sub3A_785 = arith.subf %mul3A_783, %mul3A_784 : vector<16xf32>
          %get3A_786 = arith.index_cast %get3A_216 : i32 to index
          %get3A_787 = arith.constant 80 : index
          %get3A_788 = tpu.vector_load %arg8[%get3A_786, %get3A_787] {strides = array<i32>} : memref<161x512xf32, #tpu.memory_space<vmem>>, vector<16xf32>,
          %mul3A_789 = vector.broadcast %squeeze3A_221 : f32 to vector<16xf32>
          %mul3A_790 = arith.mulf %mul3A_751, %mul3A_789 : vector<16xf32>
          %mul3A_791 = arith.mulf %mul3A_737, %get3A_761 : vector<16xf32>
          %add3A_792 = arith.addf %mul3A_790, %mul3A_791 : vector<16xf32>
          %mul3A_793 = arith.mulf %mul3A_758, %sub3A_779 : vector<16xf32>
          %add3A_794 = arith.addf %add3A_792, %mul3A_793 : vector<16xf32>
          %add3A_795 = arith.addf %get3A_788, %add3A_794 : vector<16xf32>
          %swap3A_796 = arith.index_cast %get3A_216 : i32 to index
          %swap3A_797 = arith.constant 80 : index
          %swap3A_798 = tpu.vector_load %arg8[%swap3A_796, %swap3A_797] {strides = array<i32>} : memref<161x512xf32, #tpu.memory_space<vmem>>, vector<16xf32>,
          tpu.vector_store %arg8[%swap3A_796, %swap3A_797], %add3A_795 {strides = array<i32>} : memref<161x512xf32, #tpu.memory_space<vmem>>, vector<16xf32>,
          %get3A_799 = arith.index_cast %get3A_216 : i32 to index
          %get3A_800 = arith.constant 208 : index
          %get3A_801 = tpu.vector_load %arg8[%get3A_799, %get3A_800] {strides = array<i32>} : memref<161x512xf32, #tpu.memory_space<vmem>>, vector<16xf32>,
          %mul3A_802 = vector.broadcast %squeeze3A_223 : f32 to vector<16xf32>
          %mul3A_803 = arith.mulf %mul3A_751, %mul3A_802 : vector<16xf32>
          %mul3A_804 = arith.mulf %mul3A_737, %get3A_764 : vector<16xf32>
          %add3A_805 = arith.addf %mul3A_803, %mul3A_804 : vector<16xf32>
          %mul3A_806 = arith.mulf %mul3A_758, %sub3A_782 : vector<16xf32>
          %add3A_807 = arith.addf %add3A_805, %mul3A_806 : vector<16xf32>
          %add3A_808 = arith.addf %get3A_801, %add3A_807 : vector<16xf32>
          %swap3A_809 = arith.index_cast %get3A_216 : i32 to index
          %swap3A_810 = arith.constant 208 : index
          %swap3A_811 = tpu.vector_load %arg8[%swap3A_809, %swap3A_810] {strides = array<i32>} : memref<161x512xf32, #tpu.memory_space<vmem>>, vector<16xf32>,
          tpu.vector_store %arg8[%swap3A_809, %swap3A_810], %add3A_808 {strides = array<i32>} : memref<161x512xf32, #tpu.memory_space<vmem>>, vector<16xf32>,
          %get3A_812 = arith.index_cast %get3A_216 : i32 to index
          %get3A_813 = arith.constant 336 : index
          %get3A_814 = tpu.vector_load %arg8[%get3A_812, %get3A_813] {strides = array<i32>} : memref<161x512xf32, #tpu.memory_space<vmem>>, vector<16xf32>,
          %mul3A_815 = vector.broadcast %squeeze3A_225 : f32 to vector<16xf32>
          %mul3A_816 = arith.mulf %mul3A_751, %mul3A_815 : vector<16xf32>
          %mul3A_817 = arith.mulf %mul3A_737, %get3A_767 : vector<16xf32>
          %add3A_818 = arith.addf %mul3A_816, %mul3A_817 : vector<16xf32>
          %mul3A_819 = arith.mulf %mul3A_758, %sub3A_785 : vector<16xf32>
          %add3A_820 = arith.addf %add3A_818, %mul3A_819 : vector<16xf32>
          %add3A_821 = arith.addf %get3A_814, %add3A_820 : vector<16xf32>
          %swap3A_822 = arith.index_cast %get3A_216 : i32 to index
          %swap3A_823 = arith.constant 336 : index
          %swap3A_824 = tpu.vector_load %arg8[%swap3A_822, %swap3A_823] {strides = array<i32>} : memref<161x512xf32, #tpu.memory_space<vmem>>, vector<16xf32>,
          tpu.vector_store %arg8[%swap3A_822, %swap3A_823], %add3A_821 {strides = array<i32>} : memref<161x512xf32, #tpu.memory_space<vmem>>, vector<16xf32>,
          %get3A_825 = arith.index_cast %get3A_216 : i32 to index
          %get3A_826 = arith.constant 464 : index
          %get3A_827 = tpu.vector_load %arg8[%get3A_825, %get3A_826] {strides = array<i32>} : memref<161x512xf32, #tpu.memory_space<vmem>>, vector<16xf32>,
          %add3A_828 = arith.addf %get3A_827, %mul3A_744 : vector<16xf32>
          %swap3A_829 = arith.index_cast %get3A_216 : i32 to index
          %swap3A_830 = arith.constant 464 : index
          %swap3A_831 = tpu.vector_load %arg8[%swap3A_829, %swap3A_830] {strides = array<i32>} : memref<161x512xf32, #tpu.memory_space<vmem>>, vector<16xf32>,
          tpu.vector_store %arg8[%swap3A_829, %swap3A_830], %add3A_828 {strides = array<i32>} : memref<161x512xf32, #tpu.memory_space<vmem>>, vector<16xf32>,
          %get3A_832 = arith.index_cast %scan3A_213 : i32 to index
          %get3A_833 = arith.constant 96 : index
          %get3A_834 = tpu.vector_load %arg19[%get3A_832, %get3A_833] {strides = array<i32>} : memref<16x512xf32, #tpu.memory_space<vmem>>, vector<16xf32>,
          %get3A_835 = arith.index_cast %scan3A_213 : i32 to index
          %get3A_836 = arith.constant 96 : index
          %get3A_837 = tpu.vector_load %arg18[%get3A_835, %get3A_836] {strides = array<i32>} : memref<16x640xf32, #tpu.memory_space<vmem>>, vector<16xf32>,
          %mul3A_838 = arith.mulf %get3A_834, %get3A_837 : vector<16xf32>
          %get3A_839 = arith.index_cast %scan3A_213 : i32 to index
          %get3A_840 = arith.constant 224 : index
          %get3A_841 = tpu.vector_load %arg19[%get3A_839, %get3A_840] {strides = array<i32>} : memref<16x512xf32, #tpu.memory_space<vmem>>, vector<16xf32>,
          %get3A_842 = arith.index_cast %scan3A_213 : i32 to index
          %get3A_843 = arith.constant 224 : index
          %get3A_844 = tpu.vector_load %arg18[%get3A_842, %get3A_843] {strides = array<i32>} : memref<16x640xf32, #tpu.memory_space<vmem>>, vector<16xf32>,
          %mul3A_845 = arith.mulf %get3A_841, %get3A_844 : vector<16xf32>
          %get3A_846 = arith.index_cast %scan3A_213 : i32 to index
          %get3A_847 = arith.constant 352 : index
          %get3A_848 = tpu.vector_load %arg19[%get3A_846, %get3A_847] {strides = array<i32>} : memref<16x512xf32, #tpu.memory_space<vmem>>, vector<16xf32>,
          %get3A_849 = arith.index_cast %scan3A_213 : i32 to index
          %get3A_850 = arith.constant 352 : index
          %get3A_851 = tpu.vector_load %arg18[%get3A_849, %get3A_850] {strides = array<i32>} : memref<16x640xf32, #tpu.memory_space<vmem>>, vector<16xf32>,
          %mul3A_852 = arith.mulf %get3A_848, %get3A_851 : vector<16xf32>
          %get3A_853 = arith.index_cast %scan3A_213 : i32 to index
          %get3A_854 = arith.constant 480 : index
          %get3A_855 = tpu.vector_load %arg19[%get3A_853, %get3A_854] {strides = array<i32>} : memref<16x512xf32, #tpu.memory_space<vmem>>, vector<16xf32>,
          %get3A_856 = arith.index_cast %scan3A_213 : i32 to index
          %get3A_857 = arith.constant 480 : index
          %get3A_858 = tpu.vector_load %arg18[%get3A_856, %get3A_857] {strides = array<i32>} : memref<16x640xf32, #tpu.memory_space<vmem>>, vector<16xf32>,
          %mul3A_859 = arith.mulf %get3A_855, %get3A_858 : vector<16xf32>
          %get3A_860 = arith.index_cast %scan3A_213 : i32 to index
          %get3A_861 = arith.constant 96 : index
          %get3A_862 = tpu.vector_load %arg20[%get3A_860, %get3A_861] {strides = array<i32>} : memref<16x384xf32, #tpu.memory_space<vmem>>, vector<16xf32>,
          %get3A_863 = arith.index_cast %scan3A_213 : i32 to index
          %get3A_864 = arith.constant 224 : index
          %get3A_865 = tpu.vector_load %arg20[%get3A_863, %get3A_864] {strides = array<i32>} : memref<16x384xf32, #tpu.memory_space<vmem>>, vector<16xf32>,
          %get3A_866 = arith.index_cast %scan3A_213 : i32 to index
          %get3A_867 = arith.constant 352 : index
          %get3A_868 = tpu.vector_load %arg20[%get3A_866, %get3A_867] {strides = array<i32>} : memref<16x384xf32, #tpu.memory_space<vmem>>, vector<16xf32>,
          %get3A_869 = arith.index_cast %scan3A_213 : i32 to index
          %get3A_870 = arith.constant 96 : index
          %get3A_871 = tpu.vector_load %arg21[%get3A_869, %get3A_870] {strides = array<i32>} : memref<16x384xf32, #tpu.memory_space<vmem>>, vector<16xf32>,
          %get3A_872 = arith.index_cast %scan3A_213 : i32 to index
          %get3A_873 = arith.constant 224 : index
          %get3A_874 = tpu.vector_load %arg21[%get3A_872, %get3A_873] {strides = array<i32>} : memref<16x384xf32, #tpu.memory_space<vmem>>, vector<16xf32>,
          %get3A_875 = arith.index_cast %scan3A_213 : i32 to index
          %get3A_876 = arith.constant 352 : index
          %get3A_877 = tpu.vector_load %arg21[%get3A_875, %get3A_876] {strides = array<i32>} : memref<16x384xf32, #tpu.memory_space<vmem>>, vector<16xf32>,
          %mul3A_878 = arith.mulf %get3A_874, %get3A_868 : vector<16xf32>
          %mul3A_879 = arith.mulf %get3A_877, %get3A_865 : vector<16xf32>
          %sub3A_880 = arith.subf %mul3A_878, %mul3A_879 : vector<16xf32>
          %mul3A_881 = arith.mulf %get3A_877, %get3A_862 : vector<16xf32>
          %mul3A_882 = arith.mulf %get3A_871, %get3A_868 : vector<16xf32>
          %sub3A_883 = arith.subf %mul3A_881, %mul3A_882 : vector<16xf32>
          %mul3A_884 = arith.mulf %get3A_871, %get3A_865 : vector<16xf32>
          %mul3A_885 = arith.mulf %get3A_874, %get3A_862 : vector<16xf32>
          %sub3A_886 = arith.subf %mul3A_884, %mul3A_885 : vector<16xf32>
          %get3A_887 = arith.index_cast %get3A_216 : i32 to index
          %get3A_888 = arith.constant 96 : index
          %get3A_889 = tpu.vector_load %arg8[%get3A_887, %get3A_888] {strides = array<i32>} : memref<161x512xf32, #tpu.memory_space<vmem>>, vector<16xf32>,
          %mul3A_890 = vector.broadcast %squeeze3A_221 : f32 to vector<16xf32>
          %mul3A_891 = arith.mulf %mul3A_852, %mul3A_890 : vector<16xf32>
          %mul3A_892 = arith.mulf %mul3A_838, %get3A_862 : vector<16xf32>
          %add3A_893 = arith.addf %mul3A_891, %mul3A_892 : vector<16xf32>
          %mul3A_894 = arith.mulf %mul3A_859, %sub3A_880 : vector<16xf32>
          %add3A_895 = arith.addf %add3A_893, %mul3A_894 : vector<16xf32>
          %add3A_896 = arith.addf %get3A_889, %add3A_895 : vector<16xf32>
          %swap3A_897 = arith.index_cast %get3A_216 : i32 to index
          %swap3A_898 = arith.constant 96 : index
          %swap3A_899 = tpu.vector_load %arg8[%swap3A_897, %swap3A_898] {strides = array<i32>} : memref<161x512xf32, #tpu.memory_space<vmem>>, vector<16xf32>,
          tpu.vector_store %arg8[%swap3A_897, %swap3A_898], %add3A_896 {strides = array<i32>} : memref<161x512xf32, #tpu.memory_space<vmem>>, vector<16xf32>,
          %get3A_900 = arith.index_cast %get3A_216 : i32 to index
          %get3A_901 = arith.constant 224 : index
          %get3A_902 = tpu.vector_load %arg8[%get3A_900, %get3A_901] {strides = array<i32>} : memref<161x512xf32, #tpu.memory_space<vmem>>, vector<16xf32>,
          %mul3A_903 = vector.broadcast %squeeze3A_223 : f32 to vector<16xf32>
          %mul3A_904 = arith.mulf %mul3A_852, %mul3A_903 : vector<16xf32>
          %mul3A_905 = arith.mulf %mul3A_838, %get3A_865 : vector<16xf32>
          %add3A_906 = arith.addf %mul3A_904, %mul3A_905 : vector<16xf32>
          %mul3A_907 = arith.mulf %mul3A_859, %sub3A_883 : vector<16xf32>
          %add3A_908 = arith.addf %add3A_906, %mul3A_907 : vector<16xf32>
          %add3A_909 = arith.addf %get3A_902, %add3A_908 : vector<16xf32>
          %swap3A_910 = arith.index_cast %get3A_216 : i32 to index
          %swap3A_911 = arith.constant 224 : index
          %swap3A_912 = tpu.vector_load %arg8[%swap3A_910, %swap3A_911] {strides = array<i32>} : memref<161x512xf32, #tpu.memory_space<vmem>>, vector<16xf32>,
          tpu.vector_store %arg8[%swap3A_910, %swap3A_911], %add3A_909 {strides = array<i32>} : memref<161x512xf32, #tpu.memory_space<vmem>>, vector<16xf32>,
          %get3A_913 = arith.index_cast %get3A_216 : i32 to index
          %get3A_914 = arith.constant 352 : index
          %get3A_915 = tpu.vector_load %arg8[%get3A_913, %get3A_914] {strides = array<i32>} : memref<161x512xf32, #tpu.memory_space<vmem>>, vector<16xf32>,
          %mul3A_916 = vector.broadcast %squeeze3A_225 : f32 to vector<16xf32>
          %mul3A_917 = arith.mulf %mul3A_852, %mul3A_916 : vector<16xf32>
          %mul3A_918 = arith.mulf %mul3A_838, %get3A_868 : vector<16xf32>
          %add3A_919 = arith.addf %mul3A_917, %mul3A_918 : vector<16xf32>
          %mul3A_920 = arith.mulf %mul3A_859, %sub3A_886 : vector<16xf32>
          %add3A_921 = arith.addf %add3A_919, %mul3A_920 : vector<16xf32>
          %add3A_922 = arith.addf %get3A_915, %add3A_921 : vector<16xf32>
          %swap3A_923 = arith.index_cast %get3A_216 : i32 to index
          %swap3A_924 = arith.constant 352 : index
          %swap3A_925 = tpu.vector_load %arg8[%swap3A_923, %swap3A_924] {strides = array<i32>} : memref<161x512xf32, #tpu.memory_space<vmem>>, vector<16xf32>,
          tpu.vector_store %arg8[%swap3A_923, %swap3A_924], %add3A_922 {strides = array<i32>} : memref<161x512xf32, #tpu.memory_space<vmem>>, vector<16xf32>,
          %get3A_926 = arith.index_cast %get3A_216 : i32 to index
          %get3A_927 = arith.constant 480 : index
          %get3A_928 = tpu.vector_load %arg8[%get3A_926, %get3A_927] {strides = array<i32>} : memref<161x512xf32, #tpu.memory_space<vmem>>, vector<16xf32>,
          %add3A_929 = arith.addf %get3A_928, %mul3A_845 : vector<16xf32>
          %swap3A_930 = arith.index_cast %get3A_216 : i32 to index
          %swap3A_931 = arith.constant 480 : index
          %swap3A_932 = tpu.vector_load %arg8[%swap3A_930, %swap3A_931] {strides = array<i32>} : memref<161x512xf32, #tpu.memory_space<vmem>>, vector<16xf32>,
          tpu.vector_store %arg8[%swap3A_930, %swap3A_931], %add3A_929 {strides = array<i32>} : memref<161x512xf32, #tpu.memory_space<vmem>>, vector<16xf32>,
          %get3A_933 = arith.index_cast %scan3A_213 : i32 to index
          %get3A_934 = arith.constant 112 : index
          %get3A_935 = tpu.vector_load %arg19[%get3A_933, %get3A_934] {strides = array<i32>} : memref<16x512xf32, #tpu.memory_space<vmem>>, vector<16xf32>,
          %get3A_936 = arith.index_cast %scan3A_213 : i32 to index
          %get3A_937 = arith.constant 112 : index
          %get3A_938 = tpu.vector_load %arg18[%get3A_936, %get3A_937] {strides = array<i32>} : memref<16x640xf32, #tpu.memory_space<vmem>>, vector<16xf32>,
          %mul3A_939 = arith.mulf %get3A_935, %get3A_938 : vector<16xf32>
          %get3A_940 = arith.index_cast %scan3A_213 : i32 to index
          %get3A_941 = arith.constant 240 : index
          %get3A_942 = tpu.vector_load %arg19[%get3A_940, %get3A_941] {strides = array<i32>} : memref<16x512xf32, #tpu.memory_space<vmem>>, vector<16xf32>,
          %get3A_943 = arith.index_cast %scan3A_213 : i32 to index
          %get3A_944 = arith.constant 240 : index
          %get3A_945 = tpu.vector_load %arg18[%get3A_943, %get3A_944] {strides = array<i32>} : memref<16x640xf32, #tpu.memory_space<vmem>>, vector<16xf32>,
          %mul3A_946 = arith.mulf %get3A_942, %get3A_945 : vector<16xf32>
          %get3A_947 = arith.index_cast %scan3A_213 : i32 to index
          %get3A_948 = arith.constant 368 : index
          %get3A_949 = tpu.vector_load %arg19[%get3A_947, %get3A_948] {strides = array<i32>} : memref<16x512xf32, #tpu.memory_space<vmem>>, vector<16xf32>,
          %get3A_950 = arith.index_cast %scan3A_213 : i32 to index
          %get3A_951 = arith.constant 368 : index
          %get3A_952 = tpu.vector_load %arg18[%get3A_950, %get3A_951] {strides = array<i32>} : memref<16x640xf32, #tpu.memory_space<vmem>>, vector<16xf32>,
          %mul3A_953 = arith.mulf %get3A_949, %get3A_952 : vector<16xf32>
          %get3A_954 = arith.index_cast %scan3A_213 : i32 to index
          %get3A_955 = arith.constant 496 : index
          %get3A_956 = tpu.vector_load %arg19[%get3A_954, %get3A_955] {strides = array<i32>} : memref<16x512xf32, #tpu.memory_space<vmem>>, vector<16xf32>,
          %get3A_957 = arith.index_cast %scan3A_213 : i32 to index
          %get3A_958 = arith.constant 496 : index
          %get3A_959 = tpu.vector_load %arg18[%get3A_957, %get3A_958] {strides = array<i32>} : memref<16x640xf32, #tpu.memory_space<vmem>>, vector<16xf32>,
          %mul3A_960 = arith.mulf %get3A_956, %get3A_959 : vector<16xf32>
          %get3A_961 = arith.index_cast %scan3A_213 : i32 to index
          %get3A_962 = arith.constant 112 : index
          %get3A_963 = tpu.vector_load %arg20[%get3A_961, %get3A_962] {strides = array<i32>} : memref<16x384xf32, #tpu.memory_space<vmem>>, vector<16xf32>,
          %get3A_964 = arith.index_cast %scan3A_213 : i32 to index
          %get3A_965 = arith.constant 240 : index
          %get3A_966 = tpu.vector_load %arg20[%get3A_964, %get3A_965] {strides = array<i32>} : memref<16x384xf32, #tpu.memory_space<vmem>>, vector<16xf32>,
          %get3A_967 = arith.index_cast %scan3A_213 : i32 to index
          %get3A_968 = arith.constant 368 : index
          %get3A_969 = tpu.vector_load %arg20[%get3A_967, %get3A_968] {strides = array<i32>} : memref<16x384xf32, #tpu.memory_space<vmem>>, vector<16xf32>,
          %get3A_970 = arith.index_cast %scan3A_213 : i32 to index
          %get3A_971 = arith.constant 112 : index
          %get3A_972 = tpu.vector_load %arg21[%get3A_970, %get3A_971] {strides = array<i32>} : memref<16x384xf32, #tpu.memory_space<vmem>>, vector<16xf32>,
          %get3A_973 = arith.index_cast %scan3A_213 : i32 to index
          %get3A_974 = arith.constant 240 : index
          %get3A_975 = tpu.vector_load %arg21[%get3A_973, %get3A_974] {strides = array<i32>} : memref<16x384xf32, #tpu.memory_space<vmem>>, vector<16xf32>,
          %get3A_976 = arith.index_cast %scan3A_213 : i32 to index
          %get3A_977 = arith.constant 368 : index
          %get3A_978 = tpu.vector_load %arg21[%get3A_976, %get3A_977] {strides = array<i32>} : memref<16x384xf32, #tpu.memory_space<vmem>>, vector<16xf32>,
          %mul3A_979 = arith.mulf %get3A_975, %get3A_969 : vector<16xf32>
          %mul3A_980 = arith.mulf %get3A_978, %get3A_966 : vector<16xf32>
          %sub3A_981 = arith.subf %mul3A_979, %mul3A_980 : vector<16xf32>
          %mul3A_982 = arith.mulf %get3A_978, %get3A_963 : vector<16xf32>
          %mul3A_983 = arith.mulf %get3A_972, %get3A_969 : vector<16xf32>
          %sub3A_984 = arith.subf %mul3A_982, %mul3A_983 : vector<16xf32>
          %mul3A_985 = arith.mulf %get3A_972, %get3A_966 : vector<16xf32>
          %mul3A_986 = arith.mulf %get3A_975, %get3A_963 : vector<16xf32>
          %sub3A_987 = arith.subf %mul3A_985, %mul3A_986 : vector<16xf32>
          %get3A_988 = arith.index_cast %get3A_216 : i32 to index
          %get3A_989 = arith.constant 112 : index
          %get3A_990 = tpu.vector_load %arg8[%get3A_988, %get3A_989] {strides = array<i32>} : memref<161x512xf32, #tpu.memory_space<vmem>>, vector<16xf32>,
          %mul3A_991 = vector.broadcast %squeeze3A_221 : f32 to vector<16xf32>
          %mul3A_992 = arith.mulf %mul3A_953, %mul3A_991 : vector<16xf32>
          %mul3A_993 = arith.mulf %mul3A_939, %get3A_963 : vector<16xf32>
          %add3A_994 = arith.addf %mul3A_992, %mul3A_993 : vector<16xf32>
          %mul3A_995 = arith.mulf %mul3A_960, %sub3A_981 : vector<16xf32>
          %add3A_996 = arith.addf %add3A_994, %mul3A_995 : vector<16xf32>
          %add3A_997 = arith.addf %get3A_990, %add3A_996 : vector<16xf32>
          %swap3A_998 = arith.index_cast %get3A_216 : i32 to index
          %swap3A_999 = arith.constant 112 : index
          %swap3A_1000 = tpu.vector_load %arg8[%swap3A_998, %swap3A_999] {strides = array<i32>} : memref<161x512xf32, #tpu.memory_space<vmem>>, vector<16xf32>,
          tpu.vector_store %arg8[%swap3A_998, %swap3A_999], %add3A_997 {strides = array<i32>} : memref<161x512xf32, #tpu.memory_space<vmem>>, vector<16xf32>,
          %get3A_1001 = arith.index_cast %get3A_216 : i32 to index
          %get3A_1002 = arith.constant 240 : index
          %get3A_1003 = tpu.vector_load %arg8[%get3A_1001, %get3A_1002] {strides = array<i32>} : memref<161x512xf32, #tpu.memory_space<vmem>>, vector<16xf32>,
          %mul3A_1004 = vector.broadcast %squeeze3A_223 : f32 to vector<16xf32>
          %mul3A_1005 = arith.mulf %mul3A_953, %mul3A_1004 : vector<16xf32>
          %mul3A_1006 = arith.mulf %mul3A_939, %get3A_966 : vector<16xf32>
          %add3A_1007 = arith.addf %mul3A_1005, %mul3A_1006 : vector<16xf32>
          %mul3A_1008 = arith.mulf %mul3A_960, %sub3A_984 : vector<16xf32>
          %add3A_1009 = arith.addf %add3A_1007, %mul3A_1008 : vector<16xf32>
          %add3A_1010 = arith.addf %get3A_1003, %add3A_1009 : vector<16xf32>
          %swap3A_1011 = arith.index_cast %get3A_216 : i32 to index
          %swap3A_1012 = arith.constant 240 : index
          %swap3A_1013 = tpu.vector_load %arg8[%swap3A_1011, %swap3A_1012] {strides = array<i32>} : memref<161x512xf32, #tpu.memory_space<vmem>>, vector<16xf32>,
          tpu.vector_store %arg8[%swap3A_1011, %swap3A_1012], %add3A_1010 {strides = array<i32>} : memref<161x512xf32, #tpu.memory_space<vmem>>, vector<16xf32>,
          %get3A_1014 = arith.index_cast %get3A_216 : i32 to index
          %get3A_1015 = arith.constant 368 : index
          %get3A_1016 = tpu.vector_load %arg8[%get3A_1014, %get3A_1015] {strides = array<i32>} : memref<161x512xf32, #tpu.memory_space<vmem>>, vector<16xf32>,
          %mul3A_1017 = vector.broadcast %squeeze3A_225 : f32 to vector<16xf32>
          %mul3A_1018 = arith.mulf %mul3A_953, %mul3A_1017 : vector<16xf32>
          %mul3A_1019 = arith.mulf %mul3A_939, %get3A_969 : vector<16xf32>
          %add3A_1020 = arith.addf %mul3A_1018, %mul3A_1019 : vector<16xf32>
          %mul3A_1021 = arith.mulf %mul3A_960, %sub3A_987 : vector<16xf32>
          %add3A_1022 = arith.addf %add3A_1020, %mul3A_1021 : vector<16xf32>
          %add3A_1023 = arith.addf %get3A_1016, %add3A_1022 : vector<16xf32>
          %swap3A_1024 = arith.index_cast %get3A_216 : i32 to index
          %swap3A_1025 = arith.constant 368 : index
          %swap3A_1026 = tpu.vector_load %arg8[%swap3A_1024, %swap3A_1025] {strides = array<i32>} : memref<161x512xf32, #tpu.memory_space<vmem>>, vector<16xf32>,
          tpu.vector_store %arg8[%swap3A_1024, %swap3A_1025], %add3A_1023 {strides = array<i32>} : memref<161x512xf32, #tpu.memory_space<vmem>>, vector<16xf32>,
          %get3A_1027 = arith.index_cast %get3A_216 : i32 to index
          %get3A_1028 = arith.constant 496 : index
          %get3A_1029 = tpu.vector_load %arg8[%get3A_1027, %get3A_1028] {strides = array<i32>} : memref<161x512xf32, #tpu.memory_space<vmem>>, vector<16xf32>,
          %add3A_1030 = arith.addf %get3A_1029, %mul3A_946 : vector<16xf32>
          %swap3A_1031 = arith.index_cast %get3A_216 : i32 to index
          %swap3A_1032 = arith.constant 496 : index
          %swap3A_1033 = tpu.vector_load %arg8[%swap3A_1031, %swap3A_1032] {strides = array<i32>} : memref<161x512xf32, #tpu.memory_space<vmem>>, vector<16xf32>,
          tpu.vector_store %arg8[%swap3A_1031, %swap3A_1032], %add3A_1030 {strides = array<i32>} : memref<161x512xf32, #tpu.memory_space<vmem>>, vector<16xf32>,
          %scan3A_1034 = arith.constant 0 : i32
          scf.yield %scan3A_1034 : i32
        }
        %scan3A_211 = arith.constant 16 : i32
        %while3A_212 = arith.constant 0 : i32
        scf.yield %while3A_212 : i32
      }
      %while3A_85 = arith.constant 1 : i32
      %while3A_86 = scf.for %while3A_88 = %while3A_82 to %while3A_78 step %while3A_85 iter_args(%while3A_89 = %while3A_84) -> (i32)  : i32 {
        %mul3A_90 = arith.constant 16 : i32
        %mul3A_91 = arith.muli %while3A_88, %mul3A_90 : i32
        %get3A = arith.index_cast %mul3A_91 : i32 to index
        %get3A_92 = tpu.vector_load %arg11[%get3A] {strides = array<i32>} : memref<1616xi32, #tpu.memory_space<vmem>>, vector<16xi32>,
        %get3A_93 = arith.index_cast %mul3A_91 : i32 to index
        %get3A_94 = tpu.vector_load %arg12[%get3A_93] {strides = array<i32>} : memref<1616xi32, #tpu.memory_space<vmem>>, vector<16xi32>,
        %get3A_95 = arith.index_cast %mul3A_91 : i32 to index
        %get3A_96 = tpu.vector_load %arg13[%get3A_95] {strides = array<i32>} : memref<1616xi32, #tpu.memory_space<vmem>>, vector<16xi32>,
        %swap3A_97 = arith.constant 0 : index
        %swap3A_98 = tpu.vector_load %arg14[%swap3A_97] {strides = array<i32>} : memref<16xi32, #tpu.memory_space<vmem>>, vector<16xi32>,
        tpu.vector_store %arg14[%swap3A_97], %get3A_92 {strides = array<i32>} : memref<16xi32, #tpu.memory_space<vmem>>, vector<16xi32>,
        %swap3A_99 = arith.constant 0 : index
        %swap3A_100 = tpu.vector_load %arg15[%swap3A_99] {strides = array<i32>} : memref<16xi32, #tpu.memory_space<vmem>>, vector<16xi32>,
        tpu.vector_store %arg15[%swap3A_99], %get3A_94 {strides = array<i32>} : memref<16xi32, #tpu.memory_space<vmem>>, vector<16xi32>,
        %swap3A_101 = arith.constant 0 : index
        %swap3A_102 = tpu.vector_load %arg16[%swap3A_101] {strides = array<i32>} : memref<16xi32, #tpu.memory_space<vmem>>, vector<16xi32>,
        tpu.vector_store %arg16[%swap3A_101], %get3A_96 {strides = array<i32>} : memref<16xi32, #tpu.memory_space<vmem>>, vector<16xi32>,
        %sub3A_103 = vector.broadcast %mul3A_4 : i32 to vector<16xi32>
        %sub3A_104 = arith.subi %get3A_94, %sub3A_103 : vector<16xi32>
        %slice3A = vector.extract_strided_slice %sub3A_104 {offsets = [0], sizes = [1], strides = [1]} : vector<16xi32> to vector<1xi32>
        %squeeze3A = vector.extract %slice3A[0] : i32 from vector<1xi32>
        %swap3A_105 = arith.constant 0 : i32
        %swap3A_106 = arith.index_cast %swap3A_105 : i32 to index
        %swap3A_107 = memref.load %arg17[%swap3A_106] : memref<16xi32, #tpu.memory_space<smem>>
        memref.store %squeeze3A, %arg17[%swap3A_106] : memref<16xi32, #tpu.memory_space<smem>>
        %slice3A_108 = vector.extract_strided_slice %sub3A_104 {offsets = [1], sizes = [1], strides = [1]} : vector<16xi32> to vector<1xi32>
        %squeeze3A_109 = vector.extract %slice3A_108[0] : i32 from vector<1xi32>
        %swap3A_110 = arith.constant 1 : i32
        %swap3A_111 = arith.index_cast %swap3A_110 : i32 to index
        %swap3A_112 = memref.load %arg17[%swap3A_111] : memref<16xi32, #tpu.memory_space<smem>>
        memref.store %squeeze3A_109, %arg17[%swap3A_111] : memref<16xi32, #tpu.memory_space<smem>>
        %slice3A_113 = vector.extract_strided_slice %sub3A_104 {offsets = [2], sizes = [1], strides = [1]} : vector<16xi32> to vector<1xi32>
        %squeeze3A_114 = vector.extract %slice3A_113[0] : i32 from vector<1xi32>
        %swap3A_115 = arith.constant 2 : i32
        %swap3A_116 = arith.index_cast %swap3A_115 : i32 to index
        %swap3A_117 = memref.load %arg17[%swap3A_116] : memref<16xi32, #tpu.memory_space<smem>>
        memref.store %squeeze3A_114, %arg17[%swap3A_116] : memref<16xi32, #tpu.memory_space<smem>>
        %slice3A_118 = vector.extract_strided_slice %sub3A_104 {offsets = [3], sizes = [1], strides = [1]} : vector<16xi32> to vector<1xi32>
        %squeeze3A_119 = vector.extract %slice3A_118[0] : i32 from vector<1xi32>
        %swap3A_120 = arith.constant 3 : i32
        %swap3A_121 = arith.index_cast %swap3A_120 : i32 to index
        %swap3A_122 = memref.load %arg17[%swap3A_121] : memref<16xi32, #tpu.memory_space<smem>>
        memref.store %squeeze3A_119, %arg17[%swap3A_121] : memref<16xi32, #tpu.memory_space<smem>>
        %slice3A_123 = vector.extract_strided_slice %sub3A_104 {offsets = [4], sizes = [1], strides = [1]} : vector<16xi32> to vector<1xi32>
        %squeeze3A_124 = vector.extract %slice3A_123[0] : i32 from vector<1xi32>
        %swap3A_125 = arith.constant 4 : i32
        %swap3A_126 = arith.index_cast %swap3A_125 : i32 to index
        %swap3A_127 = memref.load %arg17[%swap3A_126] : memref<16xi32, #tpu.memory_space<smem>>
        memref.store %squeeze3A_124, %arg17[%swap3A_126] : memref<16xi32, #tpu.memory_space<smem>>
        %slice3A_128 = vector.extract_strided_slice %sub3A_104 {offsets = [5], sizes = [1], strides = [1]} : vector<16xi32> to vector<1xi32>
        %squeeze3A_129 = vector.extract %slice3A_128[0] : i32 from vector<1xi32>
        %swap3A_130 = arith.constant 5 : i32
        %swap3A_131 = arith.index_cast %swap3A_130 : i32 to index
        %swap3A_132 = memref.load %arg17[%swap3A_131] : memref<16xi32, #tpu.memory_space<smem>>
        memref.store %squeeze3A_129, %arg17[%swap3A_131] : memref<16xi32, #tpu.memory_space<smem>>
        %slice3A_133 = vector.extract_strided_slice %sub3A_104 {offsets = [6], sizes = [1], strides = [1]} : vector<16xi32> to vector<1xi32>
        %squeeze3A_134 = vector.extract %slice3A_133[0] : i32 from vector<1xi32>
        %swap3A_135 = arith.constant 6 : i32
        %swap3A_136 = arith.index_cast %swap3A_135 : i32 to index
        %swap3A_137 = memref.load %arg17[%swap3A_136] : memref<16xi32, #tpu.memory_space<smem>>
        memref.store %squeeze3A_134, %arg17[%swap3A_136] : memref<16xi32, #tpu.memory_space<smem>>
        %slice3A_138 = vector.extract_strided_slice %sub3A_104 {offsets = [7], sizes = [1], strides = [1]} : vector<16xi32> to vector<1xi32>
        %squeeze3A_139 = vector.extract %slice3A_138[0] : i32 from vector<1xi32>
        %swap3A_140 = arith.constant 7 : i32
        %swap3A_141 = arith.index_cast %swap3A_140 : i32 to index
        %swap3A_142 = memref.load %arg17[%swap3A_141] : memref<16xi32, #tpu.memory_space<smem>>
        memref.store %squeeze3A_139, %arg17[%swap3A_141] : memref<16xi32, #tpu.memory_space<smem>>
        %slice3A_143 = vector.extract_strided_slice %sub3A_104 {offsets = [8], sizes = [1], strides = [1]} : vector<16xi32> to vector<1xi32>
        %squeeze3A_144 = vector.extract %slice3A_143[0] : i32 from vector<1xi32>
        %swap3A_145 = arith.constant 8 : i32
        %swap3A_146 = arith.index_cast %swap3A_145 : i32 to index
        %swap3A_147 = memref.load %arg17[%swap3A_146] : memref<16xi32, #tpu.memory_space<smem>>
        memref.store %squeeze3A_144, %arg17[%swap3A_146] : memref<16xi32, #tpu.memory_space<smem>>
        %slice3A_148 = vector.extract_strided_slice %sub3A_104 {offsets = [9], sizes = [1], strides = [1]} : vector<16xi32> to vector<1xi32>
        %squeeze3A_149 = vector.extract %slice3A_148[0] : i32 from vector<1xi32>
        %swap3A_150 = arith.constant 9 : i32
        %swap3A_151 = arith.index_cast %swap3A_150 : i32 to index
        %swap3A_152 = memref.load %arg17[%swap3A_151] : memref<16xi32, #tpu.memory_space<smem>>
        memref.store %squeeze3A_149, %arg17[%swap3A_151] : memref<16xi32, #tpu.memory_space<smem>>
        %slice3A_153 = vector.extract_strided_slice %sub3A_104 {offsets = [10], sizes = [1], strides = [1]} : vector<16xi32> to vector<1xi32>
        %squeeze3A_154 = vector.extract %slice3A_153[0] : i32 from vector<1xi32>
        %swap3A_155 = arith.constant 10 : i32
        %swap3A_156 = arith.index_cast %swap3A_155 : i32 to index
        %swap3A_157 = memref.load %arg17[%swap3A_156] : memref<16xi32, #tpu.memory_space<smem>>
        memref.store %squeeze3A_154, %arg17[%swap3A_156] : memref<16xi32, #tpu.memory_space<smem>>
        %slice3A_158 = vector.extract_strided_slice %sub3A_104 {offsets = [11], sizes = [1], strides = [1]} : vector<16xi32> to vector<1xi32>
        %squeeze3A_159 = vector.extract %slice3A_158[0] : i32 from vector<1xi32>
        %swap3A_160 = arith.constant 11 : i32
        %swap3A_161 = arith.index_cast %swap3A_160 : i32 to index
        %swap3A_162 = memref.load %arg17[%swap3A_161] : memref<16xi32, #tpu.memory_space<smem>>
        memref.store %squeeze3A_159, %arg17[%swap3A_161] : memref<16xi32, #tpu.memory_space<smem>>
        %slice3A_163 = vector.extract_strided_slice %sub3A_104 {offsets = [12], sizes = [1], strides = [1]} : vector<16xi32> to vector<1xi32>
        %squeeze3A_164 = vector.extract %slice3A_163[0] : i32 from vector<1xi32>
        %swap3A_165 = arith.constant 12 : i32
        %swap3A_166 = arith.index_cast %swap3A_165 : i32 to index
        %swap3A_167 = memref.load %arg17[%swap3A_166] : memref<16xi32, #tpu.memory_space<smem>>
        memref.store %squeeze3A_164, %arg17[%swap3A_166] : memref<16xi32, #tpu.memory_space<smem>>
        %slice3A_168 = vector.extract_strided_slice %sub3A_104 {offsets = [13], sizes = [1], strides = [1]} : vector<16xi32> to vector<1xi32>
        %squeeze3A_169 = vector.extract %slice3A_168[0] : i32 from vector<1xi32>
        %swap3A_170 = arith.constant 13 : i32
        %swap3A_171 = arith.index_cast %swap3A_170 : i32 to index
        %swap3A_172 = memref.load %arg17[%swap3A_171] : memref<16xi32, #tpu.memory_space<smem>>
        memref.store %squeeze3A_169, %arg17[%swap3A_171] : memref<16xi32, #tpu.memory_space<smem>>
        %slice3A_173 = vector.extract_strided_slice %sub3A_104 {offsets = [14], sizes = [1], strides = [1]} : vector<16xi32> to vector<1xi32>
        %squeeze3A_174 = vector.extract %slice3A_173[0] : i32 from vector<1xi32>
        %swap3A_175 = arith.constant 14 : i32
        %swap3A_176 = arith.index_cast %swap3A_175 : i32 to index
        %swap3A_177 = memref.load %arg17[%swap3A_176] : memref<16xi32, #tpu.memory_space<smem>>
        memref.store %squeeze3A_174, %arg17[%swap3A_176] : memref<16xi32, #tpu.memory_space<smem>>
        %slice3A_178 = vector.extract_strided_slice %sub3A_104 {offsets = [15], sizes = [1], strides = [1]} : vector<16xi32> to vector<1xi32>
        %squeeze3A_179 = vector.extract %slice3A_178[0] : i32 from vector<1xi32>
        %swap3A_180 = arith.constant 15 : i32
        %swap3A_181 = arith.index_cast %swap3A_180 : i32 to index
        %swap3A_182 = memref.load %arg17[%swap3A_181] : memref<16xi32, #tpu.memory_space<smem>>
        memref.store %squeeze3A_179, %arg17[%swap3A_181] : memref<16xi32, #tpu.memory_space<smem>>
        %dma_start3A = arith.constant 0 : i32
        %dma_start3A_183 = arith.constant 0 : i32
        %dma_start3A_184 = tpu.memref_slice %arg4[%dma_start3A, %dma_start3A_183] : memref<160000x640xf32, #tpu.memory_space<hbm>> -> memref<160000x640xf32, #tpu.memory_space<hbm>>
        tpu.enqueue_indirect_dma source(%dma_start3A_184 : memref<160000x640xf32, #tpu.memory_space<hbm>>) target(%arg18 : memref<16x640xf32, #tpu.memory_space<vmem>>) offsets(%arg14 : memref<16xi32, #tpu.memory_space<vmem>>) semaphore(%arg22 : memref<!tpu.dma_semaphore, #tpu.memory_space<semaphore_mem>>)
        %dma_start3A_185 = arith.constant 0 : i32
        %dma_start3A_186 = arith.constant 0 : i32
        %dma_start3A_187 = tpu.memref_slice %arg5[%dma_start3A_185, %dma_start3A_186] : memref<10256x512xf32, #tpu.memory_space<hbm>> -> memref<10256x512xf32, #tpu.memory_space<hbm>>
        tpu.enqueue_indirect_dma source(%dma_start3A_187 : memref<10256x512xf32, #tpu.memory_space<hbm>>) target(%arg19 : memref<16x512xf32, #tpu.memory_space<vmem>>) offsets(%arg16 : memref<16xi32, #tpu.memory_space<vmem>>) semaphore(%arg22 : memref<!tpu.dma_semaphore, #tpu.memory_space<semaphore_mem>>)
        %dma_start3A_188 = arith.constant 0 : i32
        %dma_start3A_189 = arith.constant 0 : i32
        %dma_start3A_190 = tpu.memref_slice %arg6[%dma_start3A_188, %dma_start3A_189] : memref<10256x384xf32, #tpu.memory_space<hbm>> -> memref<10256x384xf32, #tpu.memory_space<hbm>>
        tpu.enqueue_indirect_dma source(%dma_start3A_190 : memref<10256x384xf32, #tpu.memory_space<hbm>>) target(%arg20 : memref<16x384xf32, #tpu.memory_space<vmem>>) offsets(%arg16 : memref<16xi32, #tpu.memory_space<vmem>>) semaphore(%arg22 : memref<!tpu.dma_semaphore, #tpu.memory_space<semaphore_mem>>)
        %dma_start3A_191 = arith.constant 0 : i32
        %dma_start3A_192 = arith.constant 0 : i32
        %dma_start3A_193 = tpu.memref_slice %arg6[%dma_start3A_191, %dma_start3A_192] : memref<10256x384xf32, #tpu.memory_space<hbm>> -> memref<10256x384xf32, #tpu.memory_space<hbm>>
        tpu.enqueue_indirect_dma source(%dma_start3A_193 : memref<10256x384xf32, #tpu.memory_space<hbm>>) target(%arg21 : memref<16x384xf32, #tpu.memory_space<vmem>>) offsets(%arg15 : memref<16xi32, #tpu.memory_space<vmem>>) semaphore(%arg22 : memref<!tpu.dma_semaphore, #tpu.memory_space<semaphore_mem>>)
        %dma_wait3A = arith.constant 0 : i32
        %dma_wait3A_194 = arith.constant 0 : i32
        %dma_wait3A_195 = tpu.memref_slice %arg4[%dma_wait3A, %dma_wait3A_194] : memref<160000x640xf32, #tpu.memory_space<hbm>> -> memref<160000x640xf32, #tpu.memory_space<hbm>>
        tpu.wait_indirect_dma semaphore(%arg22 : memref<!tpu.dma_semaphore, #tpu.memory_space<semaphore_mem>>) src(%dma_wait3A_195 : memref<160000x640xf32, #tpu.memory_space<hbm>>) dst(%arg18 : memref<16x640xf32, #tpu.memory_space<vmem>>)
        %dma_wait3A_196 = arith.constant 0 : i32
        %dma_wait3A_197 = arith.constant 0 : i32
        %dma_wait3A_198 = tpu.memref_slice %arg5[%dma_wait3A_196, %dma_wait3A_197] : memref<10256x512xf32, #tpu.memory_space<hbm>> -> memref<10256x512xf32, #tpu.memory_space<hbm>>
        tpu.wait_indirect_dma semaphore(%arg22 : memref<!tpu.dma_semaphore, #tpu.memory_space<semaphore_mem>>) src(%dma_wait3A_198 : memref<10256x512xf32, #tpu.memory_space<hbm>>) dst(%arg19 : memref<16x512xf32, #tpu.memory_space<vmem>>)
        %dma_wait3A_199 = arith.constant 0 : i32
        %dma_wait3A_200 = arith.constant 0 : i32
        %dma_wait3A_201 = tpu.memref_slice %arg6[%dma_wait3A_199, %dma_wait3A_200] : memref<10256x384xf32, #tpu.memory_space<hbm>> -> memref<10256x384xf32, #tpu.memory_space<hbm>>
        tpu.wait_indirect_dma semaphore(%arg22 : memref<!tpu.dma_semaphore, #tpu.memory_space<semaphore_mem>>) src(%dma_wait3A_201 : memref<10256x384xf32, #tpu.memory_space<hbm>>) dst(%arg20 : memref<16x384xf32, #tpu.memory_space<vmem>>)
        %dma_wait3A_202 = arith.constant 0 : i32
        %dma_wait3A_203 = arith.constant 0 : i32
        %dma_wait3A_204 = tpu.memref_slice %arg6[%dma_wait3A_202, %dma_wait3A_203] : memref<10256x384xf32, #tpu.memory_space<hbm>> -> memref<10256x384xf32, #tpu.memory_space<hbm>>
        tpu.wait_indirect_dma semaphore(%arg22 : memref<!tpu.dma_semaphore, #tpu.memory_space<semaphore_mem>>) src(%dma_wait3A_204 : memref<10256x384xf32, #tpu.memory_space<hbm>>) dst(%arg21 : memref<16x384xf32, #tpu.memory_space<vmem>>)
        %scan3A_205 = arith.constant 0 : i32
        %scan3A_206 = arith.constant 0 : i32
        %scan3A_207 = arith.constant 16 : i32
        %scan3A_208 = arith.addi %scan3A_206, %scan3A_207 : i32
        %scan3A_209 = arith.constant 1 : i32
        %scan3A_210 = scf.for %scan3A_213 = %scan3A_206 to %scan3A_208 step %scan3A_209 iter_args(%scan3A_214 = %scan3A_205) -> (i32)  : i32 {
          %get3A_215 = arith.index_cast %scan3A_213 : i32 to index
          %get3A_216 = memref.load %arg17[%get3A_215] : memref<16xi32, #tpu.memory_space<smem>>
          %get3A_217 = arith.index_cast %scan3A_213 : i32 to index
          %get3A_218 = arith.constant 512 : index
          %get3A_219 = tpu.vector_load %arg18[%get3A_217, %get3A_218] {strides = array<i32>} : memref<16x640xf32, #tpu.memory_space<vmem>>, vector<16xf32>,
          %slice3A_220 = vector.extract_strided_slice %get3A_219 {offsets = [0], sizes = [1], strides = [1]} : vector<16xf32> to vector<1xf32>
          %squeeze3A_221 = vector.extract %slice3A_220[0] : f32 from vector<1xf32>
          %slice3A_222 = vector.extract_strided_slice %get3A_219 {offsets = [1], sizes = [1], strides = [1]} : vector<16xf32> to vector<1xf32>
          %squeeze3A_223 = vector.extract %slice3A_222[0] : f32 from vector<1xf32>
          %slice3A_224 = vector.extract_strided_slice %get3A_219 {offsets = [2], sizes = [1], strides = [1]} : vector<16xf32> to vector<1xf32>
          %squeeze3A_225 = vector.extract %slice3A_224[0] : f32 from vector<1xf32>
          %get3A_226 = arith.index_cast %scan3A_213 : i32 to index
          %get3A_227 = arith.constant 0 : index
          %get3A_228 = tpu.vector_load %arg19[%get3A_226, %get3A_227] {strides = array<i32>} : memref<16x512xf32, #tpu.memory_space<vmem>>, vector<16xf32>,
          %get3A_229 = arith.index_cast %scan3A_213 : i32 to index
          %get3A_230 = arith.constant 0 : index
          %get3A_231 = tpu.vector_load %arg18[%get3A_229, %get3A_230] {strides = array<i32>} : memref<16x640xf32, #tpu.memory_space<vmem>>, vector<16xf32>,
          %mul3A_232 = arith.mulf %get3A_228, %get3A_231 : vector<16xf32>
          %get3A_233 = arith.index_cast %scan3A_213 : i32 to index
          %get3A_234 = arith.constant 128 : index
          %get3A_235 = tpu.vector_load %arg19[%get3A_233, %get3A_234] {strides = array<i32>} : memref<16x512xf32, #tpu.memory_space<vmem>>, vector<16xf32>,
          %get3A_236 = arith.index_cast %scan3A_213 : i32 to index
          %get3A_237 = arith.constant 128 : index
          %get3A_238 = tpu.vector_load %arg18[%get3A_236, %get3A_237] {strides = array<i32>} : memref<16x640xf32, #tpu.memory_space<vmem>>, vector<16xf32>,
          %mul3A_239 = arith.mulf %get3A_235, %get3A_238 : vector<16xf32>
          %get3A_240 = arith.index_cast %scan3A_213 : i32 to index
          %get3A_241 = arith.constant 256 : index
          %get3A_242 = tpu.vector_load %arg19[%get3A_240, %get3A_241] {strides = array<i32>} : memref<16x512xf32, #tpu.memory_space<vmem>>, vector<16xf32>,
          %get3A_243 = arith.index_cast %scan3A_213 : i32 to index
          %get3A_244 = arith.constant 256 : index
          %get3A_245 = tpu.vector_load %arg18[%get3A_243, %get3A_244] {strides = array<i32>} : memref<16x640xf32, #tpu.memory_space<vmem>>, vector<16xf32>,
          %mul3A_246 = arith.mulf %get3A_242, %get3A_245 : vector<16xf32>
          %get3A_247 = arith.index_cast %scan3A_213 : i32 to index
          %get3A_248 = arith.constant 384 : index
          %get3A_249 = tpu.vector_load %arg19[%get3A_247, %get3A_248] {strides = array<i32>} : memref<16x512xf32, #tpu.memory_space<vmem>>, vector<16xf32>,
          %get3A_250 = arith.index_cast %scan3A_213 : i32 to index
          %get3A_251 = arith.constant 384 : index
          %get3A_252 = tpu.vector_load %arg18[%get3A_250, %get3A_251] {strides = array<i32>} : memref<16x640xf32, #tpu.memory_space<vmem>>, vector<16xf32>,
          %mul3A_253 = arith.mulf %get3A_249, %get3A_252 : vector<16xf32>
          %get3A_254 = arith.index_cast %scan3A_213 : i32 to index
          %get3A_255 = arith.constant 0 : index
          %get3A_256 = tpu.vector_load %arg20[%get3A_254, %get3A_255] {strides = array<i32>} : memref<16x384xf32, #tpu.memory_space<vmem>>, vector<16xf32>,
          %get3A_257 = arith.index_cast %scan3A_213 : i32 to index
          %get3A_258 = arith.constant 128 : index
          %get3A_259 = tpu.vector_load %arg20[%get3A_257, %get3A_258] {strides = array<i32>} : memref<16x384xf32, #tpu.memory_space<vmem>>, vector<16xf32>,
          %get3A_260 = arith.index_cast %scan3A_213 : i32 to index
          %get3A_261 = arith.constant 256 : index
          %get3A_262 = tpu.vector_load %arg20[%get3A_260, %get3A_261] {strides = array<i32>} : memref<16x384xf32, #tpu.memory_space<vmem>>, vector<16xf32>,
          %get3A_263 = arith.index_cast %scan3A_213 : i32 to index
          %get3A_264 = arith.constant 0 : index
          %get3A_265 = tpu.vector_load %arg21[%get3A_263, %get3A_264] {strides = array<i32>} : memref<16x384xf32, #tpu.memory_space<vmem>>, vector<16xf32>,
          %get3A_266 = arith.index_cast %scan3A_213 : i32 to index
          %get3A_267 = arith.constant 128 : index
          %get3A_268 = tpu.vector_load %arg21[%get3A_266, %get3A_267] {strides = array<i32>} : memref<16x384xf32, #tpu.memory_space<vmem>>, vector<16xf32>,
          %get3A_269 = arith.index_cast %scan3A_213 : i32 to index
          %get3A_270 = arith.constant 256 : index
          %get3A_271 = tpu.vector_load %arg21[%get3A_269, %get3A_270] {strides = array<i32>} : memref<16x384xf32, #tpu.memory_space<vmem>>, vector<16xf32>,
          %mul3A_272 = arith.mulf %get3A_268, %get3A_262 : vector<16xf32>
          %mul3A_273 = arith.mulf %get3A_271, %get3A_259 : vector<16xf32>
          %sub3A_274 = arith.subf %mul3A_272, %mul3A_273 : vector<16xf32>
          %mul3A_275 = arith.mulf %get3A_271, %get3A_256 : vector<16xf32>
          %mul3A_276 = arith.mulf %get3A_265, %get3A_262 : vector<16xf32>
          %sub3A_277 = arith.subf %mul3A_275, %mul3A_276 : vector<16xf32>
          %mul3A_278 = arith.mulf %get3A_265, %get3A_259 : vector<16xf32>
          %mul3A_279 = arith.mulf %get3A_268, %get3A_256 : vector<16xf32>
          %sub3A_280 = arith.subf %mul3A_278, %mul3A_279 : vector<16xf32>
          %get3A_281 = arith.index_cast %get3A_216 : i32 to index
          %get3A_282 = arith.constant 0 : index
          %get3A_283 = tpu.vector_load %arg8[%get3A_281, %get3A_282] {strides = array<i32>} : memref<161x512xf32, #tpu.memory_space<vmem>>, vector<16xf32>,
          %mul3A_284 = vector.broadcast %squeeze3A_221 : f32 to vector<16xf32>
          %mul3A_285 = arith.mulf %mul3A_246, %mul3A_284 : vector<16xf32>
          %mul3A_286 = arith.mulf %mul3A_232, %get3A_256 : vector<16xf32>
          %add3A_287 = arith.addf %mul3A_285, %mul3A_286 : vector<16xf32>
          %mul3A_288 = arith.mulf %mul3A_253, %sub3A_274 : vector<16xf32>
          %add3A_289 = arith.addf %add3A_287, %mul3A_288 : vector<16xf32>
          %add3A_290 = arith.addf %get3A_283, %add3A_289 : vector<16xf32>
          %swap3A_291 = arith.index_cast %get3A_216 : i32 to index
          %swap3A_292 = arith.constant 0 : index
          %swap3A_293 = tpu.vector_load %arg8[%swap3A_291, %swap3A_292] {strides = array<i32>} : memref<161x512xf32, #tpu.memory_space<vmem>>, vector<16xf32>,
          tpu.vector_store %arg8[%swap3A_291, %swap3A_292], %add3A_290 {strides = array<i32>} : memref<161x512xf32, #tpu.memory_space<vmem>>, vector<16xf32>,
          %get3A_294 = arith.index_cast %get3A_216 : i32 to index
          %get3A_295 = arith.constant 128 : index
          %get3A_296 = tpu.vector_load %arg8[%get3A_294, %get3A_295] {strides = array<i32>} : memref<161x512xf32, #tpu.memory_space<vmem>>, vector<16xf32>,
          %mul3A_297 = vector.broadcast %squeeze3A_223 : f32 to vector<16xf32>
          %mul3A_298 = arith.mulf %mul3A_246, %mul3A_297 : vector<16xf32>
          %mul3A_299 = arith.mulf %mul3A_232, %get3A_259 : vector<16xf32>
          %add3A_300 = arith.addf %mul3A_298, %mul3A_299 : vector<16xf32>
          %mul3A_301 = arith.mulf %mul3A_253, %sub3A_277 : vector<16xf32>
          %add3A_302 = arith.addf %add3A_300, %mul3A_301 : vector<16xf32>
          %add3A_303 = arith.addf %get3A_296, %add3A_302 : vector<16xf32>
          %swap3A_304 = arith.index_cast %get3A_216 : i32 to index
          %swap3A_305 = arith.constant 128 : index
          %swap3A_306 = tpu.vector_load %arg8[%swap3A_304, %swap3A_305] {strides = array<i32>} : memref<161x512xf32, #tpu.memory_space<vmem>>, vector<16xf32>,
          tpu.vector_store %arg8[%swap3A_304, %swap3A_305], %add3A_303 {strides = array<i32>} : memref<161x512xf32, #tpu.memory_space<vmem>>, vector<16xf32>,
          %get3A_307 = arith.index_cast %get3A_216 : i32 to index
          %get3A_308 = arith.constant 256 : index
          %get3A_309 = tpu.vector_load %arg8[%get3A_307, %get3A_308] {strides = array<i32>} : memref<161x512xf32, #tpu.memory_space<vmem>>, vector<16xf32>,
          %mul3A_310 = vector.broadcast %squeeze3A_225 : f32 to vector<16xf32>
          %mul3A_311 = arith.mulf %mul3A_246, %mul3A_310 : vector<16xf32>
          %mul3A_312 = arith.mulf %mul3A_232, %get3A_262 : vector<16xf32>
          %add3A_313 = arith.addf %mul3A_311, %mul3A_312 : vector<16xf32>
          %mul3A_314 = arith.mulf %mul3A_253, %sub3A_280 : vector<16xf32>
          %add3A_315 = arith.addf %add3A_313, %mul3A_314 : vector<16xf32>
          %add3A_316 = arith.addf %get3A_309, %add3A_315 : vector<16xf32>
          %swap3A_317 = arith.index_cast %get3A_216 : i32 to index
          %swap3A_318 = arith.constant 256 : index
          %swap3A_319 = tpu.vector_load %arg8[%swap3A_317, %swap3A_318] {strides = array<i32>} : memref<161x512xf32, #tpu.memory_space<vmem>>, vector<16xf32>,
          tpu.vector_store %arg8[%swap3A_317, %swap3A_318], %add3A_316 {strides = array<i32>} : memref<161x512xf32, #tpu.memory_space<vmem>>, vector<16xf32>,
          %get3A_320 = arith.index_cast %get3A_216 : i32 to index
          %get3A_321 = arith.constant 384 : index
          %get3A_322 = tpu.vector_load %arg8[%get3A_320, %get3A_321] {strides = array<i32>} : memref<161x512xf32, #tpu.memory_space<vmem>>, vector<16xf32>,
          %add3A_323 = arith.addf %get3A_322, %mul3A_239 : vector<16xf32>
          %swap3A_324 = arith.index_cast %get3A_216 : i32 to index
          %swap3A_325 = arith.constant 384 : index
          %swap3A_326 = tpu.vector_load %arg8[%swap3A_324, %swap3A_325] {strides = array<i32>} : memref<161x512xf32, #tpu.memory_space<vmem>>, vector<16xf32>,
          tpu.vector_store %arg8[%swap3A_324, %swap3A_325], %add3A_323 {strides = array<i32>} : memref<161x512xf32, #tpu.memory_space<vmem>>, vector<16xf32>,
          %get3A_327 = arith.index_cast %scan3A_213 : i32 to index
          %get3A_328 = arith.constant 16 : index
          %get3A_329 = tpu.vector_load %arg19[%get3A_327, %get3A_328] {strides = array<i32>} : memref<16x512xf32, #tpu.memory_space<vmem>>, vector<16xf32>,
          %get3A_330 = arith.index_cast %scan3A_213 : i32 to index
          %get3A_331 = arith.constant 16 : index
          %get3A_332 = tpu.vector_load %arg18[%get3A_330, %get3A_331] {strides = array<i32>} : memref<16x640xf32, #tpu.memory_space<vmem>>, vector<16xf32>,
          %mul3A_333 = arith.mulf %get3A_329, %get3A_332 : vector<16xf32>
          %get3A_334 = arith.index_cast %scan3A_213 : i32 to index
          %get3A_335 = arith.constant 144 : index
          %get3A_336 = tpu.vector_load %arg19[%get3A_334, %get3A_335] {strides = array<i32>} : memref<16x512xf32, #tpu.memory_space<vmem>>, vector<16xf32>,
          %get3A_337 = arith.index_cast %scan3A_213 : i32 to index
          %get3A_338 = arith.constant 144 : index
          %get3A_339 = tpu.vector_load %arg18[%get3A_337, %get3A_338] {strides = array<i32>} : memref<16x640xf32, #tpu.memory_space<vmem>>, vector<16xf32>,
          %mul3A_340 = arith.mulf %get3A_336, %get3A_339 : vector<16xf32>
          %get3A_341 = arith.index_cast %scan3A_213 : i32 to index
          %get3A_342 = arith.constant 272 : index
          %get3A_343 = tpu.vector_load %arg19[%get3A_341, %get3A_342] {strides = array<i32>} : memref<16x512xf32, #tpu.memory_space<vmem>>, vector<16xf32>,
          %get3A_344 = arith.index_cast %scan3A_213 : i32 to index
          %get3A_345 = arith.constant 272 : index
          %get3A_346 = tpu.vector_load %arg18[%get3A_344, %get3A_345] {strides = array<i32>} : memref<16x640xf32, #tpu.memory_space<vmem>>, vector<16xf32>,
          %mul3A_347 = arith.mulf %get3A_343, %get3A_346 : vector<16xf32>
          %get3A_348 = arith.index_cast %scan3A_213 : i32 to index
          %get3A_349 = arith.constant 400 : index
          %get3A_350 = tpu.vector_load %arg19[%get3A_348, %get3A_349] {strides = array<i32>} : memref<16x512xf32, #tpu.memory_space<vmem>>, vector<16xf32>,
          %get3A_351 = arith.index_cast %scan3A_213 : i32 to index
          %get3A_352 = arith.constant 400 : index
          %get3A_353 = tpu.vector_load %arg18[%get3A_351, %get3A_352] {strides = array<i32>} : memref<16x640xf32, #tpu.memory_space<vmem>>, vector<16xf32>,
          %mul3A_354 = arith.mulf %get3A_350, %get3A_353 : vector<16xf32>
          %get3A_355 = arith.index_cast %scan3A_213 : i32 to index
          %get3A_356 = arith.constant 16 : index
          %get3A_357 = tpu.vector_load %arg20[%get3A_355, %get3A_356] {strides = array<i32>} : memref<16x384xf32, #tpu.memory_space<vmem>>, vector<16xf32>,
          %get3A_358 = arith.index_cast %scan3A_213 : i32 to index
          %get3A_359 = arith.constant 144 : index
          %get3A_360 = tpu.vector_load %arg20[%get3A_358, %get3A_359] {strides = array<i32>} : memref<16x384xf32, #tpu.memory_space<vmem>>, vector<16xf32>,
          %get3A_361 = arith.index_cast %scan3A_213 : i32 to index
          %get3A_362 = arith.constant 272 : index
          %get3A_363 = tpu.vector_load %arg20[%get3A_361, %get3A_362] {strides = array<i32>} : memref<16x384xf32, #tpu.memory_space<vmem>>, vector<16xf32>,
          %get3A_364 = arith.index_cast %scan3A_213 : i32 to index
          %get3A_365 = arith.constant 16 : index
          %get3A_366 = tpu.vector_load %arg21[%get3A_364, %get3A_365] {strides = array<i32>} : memref<16x384xf32, #tpu.memory_space<vmem>>, vector<16xf32>,
          %get3A_367 = arith.index_cast %scan3A_213 : i32 to index
          %get3A_368 = arith.constant 144 : index
          %get3A_369 = tpu.vector_load %arg21[%get3A_367, %get3A_368] {strides = array<i32>} : memref<16x384xf32, #tpu.memory_space<vmem>>, vector<16xf32>,
          %get3A_370 = arith.index_cast %scan3A_213 : i32 to index
          %get3A_371 = arith.constant 272 : index
          %get3A_372 = tpu.vector_load %arg21[%get3A_370, %get3A_371] {strides = array<i32>} : memref<16x384xf32, #tpu.memory_space<vmem>>, vector<16xf32>,
          %mul3A_373 = arith.mulf %get3A_369, %get3A_363 : vector<16xf32>
          %mul3A_374 = arith.mulf %get3A_372, %get3A_360 : vector<16xf32>
          %sub3A_375 = arith.subf %mul3A_373, %mul3A_374 : vector<16xf32>
          %mul3A_376 = arith.mulf %get3A_372, %get3A_357 : vector<16xf32>
          %mul3A_377 = arith.mulf %get3A_366, %get3A_363 : vector<16xf32>
          %sub3A_378 = arith.subf %mul3A_376, %mul3A_377 : vector<16xf32>
          %mul3A_379 = arith.mulf %get3A_366, %get3A_360 : vector<16xf32>
          %mul3A_380 = arith.mulf %get3A_369, %get3A_357 : vector<16xf32>
          %sub3A_381 = arith.subf %mul3A_379, %mul3A_380 : vector<16xf32>
          %get3A_382 = arith.index_cast %get3A_216 : i32 to index
          %get3A_383 = arith.constant 16 : index
          %get3A_384 = tpu.vector_load %arg8[%get3A_382, %get3A_383] {strides = array<i32>} : memref<161x512xf32, #tpu.memory_space<vmem>>, vector<16xf32>,
          %mul3A_385 = vector.broadcast %squeeze3A_221 : f32 to vector<16xf32>
          %mul3A_386 = arith.mulf %mul3A_347, %mul3A_385 : vector<16xf32>
          %mul3A_387 = arith.mulf %mul3A_333, %get3A_357 : vector<16xf32>
          %add3A_388 = arith.addf %mul3A_386, %mul3A_387 : vector<16xf32>
          %mul3A_389 = arith.mulf %mul3A_354, %sub3A_375 : vector<16xf32>
          %add3A_390 = arith.addf %add3A_388, %mul3A_389 : vector<16xf32>
          %add3A_391 = arith.addf %get3A_384, %add3A_390 : vector<16xf32>
          %swap3A_392 = arith.index_cast %get3A_216 : i32 to index
          %swap3A_393 = arith.constant 16 : index
          %swap3A_394 = tpu.vector_load %arg8[%swap3A_392, %swap3A_393] {strides = array<i32>} : memref<161x512xf32, #tpu.memory_space<vmem>>, vector<16xf32>,
          tpu.vector_store %arg8[%swap3A_392, %swap3A_393], %add3A_391 {strides = array<i32>} : memref<161x512xf32, #tpu.memory_space<vmem>>, vector<16xf32>,
          %get3A_395 = arith.index_cast %get3A_216 : i32 to index
          %get3A_396 = arith.constant 144 : index
          %get3A_397 = tpu.vector_load %arg8[%get3A_395, %get3A_396] {strides = array<i32>} : memref<161x512xf32, #tpu.memory_space<vmem>>, vector<16xf32>,
          %mul3A_398 = vector.broadcast %squeeze3A_223 : f32 to vector<16xf32>
          %mul3A_399 = arith.mulf %mul3A_347, %mul3A_398 : vector<16xf32>
          %mul3A_400 = arith.mulf %mul3A_333, %get3A_360 : vector<16xf32>
          %add3A_401 = arith.addf %mul3A_399, %mul3A_400 : vector<16xf32>
          %mul3A_402 = arith.mulf %mul3A_354, %sub3A_378 : vector<16xf32>
          %add3A_403 = arith.addf %add3A_401, %mul3A_402 : vector<16xf32>
          %add3A_404 = arith.addf %get3A_397, %add3A_403 : vector<16xf32>
          %swap3A_405 = arith.index_cast %get3A_216 : i32 to index
          %swap3A_406 = arith.constant 144 : index
          %swap3A_407 = tpu.vector_load %arg8[%swap3A_405, %swap3A_406] {strides = array<i32>} : memref<161x512xf32, #tpu.memory_space<vmem>>, vector<16xf32>,
          tpu.vector_store %arg8[%swap3A_405, %swap3A_406], %add3A_404 {strides = array<i32>} : memref<161x512xf32, #tpu.memory_space<vmem>>, vector<16xf32>,
          %get3A_408 = arith.index_cast %get3A_216 : i32 to index
          %get3A_409 = arith.constant 272 : index
          %get3A_410 = tpu.vector_load %arg8[%get3A_408, %get3A_409] {strides = array<i32>} : memref<161x512xf32, #tpu.memory_space<vmem>>, vector<16xf32>,
          %mul3A_411 = vector.broadcast %squeeze3A_225 : f32 to vector<16xf32>
          %mul3A_412 = arith.mulf %mul3A_347, %mul3A_411 : vector<16xf32>
          %mul3A_413 = arith.mulf %mul3A_333, %get3A_363 : vector<16xf32>
          %add3A_414 = arith.addf %mul3A_412, %mul3A_413 : vector<16xf32>
          %mul3A_415 = arith.mulf %mul3A_354, %sub3A_381 : vector<16xf32>
          %add3A_416 = arith.addf %add3A_414, %mul3A_415 : vector<16xf32>
          %add3A_417 = arith.addf %get3A_410, %add3A_416 : vector<16xf32>
          %swap3A_418 = arith.index_cast %get3A_216 : i32 to index
          %swap3A_419 = arith.constant 272 : index
          %swap3A_420 = tpu.vector_load %arg8[%swap3A_418, %swap3A_419] {strides = array<i32>} : memref<161x512xf32, #tpu.memory_space<vmem>>, vector<16xf32>,
          tpu.vector_store %arg8[%swap3A_418, %swap3A_419], %add3A_417 {strides = array<i32>} : memref<161x512xf32, #tpu.memory_space<vmem>>, vector<16xf32>,
          %get3A_421 = arith.index_cast %get3A_216 : i32 to index
          %get3A_422 = arith.constant 400 : index
          %get3A_423 = tpu.vector_load %arg8[%get3A_421, %get3A_422] {strides = array<i32>} : memref<161x512xf32, #tpu.memory_space<vmem>>, vector<16xf32>,
          %add3A_424 = arith.addf %get3A_423, %mul3A_340 : vector<16xf32>
          %swap3A_425 = arith.index_cast %get3A_216 : i32 to index
          %swap3A_426 = arith.constant 400 : index
          %swap3A_427 = tpu.vector_load %arg8[%swap3A_425, %swap3A_426] {strides = array<i32>} : memref<161x512xf32, #tpu.memory_space<vmem>>, vector<16xf32>,
          tpu.vector_store %arg8[%swap3A_425, %swap3A_426], %add3A_424 {strides = array<i32>} : memref<161x512xf32, #tpu.memory_space<vmem>>, vector<16xf32>,
          %get3A_428 = arith.index_cast %scan3A_213 : i32 to index
          %get3A_429 = arith.constant 32 : index
          %get3A_430 = tpu.vector_load %arg19[%get3A_428, %get3A_429] {strides = array<i32>} : memref<16x512xf32, #tpu.memory_space<vmem>>, vector<16xf32>,
          %get3A_431 = arith.index_cast %scan3A_213 : i32 to index
          %get3A_432 = arith.constant 32 : index
          %get3A_433 = tpu.vector_load %arg18[%get3A_431, %get3A_432] {strides = array<i32>} : memref<16x640xf32, #tpu.memory_space<vmem>>, vector<16xf32>,
          %mul3A_434 = arith.mulf %get3A_430, %get3A_433 : vector<16xf32>
          %get3A_435 = arith.index_cast %scan3A_213 : i32 to index
          %get3A_436 = arith.constant 160 : index
          %get3A_437 = tpu.vector_load %arg19[%get3A_435, %get3A_436] {strides = array<i32>} : memref<16x512xf32, #tpu.memory_space<vmem>>, vector<16xf32>,
          %get3A_438 = arith.index_cast %scan3A_213 : i32 to index
          %get3A_439 = arith.constant 160 : index
          %get3A_440 = tpu.vector_load %arg18[%get3A_438, %get3A_439] {strides = array<i32>} : memref<16x640xf32, #tpu.memory_space<vmem>>, vector<16xf32>,
          %mul3A_441 = arith.mulf %get3A_437, %get3A_440 : vector<16xf32>
          %get3A_442 = arith.index_cast %scan3A_213 : i32 to index
          %get3A_443 = arith.constant 288 : index
          %get3A_444 = tpu.vector_load %arg19[%get3A_442, %get3A_443] {strides = array<i32>} : memref<16x512xf32, #tpu.memory_space<vmem>>, vector<16xf32>,
          %get3A_445 = arith.index_cast %scan3A_213 : i32 to index
          %get3A_446 = arith.constant 288 : index
          %get3A_447 = tpu.vector_load %arg18[%get3A_445, %get3A_446] {strides = array<i32>} : memref<16x640xf32, #tpu.memory_space<vmem>>, vector<16xf32>,
          %mul3A_448 = arith.mulf %get3A_444, %get3A_447 : vector<16xf32>
          %get3A_449 = arith.index_cast %scan3A_213 : i32 to index
          %get3A_450 = arith.constant 416 : index
          %get3A_451 = tpu.vector_load %arg19[%get3A_449, %get3A_450] {strides = array<i32>} : memref<16x512xf32, #tpu.memory_space<vmem>>, vector<16xf32>,
          %get3A_452 = arith.index_cast %scan3A_213 : i32 to index
          %get3A_453 = arith.constant 416 : index
          %get3A_454 = tpu.vector_load %arg18[%get3A_452, %get3A_453] {strides = array<i32>} : memref<16x640xf32, #tpu.memory_space<vmem>>, vector<16xf32>,
          %mul3A_455 = arith.mulf %get3A_451, %get3A_454 : vector<16xf32>
          %get3A_456 = arith.index_cast %scan3A_213 : i32 to index
          %get3A_457 = arith.constant 32 : index
          %get3A_458 = tpu.vector_load %arg20[%get3A_456, %get3A_457] {strides = array<i32>} : memref<16x384xf32, #tpu.memory_space<vmem>>, vector<16xf32>,
          %get3A_459 = arith.index_cast %scan3A_213 : i32 to index
          %get3A_460 = arith.constant 160 : index
          %get3A_461 = tpu.vector_load %arg20[%get3A_459, %get3A_460] {strides = array<i32>} : memref<16x384xf32, #tpu.memory_space<vmem>>, vector<16xf32>,
          %get3A_462 = arith.index_cast %scan3A_213 : i32 to index
          %get3A_463 = arith.constant 288 : index
          %get3A_464 = tpu.vector_load %arg20[%get3A_462, %get3A_463] {strides = array<i32>} : memref<16x384xf32, #tpu.memory_space<vmem>>, vector<16xf32>,
          %get3A_465 = arith.index_cast %scan3A_213 : i32 to index
          %get3A_466 = arith.constant 32 : index
          %get3A_467 = tpu.vector_load %arg21[%get3A_465, %get3A_466] {strides = array<i32>} : memref<16x384xf32, #tpu.memory_space<vmem>>, vector<16xf32>,
          %get3A_468 = arith.index_cast %scan3A_213 : i32 to index
          %get3A_469 = arith.constant 160 : index
          %get3A_470 = tpu.vector_load %arg21[%get3A_468, %get3A_469] {strides = array<i32>} : memref<16x384xf32, #tpu.memory_space<vmem>>, vector<16xf32>,
          %get3A_471 = arith.index_cast %scan3A_213 : i32 to index
          %get3A_472 = arith.constant 288 : index
          %get3A_473 = tpu.vector_load %arg21[%get3A_471, %get3A_472] {strides = array<i32>} : memref<16x384xf32, #tpu.memory_space<vmem>>, vector<16xf32>,
          %mul3A_474 = arith.mulf %get3A_470, %get3A_464 : vector<16xf32>
          %mul3A_475 = arith.mulf %get3A_473, %get3A_461 : vector<16xf32>
          %sub3A_476 = arith.subf %mul3A_474, %mul3A_475 : vector<16xf32>
          %mul3A_477 = arith.mulf %get3A_473, %get3A_458 : vector<16xf32>
          %mul3A_478 = arith.mulf %get3A_467, %get3A_464 : vector<16xf32>
          %sub3A_479 = arith.subf %mul3A_477, %mul3A_478 : vector<16xf32>
          %mul3A_480 = arith.mulf %get3A_467, %get3A_461 : vector<16xf32>
          %mul3A_481 = arith.mulf %get3A_470, %get3A_458 : vector<16xf32>
          %sub3A_482 = arith.subf %mul3A_480, %mul3A_481 : vector<16xf32>
          %get3A_483 = arith.index_cast %get3A_216 : i32 to index
          %get3A_484 = arith.constant 32 : index
          %get3A_485 = tpu.vector_load %arg8[%get3A_483, %get3A_484] {strides = array<i32>} : memref<161x512xf32, #tpu.memory_space<vmem>>, vector<16xf32>,
          %mul3A_486 = vector.broadcast %squeeze3A_221 : f32 to vector<16xf32>
          %mul3A_487 = arith.mulf %mul3A_448, %mul3A_486 : vector<16xf32>
          %mul3A_488 = arith.mulf %mul3A_434, %get3A_458 : vector<16xf32>
          %add3A_489 = arith.addf %mul3A_487, %mul3A_488 : vector<16xf32>
          %mul3A_490 = arith.mulf %mul3A_455, %sub3A_476 : vector<16xf32>
          %add3A_491 = arith.addf %add3A_489, %mul3A_490 : vector<16xf32>
          %add3A_492 = arith.addf %get3A_485, %add3A_491 : vector<16xf32>
          %swap3A_493 = arith.index_cast %get3A_216 : i32 to index
          %swap3A_494 = arith.constant 32 : index
          %swap3A_495 = tpu.vector_load %arg8[%swap3A_493, %swap3A_494] {strides = array<i32>} : memref<161x512xf32, #tpu.memory_space<vmem>>, vector<16xf32>,
          tpu.vector_store %arg8[%swap3A_493, %swap3A_494], %add3A_492 {strides = array<i32>} : memref<161x512xf32, #tpu.memory_space<vmem>>, vector<16xf32>,
          %get3A_496 = arith.index_cast %get3A_216 : i32 to index
          %get3A_497 = arith.constant 160 : index
          %get3A_498 = tpu.vector_load %arg8[%get3A_496, %get3A_497] {strides = array<i32>} : memref<161x512xf32, #tpu.memory_space<vmem>>, vector<16xf32>,
          %mul3A_499 = vector.broadcast %squeeze3A_223 : f32 to vector<16xf32>
          %mul3A_500 = arith.mulf %mul3A_448, %mul3A_499 : vector<16xf32>
          %mul3A_501 = arith.mulf %mul3A_434, %get3A_461 : vector<16xf32>
          %add3A_502 = arith.addf %mul3A_500, %mul3A_501 : vector<16xf32>
          %mul3A_503 = arith.mulf %mul3A_455, %sub3A_479 : vector<16xf32>
          %add3A_504 = arith.addf %add3A_502, %mul3A_503 : vector<16xf32>
          %add3A_505 = arith.addf %get3A_498, %add3A_504 : vector<16xf32>
          %swap3A_506 = arith.index_cast %get3A_216 : i32 to index
          %swap3A_507 = arith.constant 160 : index
          %swap3A_508 = tpu.vector_load %arg8[%swap3A_506, %swap3A_507] {strides = array<i32>} : memref<161x512xf32, #tpu.memory_space<vmem>>, vector<16xf32>,
          tpu.vector_store %arg8[%swap3A_506, %swap3A_507], %add3A_505 {strides = array<i32>} : memref<161x512xf32, #tpu.memory_space<vmem>>, vector<16xf32>,
          %get3A_509 = arith.index_cast %get3A_216 : i32 to index
          %get3A_510 = arith.constant 288 : index
          %get3A_511 = tpu.vector_load %arg8[%get3A_509, %get3A_510] {strides = array<i32>} : memref<161x512xf32, #tpu.memory_space<vmem>>, vector<16xf32>,
          %mul3A_512 = vector.broadcast %squeeze3A_225 : f32 to vector<16xf32>
          %mul3A_513 = arith.mulf %mul3A_448, %mul3A_512 : vector<16xf32>
          %mul3A_514 = arith.mulf %mul3A_434, %get3A_464 : vector<16xf32>
          %add3A_515 = arith.addf %mul3A_513, %mul3A_514 : vector<16xf32>
          %mul3A_516 = arith.mulf %mul3A_455, %sub3A_482 : vector<16xf32>
          %add3A_517 = arith.addf %add3A_515, %mul3A_516 : vector<16xf32>
          %add3A_518 = arith.addf %get3A_511, %add3A_517 : vector<16xf32>
          %swap3A_519 = arith.index_cast %get3A_216 : i32 to index
          %swap3A_520 = arith.constant 288 : index
          %swap3A_521 = tpu.vector_load %arg8[%swap3A_519, %swap3A_520] {strides = array<i32>} : memref<161x512xf32, #tpu.memory_space<vmem>>, vector<16xf32>,
          tpu.vector_store %arg8[%swap3A_519, %swap3A_520], %add3A_518 {strides = array<i32>} : memref<161x512xf32, #tpu.memory_space<vmem>>, vector<16xf32>,
          %get3A_522 = arith.index_cast %get3A_216 : i32 to index
          %get3A_523 = arith.constant 416 : index
          %get3A_524 = tpu.vector_load %arg8[%get3A_522, %get3A_523] {strides = array<i32>} : memref<161x512xf32, #tpu.memory_space<vmem>>, vector<16xf32>,
          %add3A_525 = arith.addf %get3A_524, %mul3A_441 : vector<16xf32>
          %swap3A_526 = arith.index_cast %get3A_216 : i32 to index
          %swap3A_527 = arith.constant 416 : index
          %swap3A_528 = tpu.vector_load %arg8[%swap3A_526, %swap3A_527] {strides = array<i32>} : memref<161x512xf32, #tpu.memory_space<vmem>>, vector<16xf32>,
          tpu.vector_store %arg8[%swap3A_526, %swap3A_527], %add3A_525 {strides = array<i32>} : memref<161x512xf32, #tpu.memory_space<vmem>>, vector<16xf32>,
          %get3A_529 = arith.index_cast %scan3A_213 : i32 to index
          %get3A_530 = arith.constant 48 : index
          %get3A_531 = tpu.vector_load %arg19[%get3A_529, %get3A_530] {strides = array<i32>} : memref<16x512xf32, #tpu.memory_space<vmem>>, vector<16xf32>,
          %get3A_532 = arith.index_cast %scan3A_213 : i32 to index
          %get3A_533 = arith.constant 48 : index
          %get3A_534 = tpu.vector_load %arg18[%get3A_532, %get3A_533] {strides = array<i32>} : memref<16x640xf32, #tpu.memory_space<vmem>>, vector<16xf32>,
          %mul3A_535 = arith.mulf %get3A_531, %get3A_534 : vector<16xf32>
          %get3A_536 = arith.index_cast %scan3A_213 : i32 to index
          %get3A_537 = arith.constant 176 : index
          %get3A_538 = tpu.vector_load %arg19[%get3A_536, %get3A_537] {strides = array<i32>} : memref<16x512xf32, #tpu.memory_space<vmem>>, vector<16xf32>,
          %get3A_539 = arith.index_cast %scan3A_213 : i32 to index
          %get3A_540 = arith.constant 176 : index
          %get3A_541 = tpu.vector_load %arg18[%get3A_539, %get3A_540] {strides = array<i32>} : memref<16x640xf32, #tpu.memory_space<vmem>>, vector<16xf32>,
          %mul3A_542 = arith.mulf %get3A_538, %get3A_541 : vector<16xf32>
          %get3A_543 = arith.index_cast %scan3A_213 : i32 to index
          %get3A_544 = arith.constant 304 : index
          %get3A_545 = tpu.vector_load %arg19[%get3A_543, %get3A_544] {strides = array<i32>} : memref<16x512xf32, #tpu.memory_space<vmem>>, vector<16xf32>,
          %get3A_546 = arith.index_cast %scan3A_213 : i32 to index
          %get3A_547 = arith.constant 304 : index
          %get3A_548 = tpu.vector_load %arg18[%get3A_546, %get3A_547] {strides = array<i32>} : memref<16x640xf32, #tpu.memory_space<vmem>>, vector<16xf32>,
          %mul3A_549 = arith.mulf %get3A_545, %get3A_548 : vector<16xf32>
          %get3A_550 = arith.index_cast %scan3A_213 : i32 to index
          %get3A_551 = arith.constant 432 : index
          %get3A_552 = tpu.vector_load %arg19[%get3A_550, %get3A_551] {strides = array<i32>} : memref<16x512xf32, #tpu.memory_space<vmem>>, vector<16xf32>,
          %get3A_553 = arith.index_cast %scan3A_213 : i32 to index
          %get3A_554 = arith.constant 432 : index
          %get3A_555 = tpu.vector_load %arg18[%get3A_553, %get3A_554] {strides = array<i32>} : memref<16x640xf32, #tpu.memory_space<vmem>>, vector<16xf32>,
          %mul3A_556 = arith.mulf %get3A_552, %get3A_555 : vector<16xf32>
          %get3A_557 = arith.index_cast %scan3A_213 : i32 to index
          %get3A_558 = arith.constant 48 : index
          %get3A_559 = tpu.vector_load %arg20[%get3A_557, %get3A_558] {strides = array<i32>} : memref<16x384xf32, #tpu.memory_space<vmem>>, vector<16xf32>,
          %get3A_560 = arith.index_cast %scan3A_213 : i32 to index
          %get3A_561 = arith.constant 176 : index
          %get3A_562 = tpu.vector_load %arg20[%get3A_560, %get3A_561] {strides = array<i32>} : memref<16x384xf32, #tpu.memory_space<vmem>>, vector<16xf32>,
          %get3A_563 = arith.index_cast %scan3A_213 : i32 to index
          %get3A_564 = arith.constant 304 : index
          %get3A_565 = tpu.vector_load %arg20[%get3A_563, %get3A_564] {strides = array<i32>} : memref<16x384xf32, #tpu.memory_space<vmem>>, vector<16xf32>,
          %get3A_566 = arith.index_cast %scan3A_213 : i32 to index
          %get3A_567 = arith.constant 48 : index
          %get3A_568 = tpu.vector_load %arg21[%get3A_566, %get3A_567] {strides = array<i32>} : memref<16x384xf32, #tpu.memory_space<vmem>>, vector<16xf32>,
          %get3A_569 = arith.index_cast %scan3A_213 : i32 to index
          %get3A_570 = arith.constant 176 : index
          %get3A_571 = tpu.vector_load %arg21[%get3A_569, %get3A_570] {strides = array<i32>} : memref<16x384xf32, #tpu.memory_space<vmem>>, vector<16xf32>,
          %get3A_572 = arith.index_cast %scan3A_213 : i32 to index
          %get3A_573 = arith.constant 304 : index
          %get3A_574 = tpu.vector_load %arg21[%get3A_572, %get3A_573] {strides = array<i32>} : memref<16x384xf32, #tpu.memory_space<vmem>>, vector<16xf32>,
          %mul3A_575 = arith.mulf %get3A_571, %get3A_565 : vector<16xf32>
          %mul3A_576 = arith.mulf %get3A_574, %get3A_562 : vector<16xf32>
          %sub3A_577 = arith.subf %mul3A_575, %mul3A_576 : vector<16xf32>
          %mul3A_578 = arith.mulf %get3A_574, %get3A_559 : vector<16xf32>
          %mul3A_579 = arith.mulf %get3A_568, %get3A_565 : vector<16xf32>
          %sub3A_580 = arith.subf %mul3A_578, %mul3A_579 : vector<16xf32>
          %mul3A_581 = arith.mulf %get3A_568, %get3A_562 : vector<16xf32>
          %mul3A_582 = arith.mulf %get3A_571, %get3A_559 : vector<16xf32>
          %sub3A_583 = arith.subf %mul3A_581, %mul3A_582 : vector<16xf32>
          %get3A_584 = arith.index_cast %get3A_216 : i32 to index
          %get3A_585 = arith.constant 48 : index
          %get3A_586 = tpu.vector_load %arg8[%get3A_584, %get3A_585] {strides = array<i32>} : memref<161x512xf32, #tpu.memory_space<vmem>>, vector<16xf32>,
          %mul3A_587 = vector.broadcast %squeeze3A_221 : f32 to vector<16xf32>
          %mul3A_588 = arith.mulf %mul3A_549, %mul3A_587 : vector<16xf32>
          %mul3A_589 = arith.mulf %mul3A_535, %get3A_559 : vector<16xf32>
          %add3A_590 = arith.addf %mul3A_588, %mul3A_589 : vector<16xf32>
          %mul3A_591 = arith.mulf %mul3A_556, %sub3A_577 : vector<16xf32>
          %add3A_592 = arith.addf %add3A_590, %mul3A_591 : vector<16xf32>
          %add3A_593 = arith.addf %get3A_586, %add3A_592 : vector<16xf32>
          %swap3A_594 = arith.index_cast %get3A_216 : i32 to index
          %swap3A_595 = arith.constant 48 : index
          %swap3A_596 = tpu.vector_load %arg8[%swap3A_594, %swap3A_595] {strides = array<i32>} : memref<161x512xf32, #tpu.memory_space<vmem>>, vector<16xf32>,
          tpu.vector_store %arg8[%swap3A_594, %swap3A_595], %add3A_593 {strides = array<i32>} : memref<161x512xf32, #tpu.memory_space<vmem>>, vector<16xf32>,
          %get3A_597 = arith.index_cast %get3A_216 : i32 to index
          %get3A_598 = arith.constant 176 : index
          %get3A_599 = tpu.vector_load %arg8[%get3A_597, %get3A_598] {strides = array<i32>} : memref<161x512xf32, #tpu.memory_space<vmem>>, vector<16xf32>,
          %mul3A_600 = vector.broadcast %squeeze3A_223 : f32 to vector<16xf32>
          %mul3A_601 = arith.mulf %mul3A_549, %mul3A_600 : vector<16xf32>
          %mul3A_602 = arith.mulf %mul3A_535, %get3A_562 : vector<16xf32>
          %add3A_603 = arith.addf %mul3A_601, %mul3A_602 : vector<16xf32>
          %mul3A_604 = arith.mulf %mul3A_556, %sub3A_580 : vector<16xf32>
          %add3A_605 = arith.addf %add3A_603, %mul3A_604 : vector<16xf32>
          %add3A_606 = arith.addf %get3A_599, %add3A_605 : vector<16xf32>
          %swap3A_607 = arith.index_cast %get3A_216 : i32 to index
          %swap3A_608 = arith.constant 176 : index
          %swap3A_609 = tpu.vector_load %arg8[%swap3A_607, %swap3A_608] {strides = array<i32>} : memref<161x512xf32, #tpu.memory_space<vmem>>, vector<16xf32>,
          tpu.vector_store %arg8[%swap3A_607, %swap3A_608], %add3A_606 {strides = array<i32>} : memref<161x512xf32, #tpu.memory_space<vmem>>, vector<16xf32>,
          %get3A_610 = arith.index_cast %get3A_216 : i32 to index
          %get3A_611 = arith.constant 304 : index
          %get3A_612 = tpu.vector_load %arg8[%get3A_610, %get3A_611] {strides = array<i32>} : memref<161x512xf32, #tpu.memory_space<vmem>>, vector<16xf32>,
          %mul3A_613 = vector.broadcast %squeeze3A_225 : f32 to vector<16xf32>
          %mul3A_614 = arith.mulf %mul3A_549, %mul3A_613 : vector<16xf32>
          %mul3A_615 = arith.mulf %mul3A_535, %get3A_565 : vector<16xf32>
          %add3A_616 = arith.addf %mul3A_614, %mul3A_615 : vector<16xf32>
          %mul3A_617 = arith.mulf %mul3A_556, %sub3A_583 : vector<16xf32>
          %add3A_618 = arith.addf %add3A_616, %mul3A_617 : vector<16xf32>
          %add3A_619 = arith.addf %get3A_612, %add3A_618 : vector<16xf32>
          %swap3A_620 = arith.index_cast %get3A_216 : i32 to index
          %swap3A_621 = arith.constant 304 : index
          %swap3A_622 = tpu.vector_load %arg8[%swap3A_620, %swap3A_621] {strides = array<i32>} : memref<161x512xf32, #tpu.memory_space<vmem>>, vector<16xf32>,
          tpu.vector_store %arg8[%swap3A_620, %swap3A_621], %add3A_619 {strides = array<i32>} : memref<161x512xf32, #tpu.memory_space<vmem>>, vector<16xf32>,
          %get3A_623 = arith.index_cast %get3A_216 : i32 to index
          %get3A_624 = arith.constant 432 : index
          %get3A_625 = tpu.vector_load %arg8[%get3A_623, %get3A_624] {strides = array<i32>} : memref<161x512xf32, #tpu.memory_space<vmem>>, vector<16xf32>,
          %add3A_626 = arith.addf %get3A_625, %mul3A_542 : vector<16xf32>
          %swap3A_627 = arith.index_cast %get3A_216 : i32 to index
          %swap3A_628 = arith.constant 432 : index
          %swap3A_629 = tpu.vector_load %arg8[%swap3A_627, %swap3A_628] {strides = array<i32>} : memref<161x512xf32, #tpu.memory_space<vmem>>, vector<16xf32>,
          tpu.vector_store %arg8[%swap3A_627, %swap3A_628], %add3A_626 {strides = array<i32>} : memref<161x512xf32, #tpu.memory_space<vmem>>, vector<16xf32>,
          %get3A_630 = arith.index_cast %scan3A_213 : i32 to index
          %get3A_631 = arith.constant 64 : index
          %get3A_632 = tpu.vector_load %arg19[%get3A_630, %get3A_631] {strides = array<i32>} : memref<16x512xf32, #tpu.memory_space<vmem>>, vector<16xf32>,
          %get3A_633 = arith.index_cast %scan3A_213 : i32 to index
          %get3A_634 = arith.constant 64 : index
          %get3A_635 = tpu.vector_load %arg18[%get3A_633, %get3A_634] {strides = array<i32>} : memref<16x640xf32, #tpu.memory_space<vmem>>, vector<16xf32>,
          %mul3A_636 = arith.mulf %get3A_632, %get3A_635 : vector<16xf32>
          %get3A_637 = arith.index_cast %scan3A_213 : i32 to index
          %get3A_638 = arith.constant 192 : index
          %get3A_639 = tpu.vector_load %arg19[%get3A_637, %get3A_638] {strides = array<i32>} : memref<16x512xf32, #tpu.memory_space<vmem>>, vector<16xf32>,
          %get3A_640 = arith.index_cast %scan3A_213 : i32 to index
          %get3A_641 = arith.constant 192 : index
          %get3A_642 = tpu.vector_load %arg18[%get3A_640, %get3A_641] {strides = array<i32>} : memref<16x640xf32, #tpu.memory_space<vmem>>, vector<16xf32>,
          %mul3A_643 = arith.mulf %get3A_639, %get3A_642 : vector<16xf32>
          %get3A_644 = arith.index_cast %scan3A_213 : i32 to index
          %get3A_645 = arith.constant 320 : index
          %get3A_646 = tpu.vector_load %arg19[%get3A_644, %get3A_645] {strides = array<i32>} : memref<16x512xf32, #tpu.memory_space<vmem>>, vector<16xf32>,
          %get3A_647 = arith.index_cast %scan3A_213 : i32 to index
          %get3A_648 = arith.constant 320 : index
          %get3A_649 = tpu.vector_load %arg18[%get3A_647, %get3A_648] {strides = array<i32>} : memref<16x640xf32, #tpu.memory_space<vmem>>, vector<16xf32>,
          %mul3A_650 = arith.mulf %get3A_646, %get3A_649 : vector<16xf32>
          %get3A_651 = arith.index_cast %scan3A_213 : i32 to index
          %get3A_652 = arith.constant 448 : index
          %get3A_653 = tpu.vector_load %arg19[%get3A_651, %get3A_652] {strides = array<i32>} : memref<16x512xf32, #tpu.memory_space<vmem>>, vector<16xf32>,
          %get3A_654 = arith.index_cast %scan3A_213 : i32 to index
          %get3A_655 = arith.constant 448 : index
          %get3A_656 = tpu.vector_load %arg18[%get3A_654, %get3A_655] {strides = array<i32>} : memref<16x640xf32, #tpu.memory_space<vmem>>, vector<16xf32>,
          %mul3A_657 = arith.mulf %get3A_653, %get3A_656 : vector<16xf32>
          %get3A_658 = arith.index_cast %scan3A_213 : i32 to index
          %get3A_659 = arith.constant 64 : index
          %get3A_660 = tpu.vector_load %arg20[%get3A_658, %get3A_659] {strides = array<i32>} : memref<16x384xf32, #tpu.memory_space<vmem>>, vector<16xf32>,
          %get3A_661 = arith.index_cast %scan3A_213 : i32 to index
          %get3A_662 = arith.constant 192 : index
          %get3A_663 = tpu.vector_load %arg20[%get3A_661, %get3A_662] {strides = array<i32>} : memref<16x384xf32, #tpu.memory_space<vmem>>, vector<16xf32>,
          %get3A_664 = arith.index_cast %scan3A_213 : i32 to index
          %get3A_665 = arith.constant 320 : index
          %get3A_666 = tpu.vector_load %arg20[%get3A_664, %get3A_665] {strides = array<i32>} : memref<16x384xf32, #tpu.memory_space<vmem>>, vector<16xf32>,
          %get3A_667 = arith.index_cast %scan3A_213 : i32 to index
          %get3A_668 = arith.constant 64 : index
          %get3A_669 = tpu.vector_load %arg21[%get3A_667, %get3A_668] {strides = array<i32>} : memref<16x384xf32, #tpu.memory_space<vmem>>, vector<16xf32>,
          %get3A_670 = arith.index_cast %scan3A_213 : i32 to index
          %get3A_671 = arith.constant 192 : index
          %get3A_672 = tpu.vector_load %arg21[%get3A_670, %get3A_671] {strides = array<i32>} : memref<16x384xf32, #tpu.memory_space<vmem>>, vector<16xf32>,
          %get3A_673 = arith.index_cast %scan3A_213 : i32 to index
          %get3A_674 = arith.constant 320 : index
          %get3A_675 = tpu.vector_load %arg21[%get3A_673, %get3A_674] {strides = array<i32>} : memref<16x384xf32, #tpu.memory_space<vmem>>, vector<16xf32>,
          %mul3A_676 = arith.mulf %get3A_672, %get3A_666 : vector<16xf32>
          %mul3A_677 = arith.mulf %get3A_675, %get3A_663 : vector<16xf32>
          %sub3A_678 = arith.subf %mul3A_676, %mul3A_677 : vector<16xf32>
          %mul3A_679 = arith.mulf %get3A_675, %get3A_660 : vector<16xf32>
          %mul3A_680 = arith.mulf %get3A_669, %get3A_666 : vector<16xf32>
          %sub3A_681 = arith.subf %mul3A_679, %mul3A_680 : vector<16xf32>
          %mul3A_682 = arith.mulf %get3A_669, %get3A_663 : vector<16xf32>
          %mul3A_683 = arith.mulf %get3A_672, %get3A_660 : vector<16xf32>
          %sub3A_684 = arith.subf %mul3A_682, %mul3A_683 : vector<16xf32>
          %get3A_685 = arith.index_cast %get3A_216 : i32 to index
          %get3A_686 = arith.constant 64 : index
          %get3A_687 = tpu.vector_load %arg8[%get3A_685, %get3A_686] {strides = array<i32>} : memref<161x512xf32, #tpu.memory_space<vmem>>, vector<16xf32>,
          %mul3A_688 = vector.broadcast %squeeze3A_221 : f32 to vector<16xf32>
          %mul3A_689 = arith.mulf %mul3A_650, %mul3A_688 : vector<16xf32>
          %mul3A_690 = arith.mulf %mul3A_636, %get3A_660 : vector<16xf32>
          %add3A_691 = arith.addf %mul3A_689, %mul3A_690 : vector<16xf32>
          %mul3A_692 = arith.mulf %mul3A_657, %sub3A_678 : vector<16xf32>
          %add3A_693 = arith.addf %add3A_691, %mul3A_692 : vector<16xf32>
          %add3A_694 = arith.addf %get3A_687, %add3A_693 : vector<16xf32>
          %swap3A_695 = arith.index_cast %get3A_216 : i32 to index
          %swap3A_696 = arith.constant 64 : index
          %swap3A_697 = tpu.vector_load %arg8[%swap3A_695, %swap3A_696] {strides = array<i32>} : memref<161x512xf32, #tpu.memory_space<vmem>>, vector<16xf32>,
          tpu.vector_store %arg8[%swap3A_695, %swap3A_696], %add3A_694 {strides = array<i32>} : memref<161x512xf32, #tpu.memory_space<vmem>>, vector<16xf32>,
          %get3A_698 = arith.index_cast %get3A_216 : i32 to index
          %get3A_699 = arith.constant 192 : index
          %get3A_700 = tpu.vector_load %arg8[%get3A_698, %get3A_699] {strides = array<i32>} : memref<161x512xf32, #tpu.memory_space<vmem>>, vector<16xf32>,
          %mul3A_701 = vector.broadcast %squeeze3A_223 : f32 to vector<16xf32>
          %mul3A_702 = arith.mulf %mul3A_650, %mul3A_701 : vector<16xf32>
          %mul3A_703 = arith.mulf %mul3A_636, %get3A_663 : vector<16xf32>
          %add3A_704 = arith.addf %mul3A_702, %mul3A_703 : vector<16xf32>
          %mul3A_705 = arith.mulf %mul3A_657, %sub3A_681 : vector<16xf32>
          %add3A_706 = arith.addf %add3A_704, %mul3A_705 : vector<16xf32>
          %add3A_707 = arith.addf %get3A_700, %add3A_706 : vector<16xf32>
          %swap3A_708 = arith.index_cast %get3A_216 : i32 to index
          %swap3A_709 = arith.constant 192 : index
          %swap3A_710 = tpu.vector_load %arg8[%swap3A_708, %swap3A_709] {strides = array<i32>} : memref<161x512xf32, #tpu.memory_space<vmem>>, vector<16xf32>,
          tpu.vector_store %arg8[%swap3A_708, %swap3A_709], %add3A_707 {strides = array<i32>} : memref<161x512xf32, #tpu.memory_space<vmem>>, vector<16xf32>,
          %get3A_711 = arith.index_cast %get3A_216 : i32 to index
          %get3A_712 = arith.constant 320 : index
          %get3A_713 = tpu.vector_load %arg8[%get3A_711, %get3A_712] {strides = array<i32>} : memref<161x512xf32, #tpu.memory_space<vmem>>, vector<16xf32>,
          %mul3A_714 = vector.broadcast %squeeze3A_225 : f32 to vector<16xf32>
          %mul3A_715 = arith.mulf %mul3A_650, %mul3A_714 : vector<16xf32>
          %mul3A_716 = arith.mulf %mul3A_636, %get3A_666 : vector<16xf32>
          %add3A_717 = arith.addf %mul3A_715, %mul3A_716 : vector<16xf32>
          %mul3A_718 = arith.mulf %mul3A_657, %sub3A_684 : vector<16xf32>
          %add3A_719 = arith.addf %add3A_717, %mul3A_718 : vector<16xf32>
          %add3A_720 = arith.addf %get3A_713, %add3A_719 : vector<16xf32>
          %swap3A_721 = arith.index_cast %get3A_216 : i32 to index
          %swap3A_722 = arith.constant 320 : index
          %swap3A_723 = tpu.vector_load %arg8[%swap3A_721, %swap3A_722] {strides = array<i32>} : memref<161x512xf32, #tpu.memory_space<vmem>>, vector<16xf32>,
          tpu.vector_store %arg8[%swap3A_721, %swap3A_722], %add3A_720 {strides = array<i32>} : memref<161x512xf32, #tpu.memory_space<vmem>>, vector<16xf32>,
          %get3A_724 = arith.index_cast %get3A_216 : i32 to index
          %get3A_725 = arith.constant 448 : index
          %get3A_726 = tpu.vector_load %arg8[%get3A_724, %get3A_725] {strides = array<i32>} : memref<161x512xf32, #tpu.memory_space<vmem>>, vector<16xf32>,
          %add3A_727 = arith.addf %get3A_726, %mul3A_643 : vector<16xf32>
          %swap3A_728 = arith.index_cast %get3A_216 : i32 to index
          %swap3A_729 = arith.constant 448 : index
          %swap3A_730 = tpu.vector_load %arg8[%swap3A_728, %swap3A_729] {strides = array<i32>} : memref<161x512xf32, #tpu.memory_space<vmem>>, vector<16xf32>,
          tpu.vector_store %arg8[%swap3A_728, %swap3A_729], %add3A_727 {strides = array<i32>} : memref<161x512xf32, #tpu.memory_space<vmem>>, vector<16xf32>,
          %get3A_731 = arith.index_cast %scan3A_213 : i32 to index
          %get3A_732 = arith.constant 80 : index
          %get3A_733 = tpu.vector_load %arg19[%get3A_731, %get3A_732] {strides = array<i32>} : memref<16x512xf32, #tpu.memory_space<vmem>>, vector<16xf32>,
          %get3A_734 = arith.index_cast %scan3A_213 : i32 to index
          %get3A_735 = arith.constant 80 : index
          %get3A_736 = tpu.vector_load %arg18[%get3A_734, %get3A_735] {strides = array<i32>} : memref<16x640xf32, #tpu.memory_space<vmem>>, vector<16xf32>,
          %mul3A_737 = arith.mulf %get3A_733, %get3A_736 : vector<16xf32>
          %get3A_738 = arith.index_cast %scan3A_213 : i32 to index
          %get3A_739 = arith.constant 208 : index
          %get3A_740 = tpu.vector_load %arg19[%get3A_738, %get3A_739] {strides = array<i32>} : memref<16x512xf32, #tpu.memory_space<vmem>>, vector<16xf32>,
          %get3A_741 = arith.index_cast %scan3A_213 : i32 to index
          %get3A_742 = arith.constant 208 : index
          %get3A_743 = tpu.vector_load %arg18[%get3A_741, %get3A_742] {strides = array<i32>} : memref<16x640xf32, #tpu.memory_space<vmem>>, vector<16xf32>,
          %mul3A_744 = arith.mulf %get3A_740, %get3A_743 : vector<16xf32>
          %get3A_745 = arith.index_cast %scan3A_213 : i32 to index
          %get3A_746 = arith.constant 336 : index
          %get3A_747 = tpu.vector_load %arg19[%get3A_745, %get3A_746] {strides = array<i32>} : memref<16x512xf32, #tpu.memory_space<vmem>>, vector<16xf32>,
          %get3A_748 = arith.index_cast %scan3A_213 : i32 to index
          %get3A_749 = arith.constant 336 : index
          %get3A_750 = tpu.vector_load %arg18[%get3A_748, %get3A_749] {strides = array<i32>} : memref<16x640xf32, #tpu.memory_space<vmem>>, vector<16xf32>,
          %mul3A_751 = arith.mulf %get3A_747, %get3A_750 : vector<16xf32>
          %get3A_752 = arith.index_cast %scan3A_213 : i32 to index
          %get3A_753 = arith.constant 464 : index
          %get3A_754 = tpu.vector_load %arg19[%get3A_752, %get3A_753] {strides = array<i32>} : memref<16x512xf32, #tpu.memory_space<vmem>>, vector<16xf32>,
          %get3A_755 = arith.index_cast %scan3A_213 : i32 to index
          %get3A_756 = arith.constant 464 : index
          %get3A_757 = tpu.vector_load %arg18[%get3A_755, %get3A_756] {strides = array<i32>} : memref<16x640xf32, #tpu.memory_space<vmem>>, vector<16xf32>,
          %mul3A_758 = arith.mulf %get3A_754, %get3A_757 : vector<16xf32>
          %get3A_759 = arith.index_cast %scan3A_213 : i32 to index
          %get3A_760 = arith.constant 80 : index
          %get3A_761 = tpu.vector_load %arg20[%get3A_759, %get3A_760] {strides = array<i32>} : memref<16x384xf32, #tpu.memory_space<vmem>>, vector<16xf32>,
          %get3A_762 = arith.index_cast %scan3A_213 : i32 to index
          %get3A_763 = arith.constant 208 : index
          %get3A_764 = tpu.vector_load %arg20[%get3A_762, %get3A_763] {strides = array<i32>} : memref<16x384xf32, #tpu.memory_space<vmem>>, vector<16xf32>,
          %get3A_765 = arith.index_cast %scan3A_213 : i32 to index
          %get3A_766 = arith.constant 336 : index
          %get3A_767 = tpu.vector_load %arg20[%get3A_765, %get3A_766] {strides = array<i32>} : memref<16x384xf32, #tpu.memory_space<vmem>>, vector<16xf32>,
          %get3A_768 = arith.index_cast %scan3A_213 : i32 to index
          %get3A_769 = arith.constant 80 : index
          %get3A_770 = tpu.vector_load %arg21[%get3A_768, %get3A_769] {strides = array<i32>} : memref<16x384xf32, #tpu.memory_space<vmem>>, vector<16xf32>,
          %get3A_771 = arith.index_cast %scan3A_213 : i32 to index
          %get3A_772 = arith.constant 208 : index
          %get3A_773 = tpu.vector_load %arg21[%get3A_771, %get3A_772] {strides = array<i32>} : memref<16x384xf32, #tpu.memory_space<vmem>>, vector<16xf32>,
          %get3A_774 = arith.index_cast %scan3A_213 : i32 to index
          %get3A_775 = arith.constant 336 : index
          %get3A_776 = tpu.vector_load %arg21[%get3A_774, %get3A_775] {strides = array<i32>} : memref<16x384xf32, #tpu.memory_space<vmem>>, vector<16xf32>,
          %mul3A_777 = arith.mulf %get3A_773, %get3A_767 : vector<16xf32>
          %mul3A_778 = arith.mulf %get3A_776, %get3A_764 : vector<16xf32>
          %sub3A_779 = arith.subf %mul3A_777, %mul3A_778 : vector<16xf32>
          %mul3A_780 = arith.mulf %get3A_776, %get3A_761 : vector<16xf32>
          %mul3A_781 = arith.mulf %get3A_770, %get3A_767 : vector<16xf32>
          %sub3A_782 = arith.subf %mul3A_780, %mul3A_781 : vector<16xf32>
          %mul3A_783 = arith.mulf %get3A_770, %get3A_764 : vector<16xf32>
          %mul3A_784 = arith.mulf %get3A_773, %get3A_761 : vector<16xf32>
          %sub3A_785 = arith.subf %mul3A_783, %mul3A_784 : vector<16xf32>
          %get3A_786 = arith.index_cast %get3A_216 : i32 to index
          %get3A_787 = arith.constant 80 : index
          %get3A_788 = tpu.vector_load %arg8[%get3A_786, %get3A_787] {strides = array<i32>} : memref<161x512xf32, #tpu.memory_space<vmem>>, vector<16xf32>,
          %mul3A_789 = vector.broadcast %squeeze3A_221 : f32 to vector<16xf32>
          %mul3A_790 = arith.mulf %mul3A_751, %mul3A_789 : vector<16xf32>
          %mul3A_791 = arith.mulf %mul3A_737, %get3A_761 : vector<16xf32>
          %add3A_792 = arith.addf %mul3A_790, %mul3A_791 : vector<16xf32>
          %mul3A_793 = arith.mulf %mul3A_758, %sub3A_779 : vector<16xf32>
          %add3A_794 = arith.addf %add3A_792, %mul3A_793 : vector<16xf32>
          %add3A_795 = arith.addf %get3A_788, %add3A_794 : vector<16xf32>
          %swap3A_796 = arith.index_cast %get3A_216 : i32 to index
          %swap3A_797 = arith.constant 80 : index
          %swap3A_798 = tpu.vector_load %arg8[%swap3A_796, %swap3A_797] {strides = array<i32>} : memref<161x512xf32, #tpu.memory_space<vmem>>, vector<16xf32>,
          tpu.vector_store %arg8[%swap3A_796, %swap3A_797], %add3A_795 {strides = array<i32>} : memref<161x512xf32, #tpu.memory_space<vmem>>, vector<16xf32>,
          %get3A_799 = arith.index_cast %get3A_216 : i32 to index
          %get3A_800 = arith.constant 208 : index
          %get3A_801 = tpu.vector_load %arg8[%get3A_799, %get3A_800] {strides = array<i32>} : memref<161x512xf32, #tpu.memory_space<vmem>>, vector<16xf32>,
          %mul3A_802 = vector.broadcast %squeeze3A_223 : f32 to vector<16xf32>
          %mul3A_803 = arith.mulf %mul3A_751, %mul3A_802 : vector<16xf32>
          %mul3A_804 = arith.mulf %mul3A_737, %get3A_764 : vector<16xf32>
          %add3A_805 = arith.addf %mul3A_803, %mul3A_804 : vector<16xf32>
          %mul3A_806 = arith.mulf %mul3A_758, %sub3A_782 : vector<16xf32>
          %add3A_807 = arith.addf %add3A_805, %mul3A_806 : vector<16xf32>
          %add3A_808 = arith.addf %get3A_801, %add3A_807 : vector<16xf32>
          %swap3A_809 = arith.index_cast %get3A_216 : i32 to index
          %swap3A_810 = arith.constant 208 : index
          %swap3A_811 = tpu.vector_load %arg8[%swap3A_809, %swap3A_810] {strides = array<i32>} : memref<161x512xf32, #tpu.memory_space<vmem>>, vector<16xf32>,
          tpu.vector_store %arg8[%swap3A_809, %swap3A_810], %add3A_808 {strides = array<i32>} : memref<161x512xf32, #tpu.memory_space<vmem>>, vector<16xf32>,
          %get3A_812 = arith.index_cast %get3A_216 : i32 to index
          %get3A_813 = arith.constant 336 : index
          %get3A_814 = tpu.vector_load %arg8[%get3A_812, %get3A_813] {strides = array<i32>} : memref<161x512xf32, #tpu.memory_space<vmem>>, vector<16xf32>,
          %mul3A_815 = vector.broadcast %squeeze3A_225 : f32 to vector<16xf32>
          %mul3A_816 = arith.mulf %mul3A_751, %mul3A_815 : vector<16xf32>
          %mul3A_817 = arith.mulf %mul3A_737, %get3A_767 : vector<16xf32>
          %add3A_818 = arith.addf %mul3A_816, %mul3A_817 : vector<16xf32>
          %mul3A_819 = arith.mulf %mul3A_758, %sub3A_785 : vector<16xf32>
          %add3A_820 = arith.addf %add3A_818, %mul3A_819 : vector<16xf32>
          %add3A_821 = arith.addf %get3A_814, %add3A_820 : vector<16xf32>
          %swap3A_822 = arith.index_cast %get3A_216 : i32 to index
          %swap3A_823 = arith.constant 336 : index
          %swap3A_824 = tpu.vector_load %arg8[%swap3A_822, %swap3A_823] {strides = array<i32>} : memref<161x512xf32, #tpu.memory_space<vmem>>, vector<16xf32>,
          tpu.vector_store %arg8[%swap3A_822, %swap3A_823], %add3A_821 {strides = array<i32>} : memref<161x512xf32, #tpu.memory_space<vmem>>, vector<16xf32>,
          %get3A_825 = arith.index_cast %get3A_216 : i32 to index
          %get3A_826 = arith.constant 464 : index
          %get3A_827 = tpu.vector_load %arg8[%get3A_825, %get3A_826] {strides = array<i32>} : memref<161x512xf32, #tpu.memory_space<vmem>>, vector<16xf32>,
          %add3A_828 = arith.addf %get3A_827, %mul3A_744 : vector<16xf32>
          %swap3A_829 = arith.index_cast %get3A_216 : i32 to index
          %swap3A_830 = arith.constant 464 : index
          %swap3A_831 = tpu.vector_load %arg8[%swap3A_829, %swap3A_830] {strides = array<i32>} : memref<161x512xf32, #tpu.memory_space<vmem>>, vector<16xf32>,
          tpu.vector_store %arg8[%swap3A_829, %swap3A_830], %add3A_828 {strides = array<i32>} : memref<161x512xf32, #tpu.memory_space<vmem>>, vector<16xf32>,
          %get3A_832 = arith.index_cast %scan3A_213 : i32 to index
          %get3A_833 = arith.constant 96 : index
          %get3A_834 = tpu.vector_load %arg19[%get3A_832, %get3A_833] {strides = array<i32>} : memref<16x512xf32, #tpu.memory_space<vmem>>, vector<16xf32>,
          %get3A_835 = arith.index_cast %scan3A_213 : i32 to index
          %get3A_836 = arith.constant 96 : index
          %get3A_837 = tpu.vector_load %arg18[%get3A_835, %get3A_836] {strides = array<i32>} : memref<16x640xf32, #tpu.memory_space<vmem>>, vector<16xf32>,
          %mul3A_838 = arith.mulf %get3A_834, %get3A_837 : vector<16xf32>
          %get3A_839 = arith.index_cast %scan3A_213 : i32 to index
          %get3A_840 = arith.constant 224 : index
          %get3A_841 = tpu.vector_load %arg19[%get3A_839, %get3A_840] {strides = array<i32>} : memref<16x512xf32, #tpu.memory_space<vmem>>, vector<16xf32>,
          %get3A_842 = arith.index_cast %scan3A_213 : i32 to index
          %get3A_843 = arith.constant 224 : index
          %get3A_844 = tpu.vector_load %arg18[%get3A_842, %get3A_843] {strides = array<i32>} : memref<16x640xf32, #tpu.memory_space<vmem>>, vector<16xf32>,
          %mul3A_845 = arith.mulf %get3A_841, %get3A_844 : vector<16xf32>
          %get3A_846 = arith.index_cast %scan3A_213 : i32 to index
          %get3A_847 = arith.constant 352 : index
          %get3A_848 = tpu.vector_load %arg19[%get3A_846, %get3A_847] {strides = array<i32>} : memref<16x512xf32, #tpu.memory_space<vmem>>, vector<16xf32>,
          %get3A_849 = arith.index_cast %scan3A_213 : i32 to index
          %get3A_850 = arith.constant 352 : index
          %get3A_851 = tpu.vector_load %arg18[%get3A_849, %get3A_850] {strides = array<i32>} : memref<16x640xf32, #tpu.memory_space<vmem>>, vector<16xf32>,
          %mul3A_852 = arith.mulf %get3A_848, %get3A_851 : vector<16xf32>
          %get3A_853 = arith.index_cast %scan3A_213 : i32 to index
          %get3A_854 = arith.constant 480 : index
          %get3A_855 = tpu.vector_load %arg19[%get3A_853, %get3A_854] {strides = array<i32>} : memref<16x512xf32, #tpu.memory_space<vmem>>, vector<16xf32>,
          %get3A_856 = arith.index_cast %scan3A_213 : i32 to index
          %get3A_857 = arith.constant 480 : index
          %get3A_858 = tpu.vector_load %arg18[%get3A_856, %get3A_857] {strides = array<i32>} : memref<16x640xf32, #tpu.memory_space<vmem>>, vector<16xf32>,
          %mul3A_859 = arith.mulf %get3A_855, %get3A_858 : vector<16xf32>
          %get3A_860 = arith.index_cast %scan3A_213 : i32 to index
          %get3A_861 = arith.constant 96 : index
          %get3A_862 = tpu.vector_load %arg20[%get3A_860, %get3A_861] {strides = array<i32>} : memref<16x384xf32, #tpu.memory_space<vmem>>, vector<16xf32>,
          %get3A_863 = arith.index_cast %scan3A_213 : i32 to index
          %get3A_864 = arith.constant 224 : index
          %get3A_865 = tpu.vector_load %arg20[%get3A_863, %get3A_864] {strides = array<i32>} : memref<16x384xf32, #tpu.memory_space<vmem>>, vector<16xf32>,
          %get3A_866 = arith.index_cast %scan3A_213 : i32 to index
          %get3A_867 = arith.constant 352 : index
          %get3A_868 = tpu.vector_load %arg20[%get3A_866, %get3A_867] {strides = array<i32>} : memref<16x384xf32, #tpu.memory_space<vmem>>, vector<16xf32>,
          %get3A_869 = arith.index_cast %scan3A_213 : i32 to index
          %get3A_870 = arith.constant 96 : index
          %get3A_871 = tpu.vector_load %arg21[%get3A_869, %get3A_870] {strides = array<i32>} : memref<16x384xf32, #tpu.memory_space<vmem>>, vector<16xf32>,
          %get3A_872 = arith.index_cast %scan3A_213 : i32 to index
          %get3A_873 = arith.constant 224 : index
          %get3A_874 = tpu.vector_load %arg21[%get3A_872, %get3A_873] {strides = array<i32>} : memref<16x384xf32, #tpu.memory_space<vmem>>, vector<16xf32>,
          %get3A_875 = arith.index_cast %scan3A_213 : i32 to index
          %get3A_876 = arith.constant 352 : index
          %get3A_877 = tpu.vector_load %arg21[%get3A_875, %get3A_876] {strides = array<i32>} : memref<16x384xf32, #tpu.memory_space<vmem>>, vector<16xf32>,
          %mul3A_878 = arith.mulf %get3A_874, %get3A_868 : vector<16xf32>
          %mul3A_879 = arith.mulf %get3A_877, %get3A_865 : vector<16xf32>
          %sub3A_880 = arith.subf %mul3A_878, %mul3A_879 : vector<16xf32>
          %mul3A_881 = arith.mulf %get3A_877, %get3A_862 : vector<16xf32>
          %mul3A_882 = arith.mulf %get3A_871, %get3A_868 : vector<16xf32>
          %sub3A_883 = arith.subf %mul3A_881, %mul3A_882 : vector<16xf32>
          %mul3A_884 = arith.mulf %get3A_871, %get3A_865 : vector<16xf32>
          %mul3A_885 = arith.mulf %get3A_874, %get3A_862 : vector<16xf32>
          %sub3A_886 = arith.subf %mul3A_884, %mul3A_885 : vector<16xf32>
          %get3A_887 = arith.index_cast %get3A_216 : i32 to index
          %get3A_888 = arith.constant 96 : index
          %get3A_889 = tpu.vector_load %arg8[%get3A_887, %get3A_888] {strides = array<i32>} : memref<161x512xf32, #tpu.memory_space<vmem>>, vector<16xf32>,
          %mul3A_890 = vector.broadcast %squeeze3A_221 : f32 to vector<16xf32>
          %mul3A_891 = arith.mulf %mul3A_852, %mul3A_890 : vector<16xf32>
          %mul3A_892 = arith.mulf %mul3A_838, %get3A_862 : vector<16xf32>
          %add3A_893 = arith.addf %mul3A_891, %mul3A_892 : vector<16xf32>
          %mul3A_894 = arith.mulf %mul3A_859, %sub3A_880 : vector<16xf32>
          %add3A_895 = arith.addf %add3A_893, %mul3A_894 : vector<16xf32>
          %add3A_896 = arith.addf %get3A_889, %add3A_895 : vector<16xf32>
          %swap3A_897 = arith.index_cast %get3A_216 : i32 to index
          %swap3A_898 = arith.constant 96 : index
          %swap3A_899 = tpu.vector_load %arg8[%swap3A_897, %swap3A_898] {strides = array<i32>} : memref<161x512xf32, #tpu.memory_space<vmem>>, vector<16xf32>,
          tpu.vector_store %arg8[%swap3A_897, %swap3A_898], %add3A_896 {strides = array<i32>} : memref<161x512xf32, #tpu.memory_space<vmem>>, vector<16xf32>,
          %get3A_900 = arith.index_cast %get3A_216 : i32 to index
          %get3A_901 = arith.constant 224 : index
          %get3A_902 = tpu.vector_load %arg8[%get3A_900, %get3A_901] {strides = array<i32>} : memref<161x512xf32, #tpu.memory_space<vmem>>, vector<16xf32>,
          %mul3A_903 = vector.broadcast %squeeze3A_223 : f32 to vector<16xf32>
          %mul3A_904 = arith.mulf %mul3A_852, %mul3A_903 : vector<16xf32>
          %mul3A_905 = arith.mulf %mul3A_838, %get3A_865 : vector<16xf32>
          %add3A_906 = arith.addf %mul3A_904, %mul3A_905 : vector<16xf32>
          %mul3A_907 = arith.mulf %mul3A_859, %sub3A_883 : vector<16xf32>
          %add3A_908 = arith.addf %add3A_906, %mul3A_907 : vector<16xf32>
          %add3A_909 = arith.addf %get3A_902, %add3A_908 : vector<16xf32>
          %swap3A_910 = arith.index_cast %get3A_216 : i32 to index
          %swap3A_911 = arith.constant 224 : index
          %swap3A_912 = tpu.vector_load %arg8[%swap3A_910, %swap3A_911] {strides = array<i32>} : memref<161x512xf32, #tpu.memory_space<vmem>>, vector<16xf32>,
          tpu.vector_store %arg8[%swap3A_910, %swap3A_911], %add3A_909 {strides = array<i32>} : memref<161x512xf32, #tpu.memory_space<vmem>>, vector<16xf32>,
          %get3A_913 = arith.index_cast %get3A_216 : i32 to index
          %get3A_914 = arith.constant 352 : index
          %get3A_915 = tpu.vector_load %arg8[%get3A_913, %get3A_914] {strides = array<i32>} : memref<161x512xf32, #tpu.memory_space<vmem>>, vector<16xf32>,
          %mul3A_916 = vector.broadcast %squeeze3A_225 : f32 to vector<16xf32>
          %mul3A_917 = arith.mulf %mul3A_852, %mul3A_916 : vector<16xf32>
          %mul3A_918 = arith.mulf %mul3A_838, %get3A_868 : vector<16xf32>
          %add3A_919 = arith.addf %mul3A_917, %mul3A_918 : vector<16xf32>
          %mul3A_920 = arith.mulf %mul3A_859, %sub3A_886 : vector<16xf32>
          %add3A_921 = arith.addf %add3A_919, %mul3A_920 : vector<16xf32>
          %add3A_922 = arith.addf %get3A_915, %add3A_921 : vector<16xf32>
          %swap3A_923 = arith.index_cast %get3A_216 : i32 to index
          %swap3A_924 = arith.constant 352 : index
          %swap3A_925 = tpu.vector_load %arg8[%swap3A_923, %swap3A_924] {strides = array<i32>} : memref<161x512xf32, #tpu.memory_space<vmem>>, vector<16xf32>,
          tpu.vector_store %arg8[%swap3A_923, %swap3A_924], %add3A_922 {strides = array<i32>} : memref<161x512xf32, #tpu.memory_space<vmem>>, vector<16xf32>,
          %get3A_926 = arith.index_cast %get3A_216 : i32 to index
          %get3A_927 = arith.constant 480 : index
          %get3A_928 = tpu.vector_load %arg8[%get3A_926, %get3A_927] {strides = array<i32>} : memref<161x512xf32, #tpu.memory_space<vmem>>, vector<16xf32>,
          %add3A_929 = arith.addf %get3A_928, %mul3A_845 : vector<16xf32>
          %swap3A_930 = arith.index_cast %get3A_216 : i32 to index
          %swap3A_931 = arith.constant 480 : index
          %swap3A_932 = tpu.vector_load %arg8[%swap3A_930, %swap3A_931] {strides = array<i32>} : memref<161x512xf32, #tpu.memory_space<vmem>>, vector<16xf32>,
          tpu.vector_store %arg8[%swap3A_930, %swap3A_931], %add3A_929 {strides = array<i32>} : memref<161x512xf32, #tpu.memory_space<vmem>>, vector<16xf32>,
          %get3A_933 = arith.index_cast %scan3A_213 : i32 to index
          %get3A_934 = arith.constant 112 : index
          %get3A_935 = tpu.vector_load %arg19[%get3A_933, %get3A_934] {strides = array<i32>} : memref<16x512xf32, #tpu.memory_space<vmem>>, vector<16xf32>,
          %get3A_936 = arith.index_cast %scan3A_213 : i32 to index
          %get3A_937 = arith.constant 112 : index
          %get3A_938 = tpu.vector_load %arg18[%get3A_936, %get3A_937] {strides = array<i32>} : memref<16x640xf32, #tpu.memory_space<vmem>>, vector<16xf32>,
          %mul3A_939 = arith.mulf %get3A_935, %get3A_938 : vector<16xf32>
          %get3A_940 = arith.index_cast %scan3A_213 : i32 to index
          %get3A_941 = arith.constant 240 : index
          %get3A_942 = tpu.vector_load %arg19[%get3A_940, %get3A_941] {strides = array<i32>} : memref<16x512xf32, #tpu.memory_space<vmem>>, vector<16xf32>,
          %get3A_943 = arith.index_cast %scan3A_213 : i32 to index
          %get3A_944 = arith.constant 240 : index
          %get3A_945 = tpu.vector_load %arg18[%get3A_943, %get3A_944] {strides = array<i32>} : memref<16x640xf32, #tpu.memory_space<vmem>>, vector<16xf32>,
          %mul3A_946 = arith.mulf %get3A_942, %get3A_945 : vector<16xf32>
          %get3A_947 = arith.index_cast %scan3A_213 : i32 to index
          %get3A_948 = arith.constant 368 : index
          %get3A_949 = tpu.vector_load %arg19[%get3A_947, %get3A_948] {strides = array<i32>} : memref<16x512xf32, #tpu.memory_space<vmem>>, vector<16xf32>,
          %get3A_950 = arith.index_cast %scan3A_213 : i32 to index
          %get3A_951 = arith.constant 368 : index
          %get3A_952 = tpu.vector_load %arg18[%get3A_950, %get3A_951] {strides = array<i32>} : memref<16x640xf32, #tpu.memory_space<vmem>>, vector<16xf32>,
          %mul3A_953 = arith.mulf %get3A_949, %get3A_952 : vector<16xf32>
          %get3A_954 = arith.index_cast %scan3A_213 : i32 to index
          %get3A_955 = arith.constant 496 : index
          %get3A_956 = tpu.vector_load %arg19[%get3A_954, %get3A_955] {strides = array<i32>} : memref<16x512xf32, #tpu.memory_space<vmem>>, vector<16xf32>,
          %get3A_957 = arith.index_cast %scan3A_213 : i32 to index
          %get3A_958 = arith.constant 496 : index
          %get3A_959 = tpu.vector_load %arg18[%get3A_957, %get3A_958] {strides = array<i32>} : memref<16x640xf32, #tpu.memory_space<vmem>>, vector<16xf32>,
          %mul3A_960 = arith.mulf %get3A_956, %get3A_959 : vector<16xf32>
          %get3A_961 = arith.index_cast %scan3A_213 : i32 to index
          %get3A_962 = arith.constant 112 : index
          %get3A_963 = tpu.vector_load %arg20[%get3A_961, %get3A_962] {strides = array<i32>} : memref<16x384xf32, #tpu.memory_space<vmem>>, vector<16xf32>,
          %get3A_964 = arith.index_cast %scan3A_213 : i32 to index
          %get3A_965 = arith.constant 240 : index
          %get3A_966 = tpu.vector_load %arg20[%get3A_964, %get3A_965] {strides = array<i32>} : memref<16x384xf32, #tpu.memory_space<vmem>>, vector<16xf32>,
          %get3A_967 = arith.index_cast %scan3A_213 : i32 to index
          %get3A_968 = arith.constant 368 : index
          %get3A_969 = tpu.vector_load %arg20[%get3A_967, %get3A_968] {strides = array<i32>} : memref<16x384xf32, #tpu.memory_space<vmem>>, vector<16xf32>,
          %get3A_970 = arith.index_cast %scan3A_213 : i32 to index
          %get3A_971 = arith.constant 112 : index
          %get3A_972 = tpu.vector_load %arg21[%get3A_970, %get3A_971] {strides = array<i32>} : memref<16x384xf32, #tpu.memory_space<vmem>>, vector<16xf32>,
          %get3A_973 = arith.index_cast %scan3A_213 : i32 to index
          %get3A_974 = arith.constant 240 : index
          %get3A_975 = tpu.vector_load %arg21[%get3A_973, %get3A_974] {strides = array<i32>} : memref<16x384xf32, #tpu.memory_space<vmem>>, vector<16xf32>,
          %get3A_976 = arith.index_cast %scan3A_213 : i32 to index
          %get3A_977 = arith.constant 368 : index
          %get3A_978 = tpu.vector_load %arg21[%get3A_976, %get3A_977] {strides = array<i32>} : memref<16x384xf32, #tpu.memory_space<vmem>>, vector<16xf32>,
          %mul3A_979 = arith.mulf %get3A_975, %get3A_969 : vector<16xf32>
          %mul3A_980 = arith.mulf %get3A_978, %get3A_966 : vector<16xf32>
          %sub3A_981 = arith.subf %mul3A_979, %mul3A_980 : vector<16xf32>
          %mul3A_982 = arith.mulf %get3A_978, %get3A_963 : vector<16xf32>
          %mul3A_983 = arith.mulf %get3A_972, %get3A_969 : vector<16xf32>
          %sub3A_984 = arith.subf %mul3A_982, %mul3A_983 : vector<16xf32>
          %mul3A_985 = arith.mulf %get3A_972, %get3A_966 : vector<16xf32>
          %mul3A_986 = arith.mulf %get3A_975, %get3A_963 : vector<16xf32>
          %sub3A_987 = arith.subf %mul3A_985, %mul3A_986 : vector<16xf32>
          %get3A_988 = arith.index_cast %get3A_216 : i32 to index
          %get3A_989 = arith.constant 112 : index
          %get3A_990 = tpu.vector_load %arg8[%get3A_988, %get3A_989] {strides = array<i32>} : memref<161x512xf32, #tpu.memory_space<vmem>>, vector<16xf32>,
          %mul3A_991 = vector.broadcast %squeeze3A_221 : f32 to vector<16xf32>
          %mul3A_992 = arith.mulf %mul3A_953, %mul3A_991 : vector<16xf32>
          %mul3A_993 = arith.mulf %mul3A_939, %get3A_963 : vector<16xf32>
          %add3A_994 = arith.addf %mul3A_992, %mul3A_993 : vector<16xf32>
          %mul3A_995 = arith.mulf %mul3A_960, %sub3A_981 : vector<16xf32>
          %add3A_996 = arith.addf %add3A_994, %mul3A_995 : vector<16xf32>
          %add3A_997 = arith.addf %get3A_990, %add3A_996 : vector<16xf32>
          %swap3A_998 = arith.index_cast %get3A_216 : i32 to index
          %swap3A_999 = arith.constant 112 : index
          %swap3A_1000 = tpu.vector_load %arg8[%swap3A_998, %swap3A_999] {strides = array<i32>} : memref<161x512xf32, #tpu.memory_space<vmem>>, vector<16xf32>,
          tpu.vector_store %arg8[%swap3A_998, %swap3A_999], %add3A_997 {strides = array<i32>} : memref<161x512xf32, #tpu.memory_space<vmem>>, vector<16xf32>,
          %get3A_1001 = arith.index_cast %get3A_216 : i32 to index
          %get3A_1002 = arith.constant 240 : index
          %get3A_1003 = tpu.vector_load %arg8[%get3A_1001, %get3A_1002] {strides = array<i32>} : memref<161x512xf32, #tpu.memory_space<vmem>>, vector<16xf32>,
          %mul3A_1004 = vector.broadcast %squeeze3A_223 : f32 to vector<16xf32>
          %mul3A_1005 = arith.mulf %mul3A_953, %mul3A_1004 : vector<16xf32>
          %mul3A_1006 = arith.mulf %mul3A_939, %get3A_966 : vector<16xf32>
          %add3A_1007 = arith.addf %mul3A_1005, %mul3A_1006 : vector<16xf32>
          %mul3A_1008 = arith.mulf %mul3A_960, %sub3A_984 : vector<16xf32>
          %add3A_1009 = arith.addf %add3A_1007, %mul3A_1008 : vector<16xf32>
          %add3A_1010 = arith.addf %get3A_1003, %add3A_1009 : vector<16xf32>
          %swap3A_1011 = arith.index_cast %get3A_216 : i32 to index
          %swap3A_1012 = arith.constant 240 : index
          %swap3A_1013 = tpu.vector_load %arg8[%swap3A_1011, %swap3A_1012] {strides = array<i32>} : memref<161x512xf32, #tpu.memory_space<vmem>>, vector<16xf32>,
          tpu.vector_store %arg8[%swap3A_1011, %swap3A_1012], %add3A_1010 {strides = array<i32>} : memref<161x512xf32, #tpu.memory_space<vmem>>, vector<16xf32>,
          %get3A_1014 = arith.index_cast %get3A_216 : i32 to index
          %get3A_1015 = arith.constant 368 : index
          %get3A_1016 = tpu.vector_load %arg8[%get3A_1014, %get3A_1015] {strides = array<i32>} : memref<161x512xf32, #tpu.memory_space<vmem>>, vector<16xf32>,
          %mul3A_1017 = vector.broadcast %squeeze3A_225 : f32 to vector<16xf32>
          %mul3A_1018 = arith.mulf %mul3A_953, %mul3A_1017 : vector<16xf32>
          %mul3A_1019 = arith.mulf %mul3A_939, %get3A_969 : vector<16xf32>
          %add3A_1020 = arith.addf %mul3A_1018, %mul3A_1019 : vector<16xf32>
          %mul3A_1021 = arith.mulf %mul3A_960, %sub3A_987 : vector<16xf32>
          %add3A_1022 = arith.addf %add3A_1020, %mul3A_1021 : vector<16xf32>
          %add3A_1023 = arith.addf %get3A_1016, %add3A_1022 : vector<16xf32>
          %swap3A_1024 = arith.index_cast %get3A_216 : i32 to index
          %swap3A_1025 = arith.constant 368 : index
          %swap3A_1026 = tpu.vector_load %arg8[%swap3A_1024, %swap3A_1025] {strides = array<i32>} : memref<161x512xf32, #tpu.memory_space<vmem>>, vector<16xf32>,
          tpu.vector_store %arg8[%swap3A_1024, %swap3A_1025], %add3A_1023 {strides = array<i32>} : memref<161x512xf32, #tpu.memory_space<vmem>>, vector<16xf32>,
          %get3A_1027 = arith.index_cast %get3A_216 : i32 to index
          %get3A_1028 = arith.constant 496 : index
          %get3A_1029 = tpu.vector_load %arg8[%get3A_1027, %get3A_1028] {strides = array<i32>} : memref<161x512xf32, #tpu.memory_space<vmem>>, vector<16xf32>,
          %add3A_1030 = arith.addf %get3A_1029, %mul3A_946 : vector<16xf32>
          %swap3A_1031 = arith.index_cast %get3A_216 : i32 to index
          %swap3A_1032 = arith.constant 496 : index
          %swap3A_1033 = tpu.vector_load %arg8[%swap3A_1031, %swap3A_1032] {strides = array<i32>} : memref<161x512xf32, #tpu.memory_space<vmem>>, vector<16xf32>,
          tpu.vector_store %arg8[%swap3A_1031, %swap3A_1032], %add3A_1030 {strides = array<i32>} : memref<161x512xf32, #tpu.memory_space<vmem>>, vector<16xf32>,
          %scan3A_1034 = arith.constant 0 : i32
          scf.yield %scan3A_1034 : i32
        }
        %scan3A_211 = arith.constant 16 : i32
        %while3A_212 = arith.constant 0 : i32
        scf.yield %while3A_212 : i32
      }
      %scan3A_87 = arith.constant 0 : i32
      scf.yield %scan3A_87 : i32
    }
    %scan3A_17 = arith.constant 100 : i32
    "tpu.region"() ({
      %run_scoped3A = tpu.sem_alloc : memref<!tpu.dma_semaphore, #tpu.memory_space<semaphore_mem>>
      %dma_start3A = arith.constant 0 : i32
      %dma_start3A_36 = arith.constant 0 : i32
      %dma_start3A_37 = tpu.memref_slice %arg8[%dma_start3A, %dma_start3A_36] : memref<161x512xf32, #tpu.memory_space<vmem>> -> memref<160x512xf32, #tpu.memory_space<vmem>>
      %dma_start3A_38 = arith.constant 0 : i32
      %dma_start3A_39 = tpu.memref_slice %arg7[%mul3A_4, %dma_start3A_38] : memref<10240x512xf32, #tpu.memory_space<hbm>> -> memref<160x512xf32, #tpu.memory_space<hbm>>
      %dma_start3A_40 = arith.constant 0 : i32
      %dma_start3A_41 = tpu.memref_slice %arg7[%mul3A_4, %dma_start3A_40] : memref<10240x512xf32, #tpu.memory_space<hbm>> -> memref<160x512xf32, #tpu.memory_space<hbm>>
      %dma_start3A_42 = arith.constant 0 : i32
      %dma_start3A_43 = arith.constant 0 : i32
      %dma_start3A_44 = tpu.memref_slice %arg8[%dma_start3A_42, %dma_start3A_43] : memref<161x512xf32, #tpu.memory_space<vmem>> -> memref<160x512xf32, #tpu.memory_space<vmem>>
      tpu.enqueue_dma source(%dma_start3A_44 : memref<160x512xf32, #tpu.memory_space<vmem>>) target(%dma_start3A_41 : memref<160x512xf32, #tpu.memory_space<hbm>>) target_semaphore(%run_scoped3A : memref<!tpu.dma_semaphore, #tpu.memory_space<semaphore_mem>>)
      %dma_wait3A = arith.constant 0 : i32
      %dma_wait3A_45 = arith.constant 0 : i32
      %dma_wait3A_46 = tpu.memref_slice %arg8[%dma_wait3A, %dma_wait3A_45] : memref<161x512xf32, #tpu.memory_space<vmem>> -> memref<160x512xf32, #tpu.memory_space<vmem>>
      %dma_wait3A_47 = arith.constant 0 : i32
      %dma_wait3A_48 = tpu.memref_slice %arg7[%mul3A_4, %dma_wait3A_47] : memref<10240x512xf32, #tpu.memory_space<hbm>> -> memref<160x512xf32, #tpu.memory_space<hbm>>
      %dma_wait3A_49 = arith.constant 0 : i32
      %dma_wait3A_50 = tpu.memref_slice %arg7[%mul3A_4, %dma_wait3A_49] : memref<10240x512xf32, #tpu.memory_space<hbm>> -> memref<160x512xf32, #tpu.memory_space<hbm>>
      %dma_wait3A_51 = arith.constant 0 : i32
      %dma_wait3A_52 = arith.constant 0 : i32
      %dma_wait3A_53 = tpu.memref_slice %arg8[%dma_wait3A_51, %dma_wait3A_52] : memref<161x512xf32, #tpu.memory_space<vmem>> -> memref<160x512xf32, #tpu.memory_space<vmem>>
      tpu.wait_dma2 semaphore(%run_scoped3A : memref<!tpu.dma_semaphore, #tpu.memory_space<semaphore_mem>>) src(%dma_wait3A_53 : memref<160x512xf32, #tpu.memory_space<vmem>>) dst(%dma_wait3A_50 : memref<160x512xf32, #tpu.memory_space<hbm>>)
      tpu.yield
    }) : () -> ()
    %add3A_18 = arith.constant 32 : i32
    %add3A_19 = arith.addi %add3A_18, %add3A : i32
    %mul3A_20 = arith.constant 160 : i32
    %mul3A_21 = arith.muli %add3A_19, %mul3A_20 : i32
    %scan3A_22 = arith.constant 0 : i32
    %scan3A_23 = arith.constant 0 : i32
    %scan3A_24 = arith.constant 161 : i32
    %scan3A_25 = arith.addi %scan3A_23, %scan3A_24 : i32
    %scan3A_26 = arith.constant 1 : i32
    %scan3A_27 = scf.for %scan3A_36 = %scan3A_23 to %scan3A_25 step %scan3A_26 iter_args(%scan3A_37 = %scan3A_22) -> (i32)  : i32 {
      %broadcast_in_dim3A = arith.constant 0.000000e+00 : f32
      %broadcast_in_dim3A_38 = vector.broadcast %broadcast_in_dim3A : f32 to vector<16xf32>
      %swap3A = arith.index_cast %scan3A_36 : i32 to index
      %swap3A_39 = arith.constant 0 : index
      %swap3A_40 = tpu.vector_load %arg8[%swap3A, %swap3A_39] {strides = array<i32>} : memref<161x512xf32, #tpu.memory_space<vmem>>, vector<16xf32>,
      tpu.vector_store %arg8[%swap3A, %swap3A_39], %broadcast_in_dim3A_38 {strides = array<i32>} : memref<161x512xf32, #tpu.memory_space<vmem>>, vector<16xf32>,
      %broadcast_in_dim3A_41 = arith.constant 0.000000e+00 : f32
      %broadcast_in_dim3A_42 = vector.broadcast %broadcast_in_dim3A_41 : f32 to vector<16xf32>
      %swap3A_43 = arith.index_cast %scan3A_36 : i32 to index
      %swap3A_44 = arith.constant 16 : index
      %swap3A_45 = tpu.vector_load %arg8[%swap3A_43, %swap3A_44] {strides = array<i32>} : memref<161x512xf32, #tpu.memory_space<vmem>>, vector<16xf32>,
      tpu.vector_store %arg8[%swap3A_43, %swap3A_44], %broadcast_in_dim3A_42 {strides = array<i32>} : memref<161x512xf32, #tpu.memory_space<vmem>>, vector<16xf32>,
      %broadcast_in_dim3A_46 = arith.constant 0.000000e+00 : f32
      %broadcast_in_dim3A_47 = vector.broadcast %broadcast_in_dim3A_46 : f32 to vector<16xf32>
      %swap3A_48 = arith.index_cast %scan3A_36 : i32 to index
      %swap3A_49 = arith.constant 32 : index
      %swap3A_50 = tpu.vector_load %arg8[%swap3A_48, %swap3A_49] {strides = array<i32>} : memref<161x512xf32, #tpu.memory_space<vmem>>, vector<16xf32>,
      tpu.vector_store %arg8[%swap3A_48, %swap3A_49], %broadcast_in_dim3A_47 {strides = array<i32>} : memref<161x512xf32, #tpu.memory_space<vmem>>, vector<16xf32>,
      %broadcast_in_dim3A_51 = arith.constant 0.000000e+00 : f32
      %broadcast_in_dim3A_52 = vector.broadcast %broadcast_in_dim3A_51 : f32 to vector<16xf32>
      %swap3A_53 = arith.index_cast %scan3A_36 : i32 to index
      %swap3A_54 = arith.constant 48 : index
      %swap3A_55 = tpu.vector_load %arg8[%swap3A_53, %swap3A_54] {strides = array<i32>} : memref<161x512xf32, #tpu.memory_space<vmem>>, vector<16xf32>,
      tpu.vector_store %arg8[%swap3A_53, %swap3A_54], %broadcast_in_dim3A_52 {strides = array<i32>} : memref<161x512xf32, #tpu.memory_space<vmem>>, vector<16xf32>,
      %broadcast_in_dim3A_56 = arith.constant 0.000000e+00 : f32
      %broadcast_in_dim3A_57 = vector.broadcast %broadcast_in_dim3A_56 : f32 to vector<16xf32>
      %swap3A_58 = arith.index_cast %scan3A_36 : i32 to index
      %swap3A_59 = arith.constant 64 : index
      %swap3A_60 = tpu.vector_load %arg8[%swap3A_58, %swap3A_59] {strides = array<i32>} : memref<161x512xf32, #tpu.memory_space<vmem>>, vector<16xf32>,
      tpu.vector_store %arg8[%swap3A_58, %swap3A_59], %broadcast_in_dim3A_57 {strides = array<i32>} : memref<161x512xf32, #tpu.memory_space<vmem>>, vector<16xf32>,
      %broadcast_in_dim3A_61 = arith.constant 0.000000e+00 : f32
      %broadcast_in_dim3A_62 = vector.broadcast %broadcast_in_dim3A_61 : f32 to vector<16xf32>
      %swap3A_63 = arith.index_cast %scan3A_36 : i32 to index
      %swap3A_64 = arith.constant 80 : index
      %swap3A_65 = tpu.vector_load %arg8[%swap3A_63, %swap3A_64] {strides = array<i32>} : memref<161x512xf32, #tpu.memory_space<vmem>>, vector<16xf32>,
      tpu.vector_store %arg8[%swap3A_63, %swap3A_64], %broadcast_in_dim3A_62 {strides = array<i32>} : memref<161x512xf32, #tpu.memory_space<vmem>>, vector<16xf32>,
      %broadcast_in_dim3A_66 = arith.constant 0.000000e+00 : f32
      %broadcast_in_dim3A_67 = vector.broadcast %broadcast_in_dim3A_66 : f32 to vector<16xf32>
      %swap3A_68 = arith.index_cast %scan3A_36 : i32 to index
      %swap3A_69 = arith.constant 96 : index
      %swap3A_70 = tpu.vector_load %arg8[%swap3A_68, %swap3A_69] {strides = array<i32>} : memref<161x512xf32, #tpu.memory_space<vmem>>, vector<16xf32>,
      tpu.vector_store %arg8[%swap3A_68, %swap3A_69], %broadcast_in_dim3A_67 {strides = array<i32>} : memref<161x512xf32, #tpu.memory_space<vmem>>, vector<16xf32>,
      %broadcast_in_dim3A_71 = arith.constant 0.000000e+00 : f32
      %broadcast_in_dim3A_72 = vector.broadcast %broadcast_in_dim3A_71 : f32 to vector<16xf32>
      %swap3A_73 = arith.index_cast %scan3A_36 : i32 to index
      %swap3A_74 = arith.constant 112 : index
      %swap3A_75 = tpu.vector_load %arg8[%swap3A_73, %swap3A_74] {strides = array<i32>} : memref<161x512xf32, #tpu.memory_space<vmem>>, vector<16xf32>,
      tpu.vector_store %arg8[%swap3A_73, %swap3A_74], %broadcast_in_dim3A_72 {strides = array<i32>} : memref<161x512xf32, #tpu.memory_space<vmem>>, vector<16xf32>,
      %broadcast_in_dim3A_76 = arith.constant 0.000000e+00 : f32
      %broadcast_in_dim3A_77 = vector.broadcast %broadcast_in_dim3A_76 : f32 to vector<16xf32>
      %swap3A_78 = arith.index_cast %scan3A_36 : i32 to index
      %swap3A_79 = arith.constant 128 : index
      %swap3A_80 = tpu.vector_load %arg8[%swap3A_78, %swap3A_79] {strides = array<i32>} : memref<161x512xf32, #tpu.memory_space<vmem>>, vector<16xf32>,
      tpu.vector_store %arg8[%swap3A_78, %swap3A_79], %broadcast_in_dim3A_77 {strides = array<i32>} : memref<161x512xf32, #tpu.memory_space<vmem>>, vector<16xf32>,
      %broadcast_in_dim3A_81 = arith.constant 0.000000e+00 : f32
      %broadcast_in_dim3A_82 = vector.broadcast %broadcast_in_dim3A_81 : f32 to vector<16xf32>
      %swap3A_83 = arith.index_cast %scan3A_36 : i32 to index
      %swap3A_84 = arith.constant 144 : index
      %swap3A_85 = tpu.vector_load %arg8[%swap3A_83, %swap3A_84] {strides = array<i32>} : memref<161x512xf32, #tpu.memory_space<vmem>>, vector<16xf32>,
      tpu.vector_store %arg8[%swap3A_83, %swap3A_84], %broadcast_in_dim3A_82 {strides = array<i32>} : memref<161x512xf32, #tpu.memory_space<vmem>>, vector<16xf32>,
      %broadcast_in_dim3A_86 = arith.constant 0.000000e+00 : f32
      %broadcast_in_dim3A_87 = vector.broadcast %broadcast_in_dim3A_86 : f32 to vector<16xf32>
      %swap3A_88 = arith.index_cast %scan3A_36 : i32 to index
      %swap3A_89 = arith.constant 160 : index
      %swap3A_90 = tpu.vector_load %arg8[%swap3A_88, %swap3A_89] {strides = array<i32>} : memref<161x512xf32, #tpu.memory_space<vmem>>, vector<16xf32>,
      tpu.vector_store %arg8[%swap3A_88, %swap3A_89], %broadcast_in_dim3A_87 {strides = array<i32>} : memref<161x512xf32, #tpu.memory_space<vmem>>, vector<16xf32>,
      %broadcast_in_dim3A_91 = arith.constant 0.000000e+00 : f32
      %broadcast_in_dim3A_92 = vector.broadcast %broadcast_in_dim3A_91 : f32 to vector<16xf32>
      %swap3A_93 = arith.index_cast %scan3A_36 : i32 to index
      %swap3A_94 = arith.constant 176 : index
      %swap3A_95 = tpu.vector_load %arg8[%swap3A_93, %swap3A_94] {strides = array<i32>} : memref<161x512xf32, #tpu.memory_space<vmem>>, vector<16xf32>,
      tpu.vector_store %arg8[%swap3A_93, %swap3A_94], %broadcast_in_dim3A_92 {strides = array<i32>} : memref<161x512xf32, #tpu.memory_space<vmem>>, vector<16xf32>,
      %broadcast_in_dim3A_96 = arith.constant 0.000000e+00 : f32
      %broadcast_in_dim3A_97 = vector.broadcast %broadcast_in_dim3A_96 : f32 to vector<16xf32>
      %swap3A_98 = arith.index_cast %scan3A_36 : i32 to index
      %swap3A_99 = arith.constant 192 : index
      %swap3A_100 = tpu.vector_load %arg8[%swap3A_98, %swap3A_99] {strides = array<i32>} : memref<161x512xf32, #tpu.memory_space<vmem>>, vector<16xf32>,
      tpu.vector_store %arg8[%swap3A_98, %swap3A_99], %broadcast_in_dim3A_97 {strides = array<i32>} : memref<161x512xf32, #tpu.memory_space<vmem>>, vector<16xf32>,
      %broadcast_in_dim3A_101 = arith.constant 0.000000e+00 : f32
      %broadcast_in_dim3A_102 = vector.broadcast %broadcast_in_dim3A_101 : f32 to vector<16xf32>
      %swap3A_103 = arith.index_cast %scan3A_36 : i32 to index
      %swap3A_104 = arith.constant 208 : index
      %swap3A_105 = tpu.vector_load %arg8[%swap3A_103, %swap3A_104] {strides = array<i32>} : memref<161x512xf32, #tpu.memory_space<vmem>>, vector<16xf32>,
      tpu.vector_store %arg8[%swap3A_103, %swap3A_104], %broadcast_in_dim3A_102 {strides = array<i32>} : memref<161x512xf32, #tpu.memory_space<vmem>>, vector<16xf32>,
      %broadcast_in_dim3A_106 = arith.constant 0.000000e+00 : f32
      %broadcast_in_dim3A_107 = vector.broadcast %broadcast_in_dim3A_106 : f32 to vector<16xf32>
      %swap3A_108 = arith.index_cast %scan3A_36 : i32 to index
      %swap3A_109 = arith.constant 224 : index
      %swap3A_110 = tpu.vector_load %arg8[%swap3A_108, %swap3A_109] {strides = array<i32>} : memref<161x512xf32, #tpu.memory_space<vmem>>, vector<16xf32>,
      tpu.vector_store %arg8[%swap3A_108, %swap3A_109], %broadcast_in_dim3A_107 {strides = array<i32>} : memref<161x512xf32, #tpu.memory_space<vmem>>, vector<16xf32>,
      %broadcast_in_dim3A_111 = arith.constant 0.000000e+00 : f32
      %broadcast_in_dim3A_112 = vector.broadcast %broadcast_in_dim3A_111 : f32 to vector<16xf32>
      %swap3A_113 = arith.index_cast %scan3A_36 : i32 to index
      %swap3A_114 = arith.constant 240 : index
      %swap3A_115 = tpu.vector_load %arg8[%swap3A_113, %swap3A_114] {strides = array<i32>} : memref<161x512xf32, #tpu.memory_space<vmem>>, vector<16xf32>,
      tpu.vector_store %arg8[%swap3A_113, %swap3A_114], %broadcast_in_dim3A_112 {strides = array<i32>} : memref<161x512xf32, #tpu.memory_space<vmem>>, vector<16xf32>,
      %broadcast_in_dim3A_116 = arith.constant 0.000000e+00 : f32
      %broadcast_in_dim3A_117 = vector.broadcast %broadcast_in_dim3A_116 : f32 to vector<16xf32>
      %swap3A_118 = arith.index_cast %scan3A_36 : i32 to index
      %swap3A_119 = arith.constant 256 : index
      %swap3A_120 = tpu.vector_load %arg8[%swap3A_118, %swap3A_119] {strides = array<i32>} : memref<161x512xf32, #tpu.memory_space<vmem>>, vector<16xf32>,
      tpu.vector_store %arg8[%swap3A_118, %swap3A_119], %broadcast_in_dim3A_117 {strides = array<i32>} : memref<161x512xf32, #tpu.memory_space<vmem>>, vector<16xf32>,
      %broadcast_in_dim3A_121 = arith.constant 0.000000e+00 : f32
      %broadcast_in_dim3A_122 = vector.broadcast %broadcast_in_dim3A_121 : f32 to vector<16xf32>
      %swap3A_123 = arith.index_cast %scan3A_36 : i32 to index
      %swap3A_124 = arith.constant 272 : index
      %swap3A_125 = tpu.vector_load %arg8[%swap3A_123, %swap3A_124] {strides = array<i32>} : memref<161x512xf32, #tpu.memory_space<vmem>>, vector<16xf32>,
      tpu.vector_store %arg8[%swap3A_123, %swap3A_124], %broadcast_in_dim3A_122 {strides = array<i32>} : memref<161x512xf32, #tpu.memory_space<vmem>>, vector<16xf32>,
      %broadcast_in_dim3A_126 = arith.constant 0.000000e+00 : f32
      %broadcast_in_dim3A_127 = vector.broadcast %broadcast_in_dim3A_126 : f32 to vector<16xf32>
      %swap3A_128 = arith.index_cast %scan3A_36 : i32 to index
      %swap3A_129 = arith.constant 288 : index
      %swap3A_130 = tpu.vector_load %arg8[%swap3A_128, %swap3A_129] {strides = array<i32>} : memref<161x512xf32, #tpu.memory_space<vmem>>, vector<16xf32>,
      tpu.vector_store %arg8[%swap3A_128, %swap3A_129], %broadcast_in_dim3A_127 {strides = array<i32>} : memref<161x512xf32, #tpu.memory_space<vmem>>, vector<16xf32>,
      %broadcast_in_dim3A_131 = arith.constant 0.000000e+00 : f32
      %broadcast_in_dim3A_132 = vector.broadcast %broadcast_in_dim3A_131 : f32 to vector<16xf32>
      %swap3A_133 = arith.index_cast %scan3A_36 : i32 to index
      %swap3A_134 = arith.constant 304 : index
      %swap3A_135 = tpu.vector_load %arg8[%swap3A_133, %swap3A_134] {strides = array<i32>} : memref<161x512xf32, #tpu.memory_space<vmem>>, vector<16xf32>,
      tpu.vector_store %arg8[%swap3A_133, %swap3A_134], %broadcast_in_dim3A_132 {strides = array<i32>} : memref<161x512xf32, #tpu.memory_space<vmem>>, vector<16xf32>,
      %broadcast_in_dim3A_136 = arith.constant 0.000000e+00 : f32
      %broadcast_in_dim3A_137 = vector.broadcast %broadcast_in_dim3A_136 : f32 to vector<16xf32>
      %swap3A_138 = arith.index_cast %scan3A_36 : i32 to index
      %swap3A_139 = arith.constant 320 : index
      %swap3A_140 = tpu.vector_load %arg8[%swap3A_138, %swap3A_139] {strides = array<i32>} : memref<161x512xf32, #tpu.memory_space<vmem>>, vector<16xf32>,
      tpu.vector_store %arg8[%swap3A_138, %swap3A_139], %broadcast_in_dim3A_137 {strides = array<i32>} : memref<161x512xf32, #tpu.memory_space<vmem>>, vector<16xf32>,
      %broadcast_in_dim3A_141 = arith.constant 0.000000e+00 : f32
      %broadcast_in_dim3A_142 = vector.broadcast %broadcast_in_dim3A_141 : f32 to vector<16xf32>
      %swap3A_143 = arith.index_cast %scan3A_36 : i32 to index
      %swap3A_144 = arith.constant 336 : index
      %swap3A_145 = tpu.vector_load %arg8[%swap3A_143, %swap3A_144] {strides = array<i32>} : memref<161x512xf32, #tpu.memory_space<vmem>>, vector<16xf32>,
      tpu.vector_store %arg8[%swap3A_143, %swap3A_144], %broadcast_in_dim3A_142 {strides = array<i32>} : memref<161x512xf32, #tpu.memory_space<vmem>>, vector<16xf32>,
      %broadcast_in_dim3A_146 = arith.constant 0.000000e+00 : f32
      %broadcast_in_dim3A_147 = vector.broadcast %broadcast_in_dim3A_146 : f32 to vector<16xf32>
      %swap3A_148 = arith.index_cast %scan3A_36 : i32 to index
      %swap3A_149 = arith.constant 352 : index
      %swap3A_150 = tpu.vector_load %arg8[%swap3A_148, %swap3A_149] {strides = array<i32>} : memref<161x512xf32, #tpu.memory_space<vmem>>, vector<16xf32>,
      tpu.vector_store %arg8[%swap3A_148, %swap3A_149], %broadcast_in_dim3A_147 {strides = array<i32>} : memref<161x512xf32, #tpu.memory_space<vmem>>, vector<16xf32>,
      %broadcast_in_dim3A_151 = arith.constant 0.000000e+00 : f32
      %broadcast_in_dim3A_152 = vector.broadcast %broadcast_in_dim3A_151 : f32 to vector<16xf32>
      %swap3A_153 = arith.index_cast %scan3A_36 : i32 to index
      %swap3A_154 = arith.constant 368 : index
      %swap3A_155 = tpu.vector_load %arg8[%swap3A_153, %swap3A_154] {strides = array<i32>} : memref<161x512xf32, #tpu.memory_space<vmem>>, vector<16xf32>,
      tpu.vector_store %arg8[%swap3A_153, %swap3A_154], %broadcast_in_dim3A_152 {strides = array<i32>} : memref<161x512xf32, #tpu.memory_space<vmem>>, vector<16xf32>,
      %broadcast_in_dim3A_156 = arith.constant 0.000000e+00 : f32
      %broadcast_in_dim3A_157 = vector.broadcast %broadcast_in_dim3A_156 : f32 to vector<16xf32>
      %swap3A_158 = arith.index_cast %scan3A_36 : i32 to index
      %swap3A_159 = arith.constant 384 : index
      %swap3A_160 = tpu.vector_load %arg8[%swap3A_158, %swap3A_159] {strides = array<i32>} : memref<161x512xf32, #tpu.memory_space<vmem>>, vector<16xf32>,
      tpu.vector_store %arg8[%swap3A_158, %swap3A_159], %broadcast_in_dim3A_157 {strides = array<i32>} : memref<161x512xf32, #tpu.memory_space<vmem>>, vector<16xf32>,
      %broadcast_in_dim3A_161 = arith.constant 0.000000e+00 : f32
      %broadcast_in_dim3A_162 = vector.broadcast %broadcast_in_dim3A_161 : f32 to vector<16xf32>
      %swap3A_163 = arith.index_cast %scan3A_36 : i32 to index
      %swap3A_164 = arith.constant 400 : index
      %swap3A_165 = tpu.vector_load %arg8[%swap3A_163, %swap3A_164] {strides = array<i32>} : memref<161x512xf32, #tpu.memory_space<vmem>>, vector<16xf32>,
      tpu.vector_store %arg8[%swap3A_163, %swap3A_164], %broadcast_in_dim3A_162 {strides = array<i32>} : memref<161x512xf32, #tpu.memory_space<vmem>>, vector<16xf32>,
      %broadcast_in_dim3A_166 = arith.constant 0.000000e+00 : f32
      %broadcast_in_dim3A_167 = vector.broadcast %broadcast_in_dim3A_166 : f32 to vector<16xf32>
      %swap3A_168 = arith.index_cast %scan3A_36 : i32 to index
      %swap3A_169 = arith.constant 416 : index
      %swap3A_170 = tpu.vector_load %arg8[%swap3A_168, %swap3A_169] {strides = array<i32>} : memref<161x512xf32, #tpu.memory_space<vmem>>, vector<16xf32>,
      tpu.vector_store %arg8[%swap3A_168, %swap3A_169], %broadcast_in_dim3A_167 {strides = array<i32>} : memref<161x512xf32, #tpu.memory_space<vmem>>, vector<16xf32>,
      %broadcast_in_dim3A_171 = arith.constant 0.000000e+00 : f32
      %broadcast_in_dim3A_172 = vector.broadcast %broadcast_in_dim3A_171 : f32 to vector<16xf32>
      %swap3A_173 = arith.index_cast %scan3A_36 : i32 to index
      %swap3A_174 = arith.constant 432 : index
      %swap3A_175 = tpu.vector_load %arg8[%swap3A_173, %swap3A_174] {strides = array<i32>} : memref<161x512xf32, #tpu.memory_space<vmem>>, vector<16xf32>,
      tpu.vector_store %arg8[%swap3A_173, %swap3A_174], %broadcast_in_dim3A_172 {strides = array<i32>} : memref<161x512xf32, #tpu.memory_space<vmem>>, vector<16xf32>,
      %broadcast_in_dim3A_176 = arith.constant 0.000000e+00 : f32
      %broadcast_in_dim3A_177 = vector.broadcast %broadcast_in_dim3A_176 : f32 to vector<16xf32>
      %swap3A_178 = arith.index_cast %scan3A_36 : i32 to index
      %swap3A_179 = arith.constant 448 : index
      %swap3A_180 = tpu.vector_load %arg8[%swap3A_178, %swap3A_179] {strides = array<i32>} : memref<161x512xf32, #tpu.memory_space<vmem>>, vector<16xf32>,
      tpu.vector_store %arg8[%swap3A_178, %swap3A_179], %broadcast_in_dim3A_177 {strides = array<i32>} : memref<161x512xf32, #tpu.memory_space<vmem>>, vector<16xf32>,
      %broadcast_in_dim3A_181 = arith.constant 0.000000e+00 : f32
      %broadcast_in_dim3A_182 = vector.broadcast %broadcast_in_dim3A_181 : f32 to vector<16xf32>
      %swap3A_183 = arith.index_cast %scan3A_36 : i32 to index
      %swap3A_184 = arith.constant 464 : index
      %swap3A_185 = tpu.vector_load %arg8[%swap3A_183, %swap3A_184] {strides = array<i32>} : memref<161x512xf32, #tpu.memory_space<vmem>>, vector<16xf32>,
      tpu.vector_store %arg8[%swap3A_183, %swap3A_184], %broadcast_in_dim3A_182 {strides = array<i32>} : memref<161x512xf32, #tpu.memory_space<vmem>>, vector<16xf32>,
      %broadcast_in_dim3A_186 = arith.constant 0.000000e+00 : f32
      %broadcast_in_dim3A_187 = vector.broadcast %broadcast_in_dim3A_186 : f32 to vector<16xf32>
      %swap3A_188 = arith.index_cast %scan3A_36 : i32 to index
      %swap3A_189 = arith.constant 480 : index
      %swap3A_190 = tpu.vector_load %arg8[%swap3A_188, %swap3A_189] {strides = array<i32>} : memref<161x512xf32, #tpu.memory_space<vmem>>, vector<16xf32>,
      tpu.vector_store %arg8[%swap3A_188, %swap3A_189], %broadcast_in_dim3A_187 {strides = array<i32>} : memref<161x512xf32, #tpu.memory_space<vmem>>, vector<16xf32>,
      %broadcast_in_dim3A_191 = arith.constant 0.000000e+00 : f32
      %broadcast_in_dim3A_192 = vector.broadcast %broadcast_in_dim3A_191 : f32 to vector<16xf32>
      %swap3A_193 = arith.index_cast %scan3A_36 : i32 to index
      %swap3A_194 = arith.constant 496 : index
      %swap3A_195 = tpu.vector_load %arg8[%swap3A_193, %swap3A_194] {strides = array<i32>} : memref<161x512xf32, #tpu.memory_space<vmem>>, vector<16xf32>,
      tpu.vector_store %arg8[%swap3A_193, %swap3A_194], %broadcast_in_dim3A_192 {strides = array<i32>} : memref<161x512xf32, #tpu.memory_space<vmem>>, vector<16xf32>,
      %scan3A_196 = arith.constant 0 : i32
      scf.yield %scan3A_196 : i32
    }
    %scan3A_28 = arith.constant 161 : i32
    %scan3A_29 = arith.constant 0 : i32
    %scan3A_30 = arith.constant 0 : i32
    %scan3A_31 = arith.constant 100 : i32
    %scan3A_32 = arith.addi %scan3A_30, %scan3A_31 : i32
    %scan3A_33 = arith.constant 1 : i32
    %scan3A_34 = scf.for %scan3A_36 = %scan3A_30 to %scan3A_32 step %scan3A_33 iter_args(%scan3A_37 = %scan3A_29) -> (i32)  : i32 {
      %mul3A_38 = arith.constant 1600 : i32
      %mul3A_39 = arith.muli %scan3A_36, %mul3A_38 : i32
      "tpu.region"() ({
        %run_scoped3A = tpu.sem_alloc : memref<!tpu.dma_semaphore, #tpu.memory_space<semaphore_mem>>
        %dma_start3A = tpu.memref_slice %arg2[%mul3A_39] : memref<160000xi32, #tpu.memory_space<hbm>> -> memref<1600xi32, #tpu.memory_space<hbm>>
        %dma_start3A_88 = tpu.memref_slice %arg2[%mul3A_39] : memref<160000xi32, #tpu.memory_space<hbm>> -> memref<1600xi32, #tpu.memory_space<hbm>>
        tpu.enqueue_dma source(%dma_start3A_88 : memref<1600xi32, #tpu.memory_space<hbm>>) target(%arg9 : memref<1600xi32, #tpu.memory_space<vmem>>) target_semaphore(%run_scoped3A : memref<!tpu.dma_semaphore, #tpu.memory_space<semaphore_mem>>)
        %dma_wait3A = tpu.memref_slice %arg2[%mul3A_39] : memref<160000xi32, #tpu.memory_space<hbm>> -> memref<1600xi32, #tpu.memory_space<hbm>>
        %dma_wait3A_89 = tpu.memref_slice %arg2[%mul3A_39] : memref<160000xi32, #tpu.memory_space<hbm>> -> memref<1600xi32, #tpu.memory_space<hbm>>
        tpu.wait_dma2 semaphore(%run_scoped3A : memref<!tpu.dma_semaphore, #tpu.memory_space<semaphore_mem>>) src(%dma_wait3A_89 : memref<1600xi32, #tpu.memory_space<hbm>>) dst(%arg9 : memref<1600xi32, #tpu.memory_space<vmem>>)
        tpu.yield
      }) : () -> ()
      "tpu.region"() ({
        %run_scoped3A = tpu.sem_alloc : memref<!tpu.dma_semaphore, #tpu.memory_space<semaphore_mem>>
        %dma_start3A = tpu.memref_slice %arg3[%mul3A_39] : memref<160000xi32, #tpu.memory_space<hbm>> -> memref<1600xi32, #tpu.memory_space<hbm>>
        %dma_start3A_88 = tpu.memref_slice %arg3[%mul3A_39] : memref<160000xi32, #tpu.memory_space<hbm>> -> memref<1600xi32, #tpu.memory_space<hbm>>
        tpu.enqueue_dma source(%dma_start3A_88 : memref<1600xi32, #tpu.memory_space<hbm>>) target(%arg10 : memref<1600xi32, #tpu.memory_space<vmem>>) target_semaphore(%run_scoped3A : memref<!tpu.dma_semaphore, #tpu.memory_space<semaphore_mem>>)
        %dma_wait3A = tpu.memref_slice %arg3[%mul3A_39] : memref<160000xi32, #tpu.memory_space<hbm>> -> memref<1600xi32, #tpu.memory_space<hbm>>
        %dma_wait3A_89 = tpu.memref_slice %arg3[%mul3A_39] : memref<160000xi32, #tpu.memory_space<hbm>> -> memref<1600xi32, #tpu.memory_space<hbm>>
        tpu.wait_dma2 semaphore(%run_scoped3A : memref<!tpu.dma_semaphore, #tpu.memory_space<semaphore_mem>>) src(%dma_wait3A_89 : memref<1600xi32, #tpu.memory_space<hbm>>) dst(%arg10 : memref<1600xi32, #tpu.memory_space<vmem>>)
        tpu.yield
      }) : () -> ()
      %scan3A_40 = arith.constant 0 : i32
      %scan3A_41 = arith.constant 0 : i32
      %scan3A_42 = arith.constant 100 : i32
      %scan3A_43 = arith.addi %scan3A_41, %scan3A_42 : i32
      %scan3A_44 = arith.constant 1 : i32
      %scan3A_45 = scf.for %scan3A_88 = %scan3A_41 to %scan3A_43 step %scan3A_44 iter_args(%scan3A_89 = %scan3A_40) -> (i32)  : i32 {
        %mul3A_90 = arith.constant 16 : i32
        %mul3A_91 = arith.muli %scan3A_88, %mul3A_90 : i32
        %get3A = arith.index_cast %mul3A_91 : i32 to index
        %get3A_92 = tpu.vector_load %arg9[%get3A] {strides = array<i32>} : memref<1600xi32, #tpu.memory_space<vmem>>, vector<16xi32>,
        %mul3A_93 = arith.constant 16 : i32
        %mul3A_94 = arith.muli %scan3A_88, %mul3A_93 : i32
        %get3A_95 = arith.index_cast %mul3A_94 : i32 to index
        %get3A_96 = tpu.vector_load %arg10[%get3A_95] {strides = array<i32>} : memref<1600xi32, #tpu.memory_space<vmem>>, vector<16xi32>,
        %ge3A = vector.broadcast %mul3A_21 : i32 to vector<16xi32>
        %ge3A_97 = arith.cmpi sge, %get3A_92, %ge3A : vector<16xi32>
        %add3A_98 = arith.constant 160 : i32
        %add3A_99 = arith.addi %mul3A_21, %add3A_98 : i32
        %lt3A = vector.broadcast %add3A_99 : i32 to vector<16xi32>
        %lt3A_100 = arith.cmpi slt, %get3A_92, %lt3A : vector<16xi32>
        %and3A_101 = arith.andi %ge3A_97, %lt3A_100 : vector<16xi1>
        %mul3A_102 = arith.constant 16 : i32
        %mul3A_103 = arith.muli %scan3A_88, %mul3A_102 : i32
        %add3A_104 = arith.addi %mul3A_39, %mul3A_103 : i32
        %iota3A = tpu.iota {dimensions = array<i32: 0>} : vector<16xi32>
        %add3A_105 = vector.broadcast %add3A_104 : i32 to vector<16xi32>
        %add3A_106 = arith.addi %add3A_105, %iota3A : vector<16xi32>
        %convert_element_type3A = arith.extui %and3A_101 : vector<16xi1> to vector<16xi32>
        %broadcast_in_dim3A_107 = arith.constant true
        %broadcast_in_dim3A_108 = vector.broadcast %broadcast_in_dim3A_107 : i1 to vector<16xi1>
        %masked_cumsum3A = tpu.scan <sum>, %convert_element_type3A masked %broadcast_in_dim3A_108 : vector<16xi32>, vector<16xi1> -> vector<16xi32>
        %add3A_109 = vector.broadcast %scan3A_89 : i32 to vector<16xi32>
        %add3A_110 = arith.addi %add3A_109, %masked_cumsum3A : vector<16xi32>
        %sub3A_111 = arith.subi %add3A_110, %convert_element_type3A : vector<16xi32>
        tpu.vector_store_idx %arg11[%sub3A_111], %add3A_106 masked %and3A_101 : memref<1616xi32, #tpu.memory_space<vmem>>[vector<16xi32>], vector<16xi32>, vector<16xi1>
        tpu.vector_store_idx %arg12[%sub3A_111], %get3A_92 masked %and3A_101 : memref<1616xi32, #tpu.memory_space<vmem>>[vector<16xi32>], vector<16xi32>, vector<16xi1>
        tpu.vector_store_idx %arg13[%sub3A_111], %get3A_96 masked %and3A_101 : memref<1616xi32, #tpu.memory_space<vmem>>[vector<16xi32>], vector<16xi32>, vector<16xi1>
        %all_reduce_population_count3A = tpu.all_reduce %and3A_101 {dim = 0 : i64, kind = #tpu.reduction_kind<sum>} : vector<16xi1> -> vector<16xi32>
        %slice3A = vector.extract_strided_slice %all_reduce_population_count3A {offsets = [0], sizes = [1], strides = [1]} : vector<16xi32> to vector<1xi32>
        %squeeze3A = vector.extract %slice3A[0] : i32 from vector<1xi32>
        %add3A_112 = arith.addi %scan3A_89, %squeeze3A : i32
        scf.yield %add3A_112 : i32
      }
      %scan3A_46 = arith.constant 100 : i32
      %broadcast_in_dim3A = arith.constant 0 : i32
      %broadcast_in_dim3A_47 = vector.broadcast %broadcast_in_dim3A : i32 to vector<16xi32>
      %add3A_48 = arith.constant 160 : i32
      %add3A_49 = arith.addi %mul3A_21, %add3A_48 : i32
      %broadcast_in_dim3A_50 = vector.broadcast %add3A_49 : i32 to vector<16xi32>
      %swap3A = arith.index_cast %scan3A_45 : i32 to index
      %swap3A_51 = tpu.vector_load %arg11[%swap3A] {strides = array<i32>} : memref<1616xi32, #tpu.memory_space<vmem>>, vector<16xi32>,
      tpu.vector_store %arg11[%swap3A], %broadcast_in_dim3A_47 {strides = array<i32>} : memref<1616xi32, #tpu.memory_space<vmem>>, vector<16xi32>,
      %swap3A_52 = arith.index_cast %scan3A_45 : i32 to index
      %swap3A_53 = tpu.vector_load %arg12[%swap3A_52] {strides = array<i32>} : memref<1616xi32, #tpu.memory_space<vmem>>, vector<16xi32>,
      tpu.vector_store %arg12[%swap3A_52], %broadcast_in_dim3A_50 {strides = array<i32>} : memref<1616xi32, #tpu.memory_space<vmem>>, vector<16xi32>,
      %swap3A_54 = arith.index_cast %scan3A_45 : i32 to index
      %swap3A_55 = tpu.vector_load %arg13[%swap3A_54] {strides = array<i32>} : memref<1616xi32, #tpu.memory_space<vmem>>, vector<16xi32>,
      tpu.vector_store %arg13[%swap3A_54], %broadcast_in_dim3A_47 {strides = array<i32>} : memref<1616xi32, #tpu.memory_space<vmem>>, vector<16xi32>,
      %add3A_56 = arith.constant 16 : i32
      %add3A_57 = arith.addi %scan3A_45, %add3A_56 : i32
      %sub3A = arith.constant 1 : i32
      %sub3A_58 = arith.subi %add3A_57, %sub3A : i32
      %jit3A = arith.constant 16 : i32
      %div3A = arith.divsi %sub3A_58, %jit3A : i32
      %sign3A = arith.constant 0 : i32
      %sign3A_59 = arith.cmpi sgt, %sub3A_58, %sign3A : i32
      %sign3A_60 = arith.extui %sign3A_59 : i1 to i32
      %sign3A_61 = arith.constant 0 : i32
      %sign3A_62 = arith.cmpi slt, %sub3A_58, %sign3A_61 : i32
      %sign3A_63 = arith.extui %sign3A_62 : i1 to i32
      %sign3A_64 = arith.subi %sign3A_60, %sign3A_63 : i32
      %sign3A_65 = arith.constant 0 : i32
      %sign3A_66 = arith.cmpi sgt, %jit3A, %sign3A_65 : i32
      %sign3A_67 = arith.extui %sign3A_66 : i1 to i32
      %sign3A_68 = arith.constant 0 : i32
      %sign3A_69 = arith.cmpi slt, %jit3A, %sign3A_68 : i32
      %sign3A_70 = arith.extui %sign3A_69 : i1 to i32
      %sign3A_71 = arith.subi %sign3A_67, %sign3A_70 : i32
      %ne3A = arith.cmpi ne, %sign3A_64, %sign3A_71 : i32
      %rem3A = arith.remsi %sub3A_58, %jit3A : i32
      %ne3A_72 = arith.constant 0 : i32
      %ne3A_73 = arith.cmpi ne, %rem3A, %ne3A_72 : i32
      %and3A = arith.andi %ne3A, %ne3A_73 : i1
      %sub3A_74 = arith.constant 1 : i32
      %sub3A_75 = arith.subi %div3A, %sub3A_74 : i32
      %select_n3A = arith.select %and3A, %sub3A_75, %div3A : i32
      %while3A = arith.constant 0 : i32
      %while3A_76 = arith.constant 0 : i32
      %while3A_77 = arith.subi %select_n3A, %while3A : i32
      %while3A_78 = arith.addi %while3A, %while3A_77 : i32
      %while3A_79 = arith.constant 1 : i32
      %while3A_80 = arith.divsi %while3A_77, %while3A_79 : i32
      %while3A_81 = arith.muli %while3A_80, %while3A_79 : i32
      %while3A_82 = arith.addi %while3A, %while3A_81 : i32
      %while3A_83 = arith.constant 1 : i32
      %while3A_84 = scf.for %while3A_88 = %while3A to %while3A_82 step %while3A_83 iter_args(%while3A_89 = %while3A_76) -> (i32)  : i32 {
        %mul3A_90 = arith.constant 16 : i32
        %mul3A_91 = arith.muli %while3A_88, %mul3A_90 : i32
        %get3A = arith.index_cast %mul3A_91 : i32 to index
        %get3A_92 = tpu.vector_load %arg11[%get3A] {strides = array<i32>} : memref<1616xi32, #tpu.memory_space<vmem>>, vector<16xi32>,
        %get3A_93 = arith.index_cast %mul3A_91 : i32 to index
        %get3A_94 = tpu.vector_load %arg12[%get3A_93] {strides = array<i32>} : memref<1616xi32, #tpu.memory_space<vmem>>, vector<16xi32>,
        %get3A_95 = arith.index_cast %mul3A_91 : i32 to index
        %get3A_96 = tpu.vector_load %arg13[%get3A_95] {strides = array<i32>} : memref<1616xi32, #tpu.memory_space<vmem>>, vector<16xi32>,
        %swap3A_97 = arith.constant 0 : index
        %swap3A_98 = tpu.vector_load %arg14[%swap3A_97] {strides = array<i32>} : memref<16xi32, #tpu.memory_space<vmem>>, vector<16xi32>,
        tpu.vector_store %arg14[%swap3A_97], %get3A_92 {strides = array<i32>} : memref<16xi32, #tpu.memory_space<vmem>>, vector<16xi32>,
        %swap3A_99 = arith.constant 0 : index
        %swap3A_100 = tpu.vector_load %arg15[%swap3A_99] {strides = array<i32>} : memref<16xi32, #tpu.memory_space<vmem>>, vector<16xi32>,
        tpu.vector_store %arg15[%swap3A_99], %get3A_94 {strides = array<i32>} : memref<16xi32, #tpu.memory_space<vmem>>, vector<16xi32>,
        %swap3A_101 = arith.constant 0 : index
        %swap3A_102 = tpu.vector_load %arg16[%swap3A_101] {strides = array<i32>} : memref<16xi32, #tpu.memory_space<vmem>>, vector<16xi32>,
        tpu.vector_store %arg16[%swap3A_101], %get3A_96 {strides = array<i32>} : memref<16xi32, #tpu.memory_space<vmem>>, vector<16xi32>,
        %sub3A_103 = vector.broadcast %mul3A_21 : i32 to vector<16xi32>
        %sub3A_104 = arith.subi %get3A_94, %sub3A_103 : vector<16xi32>
        %slice3A = vector.extract_strided_slice %sub3A_104 {offsets = [0], sizes = [1], strides = [1]} : vector<16xi32> to vector<1xi32>
        %squeeze3A = vector.extract %slice3A[0] : i32 from vector<1xi32>
        %swap3A_105 = arith.constant 0 : i32
        %swap3A_106 = arith.index_cast %swap3A_105 : i32 to index
        %swap3A_107 = memref.load %arg17[%swap3A_106] : memref<16xi32, #tpu.memory_space<smem>>
        memref.store %squeeze3A, %arg17[%swap3A_106] : memref<16xi32, #tpu.memory_space<smem>>
        %slice3A_108 = vector.extract_strided_slice %sub3A_104 {offsets = [1], sizes = [1], strides = [1]} : vector<16xi32> to vector<1xi32>
        %squeeze3A_109 = vector.extract %slice3A_108[0] : i32 from vector<1xi32>
        %swap3A_110 = arith.constant 1 : i32
        %swap3A_111 = arith.index_cast %swap3A_110 : i32 to index
        %swap3A_112 = memref.load %arg17[%swap3A_111] : memref<16xi32, #tpu.memory_space<smem>>
        memref.store %squeeze3A_109, %arg17[%swap3A_111] : memref<16xi32, #tpu.memory_space<smem>>
        %slice3A_113 = vector.extract_strided_slice %sub3A_104 {offsets = [2], sizes = [1], strides = [1]} : vector<16xi32> to vector<1xi32>
        %squeeze3A_114 = vector.extract %slice3A_113[0] : i32 from vector<1xi32>
        %swap3A_115 = arith.constant 2 : i32
        %swap3A_116 = arith.index_cast %swap3A_115 : i32 to index
        %swap3A_117 = memref.load %arg17[%swap3A_116] : memref<16xi32, #tpu.memory_space<smem>>
        memref.store %squeeze3A_114, %arg17[%swap3A_116] : memref<16xi32, #tpu.memory_space<smem>>
        %slice3A_118 = vector.extract_strided_slice %sub3A_104 {offsets = [3], sizes = [1], strides = [1]} : vector<16xi32> to vector<1xi32>
        %squeeze3A_119 = vector.extract %slice3A_118[0] : i32 from vector<1xi32>
        %swap3A_120 = arith.constant 3 : i32
        %swap3A_121 = arith.index_cast %swap3A_120 : i32 to index
        %swap3A_122 = memref.load %arg17[%swap3A_121] : memref<16xi32, #tpu.memory_space<smem>>
        memref.store %squeeze3A_119, %arg17[%swap3A_121] : memref<16xi32, #tpu.memory_space<smem>>
        %slice3A_123 = vector.extract_strided_slice %sub3A_104 {offsets = [4], sizes = [1], strides = [1]} : vector<16xi32> to vector<1xi32>
        %squeeze3A_124 = vector.extract %slice3A_123[0] : i32 from vector<1xi32>
        %swap3A_125 = arith.constant 4 : i32
        %swap3A_126 = arith.index_cast %swap3A_125 : i32 to index
        %swap3A_127 = memref.load %arg17[%swap3A_126] : memref<16xi32, #tpu.memory_space<smem>>
        memref.store %squeeze3A_124, %arg17[%swap3A_126] : memref<16xi32, #tpu.memory_space<smem>>
        %slice3A_128 = vector.extract_strided_slice %sub3A_104 {offsets = [5], sizes = [1], strides = [1]} : vector<16xi32> to vector<1xi32>
        %squeeze3A_129 = vector.extract %slice3A_128[0] : i32 from vector<1xi32>
        %swap3A_130 = arith.constant 5 : i32
        %swap3A_131 = arith.index_cast %swap3A_130 : i32 to index
        %swap3A_132 = memref.load %arg17[%swap3A_131] : memref<16xi32, #tpu.memory_space<smem>>
        memref.store %squeeze3A_129, %arg17[%swap3A_131] : memref<16xi32, #tpu.memory_space<smem>>
        %slice3A_133 = vector.extract_strided_slice %sub3A_104 {offsets = [6], sizes = [1], strides = [1]} : vector<16xi32> to vector<1xi32>
        %squeeze3A_134 = vector.extract %slice3A_133[0] : i32 from vector<1xi32>
        %swap3A_135 = arith.constant 6 : i32
        %swap3A_136 = arith.index_cast %swap3A_135 : i32 to index
        %swap3A_137 = memref.load %arg17[%swap3A_136] : memref<16xi32, #tpu.memory_space<smem>>
        memref.store %squeeze3A_134, %arg17[%swap3A_136] : memref<16xi32, #tpu.memory_space<smem>>
        %slice3A_138 = vector.extract_strided_slice %sub3A_104 {offsets = [7], sizes = [1], strides = [1]} : vector<16xi32> to vector<1xi32>
        %squeeze3A_139 = vector.extract %slice3A_138[0] : i32 from vector<1xi32>
        %swap3A_140 = arith.constant 7 : i32
        %swap3A_141 = arith.index_cast %swap3A_140 : i32 to index
        %swap3A_142 = memref.load %arg17[%swap3A_141] : memref<16xi32, #tpu.memory_space<smem>>
        memref.store %squeeze3A_139, %arg17[%swap3A_141] : memref<16xi32, #tpu.memory_space<smem>>
        %slice3A_143 = vector.extract_strided_slice %sub3A_104 {offsets = [8], sizes = [1], strides = [1]} : vector<16xi32> to vector<1xi32>
        %squeeze3A_144 = vector.extract %slice3A_143[0] : i32 from vector<1xi32>
        %swap3A_145 = arith.constant 8 : i32
        %swap3A_146 = arith.index_cast %swap3A_145 : i32 to index
        %swap3A_147 = memref.load %arg17[%swap3A_146] : memref<16xi32, #tpu.memory_space<smem>>
        memref.store %squeeze3A_144, %arg17[%swap3A_146] : memref<16xi32, #tpu.memory_space<smem>>
        %slice3A_148 = vector.extract_strided_slice %sub3A_104 {offsets = [9], sizes = [1], strides = [1]} : vector<16xi32> to vector<1xi32>
        %squeeze3A_149 = vector.extract %slice3A_148[0] : i32 from vector<1xi32>
        %swap3A_150 = arith.constant 9 : i32
        %swap3A_151 = arith.index_cast %swap3A_150 : i32 to index
        %swap3A_152 = memref.load %arg17[%swap3A_151] : memref<16xi32, #tpu.memory_space<smem>>
        memref.store %squeeze3A_149, %arg17[%swap3A_151] : memref<16xi32, #tpu.memory_space<smem>>
        %slice3A_153 = vector.extract_strided_slice %sub3A_104 {offsets = [10], sizes = [1], strides = [1]} : vector<16xi32> to vector<1xi32>
        %squeeze3A_154 = vector.extract %slice3A_153[0] : i32 from vector<1xi32>
        %swap3A_155 = arith.constant 10 : i32
        %swap3A_156 = arith.index_cast %swap3A_155 : i32 to index
        %swap3A_157 = memref.load %arg17[%swap3A_156] : memref<16xi32, #tpu.memory_space<smem>>
        memref.store %squeeze3A_154, %arg17[%swap3A_156] : memref<16xi32, #tpu.memory_space<smem>>
        %slice3A_158 = vector.extract_strided_slice %sub3A_104 {offsets = [11], sizes = [1], strides = [1]} : vector<16xi32> to vector<1xi32>
        %squeeze3A_159 = vector.extract %slice3A_158[0] : i32 from vector<1xi32>
        %swap3A_160 = arith.constant 11 : i32
        %swap3A_161 = arith.index_cast %swap3A_160 : i32 to index
        %swap3A_162 = memref.load %arg17[%swap3A_161] : memref<16xi32, #tpu.memory_space<smem>>
        memref.store %squeeze3A_159, %arg17[%swap3A_161] : memref<16xi32, #tpu.memory_space<smem>>
        %slice3A_163 = vector.extract_strided_slice %sub3A_104 {offsets = [12], sizes = [1], strides = [1]} : vector<16xi32> to vector<1xi32>
        %squeeze3A_164 = vector.extract %slice3A_163[0] : i32 from vector<1xi32>
        %swap3A_165 = arith.constant 12 : i32
        %swap3A_166 = arith.index_cast %swap3A_165 : i32 to index
        %swap3A_167 = memref.load %arg17[%swap3A_166] : memref<16xi32, #tpu.memory_space<smem>>
        memref.store %squeeze3A_164, %arg17[%swap3A_166] : memref<16xi32, #tpu.memory_space<smem>>
        %slice3A_168 = vector.extract_strided_slice %sub3A_104 {offsets = [13], sizes = [1], strides = [1]} : vector<16xi32> to vector<1xi32>
        %squeeze3A_169 = vector.extract %slice3A_168[0] : i32 from vector<1xi32>
        %swap3A_170 = arith.constant 13 : i32
        %swap3A_171 = arith.index_cast %swap3A_170 : i32 to index
        %swap3A_172 = memref.load %arg17[%swap3A_171] : memref<16xi32, #tpu.memory_space<smem>>
        memref.store %squeeze3A_169, %arg17[%swap3A_171] : memref<16xi32, #tpu.memory_space<smem>>
        %slice3A_173 = vector.extract_strided_slice %sub3A_104 {offsets = [14], sizes = [1], strides = [1]} : vector<16xi32> to vector<1xi32>
        %squeeze3A_174 = vector.extract %slice3A_173[0] : i32 from vector<1xi32>
        %swap3A_175 = arith.constant 14 : i32
        %swap3A_176 = arith.index_cast %swap3A_175 : i32 to index
        %swap3A_177 = memref.load %arg17[%swap3A_176] : memref<16xi32, #tpu.memory_space<smem>>
        memref.store %squeeze3A_174, %arg17[%swap3A_176] : memref<16xi32, #tpu.memory_space<smem>>
        %slice3A_178 = vector.extract_strided_slice %sub3A_104 {offsets = [15], sizes = [1], strides = [1]} : vector<16xi32> to vector<1xi32>
        %squeeze3A_179 = vector.extract %slice3A_178[0] : i32 from vector<1xi32>
        %swap3A_180 = arith.constant 15 : i32
        %swap3A_181 = arith.index_cast %swap3A_180 : i32 to index
        %swap3A_182 = memref.load %arg17[%swap3A_181] : memref<16xi32, #tpu.memory_space<smem>>
        memref.store %squeeze3A_179, %arg17[%swap3A_181] : memref<16xi32, #tpu.memory_space<smem>>
        %dma_start3A = arith.constant 0 : i32
        %dma_start3A_183 = arith.constant 0 : i32
        %dma_start3A_184 = tpu.memref_slice %arg4[%dma_start3A, %dma_start3A_183] : memref<160000x640xf32, #tpu.memory_space<hbm>> -> memref<160000x640xf32, #tpu.memory_space<hbm>>
        tpu.enqueue_indirect_dma source(%dma_start3A_184 : memref<160000x640xf32, #tpu.memory_space<hbm>>) target(%arg18 : memref<16x640xf32, #tpu.memory_space<vmem>>) offsets(%arg14 : memref<16xi32, #tpu.memory_space<vmem>>) semaphore(%arg22 : memref<!tpu.dma_semaphore, #tpu.memory_space<semaphore_mem>>)
        %dma_start3A_185 = arith.constant 0 : i32
        %dma_start3A_186 = arith.constant 0 : i32
        %dma_start3A_187 = tpu.memref_slice %arg5[%dma_start3A_185, %dma_start3A_186] : memref<10256x512xf32, #tpu.memory_space<hbm>> -> memref<10256x512xf32, #tpu.memory_space<hbm>>
        tpu.enqueue_indirect_dma source(%dma_start3A_187 : memref<10256x512xf32, #tpu.memory_space<hbm>>) target(%arg19 : memref<16x512xf32, #tpu.memory_space<vmem>>) offsets(%arg16 : memref<16xi32, #tpu.memory_space<vmem>>) semaphore(%arg22 : memref<!tpu.dma_semaphore, #tpu.memory_space<semaphore_mem>>)
        %dma_start3A_188 = arith.constant 0 : i32
        %dma_start3A_189 = arith.constant 0 : i32
        %dma_start3A_190 = tpu.memref_slice %arg6[%dma_start3A_188, %dma_start3A_189] : memref<10256x384xf32, #tpu.memory_space<hbm>> -> memref<10256x384xf32, #tpu.memory_space<hbm>>
        tpu.enqueue_indirect_dma source(%dma_start3A_190 : memref<10256x384xf32, #tpu.memory_space<hbm>>) target(%arg20 : memref<16x384xf32, #tpu.memory_space<vmem>>) offsets(%arg16 : memref<16xi32, #tpu.memory_space<vmem>>) semaphore(%arg22 : memref<!tpu.dma_semaphore, #tpu.memory_space<semaphore_mem>>)
        %dma_start3A_191 = arith.constant 0 : i32
        %dma_start3A_192 = arith.constant 0 : i32
        %dma_start3A_193 = tpu.memref_slice %arg6[%dma_start3A_191, %dma_start3A_192] : memref<10256x384xf32, #tpu.memory_space<hbm>> -> memref<10256x384xf32, #tpu.memory_space<hbm>>
        tpu.enqueue_indirect_dma source(%dma_start3A_193 : memref<10256x384xf32, #tpu.memory_space<hbm>>) target(%arg21 : memref<16x384xf32, #tpu.memory_space<vmem>>) offsets(%arg15 : memref<16xi32, #tpu.memory_space<vmem>>) semaphore(%arg22 : memref<!tpu.dma_semaphore, #tpu.memory_space<semaphore_mem>>)
        %dma_wait3A = arith.constant 0 : i32
        %dma_wait3A_194 = arith.constant 0 : i32
        %dma_wait3A_195 = tpu.memref_slice %arg4[%dma_wait3A, %dma_wait3A_194] : memref<160000x640xf32, #tpu.memory_space<hbm>> -> memref<160000x640xf32, #tpu.memory_space<hbm>>
        tpu.wait_indirect_dma semaphore(%arg22 : memref<!tpu.dma_semaphore, #tpu.memory_space<semaphore_mem>>) src(%dma_wait3A_195 : memref<160000x640xf32, #tpu.memory_space<hbm>>) dst(%arg18 : memref<16x640xf32, #tpu.memory_space<vmem>>)
        %dma_wait3A_196 = arith.constant 0 : i32
        %dma_wait3A_197 = arith.constant 0 : i32
        %dma_wait3A_198 = tpu.memref_slice %arg5[%dma_wait3A_196, %dma_wait3A_197] : memref<10256x512xf32, #tpu.memory_space<hbm>> -> memref<10256x512xf32, #tpu.memory_space<hbm>>
        tpu.wait_indirect_dma semaphore(%arg22 : memref<!tpu.dma_semaphore, #tpu.memory_space<semaphore_mem>>) src(%dma_wait3A_198 : memref<10256x512xf32, #tpu.memory_space<hbm>>) dst(%arg19 : memref<16x512xf32, #tpu.memory_space<vmem>>)
        %dma_wait3A_199 = arith.constant 0 : i32
        %dma_wait3A_200 = arith.constant 0 : i32
        %dma_wait3A_201 = tpu.memref_slice %arg6[%dma_wait3A_199, %dma_wait3A_200] : memref<10256x384xf32, #tpu.memory_space<hbm>> -> memref<10256x384xf32, #tpu.memory_space<hbm>>
        tpu.wait_indirect_dma semaphore(%arg22 : memref<!tpu.dma_semaphore, #tpu.memory_space<semaphore_mem>>) src(%dma_wait3A_201 : memref<10256x384xf32, #tpu.memory_space<hbm>>) dst(%arg20 : memref<16x384xf32, #tpu.memory_space<vmem>>)
        %dma_wait3A_202 = arith.constant 0 : i32
        %dma_wait3A_203 = arith.constant 0 : i32
        %dma_wait3A_204 = tpu.memref_slice %arg6[%dma_wait3A_202, %dma_wait3A_203] : memref<10256x384xf32, #tpu.memory_space<hbm>> -> memref<10256x384xf32, #tpu.memory_space<hbm>>
        tpu.wait_indirect_dma semaphore(%arg22 : memref<!tpu.dma_semaphore, #tpu.memory_space<semaphore_mem>>) src(%dma_wait3A_204 : memref<10256x384xf32, #tpu.memory_space<hbm>>) dst(%arg21 : memref<16x384xf32, #tpu.memory_space<vmem>>)
        %scan3A_205 = arith.constant 0 : i32
        %scan3A_206 = arith.constant 0 : i32
        %scan3A_207 = arith.constant 16 : i32
        %scan3A_208 = arith.addi %scan3A_206, %scan3A_207 : i32
        %scan3A_209 = arith.constant 1 : i32
        %scan3A_210 = scf.for %scan3A_213 = %scan3A_206 to %scan3A_208 step %scan3A_209 iter_args(%scan3A_214 = %scan3A_205) -> (i32)  : i32 {
          %get3A_215 = arith.index_cast %scan3A_213 : i32 to index
          %get3A_216 = memref.load %arg17[%get3A_215] : memref<16xi32, #tpu.memory_space<smem>>
          %get3A_217 = arith.index_cast %scan3A_213 : i32 to index
          %get3A_218 = arith.constant 512 : index
          %get3A_219 = tpu.vector_load %arg18[%get3A_217, %get3A_218] {strides = array<i32>} : memref<16x640xf32, #tpu.memory_space<vmem>>, vector<16xf32>,
          %slice3A_220 = vector.extract_strided_slice %get3A_219 {offsets = [0], sizes = [1], strides = [1]} : vector<16xf32> to vector<1xf32>
          %squeeze3A_221 = vector.extract %slice3A_220[0] : f32 from vector<1xf32>
          %slice3A_222 = vector.extract_strided_slice %get3A_219 {offsets = [1], sizes = [1], strides = [1]} : vector<16xf32> to vector<1xf32>
          %squeeze3A_223 = vector.extract %slice3A_222[0] : f32 from vector<1xf32>
          %slice3A_224 = vector.extract_strided_slice %get3A_219 {offsets = [2], sizes = [1], strides = [1]} : vector<16xf32> to vector<1xf32>
          %squeeze3A_225 = vector.extract %slice3A_224[0] : f32 from vector<1xf32>
          %get3A_226 = arith.index_cast %scan3A_213 : i32 to index
          %get3A_227 = arith.constant 0 : index
          %get3A_228 = tpu.vector_load %arg19[%get3A_226, %get3A_227] {strides = array<i32>} : memref<16x512xf32, #tpu.memory_space<vmem>>, vector<16xf32>,
          %get3A_229 = arith.index_cast %scan3A_213 : i32 to index
          %get3A_230 = arith.constant 0 : index
          %get3A_231 = tpu.vector_load %arg18[%get3A_229, %get3A_230] {strides = array<i32>} : memref<16x640xf32, #tpu.memory_space<vmem>>, vector<16xf32>,
          %mul3A_232 = arith.mulf %get3A_228, %get3A_231 : vector<16xf32>
          %get3A_233 = arith.index_cast %scan3A_213 : i32 to index
          %get3A_234 = arith.constant 128 : index
          %get3A_235 = tpu.vector_load %arg19[%get3A_233, %get3A_234] {strides = array<i32>} : memref<16x512xf32, #tpu.memory_space<vmem>>, vector<16xf32>,
          %get3A_236 = arith.index_cast %scan3A_213 : i32 to index
          %get3A_237 = arith.constant 128 : index
          %get3A_238 = tpu.vector_load %arg18[%get3A_236, %get3A_237] {strides = array<i32>} : memref<16x640xf32, #tpu.memory_space<vmem>>, vector<16xf32>,
          %mul3A_239 = arith.mulf %get3A_235, %get3A_238 : vector<16xf32>
          %get3A_240 = arith.index_cast %scan3A_213 : i32 to index
          %get3A_241 = arith.constant 256 : index
          %get3A_242 = tpu.vector_load %arg19[%get3A_240, %get3A_241] {strides = array<i32>} : memref<16x512xf32, #tpu.memory_space<vmem>>, vector<16xf32>,
          %get3A_243 = arith.index_cast %scan3A_213 : i32 to index
          %get3A_244 = arith.constant 256 : index
          %get3A_245 = tpu.vector_load %arg18[%get3A_243, %get3A_244] {strides = array<i32>} : memref<16x640xf32, #tpu.memory_space<vmem>>, vector<16xf32>,
          %mul3A_246 = arith.mulf %get3A_242, %get3A_245 : vector<16xf32>
          %get3A_247 = arith.index_cast %scan3A_213 : i32 to index
          %get3A_248 = arith.constant 384 : index
          %get3A_249 = tpu.vector_load %arg19[%get3A_247, %get3A_248] {strides = array<i32>} : memref<16x512xf32, #tpu.memory_space<vmem>>, vector<16xf32>,
          %get3A_250 = arith.index_cast %scan3A_213 : i32 to index
          %get3A_251 = arith.constant 384 : index
          %get3A_252 = tpu.vector_load %arg18[%get3A_250, %get3A_251] {strides = array<i32>} : memref<16x640xf32, #tpu.memory_space<vmem>>, vector<16xf32>,
          %mul3A_253 = arith.mulf %get3A_249, %get3A_252 : vector<16xf32>
          %get3A_254 = arith.index_cast %scan3A_213 : i32 to index
          %get3A_255 = arith.constant 0 : index
          %get3A_256 = tpu.vector_load %arg20[%get3A_254, %get3A_255] {strides = array<i32>} : memref<16x384xf32, #tpu.memory_space<vmem>>, vector<16xf32>,
          %get3A_257 = arith.index_cast %scan3A_213 : i32 to index
          %get3A_258 = arith.constant 128 : index
          %get3A_259 = tpu.vector_load %arg20[%get3A_257, %get3A_258] {strides = array<i32>} : memref<16x384xf32, #tpu.memory_space<vmem>>, vector<16xf32>,
          %get3A_260 = arith.index_cast %scan3A_213 : i32 to index
          %get3A_261 = arith.constant 256 : index
          %get3A_262 = tpu.vector_load %arg20[%get3A_260, %get3A_261] {strides = array<i32>} : memref<16x384xf32, #tpu.memory_space<vmem>>, vector<16xf32>,
          %get3A_263 = arith.index_cast %scan3A_213 : i32 to index
          %get3A_264 = arith.constant 0 : index
          %get3A_265 = tpu.vector_load %arg21[%get3A_263, %get3A_264] {strides = array<i32>} : memref<16x384xf32, #tpu.memory_space<vmem>>, vector<16xf32>,
          %get3A_266 = arith.index_cast %scan3A_213 : i32 to index
          %get3A_267 = arith.constant 128 : index
          %get3A_268 = tpu.vector_load %arg21[%get3A_266, %get3A_267] {strides = array<i32>} : memref<16x384xf32, #tpu.memory_space<vmem>>, vector<16xf32>,
          %get3A_269 = arith.index_cast %scan3A_213 : i32 to index
          %get3A_270 = arith.constant 256 : index
          %get3A_271 = tpu.vector_load %arg21[%get3A_269, %get3A_270] {strides = array<i32>} : memref<16x384xf32, #tpu.memory_space<vmem>>, vector<16xf32>,
          %mul3A_272 = arith.mulf %get3A_268, %get3A_262 : vector<16xf32>
          %mul3A_273 = arith.mulf %get3A_271, %get3A_259 : vector<16xf32>
          %sub3A_274 = arith.subf %mul3A_272, %mul3A_273 : vector<16xf32>
          %mul3A_275 = arith.mulf %get3A_271, %get3A_256 : vector<16xf32>
          %mul3A_276 = arith.mulf %get3A_265, %get3A_262 : vector<16xf32>
          %sub3A_277 = arith.subf %mul3A_275, %mul3A_276 : vector<16xf32>
          %mul3A_278 = arith.mulf %get3A_265, %get3A_259 : vector<16xf32>
          %mul3A_279 = arith.mulf %get3A_268, %get3A_256 : vector<16xf32>
          %sub3A_280 = arith.subf %mul3A_278, %mul3A_279 : vector<16xf32>
          %get3A_281 = arith.index_cast %get3A_216 : i32 to index
          %get3A_282 = arith.constant 0 : index
          %get3A_283 = tpu.vector_load %arg8[%get3A_281, %get3A_282] {strides = array<i32>} : memref<161x512xf32, #tpu.memory_space<vmem>>, vector<16xf32>,
          %mul3A_284 = vector.broadcast %squeeze3A_221 : f32 to vector<16xf32>
          %mul3A_285 = arith.mulf %mul3A_246, %mul3A_284 : vector<16xf32>
          %mul3A_286 = arith.mulf %mul3A_232, %get3A_256 : vector<16xf32>
          %add3A_287 = arith.addf %mul3A_285, %mul3A_286 : vector<16xf32>
          %mul3A_288 = arith.mulf %mul3A_253, %sub3A_274 : vector<16xf32>
          %add3A_289 = arith.addf %add3A_287, %mul3A_288 : vector<16xf32>
          %add3A_290 = arith.addf %get3A_283, %add3A_289 : vector<16xf32>
          %swap3A_291 = arith.index_cast %get3A_216 : i32 to index
          %swap3A_292 = arith.constant 0 : index
          %swap3A_293 = tpu.vector_load %arg8[%swap3A_291, %swap3A_292] {strides = array<i32>} : memref<161x512xf32, #tpu.memory_space<vmem>>, vector<16xf32>,
          tpu.vector_store %arg8[%swap3A_291, %swap3A_292], %add3A_290 {strides = array<i32>} : memref<161x512xf32, #tpu.memory_space<vmem>>, vector<16xf32>,
          %get3A_294 = arith.index_cast %get3A_216 : i32 to index
          %get3A_295 = arith.constant 128 : index
          %get3A_296 = tpu.vector_load %arg8[%get3A_294, %get3A_295] {strides = array<i32>} : memref<161x512xf32, #tpu.memory_space<vmem>>, vector<16xf32>,
          %mul3A_297 = vector.broadcast %squeeze3A_223 : f32 to vector<16xf32>
          %mul3A_298 = arith.mulf %mul3A_246, %mul3A_297 : vector<16xf32>
          %mul3A_299 = arith.mulf %mul3A_232, %get3A_259 : vector<16xf32>
          %add3A_300 = arith.addf %mul3A_298, %mul3A_299 : vector<16xf32>
          %mul3A_301 = arith.mulf %mul3A_253, %sub3A_277 : vector<16xf32>
          %add3A_302 = arith.addf %add3A_300, %mul3A_301 : vector<16xf32>
          %add3A_303 = arith.addf %get3A_296, %add3A_302 : vector<16xf32>
          %swap3A_304 = arith.index_cast %get3A_216 : i32 to index
          %swap3A_305 = arith.constant 128 : index
          %swap3A_306 = tpu.vector_load %arg8[%swap3A_304, %swap3A_305] {strides = array<i32>} : memref<161x512xf32, #tpu.memory_space<vmem>>, vector<16xf32>,
          tpu.vector_store %arg8[%swap3A_304, %swap3A_305], %add3A_303 {strides = array<i32>} : memref<161x512xf32, #tpu.memory_space<vmem>>, vector<16xf32>,
          %get3A_307 = arith.index_cast %get3A_216 : i32 to index
          %get3A_308 = arith.constant 256 : index
          %get3A_309 = tpu.vector_load %arg8[%get3A_307, %get3A_308] {strides = array<i32>} : memref<161x512xf32, #tpu.memory_space<vmem>>, vector<16xf32>,
          %mul3A_310 = vector.broadcast %squeeze3A_225 : f32 to vector<16xf32>
          %mul3A_311 = arith.mulf %mul3A_246, %mul3A_310 : vector<16xf32>
          %mul3A_312 = arith.mulf %mul3A_232, %get3A_262 : vector<16xf32>
          %add3A_313 = arith.addf %mul3A_311, %mul3A_312 : vector<16xf32>
          %mul3A_314 = arith.mulf %mul3A_253, %sub3A_280 : vector<16xf32>
          %add3A_315 = arith.addf %add3A_313, %mul3A_314 : vector<16xf32>
          %add3A_316 = arith.addf %get3A_309, %add3A_315 : vector<16xf32>
          %swap3A_317 = arith.index_cast %get3A_216 : i32 to index
          %swap3A_318 = arith.constant 256 : index
          %swap3A_319 = tpu.vector_load %arg8[%swap3A_317, %swap3A_318] {strides = array<i32>} : memref<161x512xf32, #tpu.memory_space<vmem>>, vector<16xf32>,
          tpu.vector_store %arg8[%swap3A_317, %swap3A_318], %add3A_316 {strides = array<i32>} : memref<161x512xf32, #tpu.memory_space<vmem>>, vector<16xf32>,
          %get3A_320 = arith.index_cast %get3A_216 : i32 to index
          %get3A_321 = arith.constant 384 : index
          %get3A_322 = tpu.vector_load %arg8[%get3A_320, %get3A_321] {strides = array<i32>} : memref<161x512xf32, #tpu.memory_space<vmem>>, vector<16xf32>,
          %add3A_323 = arith.addf %get3A_322, %mul3A_239 : vector<16xf32>
          %swap3A_324 = arith.index_cast %get3A_216 : i32 to index
          %swap3A_325 = arith.constant 384 : index
          %swap3A_326 = tpu.vector_load %arg8[%swap3A_324, %swap3A_325] {strides = array<i32>} : memref<161x512xf32, #tpu.memory_space<vmem>>, vector<16xf32>,
          tpu.vector_store %arg8[%swap3A_324, %swap3A_325], %add3A_323 {strides = array<i32>} : memref<161x512xf32, #tpu.memory_space<vmem>>, vector<16xf32>,
          %get3A_327 = arith.index_cast %scan3A_213 : i32 to index
          %get3A_328 = arith.constant 16 : index
          %get3A_329 = tpu.vector_load %arg19[%get3A_327, %get3A_328] {strides = array<i32>} : memref<16x512xf32, #tpu.memory_space<vmem>>, vector<16xf32>,
          %get3A_330 = arith.index_cast %scan3A_213 : i32 to index
          %get3A_331 = arith.constant 16 : index
          %get3A_332 = tpu.vector_load %arg18[%get3A_330, %get3A_331] {strides = array<i32>} : memref<16x640xf32, #tpu.memory_space<vmem>>, vector<16xf32>,
          %mul3A_333 = arith.mulf %get3A_329, %get3A_332 : vector<16xf32>
          %get3A_334 = arith.index_cast %scan3A_213 : i32 to index
          %get3A_335 = arith.constant 144 : index
          %get3A_336 = tpu.vector_load %arg19[%get3A_334, %get3A_335] {strides = array<i32>} : memref<16x512xf32, #tpu.memory_space<vmem>>, vector<16xf32>,
          %get3A_337 = arith.index_cast %scan3A_213 : i32 to index
          %get3A_338 = arith.constant 144 : index
          %get3A_339 = tpu.vector_load %arg18[%get3A_337, %get3A_338] {strides = array<i32>} : memref<16x640xf32, #tpu.memory_space<vmem>>, vector<16xf32>,
          %mul3A_340 = arith.mulf %get3A_336, %get3A_339 : vector<16xf32>
          %get3A_341 = arith.index_cast %scan3A_213 : i32 to index
          %get3A_342 = arith.constant 272 : index
          %get3A_343 = tpu.vector_load %arg19[%get3A_341, %get3A_342] {strides = array<i32>} : memref<16x512xf32, #tpu.memory_space<vmem>>, vector<16xf32>,
          %get3A_344 = arith.index_cast %scan3A_213 : i32 to index
          %get3A_345 = arith.constant 272 : index
          %get3A_346 = tpu.vector_load %arg18[%get3A_344, %get3A_345] {strides = array<i32>} : memref<16x640xf32, #tpu.memory_space<vmem>>, vector<16xf32>,
          %mul3A_347 = arith.mulf %get3A_343, %get3A_346 : vector<16xf32>
          %get3A_348 = arith.index_cast %scan3A_213 : i32 to index
          %get3A_349 = arith.constant 400 : index
          %get3A_350 = tpu.vector_load %arg19[%get3A_348, %get3A_349] {strides = array<i32>} : memref<16x512xf32, #tpu.memory_space<vmem>>, vector<16xf32>,
          %get3A_351 = arith.index_cast %scan3A_213 : i32 to index
          %get3A_352 = arith.constant 400 : index
          %get3A_353 = tpu.vector_load %arg18[%get3A_351, %get3A_352] {strides = array<i32>} : memref<16x640xf32, #tpu.memory_space<vmem>>, vector<16xf32>,
          %mul3A_354 = arith.mulf %get3A_350, %get3A_353 : vector<16xf32>
          %get3A_355 = arith.index_cast %scan3A_213 : i32 to index
          %get3A_356 = arith.constant 16 : index
          %get3A_357 = tpu.vector_load %arg20[%get3A_355, %get3A_356] {strides = array<i32>} : memref<16x384xf32, #tpu.memory_space<vmem>>, vector<16xf32>,
          %get3A_358 = arith.index_cast %scan3A_213 : i32 to index
          %get3A_359 = arith.constant 144 : index
          %get3A_360 = tpu.vector_load %arg20[%get3A_358, %get3A_359] {strides = array<i32>} : memref<16x384xf32, #tpu.memory_space<vmem>>, vector<16xf32>,
          %get3A_361 = arith.index_cast %scan3A_213 : i32 to index
          %get3A_362 = arith.constant 272 : index
          %get3A_363 = tpu.vector_load %arg20[%get3A_361, %get3A_362] {strides = array<i32>} : memref<16x384xf32, #tpu.memory_space<vmem>>, vector<16xf32>,
          %get3A_364 = arith.index_cast %scan3A_213 : i32 to index
          %get3A_365 = arith.constant 16 : index
          %get3A_366 = tpu.vector_load %arg21[%get3A_364, %get3A_365] {strides = array<i32>} : memref<16x384xf32, #tpu.memory_space<vmem>>, vector<16xf32>,
          %get3A_367 = arith.index_cast %scan3A_213 : i32 to index
          %get3A_368 = arith.constant 144 : index
          %get3A_369 = tpu.vector_load %arg21[%get3A_367, %get3A_368] {strides = array<i32>} : memref<16x384xf32, #tpu.memory_space<vmem>>, vector<16xf32>,
          %get3A_370 = arith.index_cast %scan3A_213 : i32 to index
          %get3A_371 = arith.constant 272 : index
          %get3A_372 = tpu.vector_load %arg21[%get3A_370, %get3A_371] {strides = array<i32>} : memref<16x384xf32, #tpu.memory_space<vmem>>, vector<16xf32>,
          %mul3A_373 = arith.mulf %get3A_369, %get3A_363 : vector<16xf32>
          %mul3A_374 = arith.mulf %get3A_372, %get3A_360 : vector<16xf32>
          %sub3A_375 = arith.subf %mul3A_373, %mul3A_374 : vector<16xf32>
          %mul3A_376 = arith.mulf %get3A_372, %get3A_357 : vector<16xf32>
          %mul3A_377 = arith.mulf %get3A_366, %get3A_363 : vector<16xf32>
          %sub3A_378 = arith.subf %mul3A_376, %mul3A_377 : vector<16xf32>
          %mul3A_379 = arith.mulf %get3A_366, %get3A_360 : vector<16xf32>
          %mul3A_380 = arith.mulf %get3A_369, %get3A_357 : vector<16xf32>
          %sub3A_381 = arith.subf %mul3A_379, %mul3A_380 : vector<16xf32>
          %get3A_382 = arith.index_cast %get3A_216 : i32 to index
          %get3A_383 = arith.constant 16 : index
          %get3A_384 = tpu.vector_load %arg8[%get3A_382, %get3A_383] {strides = array<i32>} : memref<161x512xf32, #tpu.memory_space<vmem>>, vector<16xf32>,
          %mul3A_385 = vector.broadcast %squeeze3A_221 : f32 to vector<16xf32>
          %mul3A_386 = arith.mulf %mul3A_347, %mul3A_385 : vector<16xf32>
          %mul3A_387 = arith.mulf %mul3A_333, %get3A_357 : vector<16xf32>
          %add3A_388 = arith.addf %mul3A_386, %mul3A_387 : vector<16xf32>
          %mul3A_389 = arith.mulf %mul3A_354, %sub3A_375 : vector<16xf32>
          %add3A_390 = arith.addf %add3A_388, %mul3A_389 : vector<16xf32>
          %add3A_391 = arith.addf %get3A_384, %add3A_390 : vector<16xf32>
          %swap3A_392 = arith.index_cast %get3A_216 : i32 to index
          %swap3A_393 = arith.constant 16 : index
          %swap3A_394 = tpu.vector_load %arg8[%swap3A_392, %swap3A_393] {strides = array<i32>} : memref<161x512xf32, #tpu.memory_space<vmem>>, vector<16xf32>,
          tpu.vector_store %arg8[%swap3A_392, %swap3A_393], %add3A_391 {strides = array<i32>} : memref<161x512xf32, #tpu.memory_space<vmem>>, vector<16xf32>,
          %get3A_395 = arith.index_cast %get3A_216 : i32 to index
          %get3A_396 = arith.constant 144 : index
          %get3A_397 = tpu.vector_load %arg8[%get3A_395, %get3A_396] {strides = array<i32>} : memref<161x512xf32, #tpu.memory_space<vmem>>, vector<16xf32>,
          %mul3A_398 = vector.broadcast %squeeze3A_223 : f32 to vector<16xf32>
          %mul3A_399 = arith.mulf %mul3A_347, %mul3A_398 : vector<16xf32>
          %mul3A_400 = arith.mulf %mul3A_333, %get3A_360 : vector<16xf32>
          %add3A_401 = arith.addf %mul3A_399, %mul3A_400 : vector<16xf32>
          %mul3A_402 = arith.mulf %mul3A_354, %sub3A_378 : vector<16xf32>
          %add3A_403 = arith.addf %add3A_401, %mul3A_402 : vector<16xf32>
          %add3A_404 = arith.addf %get3A_397, %add3A_403 : vector<16xf32>
          %swap3A_405 = arith.index_cast %get3A_216 : i32 to index
          %swap3A_406 = arith.constant 144 : index
          %swap3A_407 = tpu.vector_load %arg8[%swap3A_405, %swap3A_406] {strides = array<i32>} : memref<161x512xf32, #tpu.memory_space<vmem>>, vector<16xf32>,
          tpu.vector_store %arg8[%swap3A_405, %swap3A_406], %add3A_404 {strides = array<i32>} : memref<161x512xf32, #tpu.memory_space<vmem>>, vector<16xf32>,
          %get3A_408 = arith.index_cast %get3A_216 : i32 to index
          %get3A_409 = arith.constant 272 : index
          %get3A_410 = tpu.vector_load %arg8[%get3A_408, %get3A_409] {strides = array<i32>} : memref<161x512xf32, #tpu.memory_space<vmem>>, vector<16xf32>,
          %mul3A_411 = vector.broadcast %squeeze3A_225 : f32 to vector<16xf32>
          %mul3A_412 = arith.mulf %mul3A_347, %mul3A_411 : vector<16xf32>
          %mul3A_413 = arith.mulf %mul3A_333, %get3A_363 : vector<16xf32>
          %add3A_414 = arith.addf %mul3A_412, %mul3A_413 : vector<16xf32>
          %mul3A_415 = arith.mulf %mul3A_354, %sub3A_381 : vector<16xf32>
          %add3A_416 = arith.addf %add3A_414, %mul3A_415 : vector<16xf32>
          %add3A_417 = arith.addf %get3A_410, %add3A_416 : vector<16xf32>
          %swap3A_418 = arith.index_cast %get3A_216 : i32 to index
          %swap3A_419 = arith.constant 272 : index
          %swap3A_420 = tpu.vector_load %arg8[%swap3A_418, %swap3A_419] {strides = array<i32>} : memref<161x512xf32, #tpu.memory_space<vmem>>, vector<16xf32>,
          tpu.vector_store %arg8[%swap3A_418, %swap3A_419], %add3A_417 {strides = array<i32>} : memref<161x512xf32, #tpu.memory_space<vmem>>, vector<16xf32>,
          %get3A_421 = arith.index_cast %get3A_216 : i32 to index
          %get3A_422 = arith.constant 400 : index
          %get3A_423 = tpu.vector_load %arg8[%get3A_421, %get3A_422] {strides = array<i32>} : memref<161x512xf32, #tpu.memory_space<vmem>>, vector<16xf32>,
          %add3A_424 = arith.addf %get3A_423, %mul3A_340 : vector<16xf32>
          %swap3A_425 = arith.index_cast %get3A_216 : i32 to index
          %swap3A_426 = arith.constant 400 : index
          %swap3A_427 = tpu.vector_load %arg8[%swap3A_425, %swap3A_426] {strides = array<i32>} : memref<161x512xf32, #tpu.memory_space<vmem>>, vector<16xf32>,
          tpu.vector_store %arg8[%swap3A_425, %swap3A_426], %add3A_424 {strides = array<i32>} : memref<161x512xf32, #tpu.memory_space<vmem>>, vector<16xf32>,
          %get3A_428 = arith.index_cast %scan3A_213 : i32 to index
          %get3A_429 = arith.constant 32 : index
          %get3A_430 = tpu.vector_load %arg19[%get3A_428, %get3A_429] {strides = array<i32>} : memref<16x512xf32, #tpu.memory_space<vmem>>, vector<16xf32>,
          %get3A_431 = arith.index_cast %scan3A_213 : i32 to index
          %get3A_432 = arith.constant 32 : index
          %get3A_433 = tpu.vector_load %arg18[%get3A_431, %get3A_432] {strides = array<i32>} : memref<16x640xf32, #tpu.memory_space<vmem>>, vector<16xf32>,
          %mul3A_434 = arith.mulf %get3A_430, %get3A_433 : vector<16xf32>
          %get3A_435 = arith.index_cast %scan3A_213 : i32 to index
          %get3A_436 = arith.constant 160 : index
          %get3A_437 = tpu.vector_load %arg19[%get3A_435, %get3A_436] {strides = array<i32>} : memref<16x512xf32, #tpu.memory_space<vmem>>, vector<16xf32>,
          %get3A_438 = arith.index_cast %scan3A_213 : i32 to index
          %get3A_439 = arith.constant 160 : index
          %get3A_440 = tpu.vector_load %arg18[%get3A_438, %get3A_439] {strides = array<i32>} : memref<16x640xf32, #tpu.memory_space<vmem>>, vector<16xf32>,
          %mul3A_441 = arith.mulf %get3A_437, %get3A_440 : vector<16xf32>
          %get3A_442 = arith.index_cast %scan3A_213 : i32 to index
          %get3A_443 = arith.constant 288 : index
          %get3A_444 = tpu.vector_load %arg19[%get3A_442, %get3A_443] {strides = array<i32>} : memref<16x512xf32, #tpu.memory_space<vmem>>, vector<16xf32>,
          %get3A_445 = arith.index_cast %scan3A_213 : i32 to index
          %get3A_446 = arith.constant 288 : index
          %get3A_447 = tpu.vector_load %arg18[%get3A_445, %get3A_446] {strides = array<i32>} : memref<16x640xf32, #tpu.memory_space<vmem>>, vector<16xf32>,
          %mul3A_448 = arith.mulf %get3A_444, %get3A_447 : vector<16xf32>
          %get3A_449 = arith.index_cast %scan3A_213 : i32 to index
          %get3A_450 = arith.constant 416 : index
          %get3A_451 = tpu.vector_load %arg19[%get3A_449, %get3A_450] {strides = array<i32>} : memref<16x512xf32, #tpu.memory_space<vmem>>, vector<16xf32>,
          %get3A_452 = arith.index_cast %scan3A_213 : i32 to index
          %get3A_453 = arith.constant 416 : index
          %get3A_454 = tpu.vector_load %arg18[%get3A_452, %get3A_453] {strides = array<i32>} : memref<16x640xf32, #tpu.memory_space<vmem>>, vector<16xf32>,
          %mul3A_455 = arith.mulf %get3A_451, %get3A_454 : vector<16xf32>
          %get3A_456 = arith.index_cast %scan3A_213 : i32 to index
          %get3A_457 = arith.constant 32 : index
          %get3A_458 = tpu.vector_load %arg20[%get3A_456, %get3A_457] {strides = array<i32>} : memref<16x384xf32, #tpu.memory_space<vmem>>, vector<16xf32>,
          %get3A_459 = arith.index_cast %scan3A_213 : i32 to index
          %get3A_460 = arith.constant 160 : index
          %get3A_461 = tpu.vector_load %arg20[%get3A_459, %get3A_460] {strides = array<i32>} : memref<16x384xf32, #tpu.memory_space<vmem>>, vector<16xf32>,
          %get3A_462 = arith.index_cast %scan3A_213 : i32 to index
          %get3A_463 = arith.constant 288 : index
          %get3A_464 = tpu.vector_load %arg20[%get3A_462, %get3A_463] {strides = array<i32>} : memref<16x384xf32, #tpu.memory_space<vmem>>, vector<16xf32>,
          %get3A_465 = arith.index_cast %scan3A_213 : i32 to index
          %get3A_466 = arith.constant 32 : index
          %get3A_467 = tpu.vector_load %arg21[%get3A_465, %get3A_466] {strides = array<i32>} : memref<16x384xf32, #tpu.memory_space<vmem>>, vector<16xf32>,
          %get3A_468 = arith.index_cast %scan3A_213 : i32 to index
          %get3A_469 = arith.constant 160 : index
          %get3A_470 = tpu.vector_load %arg21[%get3A_468, %get3A_469] {strides = array<i32>} : memref<16x384xf32, #tpu.memory_space<vmem>>, vector<16xf32>,
          %get3A_471 = arith.index_cast %scan3A_213 : i32 to index
          %get3A_472 = arith.constant 288 : index
          %get3A_473 = tpu.vector_load %arg21[%get3A_471, %get3A_472] {strides = array<i32>} : memref<16x384xf32, #tpu.memory_space<vmem>>, vector<16xf32>,
          %mul3A_474 = arith.mulf %get3A_470, %get3A_464 : vector<16xf32>
          %mul3A_475 = arith.mulf %get3A_473, %get3A_461 : vector<16xf32>
          %sub3A_476 = arith.subf %mul3A_474, %mul3A_475 : vector<16xf32>
          %mul3A_477 = arith.mulf %get3A_473, %get3A_458 : vector<16xf32>
          %mul3A_478 = arith.mulf %get3A_467, %get3A_464 : vector<16xf32>
          %sub3A_479 = arith.subf %mul3A_477, %mul3A_478 : vector<16xf32>
          %mul3A_480 = arith.mulf %get3A_467, %get3A_461 : vector<16xf32>
          %mul3A_481 = arith.mulf %get3A_470, %get3A_458 : vector<16xf32>
          %sub3A_482 = arith.subf %mul3A_480, %mul3A_481 : vector<16xf32>
          %get3A_483 = arith.index_cast %get3A_216 : i32 to index
          %get3A_484 = arith.constant 32 : index
          %get3A_485 = tpu.vector_load %arg8[%get3A_483, %get3A_484] {strides = array<i32>} : memref<161x512xf32, #tpu.memory_space<vmem>>, vector<16xf32>,
          %mul3A_486 = vector.broadcast %squeeze3A_221 : f32 to vector<16xf32>
          %mul3A_487 = arith.mulf %mul3A_448, %mul3A_486 : vector<16xf32>
          %mul3A_488 = arith.mulf %mul3A_434, %get3A_458 : vector<16xf32>
          %add3A_489 = arith.addf %mul3A_487, %mul3A_488 : vector<16xf32>
          %mul3A_490 = arith.mulf %mul3A_455, %sub3A_476 : vector<16xf32>
          %add3A_491 = arith.addf %add3A_489, %mul3A_490 : vector<16xf32>
          %add3A_492 = arith.addf %get3A_485, %add3A_491 : vector<16xf32>
          %swap3A_493 = arith.index_cast %get3A_216 : i32 to index
          %swap3A_494 = arith.constant 32 : index
          %swap3A_495 = tpu.vector_load %arg8[%swap3A_493, %swap3A_494] {strides = array<i32>} : memref<161x512xf32, #tpu.memory_space<vmem>>, vector<16xf32>,
          tpu.vector_store %arg8[%swap3A_493, %swap3A_494], %add3A_492 {strides = array<i32>} : memref<161x512xf32, #tpu.memory_space<vmem>>, vector<16xf32>,
          %get3A_496 = arith.index_cast %get3A_216 : i32 to index
          %get3A_497 = arith.constant 160 : index
          %get3A_498 = tpu.vector_load %arg8[%get3A_496, %get3A_497] {strides = array<i32>} : memref<161x512xf32, #tpu.memory_space<vmem>>, vector<16xf32>,
          %mul3A_499 = vector.broadcast %squeeze3A_223 : f32 to vector<16xf32>
          %mul3A_500 = arith.mulf %mul3A_448, %mul3A_499 : vector<16xf32>
          %mul3A_501 = arith.mulf %mul3A_434, %get3A_461 : vector<16xf32>
          %add3A_502 = arith.addf %mul3A_500, %mul3A_501 : vector<16xf32>
          %mul3A_503 = arith.mulf %mul3A_455, %sub3A_479 : vector<16xf32>
          %add3A_504 = arith.addf %add3A_502, %mul3A_503 : vector<16xf32>
          %add3A_505 = arith.addf %get3A_498, %add3A_504 : vector<16xf32>
          %swap3A_506 = arith.index_cast %get3A_216 : i32 to index
          %swap3A_507 = arith.constant 160 : index
          %swap3A_508 = tpu.vector_load %arg8[%swap3A_506, %swap3A_507] {strides = array<i32>} : memref<161x512xf32, #tpu.memory_space<vmem>>, vector<16xf32>,
          tpu.vector_store %arg8[%swap3A_506, %swap3A_507], %add3A_505 {strides = array<i32>} : memref<161x512xf32, #tpu.memory_space<vmem>>, vector<16xf32>,
          %get3A_509 = arith.index_cast %get3A_216 : i32 to index
          %get3A_510 = arith.constant 288 : index
          %get3A_511 = tpu.vector_load %arg8[%get3A_509, %get3A_510] {strides = array<i32>} : memref<161x512xf32, #tpu.memory_space<vmem>>, vector<16xf32>,
          %mul3A_512 = vector.broadcast %squeeze3A_225 : f32 to vector<16xf32>
          %mul3A_513 = arith.mulf %mul3A_448, %mul3A_512 : vector<16xf32>
          %mul3A_514 = arith.mulf %mul3A_434, %get3A_464 : vector<16xf32>
          %add3A_515 = arith.addf %mul3A_513, %mul3A_514 : vector<16xf32>
          %mul3A_516 = arith.mulf %mul3A_455, %sub3A_482 : vector<16xf32>
          %add3A_517 = arith.addf %add3A_515, %mul3A_516 : vector<16xf32>
          %add3A_518 = arith.addf %get3A_511, %add3A_517 : vector<16xf32>
          %swap3A_519 = arith.index_cast %get3A_216 : i32 to index
          %swap3A_520 = arith.constant 288 : index
          %swap3A_521 = tpu.vector_load %arg8[%swap3A_519, %swap3A_520] {strides = array<i32>} : memref<161x512xf32, #tpu.memory_space<vmem>>, vector<16xf32>,
          tpu.vector_store %arg8[%swap3A_519, %swap3A_520], %add3A_518 {strides = array<i32>} : memref<161x512xf32, #tpu.memory_space<vmem>>, vector<16xf32>,
          %get3A_522 = arith.index_cast %get3A_216 : i32 to index
          %get3A_523 = arith.constant 416 : index
          %get3A_524 = tpu.vector_load %arg8[%get3A_522, %get3A_523] {strides = array<i32>} : memref<161x512xf32, #tpu.memory_space<vmem>>, vector<16xf32>,
          %add3A_525 = arith.addf %get3A_524, %mul3A_441 : vector<16xf32>
          %swap3A_526 = arith.index_cast %get3A_216 : i32 to index
          %swap3A_527 = arith.constant 416 : index
          %swap3A_528 = tpu.vector_load %arg8[%swap3A_526, %swap3A_527] {strides = array<i32>} : memref<161x512xf32, #tpu.memory_space<vmem>>, vector<16xf32>,
          tpu.vector_store %arg8[%swap3A_526, %swap3A_527], %add3A_525 {strides = array<i32>} : memref<161x512xf32, #tpu.memory_space<vmem>>, vector<16xf32>,
          %get3A_529 = arith.index_cast %scan3A_213 : i32 to index
          %get3A_530 = arith.constant 48 : index
          %get3A_531 = tpu.vector_load %arg19[%get3A_529, %get3A_530] {strides = array<i32>} : memref<16x512xf32, #tpu.memory_space<vmem>>, vector<16xf32>,
          %get3A_532 = arith.index_cast %scan3A_213 : i32 to index
          %get3A_533 = arith.constant 48 : index
          %get3A_534 = tpu.vector_load %arg18[%get3A_532, %get3A_533] {strides = array<i32>} : memref<16x640xf32, #tpu.memory_space<vmem>>, vector<16xf32>,
          %mul3A_535 = arith.mulf %get3A_531, %get3A_534 : vector<16xf32>
          %get3A_536 = arith.index_cast %scan3A_213 : i32 to index
          %get3A_537 = arith.constant 176 : index
          %get3A_538 = tpu.vector_load %arg19[%get3A_536, %get3A_537] {strides = array<i32>} : memref<16x512xf32, #tpu.memory_space<vmem>>, vector<16xf32>,
          %get3A_539 = arith.index_cast %scan3A_213 : i32 to index
          %get3A_540 = arith.constant 176 : index
          %get3A_541 = tpu.vector_load %arg18[%get3A_539, %get3A_540] {strides = array<i32>} : memref<16x640xf32, #tpu.memory_space<vmem>>, vector<16xf32>,
          %mul3A_542 = arith.mulf %get3A_538, %get3A_541 : vector<16xf32>
          %get3A_543 = arith.index_cast %scan3A_213 : i32 to index
          %get3A_544 = arith.constant 304 : index
          %get3A_545 = tpu.vector_load %arg19[%get3A_543, %get3A_544] {strides = array<i32>} : memref<16x512xf32, #tpu.memory_space<vmem>>, vector<16xf32>,
          %get3A_546 = arith.index_cast %scan3A_213 : i32 to index
          %get3A_547 = arith.constant 304 : index
          %get3A_548 = tpu.vector_load %arg18[%get3A_546, %get3A_547] {strides = array<i32>} : memref<16x640xf32, #tpu.memory_space<vmem>>, vector<16xf32>,
          %mul3A_549 = arith.mulf %get3A_545, %get3A_548 : vector<16xf32>
          %get3A_550 = arith.index_cast %scan3A_213 : i32 to index
          %get3A_551 = arith.constant 432 : index
          %get3A_552 = tpu.vector_load %arg19[%get3A_550, %get3A_551] {strides = array<i32>} : memref<16x512xf32, #tpu.memory_space<vmem>>, vector<16xf32>,
          %get3A_553 = arith.index_cast %scan3A_213 : i32 to index
          %get3A_554 = arith.constant 432 : index
          %get3A_555 = tpu.vector_load %arg18[%get3A_553, %get3A_554] {strides = array<i32>} : memref<16x640xf32, #tpu.memory_space<vmem>>, vector<16xf32>,
          %mul3A_556 = arith.mulf %get3A_552, %get3A_555 : vector<16xf32>
          %get3A_557 = arith.index_cast %scan3A_213 : i32 to index
          %get3A_558 = arith.constant 48 : index
          %get3A_559 = tpu.vector_load %arg20[%get3A_557, %get3A_558] {strides = array<i32>} : memref<16x384xf32, #tpu.memory_space<vmem>>, vector<16xf32>,
          %get3A_560 = arith.index_cast %scan3A_213 : i32 to index
          %get3A_561 = arith.constant 176 : index
          %get3A_562 = tpu.vector_load %arg20[%get3A_560, %get3A_561] {strides = array<i32>} : memref<16x384xf32, #tpu.memory_space<vmem>>, vector<16xf32>,
          %get3A_563 = arith.index_cast %scan3A_213 : i32 to index
          %get3A_564 = arith.constant 304 : index
          %get3A_565 = tpu.vector_load %arg20[%get3A_563, %get3A_564] {strides = array<i32>} : memref<16x384xf32, #tpu.memory_space<vmem>>, vector<16xf32>,
          %get3A_566 = arith.index_cast %scan3A_213 : i32 to index
          %get3A_567 = arith.constant 48 : index
          %get3A_568 = tpu.vector_load %arg21[%get3A_566, %get3A_567] {strides = array<i32>} : memref<16x384xf32, #tpu.memory_space<vmem>>, vector<16xf32>,
          %get3A_569 = arith.index_cast %scan3A_213 : i32 to index
          %get3A_570 = arith.constant 176 : index
          %get3A_571 = tpu.vector_load %arg21[%get3A_569, %get3A_570] {strides = array<i32>} : memref<16x384xf32, #tpu.memory_space<vmem>>, vector<16xf32>,
          %get3A_572 = arith.index_cast %scan3A_213 : i32 to index
          %get3A_573 = arith.constant 304 : index
          %get3A_574 = tpu.vector_load %arg21[%get3A_572, %get3A_573] {strides = array<i32>} : memref<16x384xf32, #tpu.memory_space<vmem>>, vector<16xf32>,
          %mul3A_575 = arith.mulf %get3A_571, %get3A_565 : vector<16xf32>
          %mul3A_576 = arith.mulf %get3A_574, %get3A_562 : vector<16xf32>
          %sub3A_577 = arith.subf %mul3A_575, %mul3A_576 : vector<16xf32>
          %mul3A_578 = arith.mulf %get3A_574, %get3A_559 : vector<16xf32>
          %mul3A_579 = arith.mulf %get3A_568, %get3A_565 : vector<16xf32>
          %sub3A_580 = arith.subf %mul3A_578, %mul3A_579 : vector<16xf32>
          %mul3A_581 = arith.mulf %get3A_568, %get3A_562 : vector<16xf32>
          %mul3A_582 = arith.mulf %get3A_571, %get3A_559 : vector<16xf32>
          %sub3A_583 = arith.subf %mul3A_581, %mul3A_582 : vector<16xf32>
          %get3A_584 = arith.index_cast %get3A_216 : i32 to index
          %get3A_585 = arith.constant 48 : index
          %get3A_586 = tpu.vector_load %arg8[%get3A_584, %get3A_585] {strides = array<i32>} : memref<161x512xf32, #tpu.memory_space<vmem>>, vector<16xf32>,
          %mul3A_587 = vector.broadcast %squeeze3A_221 : f32 to vector<16xf32>
          %mul3A_588 = arith.mulf %mul3A_549, %mul3A_587 : vector<16xf32>
          %mul3A_589 = arith.mulf %mul3A_535, %get3A_559 : vector<16xf32>
          %add3A_590 = arith.addf %mul3A_588, %mul3A_589 : vector<16xf32>
          %mul3A_591 = arith.mulf %mul3A_556, %sub3A_577 : vector<16xf32>
          %add3A_592 = arith.addf %add3A_590, %mul3A_591 : vector<16xf32>
          %add3A_593 = arith.addf %get3A_586, %add3A_592 : vector<16xf32>
          %swap3A_594 = arith.index_cast %get3A_216 : i32 to index
          %swap3A_595 = arith.constant 48 : index
          %swap3A_596 = tpu.vector_load %arg8[%swap3A_594, %swap3A_595] {strides = array<i32>} : memref<161x512xf32, #tpu.memory_space<vmem>>, vector<16xf32>,
          tpu.vector_store %arg8[%swap3A_594, %swap3A_595], %add3A_593 {strides = array<i32>} : memref<161x512xf32, #tpu.memory_space<vmem>>, vector<16xf32>,
          %get3A_597 = arith.index_cast %get3A_216 : i32 to index
          %get3A_598 = arith.constant 176 : index
          %get3A_599 = tpu.vector_load %arg8[%get3A_597, %get3A_598] {strides = array<i32>} : memref<161x512xf32, #tpu.memory_space<vmem>>, vector<16xf32>,
          %mul3A_600 = vector.broadcast %squeeze3A_223 : f32 to vector<16xf32>
          %mul3A_601 = arith.mulf %mul3A_549, %mul3A_600 : vector<16xf32>
          %mul3A_602 = arith.mulf %mul3A_535, %get3A_562 : vector<16xf32>
          %add3A_603 = arith.addf %mul3A_601, %mul3A_602 : vector<16xf32>
          %mul3A_604 = arith.mulf %mul3A_556, %sub3A_580 : vector<16xf32>
          %add3A_605 = arith.addf %add3A_603, %mul3A_604 : vector<16xf32>
          %add3A_606 = arith.addf %get3A_599, %add3A_605 : vector<16xf32>
          %swap3A_607 = arith.index_cast %get3A_216 : i32 to index
          %swap3A_608 = arith.constant 176 : index
          %swap3A_609 = tpu.vector_load %arg8[%swap3A_607, %swap3A_608] {strides = array<i32>} : memref<161x512xf32, #tpu.memory_space<vmem>>, vector<16xf32>,
          tpu.vector_store %arg8[%swap3A_607, %swap3A_608], %add3A_606 {strides = array<i32>} : memref<161x512xf32, #tpu.memory_space<vmem>>, vector<16xf32>,
          %get3A_610 = arith.index_cast %get3A_216 : i32 to index
          %get3A_611 = arith.constant 304 : index
          %get3A_612 = tpu.vector_load %arg8[%get3A_610, %get3A_611] {strides = array<i32>} : memref<161x512xf32, #tpu.memory_space<vmem>>, vector<16xf32>,
          %mul3A_613 = vector.broadcast %squeeze3A_225 : f32 to vector<16xf32>
          %mul3A_614 = arith.mulf %mul3A_549, %mul3A_613 : vector<16xf32>
          %mul3A_615 = arith.mulf %mul3A_535, %get3A_565 : vector<16xf32>
          %add3A_616 = arith.addf %mul3A_614, %mul3A_615 : vector<16xf32>
          %mul3A_617 = arith.mulf %mul3A_556, %sub3A_583 : vector<16xf32>
          %add3A_618 = arith.addf %add3A_616, %mul3A_617 : vector<16xf32>
          %add3A_619 = arith.addf %get3A_612, %add3A_618 : vector<16xf32>
          %swap3A_620 = arith.index_cast %get3A_216 : i32 to index
          %swap3A_621 = arith.constant 304 : index
          %swap3A_622 = tpu.vector_load %arg8[%swap3A_620, %swap3A_621] {strides = array<i32>} : memref<161x512xf32, #tpu.memory_space<vmem>>, vector<16xf32>,
          tpu.vector_store %arg8[%swap3A_620, %swap3A_621], %add3A_619 {strides = array<i32>} : memref<161x512xf32, #tpu.memory_space<vmem>>, vector<16xf32>,
          %get3A_623 = arith.index_cast %get3A_216 : i32 to index
          %get3A_624 = arith.constant 432 : index
          %get3A_625 = tpu.vector_load %arg8[%get3A_623, %get3A_624] {strides = array<i32>} : memref<161x512xf32, #tpu.memory_space<vmem>>, vector<16xf32>,
          %add3A_626 = arith.addf %get3A_625, %mul3A_542 : vector<16xf32>
          %swap3A_627 = arith.index_cast %get3A_216 : i32 to index
          %swap3A_628 = arith.constant 432 : index
          %swap3A_629 = tpu.vector_load %arg8[%swap3A_627, %swap3A_628] {strides = array<i32>} : memref<161x512xf32, #tpu.memory_space<vmem>>, vector<16xf32>,
          tpu.vector_store %arg8[%swap3A_627, %swap3A_628], %add3A_626 {strides = array<i32>} : memref<161x512xf32, #tpu.memory_space<vmem>>, vector<16xf32>,
          %get3A_630 = arith.index_cast %scan3A_213 : i32 to index
          %get3A_631 = arith.constant 64 : index
          %get3A_632 = tpu.vector_load %arg19[%get3A_630, %get3A_631] {strides = array<i32>} : memref<16x512xf32, #tpu.memory_space<vmem>>, vector<16xf32>,
          %get3A_633 = arith.index_cast %scan3A_213 : i32 to index
          %get3A_634 = arith.constant 64 : index
          %get3A_635 = tpu.vector_load %arg18[%get3A_633, %get3A_634] {strides = array<i32>} : memref<16x640xf32, #tpu.memory_space<vmem>>, vector<16xf32>,
          %mul3A_636 = arith.mulf %get3A_632, %get3A_635 : vector<16xf32>
          %get3A_637 = arith.index_cast %scan3A_213 : i32 to index
          %get3A_638 = arith.constant 192 : index
          %get3A_639 = tpu.vector_load %arg19[%get3A_637, %get3A_638] {strides = array<i32>} : memref<16x512xf32, #tpu.memory_space<vmem>>, vector<16xf32>,
          %get3A_640 = arith.index_cast %scan3A_213 : i32 to index
          %get3A_641 = arith.constant 192 : index
          %get3A_642 = tpu.vector_load %arg18[%get3A_640, %get3A_641] {strides = array<i32>} : memref<16x640xf32, #tpu.memory_space<vmem>>, vector<16xf32>,
          %mul3A_643 = arith.mulf %get3A_639, %get3A_642 : vector<16xf32>
          %get3A_644 = arith.index_cast %scan3A_213 : i32 to index
          %get3A_645 = arith.constant 320 : index
          %get3A_646 = tpu.vector_load %arg19[%get3A_644, %get3A_645] {strides = array<i32>} : memref<16x512xf32, #tpu.memory_space<vmem>>, vector<16xf32>,
          %get3A_647 = arith.index_cast %scan3A_213 : i32 to index
          %get3A_648 = arith.constant 320 : index
          %get3A_649 = tpu.vector_load %arg18[%get3A_647, %get3A_648] {strides = array<i32>} : memref<16x640xf32, #tpu.memory_space<vmem>>, vector<16xf32>,
          %mul3A_650 = arith.mulf %get3A_646, %get3A_649 : vector<16xf32>
          %get3A_651 = arith.index_cast %scan3A_213 : i32 to index
          %get3A_652 = arith.constant 448 : index
          %get3A_653 = tpu.vector_load %arg19[%get3A_651, %get3A_652] {strides = array<i32>} : memref<16x512xf32, #tpu.memory_space<vmem>>, vector<16xf32>,
          %get3A_654 = arith.index_cast %scan3A_213 : i32 to index
          %get3A_655 = arith.constant 448 : index
          %get3A_656 = tpu.vector_load %arg18[%get3A_654, %get3A_655] {strides = array<i32>} : memref<16x640xf32, #tpu.memory_space<vmem>>, vector<16xf32>,
          %mul3A_657 = arith.mulf %get3A_653, %get3A_656 : vector<16xf32>
          %get3A_658 = arith.index_cast %scan3A_213 : i32 to index
          %get3A_659 = arith.constant 64 : index
          %get3A_660 = tpu.vector_load %arg20[%get3A_658, %get3A_659] {strides = array<i32>} : memref<16x384xf32, #tpu.memory_space<vmem>>, vector<16xf32>,
          %get3A_661 = arith.index_cast %scan3A_213 : i32 to index
          %get3A_662 = arith.constant 192 : index
          %get3A_663 = tpu.vector_load %arg20[%get3A_661, %get3A_662] {strides = array<i32>} : memref<16x384xf32, #tpu.memory_space<vmem>>, vector<16xf32>,
          %get3A_664 = arith.index_cast %scan3A_213 : i32 to index
          %get3A_665 = arith.constant 320 : index
          %get3A_666 = tpu.vector_load %arg20[%get3A_664, %get3A_665] {strides = array<i32>} : memref<16x384xf32, #tpu.memory_space<vmem>>, vector<16xf32>,
          %get3A_667 = arith.index_cast %scan3A_213 : i32 to index
          %get3A_668 = arith.constant 64 : index
          %get3A_669 = tpu.vector_load %arg21[%get3A_667, %get3A_668] {strides = array<i32>} : memref<16x384xf32, #tpu.memory_space<vmem>>, vector<16xf32>,
          %get3A_670 = arith.index_cast %scan3A_213 : i32 to index
          %get3A_671 = arith.constant 192 : index
          %get3A_672 = tpu.vector_load %arg21[%get3A_670, %get3A_671] {strides = array<i32>} : memref<16x384xf32, #tpu.memory_space<vmem>>, vector<16xf32>,
          %get3A_673 = arith.index_cast %scan3A_213 : i32 to index
          %get3A_674 = arith.constant 320 : index
          %get3A_675 = tpu.vector_load %arg21[%get3A_673, %get3A_674] {strides = array<i32>} : memref<16x384xf32, #tpu.memory_space<vmem>>, vector<16xf32>,
          %mul3A_676 = arith.mulf %get3A_672, %get3A_666 : vector<16xf32>
          %mul3A_677 = arith.mulf %get3A_675, %get3A_663 : vector<16xf32>
          %sub3A_678 = arith.subf %mul3A_676, %mul3A_677 : vector<16xf32>
          %mul3A_679 = arith.mulf %get3A_675, %get3A_660 : vector<16xf32>
          %mul3A_680 = arith.mulf %get3A_669, %get3A_666 : vector<16xf32>
          %sub3A_681 = arith.subf %mul3A_679, %mul3A_680 : vector<16xf32>
          %mul3A_682 = arith.mulf %get3A_669, %get3A_663 : vector<16xf32>
          %mul3A_683 = arith.mulf %get3A_672, %get3A_660 : vector<16xf32>
          %sub3A_684 = arith.subf %mul3A_682, %mul3A_683 : vector<16xf32>
          %get3A_685 = arith.index_cast %get3A_216 : i32 to index
          %get3A_686 = arith.constant 64 : index
          %get3A_687 = tpu.vector_load %arg8[%get3A_685, %get3A_686] {strides = array<i32>} : memref<161x512xf32, #tpu.memory_space<vmem>>, vector<16xf32>,
          %mul3A_688 = vector.broadcast %squeeze3A_221 : f32 to vector<16xf32>
          %mul3A_689 = arith.mulf %mul3A_650, %mul3A_688 : vector<16xf32>
          %mul3A_690 = arith.mulf %mul3A_636, %get3A_660 : vector<16xf32>
          %add3A_691 = arith.addf %mul3A_689, %mul3A_690 : vector<16xf32>
          %mul3A_692 = arith.mulf %mul3A_657, %sub3A_678 : vector<16xf32>
          %add3A_693 = arith.addf %add3A_691, %mul3A_692 : vector<16xf32>
          %add3A_694 = arith.addf %get3A_687, %add3A_693 : vector<16xf32>
          %swap3A_695 = arith.index_cast %get3A_216 : i32 to index
          %swap3A_696 = arith.constant 64 : index
          %swap3A_697 = tpu.vector_load %arg8[%swap3A_695, %swap3A_696] {strides = array<i32>} : memref<161x512xf32, #tpu.memory_space<vmem>>, vector<16xf32>,
          tpu.vector_store %arg8[%swap3A_695, %swap3A_696], %add3A_694 {strides = array<i32>} : memref<161x512xf32, #tpu.memory_space<vmem>>, vector<16xf32>,
          %get3A_698 = arith.index_cast %get3A_216 : i32 to index
          %get3A_699 = arith.constant 192 : index
          %get3A_700 = tpu.vector_load %arg8[%get3A_698, %get3A_699] {strides = array<i32>} : memref<161x512xf32, #tpu.memory_space<vmem>>, vector<16xf32>,
          %mul3A_701 = vector.broadcast %squeeze3A_223 : f32 to vector<16xf32>
          %mul3A_702 = arith.mulf %mul3A_650, %mul3A_701 : vector<16xf32>
          %mul3A_703 = arith.mulf %mul3A_636, %get3A_663 : vector<16xf32>
          %add3A_704 = arith.addf %mul3A_702, %mul3A_703 : vector<16xf32>
          %mul3A_705 = arith.mulf %mul3A_657, %sub3A_681 : vector<16xf32>
          %add3A_706 = arith.addf %add3A_704, %mul3A_705 : vector<16xf32>
          %add3A_707 = arith.addf %get3A_700, %add3A_706 : vector<16xf32>
          %swap3A_708 = arith.index_cast %get3A_216 : i32 to index
          %swap3A_709 = arith.constant 192 : index
          %swap3A_710 = tpu.vector_load %arg8[%swap3A_708, %swap3A_709] {strides = array<i32>} : memref<161x512xf32, #tpu.memory_space<vmem>>, vector<16xf32>,
          tpu.vector_store %arg8[%swap3A_708, %swap3A_709], %add3A_707 {strides = array<i32>} : memref<161x512xf32, #tpu.memory_space<vmem>>, vector<16xf32>,
          %get3A_711 = arith.index_cast %get3A_216 : i32 to index
          %get3A_712 = arith.constant 320 : index
          %get3A_713 = tpu.vector_load %arg8[%get3A_711, %get3A_712] {strides = array<i32>} : memref<161x512xf32, #tpu.memory_space<vmem>>, vector<16xf32>,
          %mul3A_714 = vector.broadcast %squeeze3A_225 : f32 to vector<16xf32>
          %mul3A_715 = arith.mulf %mul3A_650, %mul3A_714 : vector<16xf32>
          %mul3A_716 = arith.mulf %mul3A_636, %get3A_666 : vector<16xf32>
          %add3A_717 = arith.addf %mul3A_715, %mul3A_716 : vector<16xf32>
          %mul3A_718 = arith.mulf %mul3A_657, %sub3A_684 : vector<16xf32>
          %add3A_719 = arith.addf %add3A_717, %mul3A_718 : vector<16xf32>
          %add3A_720 = arith.addf %get3A_713, %add3A_719 : vector<16xf32>
          %swap3A_721 = arith.index_cast %get3A_216 : i32 to index
          %swap3A_722 = arith.constant 320 : index
          %swap3A_723 = tpu.vector_load %arg8[%swap3A_721, %swap3A_722] {strides = array<i32>} : memref<161x512xf32, #tpu.memory_space<vmem>>, vector<16xf32>,
          tpu.vector_store %arg8[%swap3A_721, %swap3A_722], %add3A_720 {strides = array<i32>} : memref<161x512xf32, #tpu.memory_space<vmem>>, vector<16xf32>,
          %get3A_724 = arith.index_cast %get3A_216 : i32 to index
          %get3A_725 = arith.constant 448 : index
          %get3A_726 = tpu.vector_load %arg8[%get3A_724, %get3A_725] {strides = array<i32>} : memref<161x512xf32, #tpu.memory_space<vmem>>, vector<16xf32>,
          %add3A_727 = arith.addf %get3A_726, %mul3A_643 : vector<16xf32>
          %swap3A_728 = arith.index_cast %get3A_216 : i32 to index
          %swap3A_729 = arith.constant 448 : index
          %swap3A_730 = tpu.vector_load %arg8[%swap3A_728, %swap3A_729] {strides = array<i32>} : memref<161x512xf32, #tpu.memory_space<vmem>>, vector<16xf32>,
          tpu.vector_store %arg8[%swap3A_728, %swap3A_729], %add3A_727 {strides = array<i32>} : memref<161x512xf32, #tpu.memory_space<vmem>>, vector<16xf32>,
          %get3A_731 = arith.index_cast %scan3A_213 : i32 to index
          %get3A_732 = arith.constant 80 : index
          %get3A_733 = tpu.vector_load %arg19[%get3A_731, %get3A_732] {strides = array<i32>} : memref<16x512xf32, #tpu.memory_space<vmem>>, vector<16xf32>,
          %get3A_734 = arith.index_cast %scan3A_213 : i32 to index
          %get3A_735 = arith.constant 80 : index
          %get3A_736 = tpu.vector_load %arg18[%get3A_734, %get3A_735] {strides = array<i32>} : memref<16x640xf32, #tpu.memory_space<vmem>>, vector<16xf32>,
          %mul3A_737 = arith.mulf %get3A_733, %get3A_736 : vector<16xf32>
          %get3A_738 = arith.index_cast %scan3A_213 : i32 to index
          %get3A_739 = arith.constant 208 : index
          %get3A_740 = tpu.vector_load %arg19[%get3A_738, %get3A_739] {strides = array<i32>} : memref<16x512xf32, #tpu.memory_space<vmem>>, vector<16xf32>,
          %get3A_741 = arith.index_cast %scan3A_213 : i32 to index
          %get3A_742 = arith.constant 208 : index
          %get3A_743 = tpu.vector_load %arg18[%get3A_741, %get3A_742] {strides = array<i32>} : memref<16x640xf32, #tpu.memory_space<vmem>>, vector<16xf32>,
          %mul3A_744 = arith.mulf %get3A_740, %get3A_743 : vector<16xf32>
          %get3A_745 = arith.index_cast %scan3A_213 : i32 to index
          %get3A_746 = arith.constant 336 : index
          %get3A_747 = tpu.vector_load %arg19[%get3A_745, %get3A_746] {strides = array<i32>} : memref<16x512xf32, #tpu.memory_space<vmem>>, vector<16xf32>,
          %get3A_748 = arith.index_cast %scan3A_213 : i32 to index
          %get3A_749 = arith.constant 336 : index
          %get3A_750 = tpu.vector_load %arg18[%get3A_748, %get3A_749] {strides = array<i32>} : memref<16x640xf32, #tpu.memory_space<vmem>>, vector<16xf32>,
          %mul3A_751 = arith.mulf %get3A_747, %get3A_750 : vector<16xf32>
          %get3A_752 = arith.index_cast %scan3A_213 : i32 to index
          %get3A_753 = arith.constant 464 : index
          %get3A_754 = tpu.vector_load %arg19[%get3A_752, %get3A_753] {strides = array<i32>} : memref<16x512xf32, #tpu.memory_space<vmem>>, vector<16xf32>,
          %get3A_755 = arith.index_cast %scan3A_213 : i32 to index
          %get3A_756 = arith.constant 464 : index
          %get3A_757 = tpu.vector_load %arg18[%get3A_755, %get3A_756] {strides = array<i32>} : memref<16x640xf32, #tpu.memory_space<vmem>>, vector<16xf32>,
          %mul3A_758 = arith.mulf %get3A_754, %get3A_757 : vector<16xf32>
          %get3A_759 = arith.index_cast %scan3A_213 : i32 to index
          %get3A_760 = arith.constant 80 : index
          %get3A_761 = tpu.vector_load %arg20[%get3A_759, %get3A_760] {strides = array<i32>} : memref<16x384xf32, #tpu.memory_space<vmem>>, vector<16xf32>,
          %get3A_762 = arith.index_cast %scan3A_213 : i32 to index
          %get3A_763 = arith.constant 208 : index
          %get3A_764 = tpu.vector_load %arg20[%get3A_762, %get3A_763] {strides = array<i32>} : memref<16x384xf32, #tpu.memory_space<vmem>>, vector<16xf32>,
          %get3A_765 = arith.index_cast %scan3A_213 : i32 to index
          %get3A_766 = arith.constant 336 : index
          %get3A_767 = tpu.vector_load %arg20[%get3A_765, %get3A_766] {strides = array<i32>} : memref<16x384xf32, #tpu.memory_space<vmem>>, vector<16xf32>,
          %get3A_768 = arith.index_cast %scan3A_213 : i32 to index
          %get3A_769 = arith.constant 80 : index
          %get3A_770 = tpu.vector_load %arg21[%get3A_768, %get3A_769] {strides = array<i32>} : memref<16x384xf32, #tpu.memory_space<vmem>>, vector<16xf32>,
          %get3A_771 = arith.index_cast %scan3A_213 : i32 to index
          %get3A_772 = arith.constant 208 : index
          %get3A_773 = tpu.vector_load %arg21[%get3A_771, %get3A_772] {strides = array<i32>} : memref<16x384xf32, #tpu.memory_space<vmem>>, vector<16xf32>,
          %get3A_774 = arith.index_cast %scan3A_213 : i32 to index
          %get3A_775 = arith.constant 336 : index
          %get3A_776 = tpu.vector_load %arg21[%get3A_774, %get3A_775] {strides = array<i32>} : memref<16x384xf32, #tpu.memory_space<vmem>>, vector<16xf32>,
          %mul3A_777 = arith.mulf %get3A_773, %get3A_767 : vector<16xf32>
          %mul3A_778 = arith.mulf %get3A_776, %get3A_764 : vector<16xf32>
          %sub3A_779 = arith.subf %mul3A_777, %mul3A_778 : vector<16xf32>
          %mul3A_780 = arith.mulf %get3A_776, %get3A_761 : vector<16xf32>
          %mul3A_781 = arith.mulf %get3A_770, %get3A_767 : vector<16xf32>
          %sub3A_782 = arith.subf %mul3A_780, %mul3A_781 : vector<16xf32>
          %mul3A_783 = arith.mulf %get3A_770, %get3A_764 : vector<16xf32>
          %mul3A_784 = arith.mulf %get3A_773, %get3A_761 : vector<16xf32>
          %sub3A_785 = arith.subf %mul3A_783, %mul3A_784 : vector<16xf32>
          %get3A_786 = arith.index_cast %get3A_216 : i32 to index
          %get3A_787 = arith.constant 80 : index
          %get3A_788 = tpu.vector_load %arg8[%get3A_786, %get3A_787] {strides = array<i32>} : memref<161x512xf32, #tpu.memory_space<vmem>>, vector<16xf32>,
          %mul3A_789 = vector.broadcast %squeeze3A_221 : f32 to vector<16xf32>
          %mul3A_790 = arith.mulf %mul3A_751, %mul3A_789 : vector<16xf32>
          %mul3A_791 = arith.mulf %mul3A_737, %get3A_761 : vector<16xf32>
          %add3A_792 = arith.addf %mul3A_790, %mul3A_791 : vector<16xf32>
          %mul3A_793 = arith.mulf %mul3A_758, %sub3A_779 : vector<16xf32>
          %add3A_794 = arith.addf %add3A_792, %mul3A_793 : vector<16xf32>
          %add3A_795 = arith.addf %get3A_788, %add3A_794 : vector<16xf32>
          %swap3A_796 = arith.index_cast %get3A_216 : i32 to index
          %swap3A_797 = arith.constant 80 : index
          %swap3A_798 = tpu.vector_load %arg8[%swap3A_796, %swap3A_797] {strides = array<i32>} : memref<161x512xf32, #tpu.memory_space<vmem>>, vector<16xf32>,
          tpu.vector_store %arg8[%swap3A_796, %swap3A_797], %add3A_795 {strides = array<i32>} : memref<161x512xf32, #tpu.memory_space<vmem>>, vector<16xf32>,
          %get3A_799 = arith.index_cast %get3A_216 : i32 to index
          %get3A_800 = arith.constant 208 : index
          %get3A_801 = tpu.vector_load %arg8[%get3A_799, %get3A_800] {strides = array<i32>} : memref<161x512xf32, #tpu.memory_space<vmem>>, vector<16xf32>,
          %mul3A_802 = vector.broadcast %squeeze3A_223 : f32 to vector<16xf32>
          %mul3A_803 = arith.mulf %mul3A_751, %mul3A_802 : vector<16xf32>
          %mul3A_804 = arith.mulf %mul3A_737, %get3A_764 : vector<16xf32>
          %add3A_805 = arith.addf %mul3A_803, %mul3A_804 : vector<16xf32>
          %mul3A_806 = arith.mulf %mul3A_758, %sub3A_782 : vector<16xf32>
          %add3A_807 = arith.addf %add3A_805, %mul3A_806 : vector<16xf32>
          %add3A_808 = arith.addf %get3A_801, %add3A_807 : vector<16xf32>
          %swap3A_809 = arith.index_cast %get3A_216 : i32 to index
          %swap3A_810 = arith.constant 208 : index
          %swap3A_811 = tpu.vector_load %arg8[%swap3A_809, %swap3A_810] {strides = array<i32>} : memref<161x512xf32, #tpu.memory_space<vmem>>, vector<16xf32>,
          tpu.vector_store %arg8[%swap3A_809, %swap3A_810], %add3A_808 {strides = array<i32>} : memref<161x512xf32, #tpu.memory_space<vmem>>, vector<16xf32>,
          %get3A_812 = arith.index_cast %get3A_216 : i32 to index
          %get3A_813 = arith.constant 336 : index
          %get3A_814 = tpu.vector_load %arg8[%get3A_812, %get3A_813] {strides = array<i32>} : memref<161x512xf32, #tpu.memory_space<vmem>>, vector<16xf32>,
          %mul3A_815 = vector.broadcast %squeeze3A_225 : f32 to vector<16xf32>
          %mul3A_816 = arith.mulf %mul3A_751, %mul3A_815 : vector<16xf32>
          %mul3A_817 = arith.mulf %mul3A_737, %get3A_767 : vector<16xf32>
          %add3A_818 = arith.addf %mul3A_816, %mul3A_817 : vector<16xf32>
          %mul3A_819 = arith.mulf %mul3A_758, %sub3A_785 : vector<16xf32>
          %add3A_820 = arith.addf %add3A_818, %mul3A_819 : vector<16xf32>
          %add3A_821 = arith.addf %get3A_814, %add3A_820 : vector<16xf32>
          %swap3A_822 = arith.index_cast %get3A_216 : i32 to index
          %swap3A_823 = arith.constant 336 : index
          %swap3A_824 = tpu.vector_load %arg8[%swap3A_822, %swap3A_823] {strides = array<i32>} : memref<161x512xf32, #tpu.memory_space<vmem>>, vector<16xf32>,
          tpu.vector_store %arg8[%swap3A_822, %swap3A_823], %add3A_821 {strides = array<i32>} : memref<161x512xf32, #tpu.memory_space<vmem>>, vector<16xf32>,
          %get3A_825 = arith.index_cast %get3A_216 : i32 to index
          %get3A_826 = arith.constant 464 : index
          %get3A_827 = tpu.vector_load %arg8[%get3A_825, %get3A_826] {strides = array<i32>} : memref<161x512xf32, #tpu.memory_space<vmem>>, vector<16xf32>,
          %add3A_828 = arith.addf %get3A_827, %mul3A_744 : vector<16xf32>
          %swap3A_829 = arith.index_cast %get3A_216 : i32 to index
          %swap3A_830 = arith.constant 464 : index
          %swap3A_831 = tpu.vector_load %arg8[%swap3A_829, %swap3A_830] {strides = array<i32>} : memref<161x512xf32, #tpu.memory_space<vmem>>, vector<16xf32>,
          tpu.vector_store %arg8[%swap3A_829, %swap3A_830], %add3A_828 {strides = array<i32>} : memref<161x512xf32, #tpu.memory_space<vmem>>, vector<16xf32>,
          %get3A_832 = arith.index_cast %scan3A_213 : i32 to index
          %get3A_833 = arith.constant 96 : index
          %get3A_834 = tpu.vector_load %arg19[%get3A_832, %get3A_833] {strides = array<i32>} : memref<16x512xf32, #tpu.memory_space<vmem>>, vector<16xf32>,
          %get3A_835 = arith.index_cast %scan3A_213 : i32 to index
          %get3A_836 = arith.constant 96 : index
          %get3A_837 = tpu.vector_load %arg18[%get3A_835, %get3A_836] {strides = array<i32>} : memref<16x640xf32, #tpu.memory_space<vmem>>, vector<16xf32>,
          %mul3A_838 = arith.mulf %get3A_834, %get3A_837 : vector<16xf32>
          %get3A_839 = arith.index_cast %scan3A_213 : i32 to index
          %get3A_840 = arith.constant 224 : index
          %get3A_841 = tpu.vector_load %arg19[%get3A_839, %get3A_840] {strides = array<i32>} : memref<16x512xf32, #tpu.memory_space<vmem>>, vector<16xf32>,
          %get3A_842 = arith.index_cast %scan3A_213 : i32 to index
          %get3A_843 = arith.constant 224 : index
          %get3A_844 = tpu.vector_load %arg18[%get3A_842, %get3A_843] {strides = array<i32>} : memref<16x640xf32, #tpu.memory_space<vmem>>, vector<16xf32>,
          %mul3A_845 = arith.mulf %get3A_841, %get3A_844 : vector<16xf32>
          %get3A_846 = arith.index_cast %scan3A_213 : i32 to index
          %get3A_847 = arith.constant 352 : index
          %get3A_848 = tpu.vector_load %arg19[%get3A_846, %get3A_847] {strides = array<i32>} : memref<16x512xf32, #tpu.memory_space<vmem>>, vector<16xf32>,
          %get3A_849 = arith.index_cast %scan3A_213 : i32 to index
          %get3A_850 = arith.constant 352 : index
          %get3A_851 = tpu.vector_load %arg18[%get3A_849, %get3A_850] {strides = array<i32>} : memref<16x640xf32, #tpu.memory_space<vmem>>, vector<16xf32>,
          %mul3A_852 = arith.mulf %get3A_848, %get3A_851 : vector<16xf32>
          %get3A_853 = arith.index_cast %scan3A_213 : i32 to index
          %get3A_854 = arith.constant 480 : index
          %get3A_855 = tpu.vector_load %arg19[%get3A_853, %get3A_854] {strides = array<i32>} : memref<16x512xf32, #tpu.memory_space<vmem>>, vector<16xf32>,
          %get3A_856 = arith.index_cast %scan3A_213 : i32 to index
          %get3A_857 = arith.constant 480 : index
          %get3A_858 = tpu.vector_load %arg18[%get3A_856, %get3A_857] {strides = array<i32>} : memref<16x640xf32, #tpu.memory_space<vmem>>, vector<16xf32>,
          %mul3A_859 = arith.mulf %get3A_855, %get3A_858 : vector<16xf32>
          %get3A_860 = arith.index_cast %scan3A_213 : i32 to index
          %get3A_861 = arith.constant 96 : index
          %get3A_862 = tpu.vector_load %arg20[%get3A_860, %get3A_861] {strides = array<i32>} : memref<16x384xf32, #tpu.memory_space<vmem>>, vector<16xf32>,
          %get3A_863 = arith.index_cast %scan3A_213 : i32 to index
          %get3A_864 = arith.constant 224 : index
          %get3A_865 = tpu.vector_load %arg20[%get3A_863, %get3A_864] {strides = array<i32>} : memref<16x384xf32, #tpu.memory_space<vmem>>, vector<16xf32>,
          %get3A_866 = arith.index_cast %scan3A_213 : i32 to index
          %get3A_867 = arith.constant 352 : index
          %get3A_868 = tpu.vector_load %arg20[%get3A_866, %get3A_867] {strides = array<i32>} : memref<16x384xf32, #tpu.memory_space<vmem>>, vector<16xf32>,
          %get3A_869 = arith.index_cast %scan3A_213 : i32 to index
          %get3A_870 = arith.constant 96 : index
          %get3A_871 = tpu.vector_load %arg21[%get3A_869, %get3A_870] {strides = array<i32>} : memref<16x384xf32, #tpu.memory_space<vmem>>, vector<16xf32>,
          %get3A_872 = arith.index_cast %scan3A_213 : i32 to index
          %get3A_873 = arith.constant 224 : index
          %get3A_874 = tpu.vector_load %arg21[%get3A_872, %get3A_873] {strides = array<i32>} : memref<16x384xf32, #tpu.memory_space<vmem>>, vector<16xf32>,
          %get3A_875 = arith.index_cast %scan3A_213 : i32 to index
          %get3A_876 = arith.constant 352 : index
          %get3A_877 = tpu.vector_load %arg21[%get3A_875, %get3A_876] {strides = array<i32>} : memref<16x384xf32, #tpu.memory_space<vmem>>, vector<16xf32>,
          %mul3A_878 = arith.mulf %get3A_874, %get3A_868 : vector<16xf32>
          %mul3A_879 = arith.mulf %get3A_877, %get3A_865 : vector<16xf32>
          %sub3A_880 = arith.subf %mul3A_878, %mul3A_879 : vector<16xf32>
          %mul3A_881 = arith.mulf %get3A_877, %get3A_862 : vector<16xf32>
          %mul3A_882 = arith.mulf %get3A_871, %get3A_868 : vector<16xf32>
          %sub3A_883 = arith.subf %mul3A_881, %mul3A_882 : vector<16xf32>
          %mul3A_884 = arith.mulf %get3A_871, %get3A_865 : vector<16xf32>
          %mul3A_885 = arith.mulf %get3A_874, %get3A_862 : vector<16xf32>
          %sub3A_886 = arith.subf %mul3A_884, %mul3A_885 : vector<16xf32>
          %get3A_887 = arith.index_cast %get3A_216 : i32 to index
          %get3A_888 = arith.constant 96 : index
          %get3A_889 = tpu.vector_load %arg8[%get3A_887, %get3A_888] {strides = array<i32>} : memref<161x512xf32, #tpu.memory_space<vmem>>, vector<16xf32>,
          %mul3A_890 = vector.broadcast %squeeze3A_221 : f32 to vector<16xf32>
          %mul3A_891 = arith.mulf %mul3A_852, %mul3A_890 : vector<16xf32>
          %mul3A_892 = arith.mulf %mul3A_838, %get3A_862 : vector<16xf32>
          %add3A_893 = arith.addf %mul3A_891, %mul3A_892 : vector<16xf32>
          %mul3A_894 = arith.mulf %mul3A_859, %sub3A_880 : vector<16xf32>
          %add3A_895 = arith.addf %add3A_893, %mul3A_894 : vector<16xf32>
          %add3A_896 = arith.addf %get3A_889, %add3A_895 : vector<16xf32>
          %swap3A_897 = arith.index_cast %get3A_216 : i32 to index
          %swap3A_898 = arith.constant 96 : index
          %swap3A_899 = tpu.vector_load %arg8[%swap3A_897, %swap3A_898] {strides = array<i32>} : memref<161x512xf32, #tpu.memory_space<vmem>>, vector<16xf32>,
          tpu.vector_store %arg8[%swap3A_897, %swap3A_898], %add3A_896 {strides = array<i32>} : memref<161x512xf32, #tpu.memory_space<vmem>>, vector<16xf32>,
          %get3A_900 = arith.index_cast %get3A_216 : i32 to index
          %get3A_901 = arith.constant 224 : index
          %get3A_902 = tpu.vector_load %arg8[%get3A_900, %get3A_901] {strides = array<i32>} : memref<161x512xf32, #tpu.memory_space<vmem>>, vector<16xf32>,
          %mul3A_903 = vector.broadcast %squeeze3A_223 : f32 to vector<16xf32>
          %mul3A_904 = arith.mulf %mul3A_852, %mul3A_903 : vector<16xf32>
          %mul3A_905 = arith.mulf %mul3A_838, %get3A_865 : vector<16xf32>
          %add3A_906 = arith.addf %mul3A_904, %mul3A_905 : vector<16xf32>
          %mul3A_907 = arith.mulf %mul3A_859, %sub3A_883 : vector<16xf32>
          %add3A_908 = arith.addf %add3A_906, %mul3A_907 : vector<16xf32>
          %add3A_909 = arith.addf %get3A_902, %add3A_908 : vector<16xf32>
          %swap3A_910 = arith.index_cast %get3A_216 : i32 to index
          %swap3A_911 = arith.constant 224 : index
          %swap3A_912 = tpu.vector_load %arg8[%swap3A_910, %swap3A_911] {strides = array<i32>} : memref<161x512xf32, #tpu.memory_space<vmem>>, vector<16xf32>,
          tpu.vector_store %arg8[%swap3A_910, %swap3A_911], %add3A_909 {strides = array<i32>} : memref<161x512xf32, #tpu.memory_space<vmem>>, vector<16xf32>,
          %get3A_913 = arith.index_cast %get3A_216 : i32 to index
          %get3A_914 = arith.constant 352 : index
          %get3A_915 = tpu.vector_load %arg8[%get3A_913, %get3A_914] {strides = array<i32>} : memref<161x512xf32, #tpu.memory_space<vmem>>, vector<16xf32>,
          %mul3A_916 = vector.broadcast %squeeze3A_225 : f32 to vector<16xf32>
          %mul3A_917 = arith.mulf %mul3A_852, %mul3A_916 : vector<16xf32>
          %mul3A_918 = arith.mulf %mul3A_838, %get3A_868 : vector<16xf32>
          %add3A_919 = arith.addf %mul3A_917, %mul3A_918 : vector<16xf32>
          %mul3A_920 = arith.mulf %mul3A_859, %sub3A_886 : vector<16xf32>
          %add3A_921 = arith.addf %add3A_919, %mul3A_920 : vector<16xf32>
          %add3A_922 = arith.addf %get3A_915, %add3A_921 : vector<16xf32>
          %swap3A_923 = arith.index_cast %get3A_216 : i32 to index
          %swap3A_924 = arith.constant 352 : index
          %swap3A_925 = tpu.vector_load %arg8[%swap3A_923, %swap3A_924] {strides = array<i32>} : memref<161x512xf32, #tpu.memory_space<vmem>>, vector<16xf32>,
          tpu.vector_store %arg8[%swap3A_923, %swap3A_924], %add3A_922 {strides = array<i32>} : memref<161x512xf32, #tpu.memory_space<vmem>>, vector<16xf32>,
          %get3A_926 = arith.index_cast %get3A_216 : i32 to index
          %get3A_927 = arith.constant 480 : index
          %get3A_928 = tpu.vector_load %arg8[%get3A_926, %get3A_927] {strides = array<i32>} : memref<161x512xf32, #tpu.memory_space<vmem>>, vector<16xf32>,
          %add3A_929 = arith.addf %get3A_928, %mul3A_845 : vector<16xf32>
          %swap3A_930 = arith.index_cast %get3A_216 : i32 to index
          %swap3A_931 = arith.constant 480 : index
          %swap3A_932 = tpu.vector_load %arg8[%swap3A_930, %swap3A_931] {strides = array<i32>} : memref<161x512xf32, #tpu.memory_space<vmem>>, vector<16xf32>,
          tpu.vector_store %arg8[%swap3A_930, %swap3A_931], %add3A_929 {strides = array<i32>} : memref<161x512xf32, #tpu.memory_space<vmem>>, vector<16xf32>,
          %get3A_933 = arith.index_cast %scan3A_213 : i32 to index
          %get3A_934 = arith.constant 112 : index
          %get3A_935 = tpu.vector_load %arg19[%get3A_933, %get3A_934] {strides = array<i32>} : memref<16x512xf32, #tpu.memory_space<vmem>>, vector<16xf32>,
          %get3A_936 = arith.index_cast %scan3A_213 : i32 to index
          %get3A_937 = arith.constant 112 : index
          %get3A_938 = tpu.vector_load %arg18[%get3A_936, %get3A_937] {strides = array<i32>} : memref<16x640xf32, #tpu.memory_space<vmem>>, vector<16xf32>,
          %mul3A_939 = arith.mulf %get3A_935, %get3A_938 : vector<16xf32>
          %get3A_940 = arith.index_cast %scan3A_213 : i32 to index
          %get3A_941 = arith.constant 240 : index
          %get3A_942 = tpu.vector_load %arg19[%get3A_940, %get3A_941] {strides = array<i32>} : memref<16x512xf32, #tpu.memory_space<vmem>>, vector<16xf32>,
          %get3A_943 = arith.index_cast %scan3A_213 : i32 to index
          %get3A_944 = arith.constant 240 : index
          %get3A_945 = tpu.vector_load %arg18[%get3A_943, %get3A_944] {strides = array<i32>} : memref<16x640xf32, #tpu.memory_space<vmem>>, vector<16xf32>,
          %mul3A_946 = arith.mulf %get3A_942, %get3A_945 : vector<16xf32>
          %get3A_947 = arith.index_cast %scan3A_213 : i32 to index
          %get3A_948 = arith.constant 368 : index
          %get3A_949 = tpu.vector_load %arg19[%get3A_947, %get3A_948] {strides = array<i32>} : memref<16x512xf32, #tpu.memory_space<vmem>>, vector<16xf32>,
          %get3A_950 = arith.index_cast %scan3A_213 : i32 to index
          %get3A_951 = arith.constant 368 : index
          %get3A_952 = tpu.vector_load %arg18[%get3A_950, %get3A_951] {strides = array<i32>} : memref<16x640xf32, #tpu.memory_space<vmem>>, vector<16xf32>,
          %mul3A_953 = arith.mulf %get3A_949, %get3A_952 : vector<16xf32>
          %get3A_954 = arith.index_cast %scan3A_213 : i32 to index
          %get3A_955 = arith.constant 496 : index
          %get3A_956 = tpu.vector_load %arg19[%get3A_954, %get3A_955] {strides = array<i32>} : memref<16x512xf32, #tpu.memory_space<vmem>>, vector<16xf32>,
          %get3A_957 = arith.index_cast %scan3A_213 : i32 to index
          %get3A_958 = arith.constant 496 : index
          %get3A_959 = tpu.vector_load %arg18[%get3A_957, %get3A_958] {strides = array<i32>} : memref<16x640xf32, #tpu.memory_space<vmem>>, vector<16xf32>,
          %mul3A_960 = arith.mulf %get3A_956, %get3A_959 : vector<16xf32>
          %get3A_961 = arith.index_cast %scan3A_213 : i32 to index
          %get3A_962 = arith.constant 112 : index
          %get3A_963 = tpu.vector_load %arg20[%get3A_961, %get3A_962] {strides = array<i32>} : memref<16x384xf32, #tpu.memory_space<vmem>>, vector<16xf32>,
          %get3A_964 = arith.index_cast %scan3A_213 : i32 to index
          %get3A_965 = arith.constant 240 : index
          %get3A_966 = tpu.vector_load %arg20[%get3A_964, %get3A_965] {strides = array<i32>} : memref<16x384xf32, #tpu.memory_space<vmem>>, vector<16xf32>,
          %get3A_967 = arith.index_cast %scan3A_213 : i32 to index
          %get3A_968 = arith.constant 368 : index
          %get3A_969 = tpu.vector_load %arg20[%get3A_967, %get3A_968] {strides = array<i32>} : memref<16x384xf32, #tpu.memory_space<vmem>>, vector<16xf32>,
          %get3A_970 = arith.index_cast %scan3A_213 : i32 to index
          %get3A_971 = arith.constant 112 : index
          %get3A_972 = tpu.vector_load %arg21[%get3A_970, %get3A_971] {strides = array<i32>} : memref<16x384xf32, #tpu.memory_space<vmem>>, vector<16xf32>,
          %get3A_973 = arith.index_cast %scan3A_213 : i32 to index
          %get3A_974 = arith.constant 240 : index
          %get3A_975 = tpu.vector_load %arg21[%get3A_973, %get3A_974] {strides = array<i32>} : memref<16x384xf32, #tpu.memory_space<vmem>>, vector<16xf32>,
          %get3A_976 = arith.index_cast %scan3A_213 : i32 to index
          %get3A_977 = arith.constant 368 : index
          %get3A_978 = tpu.vector_load %arg21[%get3A_976, %get3A_977] {strides = array<i32>} : memref<16x384xf32, #tpu.memory_space<vmem>>, vector<16xf32>,
          %mul3A_979 = arith.mulf %get3A_975, %get3A_969 : vector<16xf32>
          %mul3A_980 = arith.mulf %get3A_978, %get3A_966 : vector<16xf32>
          %sub3A_981 = arith.subf %mul3A_979, %mul3A_980 : vector<16xf32>
          %mul3A_982 = arith.mulf %get3A_978, %get3A_963 : vector<16xf32>
          %mul3A_983 = arith.mulf %get3A_972, %get3A_969 : vector<16xf32>
          %sub3A_984 = arith.subf %mul3A_982, %mul3A_983 : vector<16xf32>
          %mul3A_985 = arith.mulf %get3A_972, %get3A_966 : vector<16xf32>
          %mul3A_986 = arith.mulf %get3A_975, %get3A_963 : vector<16xf32>
          %sub3A_987 = arith.subf %mul3A_985, %mul3A_986 : vector<16xf32>
          %get3A_988 = arith.index_cast %get3A_216 : i32 to index
          %get3A_989 = arith.constant 112 : index
          %get3A_990 = tpu.vector_load %arg8[%get3A_988, %get3A_989] {strides = array<i32>} : memref<161x512xf32, #tpu.memory_space<vmem>>, vector<16xf32>,
          %mul3A_991 = vector.broadcast %squeeze3A_221 : f32 to vector<16xf32>
          %mul3A_992 = arith.mulf %mul3A_953, %mul3A_991 : vector<16xf32>
          %mul3A_993 = arith.mulf %mul3A_939, %get3A_963 : vector<16xf32>
          %add3A_994 = arith.addf %mul3A_992, %mul3A_993 : vector<16xf32>
          %mul3A_995 = arith.mulf %mul3A_960, %sub3A_981 : vector<16xf32>
          %add3A_996 = arith.addf %add3A_994, %mul3A_995 : vector<16xf32>
          %add3A_997 = arith.addf %get3A_990, %add3A_996 : vector<16xf32>
          %swap3A_998 = arith.index_cast %get3A_216 : i32 to index
          %swap3A_999 = arith.constant 112 : index
          %swap3A_1000 = tpu.vector_load %arg8[%swap3A_998, %swap3A_999] {strides = array<i32>} : memref<161x512xf32, #tpu.memory_space<vmem>>, vector<16xf32>,
          tpu.vector_store %arg8[%swap3A_998, %swap3A_999], %add3A_997 {strides = array<i32>} : memref<161x512xf32, #tpu.memory_space<vmem>>, vector<16xf32>,
          %get3A_1001 = arith.index_cast %get3A_216 : i32 to index
          %get3A_1002 = arith.constant 240 : index
          %get3A_1003 = tpu.vector_load %arg8[%get3A_1001, %get3A_1002] {strides = array<i32>} : memref<161x512xf32, #tpu.memory_space<vmem>>, vector<16xf32>,
          %mul3A_1004 = vector.broadcast %squeeze3A_223 : f32 to vector<16xf32>
          %mul3A_1005 = arith.mulf %mul3A_953, %mul3A_1004 : vector<16xf32>
          %mul3A_1006 = arith.mulf %mul3A_939, %get3A_966 : vector<16xf32>
          %add3A_1007 = arith.addf %mul3A_1005, %mul3A_1006 : vector<16xf32>
          %mul3A_1008 = arith.mulf %mul3A_960, %sub3A_984 : vector<16xf32>
          %add3A_1009 = arith.addf %add3A_1007, %mul3A_1008 : vector<16xf32>
          %add3A_1010 = arith.addf %get3A_1003, %add3A_1009 : vector<16xf32>
          %swap3A_1011 = arith.index_cast %get3A_216 : i32 to index
          %swap3A_1012 = arith.constant 240 : index
          %swap3A_1013 = tpu.vector_load %arg8[%swap3A_1011, %swap3A_1012] {strides = array<i32>} : memref<161x512xf32, #tpu.memory_space<vmem>>, vector<16xf32>,
          tpu.vector_store %arg8[%swap3A_1011, %swap3A_1012], %add3A_1010 {strides = array<i32>} : memref<161x512xf32, #tpu.memory_space<vmem>>, vector<16xf32>,
          %get3A_1014 = arith.index_cast %get3A_216 : i32 to index
          %get3A_1015 = arith.constant 368 : index
          %get3A_1016 = tpu.vector_load %arg8[%get3A_1014, %get3A_1015] {strides = array<i32>} : memref<161x512xf32, #tpu.memory_space<vmem>>, vector<16xf32>,
          %mul3A_1017 = vector.broadcast %squeeze3A_225 : f32 to vector<16xf32>
          %mul3A_1018 = arith.mulf %mul3A_953, %mul3A_1017 : vector<16xf32>
          %mul3A_1019 = arith.mulf %mul3A_939, %get3A_969 : vector<16xf32>
          %add3A_1020 = arith.addf %mul3A_1018, %mul3A_1019 : vector<16xf32>
          %mul3A_1021 = arith.mulf %mul3A_960, %sub3A_987 : vector<16xf32>
          %add3A_1022 = arith.addf %add3A_1020, %mul3A_1021 : vector<16xf32>
          %add3A_1023 = arith.addf %get3A_1016, %add3A_1022 : vector<16xf32>
          %swap3A_1024 = arith.index_cast %get3A_216 : i32 to index
          %swap3A_1025 = arith.constant 368 : index
          %swap3A_1026 = tpu.vector_load %arg8[%swap3A_1024, %swap3A_1025] {strides = array<i32>} : memref<161x512xf32, #tpu.memory_space<vmem>>, vector<16xf32>,
          tpu.vector_store %arg8[%swap3A_1024, %swap3A_1025], %add3A_1023 {strides = array<i32>} : memref<161x512xf32, #tpu.memory_space<vmem>>, vector<16xf32>,
          %get3A_1027 = arith.index_cast %get3A_216 : i32 to index
          %get3A_1028 = arith.constant 496 : index
          %get3A_1029 = tpu.vector_load %arg8[%get3A_1027, %get3A_1028] {strides = array<i32>} : memref<161x512xf32, #tpu.memory_space<vmem>>, vector<16xf32>,
          %add3A_1030 = arith.addf %get3A_1029, %mul3A_946 : vector<16xf32>
          %swap3A_1031 = arith.index_cast %get3A_216 : i32 to index
          %swap3A_1032 = arith.constant 496 : index
          %swap3A_1033 = tpu.vector_load %arg8[%swap3A_1031, %swap3A_1032] {strides = array<i32>} : memref<161x512xf32, #tpu.memory_space<vmem>>, vector<16xf32>,
          tpu.vector_store %arg8[%swap3A_1031, %swap3A_1032], %add3A_1030 {strides = array<i32>} : memref<161x512xf32, #tpu.memory_space<vmem>>, vector<16xf32>,
          %scan3A_1034 = arith.constant 0 : i32
          scf.yield %scan3A_1034 : i32
        }
        %scan3A_211 = arith.constant 16 : i32
        %while3A_212 = arith.constant 0 : i32
        scf.yield %while3A_212 : i32
      }
      %while3A_85 = arith.constant 1 : i32
      %while3A_86 = scf.for %while3A_88 = %while3A_82 to %while3A_78 step %while3A_85 iter_args(%while3A_89 = %while3A_84) -> (i32)  : i32 {
        %mul3A_90 = arith.constant 16 : i32
        %mul3A_91 = arith.muli %while3A_88, %mul3A_90 : i32
        %get3A = arith.index_cast %mul3A_91 : i32 to index
        %get3A_92 = tpu.vector_load %arg11[%get3A] {strides = array<i32>} : memref<1616xi32, #tpu.memory_space<vmem>>, vector<16xi32>,
        %get3A_93 = arith.index_cast %mul3A_91 : i32 to index
        %get3A_94 = tpu.vector_load %arg12[%get3A_93] {strides = array<i32>} : memref<1616xi32, #tpu.memory_space<vmem>>, vector<16xi32>,
        %get3A_95 = arith.index_cast %mul3A_91 : i32 to index
        %get3A_96 = tpu.vector_load %arg13[%get3A_95] {strides = array<i32>} : memref<1616xi32, #tpu.memory_space<vmem>>, vector<16xi32>,
        %swap3A_97 = arith.constant 0 : index
        %swap3A_98 = tpu.vector_load %arg14[%swap3A_97] {strides = array<i32>} : memref<16xi32, #tpu.memory_space<vmem>>, vector<16xi32>,
        tpu.vector_store %arg14[%swap3A_97], %get3A_92 {strides = array<i32>} : memref<16xi32, #tpu.memory_space<vmem>>, vector<16xi32>,
        %swap3A_99 = arith.constant 0 : index
        %swap3A_100 = tpu.vector_load %arg15[%swap3A_99] {strides = array<i32>} : memref<16xi32, #tpu.memory_space<vmem>>, vector<16xi32>,
        tpu.vector_store %arg15[%swap3A_99], %get3A_94 {strides = array<i32>} : memref<16xi32, #tpu.memory_space<vmem>>, vector<16xi32>,
        %swap3A_101 = arith.constant 0 : index
        %swap3A_102 = tpu.vector_load %arg16[%swap3A_101] {strides = array<i32>} : memref<16xi32, #tpu.memory_space<vmem>>, vector<16xi32>,
        tpu.vector_store %arg16[%swap3A_101], %get3A_96 {strides = array<i32>} : memref<16xi32, #tpu.memory_space<vmem>>, vector<16xi32>,
        %sub3A_103 = vector.broadcast %mul3A_21 : i32 to vector<16xi32>
        %sub3A_104 = arith.subi %get3A_94, %sub3A_103 : vector<16xi32>
        %slice3A = vector.extract_strided_slice %sub3A_104 {offsets = [0], sizes = [1], strides = [1]} : vector<16xi32> to vector<1xi32>
        %squeeze3A = vector.extract %slice3A[0] : i32 from vector<1xi32>
        %swap3A_105 = arith.constant 0 : i32
        %swap3A_106 = arith.index_cast %swap3A_105 : i32 to index
        %swap3A_107 = memref.load %arg17[%swap3A_106] : memref<16xi32, #tpu.memory_space<smem>>
        memref.store %squeeze3A, %arg17[%swap3A_106] : memref<16xi32, #tpu.memory_space<smem>>
        %slice3A_108 = vector.extract_strided_slice %sub3A_104 {offsets = [1], sizes = [1], strides = [1]} : vector<16xi32> to vector<1xi32>
        %squeeze3A_109 = vector.extract %slice3A_108[0] : i32 from vector<1xi32>
        %swap3A_110 = arith.constant 1 : i32
        %swap3A_111 = arith.index_cast %swap3A_110 : i32 to index
        %swap3A_112 = memref.load %arg17[%swap3A_111] : memref<16xi32, #tpu.memory_space<smem>>
        memref.store %squeeze3A_109, %arg17[%swap3A_111] : memref<16xi32, #tpu.memory_space<smem>>
        %slice3A_113 = vector.extract_strided_slice %sub3A_104 {offsets = [2], sizes = [1], strides = [1]} : vector<16xi32> to vector<1xi32>
        %squeeze3A_114 = vector.extract %slice3A_113[0] : i32 from vector<1xi32>
        %swap3A_115 = arith.constant 2 : i32
        %swap3A_116 = arith.index_cast %swap3A_115 : i32 to index
        %swap3A_117 = memref.load %arg17[%swap3A_116] : memref<16xi32, #tpu.memory_space<smem>>
        memref.store %squeeze3A_114, %arg17[%swap3A_116] : memref<16xi32, #tpu.memory_space<smem>>
        %slice3A_118 = vector.extract_strided_slice %sub3A_104 {offsets = [3], sizes = [1], strides = [1]} : vector<16xi32> to vector<1xi32>
        %squeeze3A_119 = vector.extract %slice3A_118[0] : i32 from vector<1xi32>
        %swap3A_120 = arith.constant 3 : i32
        %swap3A_121 = arith.index_cast %swap3A_120 : i32 to index
        %swap3A_122 = memref.load %arg17[%swap3A_121] : memref<16xi32, #tpu.memory_space<smem>>
        memref.store %squeeze3A_119, %arg17[%swap3A_121] : memref<16xi32, #tpu.memory_space<smem>>
        %slice3A_123 = vector.extract_strided_slice %sub3A_104 {offsets = [4], sizes = [1], strides = [1]} : vector<16xi32> to vector<1xi32>
        %squeeze3A_124 = vector.extract %slice3A_123[0] : i32 from vector<1xi32>
        %swap3A_125 = arith.constant 4 : i32
        %swap3A_126 = arith.index_cast %swap3A_125 : i32 to index
        %swap3A_127 = memref.load %arg17[%swap3A_126] : memref<16xi32, #tpu.memory_space<smem>>
        memref.store %squeeze3A_124, %arg17[%swap3A_126] : memref<16xi32, #tpu.memory_space<smem>>
        %slice3A_128 = vector.extract_strided_slice %sub3A_104 {offsets = [5], sizes = [1], strides = [1]} : vector<16xi32> to vector<1xi32>
        %squeeze3A_129 = vector.extract %slice3A_128[0] : i32 from vector<1xi32>
        %swap3A_130 = arith.constant 5 : i32
        %swap3A_131 = arith.index_cast %swap3A_130 : i32 to index
        %swap3A_132 = memref.load %arg17[%swap3A_131] : memref<16xi32, #tpu.memory_space<smem>>
        memref.store %squeeze3A_129, %arg17[%swap3A_131] : memref<16xi32, #tpu.memory_space<smem>>
        %slice3A_133 = vector.extract_strided_slice %sub3A_104 {offsets = [6], sizes = [1], strides = [1]} : vector<16xi32> to vector<1xi32>
        %squeeze3A_134 = vector.extract %slice3A_133[0] : i32 from vector<1xi32>
        %swap3A_135 = arith.constant 6 : i32
        %swap3A_136 = arith.index_cast %swap3A_135 : i32 to index
        %swap3A_137 = memref.load %arg17[%swap3A_136] : memref<16xi32, #tpu.memory_space<smem>>
        memref.store %squeeze3A_134, %arg17[%swap3A_136] : memref<16xi32, #tpu.memory_space<smem>>
        %slice3A_138 = vector.extract_strided_slice %sub3A_104 {offsets = [7], sizes = [1], strides = [1]} : vector<16xi32> to vector<1xi32>
        %squeeze3A_139 = vector.extract %slice3A_138[0] : i32 from vector<1xi32>
        %swap3A_140 = arith.constant 7 : i32
        %swap3A_141 = arith.index_cast %swap3A_140 : i32 to index
        %swap3A_142 = memref.load %arg17[%swap3A_141] : memref<16xi32, #tpu.memory_space<smem>>
        memref.store %squeeze3A_139, %arg17[%swap3A_141] : memref<16xi32, #tpu.memory_space<smem>>
        %slice3A_143 = vector.extract_strided_slice %sub3A_104 {offsets = [8], sizes = [1], strides = [1]} : vector<16xi32> to vector<1xi32>
        %squeeze3A_144 = vector.extract %slice3A_143[0] : i32 from vector<1xi32>
        %swap3A_145 = arith.constant 8 : i32
        %swap3A_146 = arith.index_cast %swap3A_145 : i32 to index
        %swap3A_147 = memref.load %arg17[%swap3A_146] : memref<16xi32, #tpu.memory_space<smem>>
        memref.store %squeeze3A_144, %arg17[%swap3A_146] : memref<16xi32, #tpu.memory_space<smem>>
        %slice3A_148 = vector.extract_strided_slice %sub3A_104 {offsets = [9], sizes = [1], strides = [1]} : vector<16xi32> to vector<1xi32>
        %squeeze3A_149 = vector.extract %slice3A_148[0] : i32 from vector<1xi32>
        %swap3A_150 = arith.constant 9 : i32
        %swap3A_151 = arith.index_cast %swap3A_150 : i32 to index
        %swap3A_152 = memref.load %arg17[%swap3A_151] : memref<16xi32, #tpu.memory_space<smem>>
        memref.store %squeeze3A_149, %arg17[%swap3A_151] : memref<16xi32, #tpu.memory_space<smem>>
        %slice3A_153 = vector.extract_strided_slice %sub3A_104 {offsets = [10], sizes = [1], strides = [1]} : vector<16xi32> to vector<1xi32>
        %squeeze3A_154 = vector.extract %slice3A_153[0] : i32 from vector<1xi32>
        %swap3A_155 = arith.constant 10 : i32
        %swap3A_156 = arith.index_cast %swap3A_155 : i32 to index
        %swap3A_157 = memref.load %arg17[%swap3A_156] : memref<16xi32, #tpu.memory_space<smem>>
        memref.store %squeeze3A_154, %arg17[%swap3A_156] : memref<16xi32, #tpu.memory_space<smem>>
        %slice3A_158 = vector.extract_strided_slice %sub3A_104 {offsets = [11], sizes = [1], strides = [1]} : vector<16xi32> to vector<1xi32>
        %squeeze3A_159 = vector.extract %slice3A_158[0] : i32 from vector<1xi32>
        %swap3A_160 = arith.constant 11 : i32
        %swap3A_161 = arith.index_cast %swap3A_160 : i32 to index
        %swap3A_162 = memref.load %arg17[%swap3A_161] : memref<16xi32, #tpu.memory_space<smem>>
        memref.store %squeeze3A_159, %arg17[%swap3A_161] : memref<16xi32, #tpu.memory_space<smem>>
        %slice3A_163 = vector.extract_strided_slice %sub3A_104 {offsets = [12], sizes = [1], strides = [1]} : vector<16xi32> to vector<1xi32>
        %squeeze3A_164 = vector.extract %slice3A_163[0] : i32 from vector<1xi32>
        %swap3A_165 = arith.constant 12 : i32
        %swap3A_166 = arith.index_cast %swap3A_165 : i32 to index
        %swap3A_167 = memref.load %arg17[%swap3A_166] : memref<16xi32, #tpu.memory_space<smem>>
        memref.store %squeeze3A_164, %arg17[%swap3A_166] : memref<16xi32, #tpu.memory_space<smem>>
        %slice3A_168 = vector.extract_strided_slice %sub3A_104 {offsets = [13], sizes = [1], strides = [1]} : vector<16xi32> to vector<1xi32>
        %squeeze3A_169 = vector.extract %slice3A_168[0] : i32 from vector<1xi32>
        %swap3A_170 = arith.constant 13 : i32
        %swap3A_171 = arith.index_cast %swap3A_170 : i32 to index
        %swap3A_172 = memref.load %arg17[%swap3A_171] : memref<16xi32, #tpu.memory_space<smem>>
        memref.store %squeeze3A_169, %arg17[%swap3A_171] : memref<16xi32, #tpu.memory_space<smem>>
        %slice3A_173 = vector.extract_strided_slice %sub3A_104 {offsets = [14], sizes = [1], strides = [1]} : vector<16xi32> to vector<1xi32>
        %squeeze3A_174 = vector.extract %slice3A_173[0] : i32 from vector<1xi32>
        %swap3A_175 = arith.constant 14 : i32
        %swap3A_176 = arith.index_cast %swap3A_175 : i32 to index
        %swap3A_177 = memref.load %arg17[%swap3A_176] : memref<16xi32, #tpu.memory_space<smem>>
        memref.store %squeeze3A_174, %arg17[%swap3A_176] : memref<16xi32, #tpu.memory_space<smem>>
        %slice3A_178 = vector.extract_strided_slice %sub3A_104 {offsets = [15], sizes = [1], strides = [1]} : vector<16xi32> to vector<1xi32>
        %squeeze3A_179 = vector.extract %slice3A_178[0] : i32 from vector<1xi32>
        %swap3A_180 = arith.constant 15 : i32
        %swap3A_181 = arith.index_cast %swap3A_180 : i32 to index
        %swap3A_182 = memref.load %arg17[%swap3A_181] : memref<16xi32, #tpu.memory_space<smem>>
        memref.store %squeeze3A_179, %arg17[%swap3A_181] : memref<16xi32, #tpu.memory_space<smem>>
        %dma_start3A = arith.constant 0 : i32
        %dma_start3A_183 = arith.constant 0 : i32
        %dma_start3A_184 = tpu.memref_slice %arg4[%dma_start3A, %dma_start3A_183] : memref<160000x640xf32, #tpu.memory_space<hbm>> -> memref<160000x640xf32, #tpu.memory_space<hbm>>
        tpu.enqueue_indirect_dma source(%dma_start3A_184 : memref<160000x640xf32, #tpu.memory_space<hbm>>) target(%arg18 : memref<16x640xf32, #tpu.memory_space<vmem>>) offsets(%arg14 : memref<16xi32, #tpu.memory_space<vmem>>) semaphore(%arg22 : memref<!tpu.dma_semaphore, #tpu.memory_space<semaphore_mem>>)
        %dma_start3A_185 = arith.constant 0 : i32
        %dma_start3A_186 = arith.constant 0 : i32
        %dma_start3A_187 = tpu.memref_slice %arg5[%dma_start3A_185, %dma_start3A_186] : memref<10256x512xf32, #tpu.memory_space<hbm>> -> memref<10256x512xf32, #tpu.memory_space<hbm>>
        tpu.enqueue_indirect_dma source(%dma_start3A_187 : memref<10256x512xf32, #tpu.memory_space<hbm>>) target(%arg19 : memref<16x512xf32, #tpu.memory_space<vmem>>) offsets(%arg16 : memref<16xi32, #tpu.memory_space<vmem>>) semaphore(%arg22 : memref<!tpu.dma_semaphore, #tpu.memory_space<semaphore_mem>>)
        %dma_start3A_188 = arith.constant 0 : i32
        %dma_start3A_189 = arith.constant 0 : i32
        %dma_start3A_190 = tpu.memref_slice %arg6[%dma_start3A_188, %dma_start3A_189] : memref<10256x384xf32, #tpu.memory_space<hbm>> -> memref<10256x384xf32, #tpu.memory_space<hbm>>
        tpu.enqueue_indirect_dma source(%dma_start3A_190 : memref<10256x384xf32, #tpu.memory_space<hbm>>) target(%arg20 : memref<16x384xf32, #tpu.memory_space<vmem>>) offsets(%arg16 : memref<16xi32, #tpu.memory_space<vmem>>) semaphore(%arg22 : memref<!tpu.dma_semaphore, #tpu.memory_space<semaphore_mem>>)
        %dma_start3A_191 = arith.constant 0 : i32
        %dma_start3A_192 = arith.constant 0 : i32
        %dma_start3A_193 = tpu.memref_slice %arg6[%dma_start3A_191, %dma_start3A_192] : memref<10256x384xf32, #tpu.memory_space<hbm>> -> memref<10256x384xf32, #tpu.memory_space<hbm>>
        tpu.enqueue_indirect_dma source(%dma_start3A_193 : memref<10256x384xf32, #tpu.memory_space<hbm>>) target(%arg21 : memref<16x384xf32, #tpu.memory_space<vmem>>) offsets(%arg15 : memref<16xi32, #tpu.memory_space<vmem>>) semaphore(%arg22 : memref<!tpu.dma_semaphore, #tpu.memory_space<semaphore_mem>>)
        %dma_wait3A = arith.constant 0 : i32
        %dma_wait3A_194 = arith.constant 0 : i32
        %dma_wait3A_195 = tpu.memref_slice %arg4[%dma_wait3A, %dma_wait3A_194] : memref<160000x640xf32, #tpu.memory_space<hbm>> -> memref<160000x640xf32, #tpu.memory_space<hbm>>
        tpu.wait_indirect_dma semaphore(%arg22 : memref<!tpu.dma_semaphore, #tpu.memory_space<semaphore_mem>>) src(%dma_wait3A_195 : memref<160000x640xf32, #tpu.memory_space<hbm>>) dst(%arg18 : memref<16x640xf32, #tpu.memory_space<vmem>>)
        %dma_wait3A_196 = arith.constant 0 : i32
        %dma_wait3A_197 = arith.constant 0 : i32
        %dma_wait3A_198 = tpu.memref_slice %arg5[%dma_wait3A_196, %dma_wait3A_197] : memref<10256x512xf32, #tpu.memory_space<hbm>> -> memref<10256x512xf32, #tpu.memory_space<hbm>>
        tpu.wait_indirect_dma semaphore(%arg22 : memref<!tpu.dma_semaphore, #tpu.memory_space<semaphore_mem>>) src(%dma_wait3A_198 : memref<10256x512xf32, #tpu.memory_space<hbm>>) dst(%arg19 : memref<16x512xf32, #tpu.memory_space<vmem>>)
        %dma_wait3A_199 = arith.constant 0 : i32
        %dma_wait3A_200 = arith.constant 0 : i32
        %dma_wait3A_201 = tpu.memref_slice %arg6[%dma_wait3A_199, %dma_wait3A_200] : memref<10256x384xf32, #tpu.memory_space<hbm>> -> memref<10256x384xf32, #tpu.memory_space<hbm>>
        tpu.wait_indirect_dma semaphore(%arg22 : memref<!tpu.dma_semaphore, #tpu.memory_space<semaphore_mem>>) src(%dma_wait3A_201 : memref<10256x384xf32, #tpu.memory_space<hbm>>) dst(%arg20 : memref<16x384xf32, #tpu.memory_space<vmem>>)
        %dma_wait3A_202 = arith.constant 0 : i32
        %dma_wait3A_203 = arith.constant 0 : i32
        %dma_wait3A_204 = tpu.memref_slice %arg6[%dma_wait3A_202, %dma_wait3A_203] : memref<10256x384xf32, #tpu.memory_space<hbm>> -> memref<10256x384xf32, #tpu.memory_space<hbm>>
        tpu.wait_indirect_dma semaphore(%arg22 : memref<!tpu.dma_semaphore, #tpu.memory_space<semaphore_mem>>) src(%dma_wait3A_204 : memref<10256x384xf32, #tpu.memory_space<hbm>>) dst(%arg21 : memref<16x384xf32, #tpu.memory_space<vmem>>)
        %scan3A_205 = arith.constant 0 : i32
        %scan3A_206 = arith.constant 0 : i32
        %scan3A_207 = arith.constant 16 : i32
        %scan3A_208 = arith.addi %scan3A_206, %scan3A_207 : i32
        %scan3A_209 = arith.constant 1 : i32
        %scan3A_210 = scf.for %scan3A_213 = %scan3A_206 to %scan3A_208 step %scan3A_209 iter_args(%scan3A_214 = %scan3A_205) -> (i32)  : i32 {
          %get3A_215 = arith.index_cast %scan3A_213 : i32 to index
          %get3A_216 = memref.load %arg17[%get3A_215] : memref<16xi32, #tpu.memory_space<smem>>
          %get3A_217 = arith.index_cast %scan3A_213 : i32 to index
          %get3A_218 = arith.constant 512 : index
          %get3A_219 = tpu.vector_load %arg18[%get3A_217, %get3A_218] {strides = array<i32>} : memref<16x640xf32, #tpu.memory_space<vmem>>, vector<16xf32>,
          %slice3A_220 = vector.extract_strided_slice %get3A_219 {offsets = [0], sizes = [1], strides = [1]} : vector<16xf32> to vector<1xf32>
          %squeeze3A_221 = vector.extract %slice3A_220[0] : f32 from vector<1xf32>
          %slice3A_222 = vector.extract_strided_slice %get3A_219 {offsets = [1], sizes = [1], strides = [1]} : vector<16xf32> to vector<1xf32>
          %squeeze3A_223 = vector.extract %slice3A_222[0] : f32 from vector<1xf32>
          %slice3A_224 = vector.extract_strided_slice %get3A_219 {offsets = [2], sizes = [1], strides = [1]} : vector<16xf32> to vector<1xf32>
          %squeeze3A_225 = vector.extract %slice3A_224[0] : f32 from vector<1xf32>
          %get3A_226 = arith.index_cast %scan3A_213 : i32 to index
          %get3A_227 = arith.constant 0 : index
          %get3A_228 = tpu.vector_load %arg19[%get3A_226, %get3A_227] {strides = array<i32>} : memref<16x512xf32, #tpu.memory_space<vmem>>, vector<16xf32>,
          %get3A_229 = arith.index_cast %scan3A_213 : i32 to index
          %get3A_230 = arith.constant 0 : index
          %get3A_231 = tpu.vector_load %arg18[%get3A_229, %get3A_230] {strides = array<i32>} : memref<16x640xf32, #tpu.memory_space<vmem>>, vector<16xf32>,
          %mul3A_232 = arith.mulf %get3A_228, %get3A_231 : vector<16xf32>
          %get3A_233 = arith.index_cast %scan3A_213 : i32 to index
          %get3A_234 = arith.constant 128 : index
          %get3A_235 = tpu.vector_load %arg19[%get3A_233, %get3A_234] {strides = array<i32>} : memref<16x512xf32, #tpu.memory_space<vmem>>, vector<16xf32>,
          %get3A_236 = arith.index_cast %scan3A_213 : i32 to index
          %get3A_237 = arith.constant 128 : index
          %get3A_238 = tpu.vector_load %arg18[%get3A_236, %get3A_237] {strides = array<i32>} : memref<16x640xf32, #tpu.memory_space<vmem>>, vector<16xf32>,
          %mul3A_239 = arith.mulf %get3A_235, %get3A_238 : vector<16xf32>
          %get3A_240 = arith.index_cast %scan3A_213 : i32 to index
          %get3A_241 = arith.constant 256 : index
          %get3A_242 = tpu.vector_load %arg19[%get3A_240, %get3A_241] {strides = array<i32>} : memref<16x512xf32, #tpu.memory_space<vmem>>, vector<16xf32>,
          %get3A_243 = arith.index_cast %scan3A_213 : i32 to index
          %get3A_244 = arith.constant 256 : index
          %get3A_245 = tpu.vector_load %arg18[%get3A_243, %get3A_244] {strides = array<i32>} : memref<16x640xf32, #tpu.memory_space<vmem>>, vector<16xf32>,
          %mul3A_246 = arith.mulf %get3A_242, %get3A_245 : vector<16xf32>
          %get3A_247 = arith.index_cast %scan3A_213 : i32 to index
          %get3A_248 = arith.constant 384 : index
          %get3A_249 = tpu.vector_load %arg19[%get3A_247, %get3A_248] {strides = array<i32>} : memref<16x512xf32, #tpu.memory_space<vmem>>, vector<16xf32>,
          %get3A_250 = arith.index_cast %scan3A_213 : i32 to index
          %get3A_251 = arith.constant 384 : index
          %get3A_252 = tpu.vector_load %arg18[%get3A_250, %get3A_251] {strides = array<i32>} : memref<16x640xf32, #tpu.memory_space<vmem>>, vector<16xf32>,
          %mul3A_253 = arith.mulf %get3A_249, %get3A_252 : vector<16xf32>
          %get3A_254 = arith.index_cast %scan3A_213 : i32 to index
          %get3A_255 = arith.constant 0 : index
          %get3A_256 = tpu.vector_load %arg20[%get3A_254, %get3A_255] {strides = array<i32>} : memref<16x384xf32, #tpu.memory_space<vmem>>, vector<16xf32>,
          %get3A_257 = arith.index_cast %scan3A_213 : i32 to index
          %get3A_258 = arith.constant 128 : index
          %get3A_259 = tpu.vector_load %arg20[%get3A_257, %get3A_258] {strides = array<i32>} : memref<16x384xf32, #tpu.memory_space<vmem>>, vector<16xf32>,
          %get3A_260 = arith.index_cast %scan3A_213 : i32 to index
          %get3A_261 = arith.constant 256 : index
          %get3A_262 = tpu.vector_load %arg20[%get3A_260, %get3A_261] {strides = array<i32>} : memref<16x384xf32, #tpu.memory_space<vmem>>, vector<16xf32>,
          %get3A_263 = arith.index_cast %scan3A_213 : i32 to index
          %get3A_264 = arith.constant 0 : index
          %get3A_265 = tpu.vector_load %arg21[%get3A_263, %get3A_264] {strides = array<i32>} : memref<16x384xf32, #tpu.memory_space<vmem>>, vector<16xf32>,
          %get3A_266 = arith.index_cast %scan3A_213 : i32 to index
          %get3A_267 = arith.constant 128 : index
          %get3A_268 = tpu.vector_load %arg21[%get3A_266, %get3A_267] {strides = array<i32>} : memref<16x384xf32, #tpu.memory_space<vmem>>, vector<16xf32>,
          %get3A_269 = arith.index_cast %scan3A_213 : i32 to index
          %get3A_270 = arith.constant 256 : index
          %get3A_271 = tpu.vector_load %arg21[%get3A_269, %get3A_270] {strides = array<i32>} : memref<16x384xf32, #tpu.memory_space<vmem>>, vector<16xf32>,
          %mul3A_272 = arith.mulf %get3A_268, %get3A_262 : vector<16xf32>
          %mul3A_273 = arith.mulf %get3A_271, %get3A_259 : vector<16xf32>
          %sub3A_274 = arith.subf %mul3A_272, %mul3A_273 : vector<16xf32>
          %mul3A_275 = arith.mulf %get3A_271, %get3A_256 : vector<16xf32>
          %mul3A_276 = arith.mulf %get3A_265, %get3A_262 : vector<16xf32>
          %sub3A_277 = arith.subf %mul3A_275, %mul3A_276 : vector<16xf32>
          %mul3A_278 = arith.mulf %get3A_265, %get3A_259 : vector<16xf32>
          %mul3A_279 = arith.mulf %get3A_268, %get3A_256 : vector<16xf32>
          %sub3A_280 = arith.subf %mul3A_278, %mul3A_279 : vector<16xf32>
          %get3A_281 = arith.index_cast %get3A_216 : i32 to index
          %get3A_282 = arith.constant 0 : index
          %get3A_283 = tpu.vector_load %arg8[%get3A_281, %get3A_282] {strides = array<i32>} : memref<161x512xf32, #tpu.memory_space<vmem>>, vector<16xf32>,
          %mul3A_284 = vector.broadcast %squeeze3A_221 : f32 to vector<16xf32>
          %mul3A_285 = arith.mulf %mul3A_246, %mul3A_284 : vector<16xf32>
          %mul3A_286 = arith.mulf %mul3A_232, %get3A_256 : vector<16xf32>
          %add3A_287 = arith.addf %mul3A_285, %mul3A_286 : vector<16xf32>
          %mul3A_288 = arith.mulf %mul3A_253, %sub3A_274 : vector<16xf32>
          %add3A_289 = arith.addf %add3A_287, %mul3A_288 : vector<16xf32>
          %add3A_290 = arith.addf %get3A_283, %add3A_289 : vector<16xf32>
          %swap3A_291 = arith.index_cast %get3A_216 : i32 to index
          %swap3A_292 = arith.constant 0 : index
          %swap3A_293 = tpu.vector_load %arg8[%swap3A_291, %swap3A_292] {strides = array<i32>} : memref<161x512xf32, #tpu.memory_space<vmem>>, vector<16xf32>,
          tpu.vector_store %arg8[%swap3A_291, %swap3A_292], %add3A_290 {strides = array<i32>} : memref<161x512xf32, #tpu.memory_space<vmem>>, vector<16xf32>,
          %get3A_294 = arith.index_cast %get3A_216 : i32 to index
          %get3A_295 = arith.constant 128 : index
          %get3A_296 = tpu.vector_load %arg8[%get3A_294, %get3A_295] {strides = array<i32>} : memref<161x512xf32, #tpu.memory_space<vmem>>, vector<16xf32>,
          %mul3A_297 = vector.broadcast %squeeze3A_223 : f32 to vector<16xf32>
          %mul3A_298 = arith.mulf %mul3A_246, %mul3A_297 : vector<16xf32>
          %mul3A_299 = arith.mulf %mul3A_232, %get3A_259 : vector<16xf32>
          %add3A_300 = arith.addf %mul3A_298, %mul3A_299 : vector<16xf32>
          %mul3A_301 = arith.mulf %mul3A_253, %sub3A_277 : vector<16xf32>
          %add3A_302 = arith.addf %add3A_300, %mul3A_301 : vector<16xf32>
          %add3A_303 = arith.addf %get3A_296, %add3A_302 : vector<16xf32>
          %swap3A_304 = arith.index_cast %get3A_216 : i32 to index
          %swap3A_305 = arith.constant 128 : index
          %swap3A_306 = tpu.vector_load %arg8[%swap3A_304, %swap3A_305] {strides = array<i32>} : memref<161x512xf32, #tpu.memory_space<vmem>>, vector<16xf32>,
          tpu.vector_store %arg8[%swap3A_304, %swap3A_305], %add3A_303 {strides = array<i32>} : memref<161x512xf32, #tpu.memory_space<vmem>>, vector<16xf32>,
          %get3A_307 = arith.index_cast %get3A_216 : i32 to index
          %get3A_308 = arith.constant 256 : index
          %get3A_309 = tpu.vector_load %arg8[%get3A_307, %get3A_308] {strides = array<i32>} : memref<161x512xf32, #tpu.memory_space<vmem>>, vector<16xf32>,
          %mul3A_310 = vector.broadcast %squeeze3A_225 : f32 to vector<16xf32>
          %mul3A_311 = arith.mulf %mul3A_246, %mul3A_310 : vector<16xf32>
          %mul3A_312 = arith.mulf %mul3A_232, %get3A_262 : vector<16xf32>
          %add3A_313 = arith.addf %mul3A_311, %mul3A_312 : vector<16xf32>
          %mul3A_314 = arith.mulf %mul3A_253, %sub3A_280 : vector<16xf32>
          %add3A_315 = arith.addf %add3A_313, %mul3A_314 : vector<16xf32>
          %add3A_316 = arith.addf %get3A_309, %add3A_315 : vector<16xf32>
          %swap3A_317 = arith.index_cast %get3A_216 : i32 to index
          %swap3A_318 = arith.constant 256 : index
          %swap3A_319 = tpu.vector_load %arg8[%swap3A_317, %swap3A_318] {strides = array<i32>} : memref<161x512xf32, #tpu.memory_space<vmem>>, vector<16xf32>,
          tpu.vector_store %arg8[%swap3A_317, %swap3A_318], %add3A_316 {strides = array<i32>} : memref<161x512xf32, #tpu.memory_space<vmem>>, vector<16xf32>,
          %get3A_320 = arith.index_cast %get3A_216 : i32 to index
          %get3A_321 = arith.constant 384 : index
          %get3A_322 = tpu.vector_load %arg8[%get3A_320, %get3A_321] {strides = array<i32>} : memref<161x512xf32, #tpu.memory_space<vmem>>, vector<16xf32>,
          %add3A_323 = arith.addf %get3A_322, %mul3A_239 : vector<16xf32>
          %swap3A_324 = arith.index_cast %get3A_216 : i32 to index
          %swap3A_325 = arith.constant 384 : index
          %swap3A_326 = tpu.vector_load %arg8[%swap3A_324, %swap3A_325] {strides = array<i32>} : memref<161x512xf32, #tpu.memory_space<vmem>>, vector<16xf32>,
          tpu.vector_store %arg8[%swap3A_324, %swap3A_325], %add3A_323 {strides = array<i32>} : memref<161x512xf32, #tpu.memory_space<vmem>>, vector<16xf32>,
          %get3A_327 = arith.index_cast %scan3A_213 : i32 to index
          %get3A_328 = arith.constant 16 : index
          %get3A_329 = tpu.vector_load %arg19[%get3A_327, %get3A_328] {strides = array<i32>} : memref<16x512xf32, #tpu.memory_space<vmem>>, vector<16xf32>,
          %get3A_330 = arith.index_cast %scan3A_213 : i32 to index
          %get3A_331 = arith.constant 16 : index
          %get3A_332 = tpu.vector_load %arg18[%get3A_330, %get3A_331] {strides = array<i32>} : memref<16x640xf32, #tpu.memory_space<vmem>>, vector<16xf32>,
          %mul3A_333 = arith.mulf %get3A_329, %get3A_332 : vector<16xf32>
          %get3A_334 = arith.index_cast %scan3A_213 : i32 to index
          %get3A_335 = arith.constant 144 : index
          %get3A_336 = tpu.vector_load %arg19[%get3A_334, %get3A_335] {strides = array<i32>} : memref<16x512xf32, #tpu.memory_space<vmem>>, vector<16xf32>,
          %get3A_337 = arith.index_cast %scan3A_213 : i32 to index
          %get3A_338 = arith.constant 144 : index
          %get3A_339 = tpu.vector_load %arg18[%get3A_337, %get3A_338] {strides = array<i32>} : memref<16x640xf32, #tpu.memory_space<vmem>>, vector<16xf32>,
          %mul3A_340 = arith.mulf %get3A_336, %get3A_339 : vector<16xf32>
          %get3A_341 = arith.index_cast %scan3A_213 : i32 to index
          %get3A_342 = arith.constant 272 : index
          %get3A_343 = tpu.vector_load %arg19[%get3A_341, %get3A_342] {strides = array<i32>} : memref<16x512xf32, #tpu.memory_space<vmem>>, vector<16xf32>,
          %get3A_344 = arith.index_cast %scan3A_213 : i32 to index
          %get3A_345 = arith.constant 272 : index
          %get3A_346 = tpu.vector_load %arg18[%get3A_344, %get3A_345] {strides = array<i32>} : memref<16x640xf32, #tpu.memory_space<vmem>>, vector<16xf32>,
          %mul3A_347 = arith.mulf %get3A_343, %get3A_346 : vector<16xf32>
          %get3A_348 = arith.index_cast %scan3A_213 : i32 to index
          %get3A_349 = arith.constant 400 : index
          %get3A_350 = tpu.vector_load %arg19[%get3A_348, %get3A_349] {strides = array<i32>} : memref<16x512xf32, #tpu.memory_space<vmem>>, vector<16xf32>,
          %get3A_351 = arith.index_cast %scan3A_213 : i32 to index
          %get3A_352 = arith.constant 400 : index
          %get3A_353 = tpu.vector_load %arg18[%get3A_351, %get3A_352] {strides = array<i32>} : memref<16x640xf32, #tpu.memory_space<vmem>>, vector<16xf32>,
          %mul3A_354 = arith.mulf %get3A_350, %get3A_353 : vector<16xf32>
          %get3A_355 = arith.index_cast %scan3A_213 : i32 to index
          %get3A_356 = arith.constant 16 : index
          %get3A_357 = tpu.vector_load %arg20[%get3A_355, %get3A_356] {strides = array<i32>} : memref<16x384xf32, #tpu.memory_space<vmem>>, vector<16xf32>,
          %get3A_358 = arith.index_cast %scan3A_213 : i32 to index
          %get3A_359 = arith.constant 144 : index
          %get3A_360 = tpu.vector_load %arg20[%get3A_358, %get3A_359] {strides = array<i32>} : memref<16x384xf32, #tpu.memory_space<vmem>>, vector<16xf32>,
          %get3A_361 = arith.index_cast %scan3A_213 : i32 to index
          %get3A_362 = arith.constant 272 : index
          %get3A_363 = tpu.vector_load %arg20[%get3A_361, %get3A_362] {strides = array<i32>} : memref<16x384xf32, #tpu.memory_space<vmem>>, vector<16xf32>,
          %get3A_364 = arith.index_cast %scan3A_213 : i32 to index
          %get3A_365 = arith.constant 16 : index
          %get3A_366 = tpu.vector_load %arg21[%get3A_364, %get3A_365] {strides = array<i32>} : memref<16x384xf32, #tpu.memory_space<vmem>>, vector<16xf32>,
          %get3A_367 = arith.index_cast %scan3A_213 : i32 to index
          %get3A_368 = arith.constant 144 : index
          %get3A_369 = tpu.vector_load %arg21[%get3A_367, %get3A_368] {strides = array<i32>} : memref<16x384xf32, #tpu.memory_space<vmem>>, vector<16xf32>,
          %get3A_370 = arith.index_cast %scan3A_213 : i32 to index
          %get3A_371 = arith.constant 272 : index
          %get3A_372 = tpu.vector_load %arg21[%get3A_370, %get3A_371] {strides = array<i32>} : memref<16x384xf32, #tpu.memory_space<vmem>>, vector<16xf32>,
          %mul3A_373 = arith.mulf %get3A_369, %get3A_363 : vector<16xf32>
          %mul3A_374 = arith.mulf %get3A_372, %get3A_360 : vector<16xf32>
          %sub3A_375 = arith.subf %mul3A_373, %mul3A_374 : vector<16xf32>
          %mul3A_376 = arith.mulf %get3A_372, %get3A_357 : vector<16xf32>
          %mul3A_377 = arith.mulf %get3A_366, %get3A_363 : vector<16xf32>
          %sub3A_378 = arith.subf %mul3A_376, %mul3A_377 : vector<16xf32>
          %mul3A_379 = arith.mulf %get3A_366, %get3A_360 : vector<16xf32>
          %mul3A_380 = arith.mulf %get3A_369, %get3A_357 : vector<16xf32>
          %sub3A_381 = arith.subf %mul3A_379, %mul3A_380 : vector<16xf32>
          %get3A_382 = arith.index_cast %get3A_216 : i32 to index
          %get3A_383 = arith.constant 16 : index
          %get3A_384 = tpu.vector_load %arg8[%get3A_382, %get3A_383] {strides = array<i32>} : memref<161x512xf32, #tpu.memory_space<vmem>>, vector<16xf32>,
          %mul3A_385 = vector.broadcast %squeeze3A_221 : f32 to vector<16xf32>
          %mul3A_386 = arith.mulf %mul3A_347, %mul3A_385 : vector<16xf32>
          %mul3A_387 = arith.mulf %mul3A_333, %get3A_357 : vector<16xf32>
          %add3A_388 = arith.addf %mul3A_386, %mul3A_387 : vector<16xf32>
          %mul3A_389 = arith.mulf %mul3A_354, %sub3A_375 : vector<16xf32>
          %add3A_390 = arith.addf %add3A_388, %mul3A_389 : vector<16xf32>
          %add3A_391 = arith.addf %get3A_384, %add3A_390 : vector<16xf32>
          %swap3A_392 = arith.index_cast %get3A_216 : i32 to index
          %swap3A_393 = arith.constant 16 : index
          %swap3A_394 = tpu.vector_load %arg8[%swap3A_392, %swap3A_393] {strides = array<i32>} : memref<161x512xf32, #tpu.memory_space<vmem>>, vector<16xf32>,
          tpu.vector_store %arg8[%swap3A_392, %swap3A_393], %add3A_391 {strides = array<i32>} : memref<161x512xf32, #tpu.memory_space<vmem>>, vector<16xf32>,
          %get3A_395 = arith.index_cast %get3A_216 : i32 to index
          %get3A_396 = arith.constant 144 : index
          %get3A_397 = tpu.vector_load %arg8[%get3A_395, %get3A_396] {strides = array<i32>} : memref<161x512xf32, #tpu.memory_space<vmem>>, vector<16xf32>,
          %mul3A_398 = vector.broadcast %squeeze3A_223 : f32 to vector<16xf32>
          %mul3A_399 = arith.mulf %mul3A_347, %mul3A_398 : vector<16xf32>
          %mul3A_400 = arith.mulf %mul3A_333, %get3A_360 : vector<16xf32>
          %add3A_401 = arith.addf %mul3A_399, %mul3A_400 : vector<16xf32>
          %mul3A_402 = arith.mulf %mul3A_354, %sub3A_378 : vector<16xf32>
          %add3A_403 = arith.addf %add3A_401, %mul3A_402 : vector<16xf32>
          %add3A_404 = arith.addf %get3A_397, %add3A_403 : vector<16xf32>
          %swap3A_405 = arith.index_cast %get3A_216 : i32 to index
          %swap3A_406 = arith.constant 144 : index
          %swap3A_407 = tpu.vector_load %arg8[%swap3A_405, %swap3A_406] {strides = array<i32>} : memref<161x512xf32, #tpu.memory_space<vmem>>, vector<16xf32>,
          tpu.vector_store %arg8[%swap3A_405, %swap3A_406], %add3A_404 {strides = array<i32>} : memref<161x512xf32, #tpu.memory_space<vmem>>, vector<16xf32>,
          %get3A_408 = arith.index_cast %get3A_216 : i32 to index
          %get3A_409 = arith.constant 272 : index
          %get3A_410 = tpu.vector_load %arg8[%get3A_408, %get3A_409] {strides = array<i32>} : memref<161x512xf32, #tpu.memory_space<vmem>>, vector<16xf32>,
          %mul3A_411 = vector.broadcast %squeeze3A_225 : f32 to vector<16xf32>
          %mul3A_412 = arith.mulf %mul3A_347, %mul3A_411 : vector<16xf32>
          %mul3A_413 = arith.mulf %mul3A_333, %get3A_363 : vector<16xf32>
          %add3A_414 = arith.addf %mul3A_412, %mul3A_413 : vector<16xf32>
          %mul3A_415 = arith.mulf %mul3A_354, %sub3A_381 : vector<16xf32>
          %add3A_416 = arith.addf %add3A_414, %mul3A_415 : vector<16xf32>
          %add3A_417 = arith.addf %get3A_410, %add3A_416 : vector<16xf32>
          %swap3A_418 = arith.index_cast %get3A_216 : i32 to index
          %swap3A_419 = arith.constant 272 : index
          %swap3A_420 = tpu.vector_load %arg8[%swap3A_418, %swap3A_419] {strides = array<i32>} : memref<161x512xf32, #tpu.memory_space<vmem>>, vector<16xf32>,
          tpu.vector_store %arg8[%swap3A_418, %swap3A_419], %add3A_417 {strides = array<i32>} : memref<161x512xf32, #tpu.memory_space<vmem>>, vector<16xf32>,
          %get3A_421 = arith.index_cast %get3A_216 : i32 to index
          %get3A_422 = arith.constant 400 : index
          %get3A_423 = tpu.vector_load %arg8[%get3A_421, %get3A_422] {strides = array<i32>} : memref<161x512xf32, #tpu.memory_space<vmem>>, vector<16xf32>,
          %add3A_424 = arith.addf %get3A_423, %mul3A_340 : vector<16xf32>
          %swap3A_425 = arith.index_cast %get3A_216 : i32 to index
          %swap3A_426 = arith.constant 400 : index
          %swap3A_427 = tpu.vector_load %arg8[%swap3A_425, %swap3A_426] {strides = array<i32>} : memref<161x512xf32, #tpu.memory_space<vmem>>, vector<16xf32>,
          tpu.vector_store %arg8[%swap3A_425, %swap3A_426], %add3A_424 {strides = array<i32>} : memref<161x512xf32, #tpu.memory_space<vmem>>, vector<16xf32>,
          %get3A_428 = arith.index_cast %scan3A_213 : i32 to index
          %get3A_429 = arith.constant 32 : index
          %get3A_430 = tpu.vector_load %arg19[%get3A_428, %get3A_429] {strides = array<i32>} : memref<16x512xf32, #tpu.memory_space<vmem>>, vector<16xf32>,
          %get3A_431 = arith.index_cast %scan3A_213 : i32 to index
          %get3A_432 = arith.constant 32 : index
          %get3A_433 = tpu.vector_load %arg18[%get3A_431, %get3A_432] {strides = array<i32>} : memref<16x640xf32, #tpu.memory_space<vmem>>, vector<16xf32>,
          %mul3A_434 = arith.mulf %get3A_430, %get3A_433 : vector<16xf32>
          %get3A_435 = arith.index_cast %scan3A_213 : i32 to index
          %get3A_436 = arith.constant 160 : index
          %get3A_437 = tpu.vector_load %arg19[%get3A_435, %get3A_436] {strides = array<i32>} : memref<16x512xf32, #tpu.memory_space<vmem>>, vector<16xf32>,
          %get3A_438 = arith.index_cast %scan3A_213 : i32 to index
          %get3A_439 = arith.constant 160 : index
          %get3A_440 = tpu.vector_load %arg18[%get3A_438, %get3A_439] {strides = array<i32>} : memref<16x640xf32, #tpu.memory_space<vmem>>, vector<16xf32>,
          %mul3A_441 = arith.mulf %get3A_437, %get3A_440 : vector<16xf32>
          %get3A_442 = arith.index_cast %scan3A_213 : i32 to index
          %get3A_443 = arith.constant 288 : index
          %get3A_444 = tpu.vector_load %arg19[%get3A_442, %get3A_443] {strides = array<i32>} : memref<16x512xf32, #tpu.memory_space<vmem>>, vector<16xf32>,
          %get3A_445 = arith.index_cast %scan3A_213 : i32 to index
          %get3A_446 = arith.constant 288 : index
          %get3A_447 = tpu.vector_load %arg18[%get3A_445, %get3A_446] {strides = array<i32>} : memref<16x640xf32, #tpu.memory_space<vmem>>, vector<16xf32>,
          %mul3A_448 = arith.mulf %get3A_444, %get3A_447 : vector<16xf32>
          %get3A_449 = arith.index_cast %scan3A_213 : i32 to index
          %get3A_450 = arith.constant 416 : index
          %get3A_451 = tpu.vector_load %arg19[%get3A_449, %get3A_450] {strides = array<i32>} : memref<16x512xf32, #tpu.memory_space<vmem>>, vector<16xf32>,
          %get3A_452 = arith.index_cast %scan3A_213 : i32 to index
          %get3A_453 = arith.constant 416 : index
          %get3A_454 = tpu.vector_load %arg18[%get3A_452, %get3A_453] {strides = array<i32>} : memref<16x640xf32, #tpu.memory_space<vmem>>, vector<16xf32>,
          %mul3A_455 = arith.mulf %get3A_451, %get3A_454 : vector<16xf32>
          %get3A_456 = arith.index_cast %scan3A_213 : i32 to index
          %get3A_457 = arith.constant 32 : index
          %get3A_458 = tpu.vector_load %arg20[%get3A_456, %get3A_457] {strides = array<i32>} : memref<16x384xf32, #tpu.memory_space<vmem>>, vector<16xf32>,
          %get3A_459 = arith.index_cast %scan3A_213 : i32 to index
          %get3A_460 = arith.constant 160 : index
          %get3A_461 = tpu.vector_load %arg20[%get3A_459, %get3A_460] {strides = array<i32>} : memref<16x384xf32, #tpu.memory_space<vmem>>, vector<16xf32>,
          %get3A_462 = arith.index_cast %scan3A_213 : i32 to index
          %get3A_463 = arith.constant 288 : index
          %get3A_464 = tpu.vector_load %arg20[%get3A_462, %get3A_463] {strides = array<i32>} : memref<16x384xf32, #tpu.memory_space<vmem>>, vector<16xf32>,
          %get3A_465 = arith.index_cast %scan3A_213 : i32 to index
          %get3A_466 = arith.constant 32 : index
          %get3A_467 = tpu.vector_load %arg21[%get3A_465, %get3A_466] {strides = array<i32>} : memref<16x384xf32, #tpu.memory_space<vmem>>, vector<16xf32>,
          %get3A_468 = arith.index_cast %scan3A_213 : i32 to index
          %get3A_469 = arith.constant 160 : index
          %get3A_470 = tpu.vector_load %arg21[%get3A_468, %get3A_469] {strides = array<i32>} : memref<16x384xf32, #tpu.memory_space<vmem>>, vector<16xf32>,
          %get3A_471 = arith.index_cast %scan3A_213 : i32 to index
          %get3A_472 = arith.constant 288 : index
          %get3A_473 = tpu.vector_load %arg21[%get3A_471, %get3A_472] {strides = array<i32>} : memref<16x384xf32, #tpu.memory_space<vmem>>, vector<16xf32>,
          %mul3A_474 = arith.mulf %get3A_470, %get3A_464 : vector<16xf32>
          %mul3A_475 = arith.mulf %get3A_473, %get3A_461 : vector<16xf32>
          %sub3A_476 = arith.subf %mul3A_474, %mul3A_475 : vector<16xf32>
          %mul3A_477 = arith.mulf %get3A_473, %get3A_458 : vector<16xf32>
          %mul3A_478 = arith.mulf %get3A_467, %get3A_464 : vector<16xf32>
          %sub3A_479 = arith.subf %mul3A_477, %mul3A_478 : vector<16xf32>
          %mul3A_480 = arith.mulf %get3A_467, %get3A_461 : vector<16xf32>
          %mul3A_481 = arith.mulf %get3A_470, %get3A_458 : vector<16xf32>
          %sub3A_482 = arith.subf %mul3A_480, %mul3A_481 : vector<16xf32>
          %get3A_483 = arith.index_cast %get3A_216 : i32 to index
          %get3A_484 = arith.constant 32 : index
          %get3A_485 = tpu.vector_load %arg8[%get3A_483, %get3A_484] {strides = array<i32>} : memref<161x512xf32, #tpu.memory_space<vmem>>, vector<16xf32>,
          %mul3A_486 = vector.broadcast %squeeze3A_221 : f32 to vector<16xf32>
          %mul3A_487 = arith.mulf %mul3A_448, %mul3A_486 : vector<16xf32>
          %mul3A_488 = arith.mulf %mul3A_434, %get3A_458 : vector<16xf32>
          %add3A_489 = arith.addf %mul3A_487, %mul3A_488 : vector<16xf32>
          %mul3A_490 = arith.mulf %mul3A_455, %sub3A_476 : vector<16xf32>
          %add3A_491 = arith.addf %add3A_489, %mul3A_490 : vector<16xf32>
          %add3A_492 = arith.addf %get3A_485, %add3A_491 : vector<16xf32>
          %swap3A_493 = arith.index_cast %get3A_216 : i32 to index
          %swap3A_494 = arith.constant 32 : index
          %swap3A_495 = tpu.vector_load %arg8[%swap3A_493, %swap3A_494] {strides = array<i32>} : memref<161x512xf32, #tpu.memory_space<vmem>>, vector<16xf32>,
          tpu.vector_store %arg8[%swap3A_493, %swap3A_494], %add3A_492 {strides = array<i32>} : memref<161x512xf32, #tpu.memory_space<vmem>>, vector<16xf32>,
          %get3A_496 = arith.index_cast %get3A_216 : i32 to index
          %get3A_497 = arith.constant 160 : index
          %get3A_498 = tpu.vector_load %arg8[%get3A_496, %get3A_497] {strides = array<i32>} : memref<161x512xf32, #tpu.memory_space<vmem>>, vector<16xf32>,
          %mul3A_499 = vector.broadcast %squeeze3A_223 : f32 to vector<16xf32>
          %mul3A_500 = arith.mulf %mul3A_448, %mul3A_499 : vector<16xf32>
          %mul3A_501 = arith.mulf %mul3A_434, %get3A_461 : vector<16xf32>
          %add3A_502 = arith.addf %mul3A_500, %mul3A_501 : vector<16xf32>
          %mul3A_503 = arith.mulf %mul3A_455, %sub3A_479 : vector<16xf32>
          %add3A_504 = arith.addf %add3A_502, %mul3A_503 : vector<16xf32>
          %add3A_505 = arith.addf %get3A_498, %add3A_504 : vector<16xf32>
          %swap3A_506 = arith.index_cast %get3A_216 : i32 to index
          %swap3A_507 = arith.constant 160 : index
          %swap3A_508 = tpu.vector_load %arg8[%swap3A_506, %swap3A_507] {strides = array<i32>} : memref<161x512xf32, #tpu.memory_space<vmem>>, vector<16xf32>,
          tpu.vector_store %arg8[%swap3A_506, %swap3A_507], %add3A_505 {strides = array<i32>} : memref<161x512xf32, #tpu.memory_space<vmem>>, vector<16xf32>,
          %get3A_509 = arith.index_cast %get3A_216 : i32 to index
          %get3A_510 = arith.constant 288 : index
          %get3A_511 = tpu.vector_load %arg8[%get3A_509, %get3A_510] {strides = array<i32>} : memref<161x512xf32, #tpu.memory_space<vmem>>, vector<16xf32>,
          %mul3A_512 = vector.broadcast %squeeze3A_225 : f32 to vector<16xf32>
          %mul3A_513 = arith.mulf %mul3A_448, %mul3A_512 : vector<16xf32>
          %mul3A_514 = arith.mulf %mul3A_434, %get3A_464 : vector<16xf32>
          %add3A_515 = arith.addf %mul3A_513, %mul3A_514 : vector<16xf32>
          %mul3A_516 = arith.mulf %mul3A_455, %sub3A_482 : vector<16xf32>
          %add3A_517 = arith.addf %add3A_515, %mul3A_516 : vector<16xf32>
          %add3A_518 = arith.addf %get3A_511, %add3A_517 : vector<16xf32>
          %swap3A_519 = arith.index_cast %get3A_216 : i32 to index
          %swap3A_520 = arith.constant 288 : index
          %swap3A_521 = tpu.vector_load %arg8[%swap3A_519, %swap3A_520] {strides = array<i32>} : memref<161x512xf32, #tpu.memory_space<vmem>>, vector<16xf32>,
          tpu.vector_store %arg8[%swap3A_519, %swap3A_520], %add3A_518 {strides = array<i32>} : memref<161x512xf32, #tpu.memory_space<vmem>>, vector<16xf32>,
          %get3A_522 = arith.index_cast %get3A_216 : i32 to index
          %get3A_523 = arith.constant 416 : index
          %get3A_524 = tpu.vector_load %arg8[%get3A_522, %get3A_523] {strides = array<i32>} : memref<161x512xf32, #tpu.memory_space<vmem>>, vector<16xf32>,
          %add3A_525 = arith.addf %get3A_524, %mul3A_441 : vector<16xf32>
          %swap3A_526 = arith.index_cast %get3A_216 : i32 to index
          %swap3A_527 = arith.constant 416 : index
          %swap3A_528 = tpu.vector_load %arg8[%swap3A_526, %swap3A_527] {strides = array<i32>} : memref<161x512xf32, #tpu.memory_space<vmem>>, vector<16xf32>,
          tpu.vector_store %arg8[%swap3A_526, %swap3A_527], %add3A_525 {strides = array<i32>} : memref<161x512xf32, #tpu.memory_space<vmem>>, vector<16xf32>,
          %get3A_529 = arith.index_cast %scan3A_213 : i32 to index
          %get3A_530 = arith.constant 48 : index
          %get3A_531 = tpu.vector_load %arg19[%get3A_529, %get3A_530] {strides = array<i32>} : memref<16x512xf32, #tpu.memory_space<vmem>>, vector<16xf32>,
          %get3A_532 = arith.index_cast %scan3A_213 : i32 to index
          %get3A_533 = arith.constant 48 : index
          %get3A_534 = tpu.vector_load %arg18[%get3A_532, %get3A_533] {strides = array<i32>} : memref<16x640xf32, #tpu.memory_space<vmem>>, vector<16xf32>,
          %mul3A_535 = arith.mulf %get3A_531, %get3A_534 : vector<16xf32>
          %get3A_536 = arith.index_cast %scan3A_213 : i32 to index
          %get3A_537 = arith.constant 176 : index
          %get3A_538 = tpu.vector_load %arg19[%get3A_536, %get3A_537] {strides = array<i32>} : memref<16x512xf32, #tpu.memory_space<vmem>>, vector<16xf32>,
          %get3A_539 = arith.index_cast %scan3A_213 : i32 to index
          %get3A_540 = arith.constant 176 : index
          %get3A_541 = tpu.vector_load %arg18[%get3A_539, %get3A_540] {strides = array<i32>} : memref<16x640xf32, #tpu.memory_space<vmem>>, vector<16xf32>,
          %mul3A_542 = arith.mulf %get3A_538, %get3A_541 : vector<16xf32>
          %get3A_543 = arith.index_cast %scan3A_213 : i32 to index
          %get3A_544 = arith.constant 304 : index
          %get3A_545 = tpu.vector_load %arg19[%get3A_543, %get3A_544] {strides = array<i32>} : memref<16x512xf32, #tpu.memory_space<vmem>>, vector<16xf32>,
          %get3A_546 = arith.index_cast %scan3A_213 : i32 to index
          %get3A_547 = arith.constant 304 : index
          %get3A_548 = tpu.vector_load %arg18[%get3A_546, %get3A_547] {strides = array<i32>} : memref<16x640xf32, #tpu.memory_space<vmem>>, vector<16xf32>,
          %mul3A_549 = arith.mulf %get3A_545, %get3A_548 : vector<16xf32>
          %get3A_550 = arith.index_cast %scan3A_213 : i32 to index
          %get3A_551 = arith.constant 432 : index
          %get3A_552 = tpu.vector_load %arg19[%get3A_550, %get3A_551] {strides = array<i32>} : memref<16x512xf32, #tpu.memory_space<vmem>>, vector<16xf32>,
          %get3A_553 = arith.index_cast %scan3A_213 : i32 to index
          %get3A_554 = arith.constant 432 : index
          %get3A_555 = tpu.vector_load %arg18[%get3A_553, %get3A_554] {strides = array<i32>} : memref<16x640xf32, #tpu.memory_space<vmem>>, vector<16xf32>,
          %mul3A_556 = arith.mulf %get3A_552, %get3A_555 : vector<16xf32>
          %get3A_557 = arith.index_cast %scan3A_213 : i32 to index
          %get3A_558 = arith.constant 48 : index
          %get3A_559 = tpu.vector_load %arg20[%get3A_557, %get3A_558] {strides = array<i32>} : memref<16x384xf32, #tpu.memory_space<vmem>>, vector<16xf32>,
          %get3A_560 = arith.index_cast %scan3A_213 : i32 to index
          %get3A_561 = arith.constant 176 : index
          %get3A_562 = tpu.vector_load %arg20[%get3A_560, %get3A_561] {strides = array<i32>} : memref<16x384xf32, #tpu.memory_space<vmem>>, vector<16xf32>,
          %get3A_563 = arith.index_cast %scan3A_213 : i32 to index
          %get3A_564 = arith.constant 304 : index
          %get3A_565 = tpu.vector_load %arg20[%get3A_563, %get3A_564] {strides = array<i32>} : memref<16x384xf32, #tpu.memory_space<vmem>>, vector<16xf32>,
          %get3A_566 = arith.index_cast %scan3A_213 : i32 to index
          %get3A_567 = arith.constant 48 : index
          %get3A_568 = tpu.vector_load %arg21[%get3A_566, %get3A_567] {strides = array<i32>} : memref<16x384xf32, #tpu.memory_space<vmem>>, vector<16xf32>,
          %get3A_569 = arith.index_cast %scan3A_213 : i32 to index
          %get3A_570 = arith.constant 176 : index
          %get3A_571 = tpu.vector_load %arg21[%get3A_569, %get3A_570] {strides = array<i32>} : memref<16x384xf32, #tpu.memory_space<vmem>>, vector<16xf32>,
          %get3A_572 = arith.index_cast %scan3A_213 : i32 to index
          %get3A_573 = arith.constant 304 : index
          %get3A_574 = tpu.vector_load %arg21[%get3A_572, %get3A_573] {strides = array<i32>} : memref<16x384xf32, #tpu.memory_space<vmem>>, vector<16xf32>,
          %mul3A_575 = arith.mulf %get3A_571, %get3A_565 : vector<16xf32>
          %mul3A_576 = arith.mulf %get3A_574, %get3A_562 : vector<16xf32>
          %sub3A_577 = arith.subf %mul3A_575, %mul3A_576 : vector<16xf32>
          %mul3A_578 = arith.mulf %get3A_574, %get3A_559 : vector<16xf32>
          %mul3A_579 = arith.mulf %get3A_568, %get3A_565 : vector<16xf32>
          %sub3A_580 = arith.subf %mul3A_578, %mul3A_579 : vector<16xf32>
          %mul3A_581 = arith.mulf %get3A_568, %get3A_562 : vector<16xf32>
          %mul3A_582 = arith.mulf %get3A_571, %get3A_559 : vector<16xf32>
          %sub3A_583 = arith.subf %mul3A_581, %mul3A_582 : vector<16xf32>
          %get3A_584 = arith.index_cast %get3A_216 : i32 to index
          %get3A_585 = arith.constant 48 : index
          %get3A_586 = tpu.vector_load %arg8[%get3A_584, %get3A_585] {strides = array<i32>} : memref<161x512xf32, #tpu.memory_space<vmem>>, vector<16xf32>,
          %mul3A_587 = vector.broadcast %squeeze3A_221 : f32 to vector<16xf32>
          %mul3A_588 = arith.mulf %mul3A_549, %mul3A_587 : vector<16xf32>
          %mul3A_589 = arith.mulf %mul3A_535, %get3A_559 : vector<16xf32>
          %add3A_590 = arith.addf %mul3A_588, %mul3A_589 : vector<16xf32>
          %mul3A_591 = arith.mulf %mul3A_556, %sub3A_577 : vector<16xf32>
          %add3A_592 = arith.addf %add3A_590, %mul3A_591 : vector<16xf32>
          %add3A_593 = arith.addf %get3A_586, %add3A_592 : vector<16xf32>
          %swap3A_594 = arith.index_cast %get3A_216 : i32 to index
          %swap3A_595 = arith.constant 48 : index
          %swap3A_596 = tpu.vector_load %arg8[%swap3A_594, %swap3A_595] {strides = array<i32>} : memref<161x512xf32, #tpu.memory_space<vmem>>, vector<16xf32>,
          tpu.vector_store %arg8[%swap3A_594, %swap3A_595], %add3A_593 {strides = array<i32>} : memref<161x512xf32, #tpu.memory_space<vmem>>, vector<16xf32>,
          %get3A_597 = arith.index_cast %get3A_216 : i32 to index
          %get3A_598 = arith.constant 176 : index
          %get3A_599 = tpu.vector_load %arg8[%get3A_597, %get3A_598] {strides = array<i32>} : memref<161x512xf32, #tpu.memory_space<vmem>>, vector<16xf32>,
          %mul3A_600 = vector.broadcast %squeeze3A_223 : f32 to vector<16xf32>
          %mul3A_601 = arith.mulf %mul3A_549, %mul3A_600 : vector<16xf32>
          %mul3A_602 = arith.mulf %mul3A_535, %get3A_562 : vector<16xf32>
          %add3A_603 = arith.addf %mul3A_601, %mul3A_602 : vector<16xf32>
          %mul3A_604 = arith.mulf %mul3A_556, %sub3A_580 : vector<16xf32>
          %add3A_605 = arith.addf %add3A_603, %mul3A_604 : vector<16xf32>
          %add3A_606 = arith.addf %get3A_599, %add3A_605 : vector<16xf32>
          %swap3A_607 = arith.index_cast %get3A_216 : i32 to index
          %swap3A_608 = arith.constant 176 : index
          %swap3A_609 = tpu.vector_load %arg8[%swap3A_607, %swap3A_608] {strides = array<i32>} : memref<161x512xf32, #tpu.memory_space<vmem>>, vector<16xf32>,
          tpu.vector_store %arg8[%swap3A_607, %swap3A_608], %add3A_606 {strides = array<i32>} : memref<161x512xf32, #tpu.memory_space<vmem>>, vector<16xf32>,
          %get3A_610 = arith.index_cast %get3A_216 : i32 to index
          %get3A_611 = arith.constant 304 : index
          %get3A_612 = tpu.vector_load %arg8[%get3A_610, %get3A_611] {strides = array<i32>} : memref<161x512xf32, #tpu.memory_space<vmem>>, vector<16xf32>,
          %mul3A_613 = vector.broadcast %squeeze3A_225 : f32 to vector<16xf32>
          %mul3A_614 = arith.mulf %mul3A_549, %mul3A_613 : vector<16xf32>
          %mul3A_615 = arith.mulf %mul3A_535, %get3A_565 : vector<16xf32>
          %add3A_616 = arith.addf %mul3A_614, %mul3A_615 : vector<16xf32>
          %mul3A_617 = arith.mulf %mul3A_556, %sub3A_583 : vector<16xf32>
          %add3A_618 = arith.addf %add3A_616, %mul3A_617 : vector<16xf32>
          %add3A_619 = arith.addf %get3A_612, %add3A_618 : vector<16xf32>
          %swap3A_620 = arith.index_cast %get3A_216 : i32 to index
          %swap3A_621 = arith.constant 304 : index
          %swap3A_622 = tpu.vector_load %arg8[%swap3A_620, %swap3A_621] {strides = array<i32>} : memref<161x512xf32, #tpu.memory_space<vmem>>, vector<16xf32>,
          tpu.vector_store %arg8[%swap3A_620, %swap3A_621], %add3A_619 {strides = array<i32>} : memref<161x512xf32, #tpu.memory_space<vmem>>, vector<16xf32>,
          %get3A_623 = arith.index_cast %get3A_216 : i32 to index
          %get3A_624 = arith.constant 432 : index
          %get3A_625 = tpu.vector_load %arg8[%get3A_623, %get3A_624] {strides = array<i32>} : memref<161x512xf32, #tpu.memory_space<vmem>>, vector<16xf32>,
          %add3A_626 = arith.addf %get3A_625, %mul3A_542 : vector<16xf32>
          %swap3A_627 = arith.index_cast %get3A_216 : i32 to index
          %swap3A_628 = arith.constant 432 : index
          %swap3A_629 = tpu.vector_load %arg8[%swap3A_627, %swap3A_628] {strides = array<i32>} : memref<161x512xf32, #tpu.memory_space<vmem>>, vector<16xf32>,
          tpu.vector_store %arg8[%swap3A_627, %swap3A_628], %add3A_626 {strides = array<i32>} : memref<161x512xf32, #tpu.memory_space<vmem>>, vector<16xf32>,
          %get3A_630 = arith.index_cast %scan3A_213 : i32 to index
          %get3A_631 = arith.constant 64 : index
          %get3A_632 = tpu.vector_load %arg19[%get3A_630, %get3A_631] {strides = array<i32>} : memref<16x512xf32, #tpu.memory_space<vmem>>, vector<16xf32>,
          %get3A_633 = arith.index_cast %scan3A_213 : i32 to index
          %get3A_634 = arith.constant 64 : index
          %get3A_635 = tpu.vector_load %arg18[%get3A_633, %get3A_634] {strides = array<i32>} : memref<16x640xf32, #tpu.memory_space<vmem>>, vector<16xf32>,
          %mul3A_636 = arith.mulf %get3A_632, %get3A_635 : vector<16xf32>
          %get3A_637 = arith.index_cast %scan3A_213 : i32 to index
          %get3A_638 = arith.constant 192 : index
          %get3A_639 = tpu.vector_load %arg19[%get3A_637, %get3A_638] {strides = array<i32>} : memref<16x512xf32, #tpu.memory_space<vmem>>, vector<16xf32>,
          %get3A_640 = arith.index_cast %scan3A_213 : i32 to index
          %get3A_641 = arith.constant 192 : index
          %get3A_642 = tpu.vector_load %arg18[%get3A_640, %get3A_641] {strides = array<i32>} : memref<16x640xf32, #tpu.memory_space<vmem>>, vector<16xf32>,
          %mul3A_643 = arith.mulf %get3A_639, %get3A_642 : vector<16xf32>
          %get3A_644 = arith.index_cast %scan3A_213 : i32 to index
          %get3A_645 = arith.constant 320 : index
          %get3A_646 = tpu.vector_load %arg19[%get3A_644, %get3A_645] {strides = array<i32>} : memref<16x512xf32, #tpu.memory_space<vmem>>, vector<16xf32>,
          %get3A_647 = arith.index_cast %scan3A_213 : i32 to index
          %get3A_648 = arith.constant 320 : index
          %get3A_649 = tpu.vector_load %arg18[%get3A_647, %get3A_648] {strides = array<i32>} : memref<16x640xf32, #tpu.memory_space<vmem>>, vector<16xf32>,
          %mul3A_650 = arith.mulf %get3A_646, %get3A_649 : vector<16xf32>
          %get3A_651 = arith.index_cast %scan3A_213 : i32 to index
          %get3A_652 = arith.constant 448 : index
          %get3A_653 = tpu.vector_load %arg19[%get3A_651, %get3A_652] {strides = array<i32>} : memref<16x512xf32, #tpu.memory_space<vmem>>, vector<16xf32>,
          %get3A_654 = arith.index_cast %scan3A_213 : i32 to index
          %get3A_655 = arith.constant 448 : index
          %get3A_656 = tpu.vector_load %arg18[%get3A_654, %get3A_655] {strides = array<i32>} : memref<16x640xf32, #tpu.memory_space<vmem>>, vector<16xf32>,
          %mul3A_657 = arith.mulf %get3A_653, %get3A_656 : vector<16xf32>
          %get3A_658 = arith.index_cast %scan3A_213 : i32 to index
          %get3A_659 = arith.constant 64 : index
          %get3A_660 = tpu.vector_load %arg20[%get3A_658, %get3A_659] {strides = array<i32>} : memref<16x384xf32, #tpu.memory_space<vmem>>, vector<16xf32>,
          %get3A_661 = arith.index_cast %scan3A_213 : i32 to index
          %get3A_662 = arith.constant 192 : index
          %get3A_663 = tpu.vector_load %arg20[%get3A_661, %get3A_662] {strides = array<i32>} : memref<16x384xf32, #tpu.memory_space<vmem>>, vector<16xf32>,
          %get3A_664 = arith.index_cast %scan3A_213 : i32 to index
          %get3A_665 = arith.constant 320 : index
          %get3A_666 = tpu.vector_load %arg20[%get3A_664, %get3A_665] {strides = array<i32>} : memref<16x384xf32, #tpu.memory_space<vmem>>, vector<16xf32>,
          %get3A_667 = arith.index_cast %scan3A_213 : i32 to index
          %get3A_668 = arith.constant 64 : index
          %get3A_669 = tpu.vector_load %arg21[%get3A_667, %get3A_668] {strides = array<i32>} : memref<16x384xf32, #tpu.memory_space<vmem>>, vector<16xf32>,
          %get3A_670 = arith.index_cast %scan3A_213 : i32 to index
          %get3A_671 = arith.constant 192 : index
          %get3A_672 = tpu.vector_load %arg21[%get3A_670, %get3A_671] {strides = array<i32>} : memref<16x384xf32, #tpu.memory_space<vmem>>, vector<16xf32>,
          %get3A_673 = arith.index_cast %scan3A_213 : i32 to index
          %get3A_674 = arith.constant 320 : index
          %get3A_675 = tpu.vector_load %arg21[%get3A_673, %get3A_674] {strides = array<i32>} : memref<16x384xf32, #tpu.memory_space<vmem>>, vector<16xf32>,
          %mul3A_676 = arith.mulf %get3A_672, %get3A_666 : vector<16xf32>
          %mul3A_677 = arith.mulf %get3A_675, %get3A_663 : vector<16xf32>
          %sub3A_678 = arith.subf %mul3A_676, %mul3A_677 : vector<16xf32>
          %mul3A_679 = arith.mulf %get3A_675, %get3A_660 : vector<16xf32>
          %mul3A_680 = arith.mulf %get3A_669, %get3A_666 : vector<16xf32>
          %sub3A_681 = arith.subf %mul3A_679, %mul3A_680 : vector<16xf32>
          %mul3A_682 = arith.mulf %get3A_669, %get3A_663 : vector<16xf32>
          %mul3A_683 = arith.mulf %get3A_672, %get3A_660 : vector<16xf32>
          %sub3A_684 = arith.subf %mul3A_682, %mul3A_683 : vector<16xf32>
          %get3A_685 = arith.index_cast %get3A_216 : i32 to index
          %get3A_686 = arith.constant 64 : index
          %get3A_687 = tpu.vector_load %arg8[%get3A_685, %get3A_686] {strides = array<i32>} : memref<161x512xf32, #tpu.memory_space<vmem>>, vector<16xf32>,
          %mul3A_688 = vector.broadcast %squeeze3A_221 : f32 to vector<16xf32>
          %mul3A_689 = arith.mulf %mul3A_650, %mul3A_688 : vector<16xf32>
          %mul3A_690 = arith.mulf %mul3A_636, %get3A_660 : vector<16xf32>
          %add3A_691 = arith.addf %mul3A_689, %mul3A_690 : vector<16xf32>
          %mul3A_692 = arith.mulf %mul3A_657, %sub3A_678 : vector<16xf32>
          %add3A_693 = arith.addf %add3A_691, %mul3A_692 : vector<16xf32>
          %add3A_694 = arith.addf %get3A_687, %add3A_693 : vector<16xf32>
          %swap3A_695 = arith.index_cast %get3A_216 : i32 to index
          %swap3A_696 = arith.constant 64 : index
          %swap3A_697 = tpu.vector_load %arg8[%swap3A_695, %swap3A_696] {strides = array<i32>} : memref<161x512xf32, #tpu.memory_space<vmem>>, vector<16xf32>,
          tpu.vector_store %arg8[%swap3A_695, %swap3A_696], %add3A_694 {strides = array<i32>} : memref<161x512xf32, #tpu.memory_space<vmem>>, vector<16xf32>,
          %get3A_698 = arith.index_cast %get3A_216 : i32 to index
          %get3A_699 = arith.constant 192 : index
          %get3A_700 = tpu.vector_load %arg8[%get3A_698, %get3A_699] {strides = array<i32>} : memref<161x512xf32, #tpu.memory_space<vmem>>, vector<16xf32>,
          %mul3A_701 = vector.broadcast %squeeze3A_223 : f32 to vector<16xf32>
          %mul3A_702 = arith.mulf %mul3A_650, %mul3A_701 : vector<16xf32>
          %mul3A_703 = arith.mulf %mul3A_636, %get3A_663 : vector<16xf32>
          %add3A_704 = arith.addf %mul3A_702, %mul3A_703 : vector<16xf32>
          %mul3A_705 = arith.mulf %mul3A_657, %sub3A_681 : vector<16xf32>
          %add3A_706 = arith.addf %add3A_704, %mul3A_705 : vector<16xf32>
          %add3A_707 = arith.addf %get3A_700, %add3A_706 : vector<16xf32>
          %swap3A_708 = arith.index_cast %get3A_216 : i32 to index
          %swap3A_709 = arith.constant 192 : index
          %swap3A_710 = tpu.vector_load %arg8[%swap3A_708, %swap3A_709] {strides = array<i32>} : memref<161x512xf32, #tpu.memory_space<vmem>>, vector<16xf32>,
          tpu.vector_store %arg8[%swap3A_708, %swap3A_709], %add3A_707 {strides = array<i32>} : memref<161x512xf32, #tpu.memory_space<vmem>>, vector<16xf32>,
          %get3A_711 = arith.index_cast %get3A_216 : i32 to index
          %get3A_712 = arith.constant 320 : index
          %get3A_713 = tpu.vector_load %arg8[%get3A_711, %get3A_712] {strides = array<i32>} : memref<161x512xf32, #tpu.memory_space<vmem>>, vector<16xf32>,
          %mul3A_714 = vector.broadcast %squeeze3A_225 : f32 to vector<16xf32>
          %mul3A_715 = arith.mulf %mul3A_650, %mul3A_714 : vector<16xf32>
          %mul3A_716 = arith.mulf %mul3A_636, %get3A_666 : vector<16xf32>
          %add3A_717 = arith.addf %mul3A_715, %mul3A_716 : vector<16xf32>
          %mul3A_718 = arith.mulf %mul3A_657, %sub3A_684 : vector<16xf32>
          %add3A_719 = arith.addf %add3A_717, %mul3A_718 : vector<16xf32>
          %add3A_720 = arith.addf %get3A_713, %add3A_719 : vector<16xf32>
          %swap3A_721 = arith.index_cast %get3A_216 : i32 to index
          %swap3A_722 = arith.constant 320 : index
          %swap3A_723 = tpu.vector_load %arg8[%swap3A_721, %swap3A_722] {strides = array<i32>} : memref<161x512xf32, #tpu.memory_space<vmem>>, vector<16xf32>,
          tpu.vector_store %arg8[%swap3A_721, %swap3A_722], %add3A_720 {strides = array<i32>} : memref<161x512xf32, #tpu.memory_space<vmem>>, vector<16xf32>,
          %get3A_724 = arith.index_cast %get3A_216 : i32 to index
          %get3A_725 = arith.constant 448 : index
          %get3A_726 = tpu.vector_load %arg8[%get3A_724, %get3A_725] {strides = array<i32>} : memref<161x512xf32, #tpu.memory_space<vmem>>, vector<16xf32>,
          %add3A_727 = arith.addf %get3A_726, %mul3A_643 : vector<16xf32>
          %swap3A_728 = arith.index_cast %get3A_216 : i32 to index
          %swap3A_729 = arith.constant 448 : index
          %swap3A_730 = tpu.vector_load %arg8[%swap3A_728, %swap3A_729] {strides = array<i32>} : memref<161x512xf32, #tpu.memory_space<vmem>>, vector<16xf32>,
          tpu.vector_store %arg8[%swap3A_728, %swap3A_729], %add3A_727 {strides = array<i32>} : memref<161x512xf32, #tpu.memory_space<vmem>>, vector<16xf32>,
          %get3A_731 = arith.index_cast %scan3A_213 : i32 to index
          %get3A_732 = arith.constant 80 : index
          %get3A_733 = tpu.vector_load %arg19[%get3A_731, %get3A_732] {strides = array<i32>} : memref<16x512xf32, #tpu.memory_space<vmem>>, vector<16xf32>,
          %get3A_734 = arith.index_cast %scan3A_213 : i32 to index
          %get3A_735 = arith.constant 80 : index
          %get3A_736 = tpu.vector_load %arg18[%get3A_734, %get3A_735] {strides = array<i32>} : memref<16x640xf32, #tpu.memory_space<vmem>>, vector<16xf32>,
          %mul3A_737 = arith.mulf %get3A_733, %get3A_736 : vector<16xf32>
          %get3A_738 = arith.index_cast %scan3A_213 : i32 to index
          %get3A_739 = arith.constant 208 : index
          %get3A_740 = tpu.vector_load %arg19[%get3A_738, %get3A_739] {strides = array<i32>} : memref<16x512xf32, #tpu.memory_space<vmem>>, vector<16xf32>,
          %get3A_741 = arith.index_cast %scan3A_213 : i32 to index
          %get3A_742 = arith.constant 208 : index
          %get3A_743 = tpu.vector_load %arg18[%get3A_741, %get3A_742] {strides = array<i32>} : memref<16x640xf32, #tpu.memory_space<vmem>>, vector<16xf32>,
          %mul3A_744 = arith.mulf %get3A_740, %get3A_743 : vector<16xf32>
          %get3A_745 = arith.index_cast %scan3A_213 : i32 to index
          %get3A_746 = arith.constant 336 : index
          %get3A_747 = tpu.vector_load %arg19[%get3A_745, %get3A_746] {strides = array<i32>} : memref<16x512xf32, #tpu.memory_space<vmem>>, vector<16xf32>,
          %get3A_748 = arith.index_cast %scan3A_213 : i32 to index
          %get3A_749 = arith.constant 336 : index
          %get3A_750 = tpu.vector_load %arg18[%get3A_748, %get3A_749] {strides = array<i32>} : memref<16x640xf32, #tpu.memory_space<vmem>>, vector<16xf32>,
          %mul3A_751 = arith.mulf %get3A_747, %get3A_750 : vector<16xf32>
          %get3A_752 = arith.index_cast %scan3A_213 : i32 to index
          %get3A_753 = arith.constant 464 : index
          %get3A_754 = tpu.vector_load %arg19[%get3A_752, %get3A_753] {strides = array<i32>} : memref<16x512xf32, #tpu.memory_space<vmem>>, vector<16xf32>,
          %get3A_755 = arith.index_cast %scan3A_213 : i32 to index
          %get3A_756 = arith.constant 464 : index
          %get3A_757 = tpu.vector_load %arg18[%get3A_755, %get3A_756] {strides = array<i32>} : memref<16x640xf32, #tpu.memory_space<vmem>>, vector<16xf32>,
          %mul3A_758 = arith.mulf %get3A_754, %get3A_757 : vector<16xf32>
          %get3A_759 = arith.index_cast %scan3A_213 : i32 to index
          %get3A_760 = arith.constant 80 : index
          %get3A_761 = tpu.vector_load %arg20[%get3A_759, %get3A_760] {strides = array<i32>} : memref<16x384xf32, #tpu.memory_space<vmem>>, vector<16xf32>,
          %get3A_762 = arith.index_cast %scan3A_213 : i32 to index
          %get3A_763 = arith.constant 208 : index
          %get3A_764 = tpu.vector_load %arg20[%get3A_762, %get3A_763] {strides = array<i32>} : memref<16x384xf32, #tpu.memory_space<vmem>>, vector<16xf32>,
          %get3A_765 = arith.index_cast %scan3A_213 : i32 to index
          %get3A_766 = arith.constant 336 : index
          %get3A_767 = tpu.vector_load %arg20[%get3A_765, %get3A_766] {strides = array<i32>} : memref<16x384xf32, #tpu.memory_space<vmem>>, vector<16xf32>,
          %get3A_768 = arith.index_cast %scan3A_213 : i32 to index
          %get3A_769 = arith.constant 80 : index
          %get3A_770 = tpu.vector_load %arg21[%get3A_768, %get3A_769] {strides = array<i32>} : memref<16x384xf32, #tpu.memory_space<vmem>>, vector<16xf32>,
          %get3A_771 = arith.index_cast %scan3A_213 : i32 to index
          %get3A_772 = arith.constant 208 : index
          %get3A_773 = tpu.vector_load %arg21[%get3A_771, %get3A_772] {strides = array<i32>} : memref<16x384xf32, #tpu.memory_space<vmem>>, vector<16xf32>,
          %get3A_774 = arith.index_cast %scan3A_213 : i32 to index
          %get3A_775 = arith.constant 336 : index
          %get3A_776 = tpu.vector_load %arg21[%get3A_774, %get3A_775] {strides = array<i32>} : memref<16x384xf32, #tpu.memory_space<vmem>>, vector<16xf32>,
          %mul3A_777 = arith.mulf %get3A_773, %get3A_767 : vector<16xf32>
          %mul3A_778 = arith.mulf %get3A_776, %get3A_764 : vector<16xf32>
          %sub3A_779 = arith.subf %mul3A_777, %mul3A_778 : vector<16xf32>
          %mul3A_780 = arith.mulf %get3A_776, %get3A_761 : vector<16xf32>
          %mul3A_781 = arith.mulf %get3A_770, %get3A_767 : vector<16xf32>
          %sub3A_782 = arith.subf %mul3A_780, %mul3A_781 : vector<16xf32>
          %mul3A_783 = arith.mulf %get3A_770, %get3A_764 : vector<16xf32>
          %mul3A_784 = arith.mulf %get3A_773, %get3A_761 : vector<16xf32>
          %sub3A_785 = arith.subf %mul3A_783, %mul3A_784 : vector<16xf32>
          %get3A_786 = arith.index_cast %get3A_216 : i32 to index
          %get3A_787 = arith.constant 80 : index
          %get3A_788 = tpu.vector_load %arg8[%get3A_786, %get3A_787] {strides = array<i32>} : memref<161x512xf32, #tpu.memory_space<vmem>>, vector<16xf32>,
          %mul3A_789 = vector.broadcast %squeeze3A_221 : f32 to vector<16xf32>
          %mul3A_790 = arith.mulf %mul3A_751, %mul3A_789 : vector<16xf32>
          %mul3A_791 = arith.mulf %mul3A_737, %get3A_761 : vector<16xf32>
          %add3A_792 = arith.addf %mul3A_790, %mul3A_791 : vector<16xf32>
          %mul3A_793 = arith.mulf %mul3A_758, %sub3A_779 : vector<16xf32>
          %add3A_794 = arith.addf %add3A_792, %mul3A_793 : vector<16xf32>
          %add3A_795 = arith.addf %get3A_788, %add3A_794 : vector<16xf32>
          %swap3A_796 = arith.index_cast %get3A_216 : i32 to index
          %swap3A_797 = arith.constant 80 : index
          %swap3A_798 = tpu.vector_load %arg8[%swap3A_796, %swap3A_797] {strides = array<i32>} : memref<161x512xf32, #tpu.memory_space<vmem>>, vector<16xf32>,
          tpu.vector_store %arg8[%swap3A_796, %swap3A_797], %add3A_795 {strides = array<i32>} : memref<161x512xf32, #tpu.memory_space<vmem>>, vector<16xf32>,
          %get3A_799 = arith.index_cast %get3A_216 : i32 to index
          %get3A_800 = arith.constant 208 : index
          %get3A_801 = tpu.vector_load %arg8[%get3A_799, %get3A_800] {strides = array<i32>} : memref<161x512xf32, #tpu.memory_space<vmem>>, vector<16xf32>,
          %mul3A_802 = vector.broadcast %squeeze3A_223 : f32 to vector<16xf32>
          %mul3A_803 = arith.mulf %mul3A_751, %mul3A_802 : vector<16xf32>
          %mul3A_804 = arith.mulf %mul3A_737, %get3A_764 : vector<16xf32>
          %add3A_805 = arith.addf %mul3A_803, %mul3A_804 : vector<16xf32>
          %mul3A_806 = arith.mulf %mul3A_758, %sub3A_782 : vector<16xf32>
          %add3A_807 = arith.addf %add3A_805, %mul3A_806 : vector<16xf32>
          %add3A_808 = arith.addf %get3A_801, %add3A_807 : vector<16xf32>
          %swap3A_809 = arith.index_cast %get3A_216 : i32 to index
          %swap3A_810 = arith.constant 208 : index
          %swap3A_811 = tpu.vector_load %arg8[%swap3A_809, %swap3A_810] {strides = array<i32>} : memref<161x512xf32, #tpu.memory_space<vmem>>, vector<16xf32>,
          tpu.vector_store %arg8[%swap3A_809, %swap3A_810], %add3A_808 {strides = array<i32>} : memref<161x512xf32, #tpu.memory_space<vmem>>, vector<16xf32>,
          %get3A_812 = arith.index_cast %get3A_216 : i32 to index
          %get3A_813 = arith.constant 336 : index
          %get3A_814 = tpu.vector_load %arg8[%get3A_812, %get3A_813] {strides = array<i32>} : memref<161x512xf32, #tpu.memory_space<vmem>>, vector<16xf32>,
          %mul3A_815 = vector.broadcast %squeeze3A_225 : f32 to vector<16xf32>
          %mul3A_816 = arith.mulf %mul3A_751, %mul3A_815 : vector<16xf32>
          %mul3A_817 = arith.mulf %mul3A_737, %get3A_767 : vector<16xf32>
          %add3A_818 = arith.addf %mul3A_816, %mul3A_817 : vector<16xf32>
          %mul3A_819 = arith.mulf %mul3A_758, %sub3A_785 : vector<16xf32>
          %add3A_820 = arith.addf %add3A_818, %mul3A_819 : vector<16xf32>
          %add3A_821 = arith.addf %get3A_814, %add3A_820 : vector<16xf32>
          %swap3A_822 = arith.index_cast %get3A_216 : i32 to index
          %swap3A_823 = arith.constant 336 : index
          %swap3A_824 = tpu.vector_load %arg8[%swap3A_822, %swap3A_823] {strides = array<i32>} : memref<161x512xf32, #tpu.memory_space<vmem>>, vector<16xf32>,
          tpu.vector_store %arg8[%swap3A_822, %swap3A_823], %add3A_821 {strides = array<i32>} : memref<161x512xf32, #tpu.memory_space<vmem>>, vector<16xf32>,
          %get3A_825 = arith.index_cast %get3A_216 : i32 to index
          %get3A_826 = arith.constant 464 : index
          %get3A_827 = tpu.vector_load %arg8[%get3A_825, %get3A_826] {strides = array<i32>} : memref<161x512xf32, #tpu.memory_space<vmem>>, vector<16xf32>,
          %add3A_828 = arith.addf %get3A_827, %mul3A_744 : vector<16xf32>
          %swap3A_829 = arith.index_cast %get3A_216 : i32 to index
          %swap3A_830 = arith.constant 464 : index
          %swap3A_831 = tpu.vector_load %arg8[%swap3A_829, %swap3A_830] {strides = array<i32>} : memref<161x512xf32, #tpu.memory_space<vmem>>, vector<16xf32>,
          tpu.vector_store %arg8[%swap3A_829, %swap3A_830], %add3A_828 {strides = array<i32>} : memref<161x512xf32, #tpu.memory_space<vmem>>, vector<16xf32>,
          %get3A_832 = arith.index_cast %scan3A_213 : i32 to index
          %get3A_833 = arith.constant 96 : index
          %get3A_834 = tpu.vector_load %arg19[%get3A_832, %get3A_833] {strides = array<i32>} : memref<16x512xf32, #tpu.memory_space<vmem>>, vector<16xf32>,
          %get3A_835 = arith.index_cast %scan3A_213 : i32 to index
          %get3A_836 = arith.constant 96 : index
          %get3A_837 = tpu.vector_load %arg18[%get3A_835, %get3A_836] {strides = array<i32>} : memref<16x640xf32, #tpu.memory_space<vmem>>, vector<16xf32>,
          %mul3A_838 = arith.mulf %get3A_834, %get3A_837 : vector<16xf32>
          %get3A_839 = arith.index_cast %scan3A_213 : i32 to index
          %get3A_840 = arith.constant 224 : index
          %get3A_841 = tpu.vector_load %arg19[%get3A_839, %get3A_840] {strides = array<i32>} : memref<16x512xf32, #tpu.memory_space<vmem>>, vector<16xf32>,
          %get3A_842 = arith.index_cast %scan3A_213 : i32 to index
          %get3A_843 = arith.constant 224 : index
          %get3A_844 = tpu.vector_load %arg18[%get3A_842, %get3A_843] {strides = array<i32>} : memref<16x640xf32, #tpu.memory_space<vmem>>, vector<16xf32>,
          %mul3A_845 = arith.mulf %get3A_841, %get3A_844 : vector<16xf32>
          %get3A_846 = arith.index_cast %scan3A_213 : i32 to index
          %get3A_847 = arith.constant 352 : index
          %get3A_848 = tpu.vector_load %arg19[%get3A_846, %get3A_847] {strides = array<i32>} : memref<16x512xf32, #tpu.memory_space<vmem>>, vector<16xf32>,
          %get3A_849 = arith.index_cast %scan3A_213 : i32 to index
          %get3A_850 = arith.constant 352 : index
          %get3A_851 = tpu.vector_load %arg18[%get3A_849, %get3A_850] {strides = array<i32>} : memref<16x640xf32, #tpu.memory_space<vmem>>, vector<16xf32>,
          %mul3A_852 = arith.mulf %get3A_848, %get3A_851 : vector<16xf32>
          %get3A_853 = arith.index_cast %scan3A_213 : i32 to index
          %get3A_854 = arith.constant 480 : index
          %get3A_855 = tpu.vector_load %arg19[%get3A_853, %get3A_854] {strides = array<i32>} : memref<16x512xf32, #tpu.memory_space<vmem>>, vector<16xf32>,
          %get3A_856 = arith.index_cast %scan3A_213 : i32 to index
          %get3A_857 = arith.constant 480 : index
          %get3A_858 = tpu.vector_load %arg18[%get3A_856, %get3A_857] {strides = array<i32>} : memref<16x640xf32, #tpu.memory_space<vmem>>, vector<16xf32>,
          %mul3A_859 = arith.mulf %get3A_855, %get3A_858 : vector<16xf32>
          %get3A_860 = arith.index_cast %scan3A_213 : i32 to index
          %get3A_861 = arith.constant 96 : index
          %get3A_862 = tpu.vector_load %arg20[%get3A_860, %get3A_861] {strides = array<i32>} : memref<16x384xf32, #tpu.memory_space<vmem>>, vector<16xf32>,
          %get3A_863 = arith.index_cast %scan3A_213 : i32 to index
          %get3A_864 = arith.constant 224 : index
          %get3A_865 = tpu.vector_load %arg20[%get3A_863, %get3A_864] {strides = array<i32>} : memref<16x384xf32, #tpu.memory_space<vmem>>, vector<16xf32>,
          %get3A_866 = arith.index_cast %scan3A_213 : i32 to index
          %get3A_867 = arith.constant 352 : index
          %get3A_868 = tpu.vector_load %arg20[%get3A_866, %get3A_867] {strides = array<i32>} : memref<16x384xf32, #tpu.memory_space<vmem>>, vector<16xf32>,
          %get3A_869 = arith.index_cast %scan3A_213 : i32 to index
          %get3A_870 = arith.constant 96 : index
          %get3A_871 = tpu.vector_load %arg21[%get3A_869, %get3A_870] {strides = array<i32>} : memref<16x384xf32, #tpu.memory_space<vmem>>, vector<16xf32>,
          %get3A_872 = arith.index_cast %scan3A_213 : i32 to index
          %get3A_873 = arith.constant 224 : index
          %get3A_874 = tpu.vector_load %arg21[%get3A_872, %get3A_873] {strides = array<i32>} : memref<16x384xf32, #tpu.memory_space<vmem>>, vector<16xf32>,
          %get3A_875 = arith.index_cast %scan3A_213 : i32 to index
          %get3A_876 = arith.constant 352 : index
          %get3A_877 = tpu.vector_load %arg21[%get3A_875, %get3A_876] {strides = array<i32>} : memref<16x384xf32, #tpu.memory_space<vmem>>, vector<16xf32>,
          %mul3A_878 = arith.mulf %get3A_874, %get3A_868 : vector<16xf32>
          %mul3A_879 = arith.mulf %get3A_877, %get3A_865 : vector<16xf32>
          %sub3A_880 = arith.subf %mul3A_878, %mul3A_879 : vector<16xf32>
          %mul3A_881 = arith.mulf %get3A_877, %get3A_862 : vector<16xf32>
          %mul3A_882 = arith.mulf %get3A_871, %get3A_868 : vector<16xf32>
          %sub3A_883 = arith.subf %mul3A_881, %mul3A_882 : vector<16xf32>
          %mul3A_884 = arith.mulf %get3A_871, %get3A_865 : vector<16xf32>
          %mul3A_885 = arith.mulf %get3A_874, %get3A_862 : vector<16xf32>
          %sub3A_886 = arith.subf %mul3A_884, %mul3A_885 : vector<16xf32>
          %get3A_887 = arith.index_cast %get3A_216 : i32 to index
          %get3A_888 = arith.constant 96 : index
          %get3A_889 = tpu.vector_load %arg8[%get3A_887, %get3A_888] {strides = array<i32>} : memref<161x512xf32, #tpu.memory_space<vmem>>, vector<16xf32>,
          %mul3A_890 = vector.broadcast %squeeze3A_221 : f32 to vector<16xf32>
          %mul3A_891 = arith.mulf %mul3A_852, %mul3A_890 : vector<16xf32>
          %mul3A_892 = arith.mulf %mul3A_838, %get3A_862 : vector<16xf32>
          %add3A_893 = arith.addf %mul3A_891, %mul3A_892 : vector<16xf32>
          %mul3A_894 = arith.mulf %mul3A_859, %sub3A_880 : vector<16xf32>
          %add3A_895 = arith.addf %add3A_893, %mul3A_894 : vector<16xf32>
          %add3A_896 = arith.addf %get3A_889, %add3A_895 : vector<16xf32>
          %swap3A_897 = arith.index_cast %get3A_216 : i32 to index
          %swap3A_898 = arith.constant 96 : index
          %swap3A_899 = tpu.vector_load %arg8[%swap3A_897, %swap3A_898] {strides = array<i32>} : memref<161x512xf32, #tpu.memory_space<vmem>>, vector<16xf32>,
          tpu.vector_store %arg8[%swap3A_897, %swap3A_898], %add3A_896 {strides = array<i32>} : memref<161x512xf32, #tpu.memory_space<vmem>>, vector<16xf32>,
          %get3A_900 = arith.index_cast %get3A_216 : i32 to index
          %get3A_901 = arith.constant 224 : index
          %get3A_902 = tpu.vector_load %arg8[%get3A_900, %get3A_901] {strides = array<i32>} : memref<161x512xf32, #tpu.memory_space<vmem>>, vector<16xf32>,
          %mul3A_903 = vector.broadcast %squeeze3A_223 : f32 to vector<16xf32>
          %mul3A_904 = arith.mulf %mul3A_852, %mul3A_903 : vector<16xf32>
          %mul3A_905 = arith.mulf %mul3A_838, %get3A_865 : vector<16xf32>
          %add3A_906 = arith.addf %mul3A_904, %mul3A_905 : vector<16xf32>
          %mul3A_907 = arith.mulf %mul3A_859, %sub3A_883 : vector<16xf32>
          %add3A_908 = arith.addf %add3A_906, %mul3A_907 : vector<16xf32>
          %add3A_909 = arith.addf %get3A_902, %add3A_908 : vector<16xf32>
          %swap3A_910 = arith.index_cast %get3A_216 : i32 to index
          %swap3A_911 = arith.constant 224 : index
          %swap3A_912 = tpu.vector_load %arg8[%swap3A_910, %swap3A_911] {strides = array<i32>} : memref<161x512xf32, #tpu.memory_space<vmem>>, vector<16xf32>,
          tpu.vector_store %arg8[%swap3A_910, %swap3A_911], %add3A_909 {strides = array<i32>} : memref<161x512xf32, #tpu.memory_space<vmem>>, vector<16xf32>,
          %get3A_913 = arith.index_cast %get3A_216 : i32 to index
          %get3A_914 = arith.constant 352 : index
          %get3A_915 = tpu.vector_load %arg8[%get3A_913, %get3A_914] {strides = array<i32>} : memref<161x512xf32, #tpu.memory_space<vmem>>, vector<16xf32>,
          %mul3A_916 = vector.broadcast %squeeze3A_225 : f32 to vector<16xf32>
          %mul3A_917 = arith.mulf %mul3A_852, %mul3A_916 : vector<16xf32>
          %mul3A_918 = arith.mulf %mul3A_838, %get3A_868 : vector<16xf32>
          %add3A_919 = arith.addf %mul3A_917, %mul3A_918 : vector<16xf32>
          %mul3A_920 = arith.mulf %mul3A_859, %sub3A_886 : vector<16xf32>
          %add3A_921 = arith.addf %add3A_919, %mul3A_920 : vector<16xf32>
          %add3A_922 = arith.addf %get3A_915, %add3A_921 : vector<16xf32>
          %swap3A_923 = arith.index_cast %get3A_216 : i32 to index
          %swap3A_924 = arith.constant 352 : index
          %swap3A_925 = tpu.vector_load %arg8[%swap3A_923, %swap3A_924] {strides = array<i32>} : memref<161x512xf32, #tpu.memory_space<vmem>>, vector<16xf32>,
          tpu.vector_store %arg8[%swap3A_923, %swap3A_924], %add3A_922 {strides = array<i32>} : memref<161x512xf32, #tpu.memory_space<vmem>>, vector<16xf32>,
          %get3A_926 = arith.index_cast %get3A_216 : i32 to index
          %get3A_927 = arith.constant 480 : index
          %get3A_928 = tpu.vector_load %arg8[%get3A_926, %get3A_927] {strides = array<i32>} : memref<161x512xf32, #tpu.memory_space<vmem>>, vector<16xf32>,
          %add3A_929 = arith.addf %get3A_928, %mul3A_845 : vector<16xf32>
          %swap3A_930 = arith.index_cast %get3A_216 : i32 to index
          %swap3A_931 = arith.constant 480 : index
          %swap3A_932 = tpu.vector_load %arg8[%swap3A_930, %swap3A_931] {strides = array<i32>} : memref<161x512xf32, #tpu.memory_space<vmem>>, vector<16xf32>,
          tpu.vector_store %arg8[%swap3A_930, %swap3A_931], %add3A_929 {strides = array<i32>} : memref<161x512xf32, #tpu.memory_space<vmem>>, vector<16xf32>,
          %get3A_933 = arith.index_cast %scan3A_213 : i32 to index
          %get3A_934 = arith.constant 112 : index
          %get3A_935 = tpu.vector_load %arg19[%get3A_933, %get3A_934] {strides = array<i32>} : memref<16x512xf32, #tpu.memory_space<vmem>>, vector<16xf32>,
          %get3A_936 = arith.index_cast %scan3A_213 : i32 to index
          %get3A_937 = arith.constant 112 : index
          %get3A_938 = tpu.vector_load %arg18[%get3A_936, %get3A_937] {strides = array<i32>} : memref<16x640xf32, #tpu.memory_space<vmem>>, vector<16xf32>,
          %mul3A_939 = arith.mulf %get3A_935, %get3A_938 : vector<16xf32>
          %get3A_940 = arith.index_cast %scan3A_213 : i32 to index
          %get3A_941 = arith.constant 240 : index
          %get3A_942 = tpu.vector_load %arg19[%get3A_940, %get3A_941] {strides = array<i32>} : memref<16x512xf32, #tpu.memory_space<vmem>>, vector<16xf32>,
          %get3A_943 = arith.index_cast %scan3A_213 : i32 to index
          %get3A_944 = arith.constant 240 : index
          %get3A_945 = tpu.vector_load %arg18[%get3A_943, %get3A_944] {strides = array<i32>} : memref<16x640xf32, #tpu.memory_space<vmem>>, vector<16xf32>,
          %mul3A_946 = arith.mulf %get3A_942, %get3A_945 : vector<16xf32>
          %get3A_947 = arith.index_cast %scan3A_213 : i32 to index
          %get3A_948 = arith.constant 368 : index
          %get3A_949 = tpu.vector_load %arg19[%get3A_947, %get3A_948] {strides = array<i32>} : memref<16x512xf32, #tpu.memory_space<vmem>>, vector<16xf32>,
          %get3A_950 = arith.index_cast %scan3A_213 : i32 to index
          %get3A_951 = arith.constant 368 : index
          %get3A_952 = tpu.vector_load %arg18[%get3A_950, %get3A_951] {strides = array<i32>} : memref<16x640xf32, #tpu.memory_space<vmem>>, vector<16xf32>,
          %mul3A_953 = arith.mulf %get3A_949, %get3A_952 : vector<16xf32>
          %get3A_954 = arith.index_cast %scan3A_213 : i32 to index
          %get3A_955 = arith.constant 496 : index
          %get3A_956 = tpu.vector_load %arg19[%get3A_954, %get3A_955] {strides = array<i32>} : memref<16x512xf32, #tpu.memory_space<vmem>>, vector<16xf32>,
          %get3A_957 = arith.index_cast %scan3A_213 : i32 to index
          %get3A_958 = arith.constant 496 : index
          %get3A_959 = tpu.vector_load %arg18[%get3A_957, %get3A_958] {strides = array<i32>} : memref<16x640xf32, #tpu.memory_space<vmem>>, vector<16xf32>,
          %mul3A_960 = arith.mulf %get3A_956, %get3A_959 : vector<16xf32>
          %get3A_961 = arith.index_cast %scan3A_213 : i32 to index
          %get3A_962 = arith.constant 112 : index
          %get3A_963 = tpu.vector_load %arg20[%get3A_961, %get3A_962] {strides = array<i32>} : memref<16x384xf32, #tpu.memory_space<vmem>>, vector<16xf32>,
          %get3A_964 = arith.index_cast %scan3A_213 : i32 to index
          %get3A_965 = arith.constant 240 : index
          %get3A_966 = tpu.vector_load %arg20[%get3A_964, %get3A_965] {strides = array<i32>} : memref<16x384xf32, #tpu.memory_space<vmem>>, vector<16xf32>,
          %get3A_967 = arith.index_cast %scan3A_213 : i32 to index
          %get3A_968 = arith.constant 368 : index
          %get3A_969 = tpu.vector_load %arg20[%get3A_967, %get3A_968] {strides = array<i32>} : memref<16x384xf32, #tpu.memory_space<vmem>>, vector<16xf32>,
          %get3A_970 = arith.index_cast %scan3A_213 : i32 to index
          %get3A_971 = arith.constant 112 : index
          %get3A_972 = tpu.vector_load %arg21[%get3A_970, %get3A_971] {strides = array<i32>} : memref<16x384xf32, #tpu.memory_space<vmem>>, vector<16xf32>,
          %get3A_973 = arith.index_cast %scan3A_213 : i32 to index
          %get3A_974 = arith.constant 240 : index
          %get3A_975 = tpu.vector_load %arg21[%get3A_973, %get3A_974] {strides = array<i32>} : memref<16x384xf32, #tpu.memory_space<vmem>>, vector<16xf32>,
          %get3A_976 = arith.index_cast %scan3A_213 : i32 to index
          %get3A_977 = arith.constant 368 : index
          %get3A_978 = tpu.vector_load %arg21[%get3A_976, %get3A_977] {strides = array<i32>} : memref<16x384xf32, #tpu.memory_space<vmem>>, vector<16xf32>,
          %mul3A_979 = arith.mulf %get3A_975, %get3A_969 : vector<16xf32>
          %mul3A_980 = arith.mulf %get3A_978, %get3A_966 : vector<16xf32>
          %sub3A_981 = arith.subf %mul3A_979, %mul3A_980 : vector<16xf32>
          %mul3A_982 = arith.mulf %get3A_978, %get3A_963 : vector<16xf32>
          %mul3A_983 = arith.mulf %get3A_972, %get3A_969 : vector<16xf32>
          %sub3A_984 = arith.subf %mul3A_982, %mul3A_983 : vector<16xf32>
          %mul3A_985 = arith.mulf %get3A_972, %get3A_966 : vector<16xf32>
          %mul3A_986 = arith.mulf %get3A_975, %get3A_963 : vector<16xf32>
          %sub3A_987 = arith.subf %mul3A_985, %mul3A_986 : vector<16xf32>
          %get3A_988 = arith.index_cast %get3A_216 : i32 to index
          %get3A_989 = arith.constant 112 : index
          %get3A_990 = tpu.vector_load %arg8[%get3A_988, %get3A_989] {strides = array<i32>} : memref<161x512xf32, #tpu.memory_space<vmem>>, vector<16xf32>,
          %mul3A_991 = vector.broadcast %squeeze3A_221 : f32 to vector<16xf32>
          %mul3A_992 = arith.mulf %mul3A_953, %mul3A_991 : vector<16xf32>
          %mul3A_993 = arith.mulf %mul3A_939, %get3A_963 : vector<16xf32>
          %add3A_994 = arith.addf %mul3A_992, %mul3A_993 : vector<16xf32>
          %mul3A_995 = arith.mulf %mul3A_960, %sub3A_981 : vector<16xf32>
          %add3A_996 = arith.addf %add3A_994, %mul3A_995 : vector<16xf32>
          %add3A_997 = arith.addf %get3A_990, %add3A_996 : vector<16xf32>
          %swap3A_998 = arith.index_cast %get3A_216 : i32 to index
          %swap3A_999 = arith.constant 112 : index
          %swap3A_1000 = tpu.vector_load %arg8[%swap3A_998, %swap3A_999] {strides = array<i32>} : memref<161x512xf32, #tpu.memory_space<vmem>>, vector<16xf32>,
          tpu.vector_store %arg8[%swap3A_998, %swap3A_999], %add3A_997 {strides = array<i32>} : memref<161x512xf32, #tpu.memory_space<vmem>>, vector<16xf32>,
          %get3A_1001 = arith.index_cast %get3A_216 : i32 to index
          %get3A_1002 = arith.constant 240 : index
          %get3A_1003 = tpu.vector_load %arg8[%get3A_1001, %get3A_1002] {strides = array<i32>} : memref<161x512xf32, #tpu.memory_space<vmem>>, vector<16xf32>,
          %mul3A_1004 = vector.broadcast %squeeze3A_223 : f32 to vector<16xf32>
          %mul3A_1005 = arith.mulf %mul3A_953, %mul3A_1004 : vector<16xf32>
          %mul3A_1006 = arith.mulf %mul3A_939, %get3A_966 : vector<16xf32>
          %add3A_1007 = arith.addf %mul3A_1005, %mul3A_1006 : vector<16xf32>
          %mul3A_1008 = arith.mulf %mul3A_960, %sub3A_984 : vector<16xf32>
          %add3A_1009 = arith.addf %add3A_1007, %mul3A_1008 : vector<16xf32>
          %add3A_1010 = arith.addf %get3A_1003, %add3A_1009 : vector<16xf32>
          %swap3A_1011 = arith.index_cast %get3A_216 : i32 to index
          %swap3A_1012 = arith.constant 240 : index
          %swap3A_1013 = tpu.vector_load %arg8[%swap3A_1011, %swap3A_1012] {strides = array<i32>} : memref<161x512xf32, #tpu.memory_space<vmem>>, vector<16xf32>,
          tpu.vector_store %arg8[%swap3A_1011, %swap3A_1012], %add3A_1010 {strides = array<i32>} : memref<161x512xf32, #tpu.memory_space<vmem>>, vector<16xf32>,
          %get3A_1014 = arith.index_cast %get3A_216 : i32 to index
          %get3A_1015 = arith.constant 368 : index
          %get3A_1016 = tpu.vector_load %arg8[%get3A_1014, %get3A_1015] {strides = array<i32>} : memref<161x512xf32, #tpu.memory_space<vmem>>, vector<16xf32>,
          %mul3A_1017 = vector.broadcast %squeeze3A_225 : f32 to vector<16xf32>
          %mul3A_1018 = arith.mulf %mul3A_953, %mul3A_1017 : vector<16xf32>
          %mul3A_1019 = arith.mulf %mul3A_939, %get3A_969 : vector<16xf32>
          %add3A_1020 = arith.addf %mul3A_1018, %mul3A_1019 : vector<16xf32>
          %mul3A_1021 = arith.mulf %mul3A_960, %sub3A_987 : vector<16xf32>
          %add3A_1022 = arith.addf %add3A_1020, %mul3A_1021 : vector<16xf32>
          %add3A_1023 = arith.addf %get3A_1016, %add3A_1022 : vector<16xf32>
          %swap3A_1024 = arith.index_cast %get3A_216 : i32 to index
          %swap3A_1025 = arith.constant 368 : index
          %swap3A_1026 = tpu.vector_load %arg8[%swap3A_1024, %swap3A_1025] {strides = array<i32>} : memref<161x512xf32, #tpu.memory_space<vmem>>, vector<16xf32>,
          tpu.vector_store %arg8[%swap3A_1024, %swap3A_1025], %add3A_1023 {strides = array<i32>} : memref<161x512xf32, #tpu.memory_space<vmem>>, vector<16xf32>,
          %get3A_1027 = arith.index_cast %get3A_216 : i32 to index
          %get3A_1028 = arith.constant 496 : index
          %get3A_1029 = tpu.vector_load %arg8[%get3A_1027, %get3A_1028] {strides = array<i32>} : memref<161x512xf32, #tpu.memory_space<vmem>>, vector<16xf32>,
          %add3A_1030 = arith.addf %get3A_1029, %mul3A_946 : vector<16xf32>
          %swap3A_1031 = arith.index_cast %get3A_216 : i32 to index
          %swap3A_1032 = arith.constant 496 : index
          %swap3A_1033 = tpu.vector_load %arg8[%swap3A_1031, %swap3A_1032] {strides = array<i32>} : memref<161x512xf32, #tpu.memory_space<vmem>>, vector<16xf32>,
          tpu.vector_store %arg8[%swap3A_1031, %swap3A_1032], %add3A_1030 {strides = array<i32>} : memref<161x512xf32, #tpu.memory_space<vmem>>, vector<16xf32>,
          %scan3A_1034 = arith.constant 0 : i32
          scf.yield %scan3A_1034 : i32
        }
        %scan3A_211 = arith.constant 16 : i32
        %while3A_212 = arith.constant 0 : i32
        scf.yield %while3A_212 : i32
      }
      %scan3A_87 = arith.constant 0 : i32
      scf.yield %scan3A_87 : i32
    }
    %scan3A_35 = arith.constant 100 : i32
    "tpu.region"() ({
      %run_scoped3A = tpu.sem_alloc : memref<!tpu.dma_semaphore, #tpu.memory_space<semaphore_mem>>
      %dma_start3A = arith.constant 0 : i32
      %dma_start3A_36 = arith.constant 0 : i32
      %dma_start3A_37 = tpu.memref_slice %arg8[%dma_start3A, %dma_start3A_36] : memref<161x512xf32, #tpu.memory_space<vmem>> -> memref<160x512xf32, #tpu.memory_space<vmem>>
      %dma_start3A_38 = arith.constant 0 : i32
      %dma_start3A_39 = tpu.memref_slice %arg7[%mul3A_21, %dma_start3A_38] : memref<10240x512xf32, #tpu.memory_space<hbm>> -> memref<160x512xf32, #tpu.memory_space<hbm>>
      %dma_start3A_40 = arith.constant 0 : i32
      %dma_start3A_41 = tpu.memref_slice %arg7[%mul3A_21, %dma_start3A_40] : memref<10240x512xf32, #tpu.memory_space<hbm>> -> memref<160x512xf32, #tpu.memory_space<hbm>>
      %dma_start3A_42 = arith.constant 0 : i32
      %dma_start3A_43 = arith.constant 0 : i32
      %dma_start3A_44 = tpu.memref_slice %arg8[%dma_start3A_42, %dma_start3A_43] : memref<161x512xf32, #tpu.memory_space<vmem>> -> memref<160x512xf32, #tpu.memory_space<vmem>>
      tpu.enqueue_dma source(%dma_start3A_44 : memref<160x512xf32, #tpu.memory_space<vmem>>) target(%dma_start3A_41 : memref<160x512xf32, #tpu.memory_space<hbm>>) target_semaphore(%run_scoped3A : memref<!tpu.dma_semaphore, #tpu.memory_space<semaphore_mem>>)
      %dma_wait3A = arith.constant 0 : i32
      %dma_wait3A_45 = arith.constant 0 : i32
      %dma_wait3A_46 = tpu.memref_slice %arg8[%dma_wait3A, %dma_wait3A_45] : memref<161x512xf32, #tpu.memory_space<vmem>> -> memref<160x512xf32, #tpu.memory_space<vmem>>
      %dma_wait3A_47 = arith.constant 0 : i32
      %dma_wait3A_48 = tpu.memref_slice %arg7[%mul3A_21, %dma_wait3A_47] : memref<10240x512xf32, #tpu.memory_space<hbm>> -> memref<160x512xf32, #tpu.memory_space<hbm>>
      %dma_wait3A_49 = arith.constant 0 : i32
      %dma_wait3A_50 = tpu.memref_slice %arg7[%mul3A_21, %dma_wait3A_49] : memref<10240x512xf32, #tpu.memory_space<hbm>> -> memref<160x512xf32, #tpu.memory_space<hbm>>
      %dma_wait3A_51 = arith.constant 0 : i32
      %dma_wait3A_52 = arith.constant 0 : i32
      %dma_wait3A_53 = tpu.memref_slice %arg8[%dma_wait3A_51, %dma_wait3A_52] : memref<161x512xf32, #tpu.memory_space<vmem>> -> memref<160x512xf32, #tpu.memory_space<vmem>>
      tpu.wait_dma2 semaphore(%run_scoped3A : memref<!tpu.dma_semaphore, #tpu.memory_space<semaphore_mem>>) src(%dma_wait3A_53 : memref<160x512xf32, #tpu.memory_space<vmem>>) dst(%dma_wait3A_50 : memref<160x512xf32, #tpu.memory_space<hbm>>)
      tpu.yield
    }) : () -> ()
    return
  }
}

module attributes {stable_mosaic.version = 14 : i64} {
  func.func @_mlp_body(%arg0: i32, %arg1: memref<1000x128xf32, #tpu.memory_space<vmem>>, %arg2: memref<128x128xf32, #tpu.memory_space<vmem>>, %arg3: memref<1x128xf32, #tpu.memory_space<vmem>>, %arg4: memref<128x512xf32, #tpu.memory_space<vmem>>, %arg5: memref<1x512xf32, #tpu.memory_space<vmem>>, %arg6: memref<1000x512xf32, #tpu.memory_space<vmem>>) attributes {dimension_semantics = [#tpu.dimension_semantics<arbitrary>], iteration_bounds = array<i64: 10>, scalar_prefetch = 0 : i64, scratch_operands = 0 : i64, tpu.core_type = #tpu.core_type<tc>, window_params = [{transform_indices = @transform_0, window_bounds = array<i64: 1000, 128>}, {pipeline_mode = #tpu.pipeline_mode<synchronous>, transform_indices = @transform_1, window_bounds = array<i64: 128, 128>}, {pipeline_mode = #tpu.pipeline_mode<synchronous>, transform_indices = @transform_2, window_bounds = array<i64: 1, 128>}, {pipeline_mode = #tpu.pipeline_mode<synchronous>, transform_indices = @transform_3, window_bounds = array<i64: 128, 512>}, {pipeline_mode = #tpu.pipeline_mode<synchronous>, transform_indices = @transform_4, window_bounds = array<i64: 1, 512>}, {transform_indices = @transform_5, window_bounds = array<i64: 1000, 512>}]} {
    %get3A = arith.constant 0 : index
    %get3A_0 = arith.constant 0 : index
    %get3A_1 = vector.load %arg1[%get3A, %get3A_0] : memref<1000x128xf32, #tpu.memory_space<vmem>>, vector<1000x128xf32>
    %get3A_2 = arith.constant 0 : index
    %get3A_3 = arith.constant 0 : index
    %get3A_4 = vector.load %arg2[%get3A_2, %get3A_3] : memref<128x128xf32, #tpu.memory_space<vmem>>, vector<128x128xf32>
    %dot_general3A = arith.constant dense<0.000000e+00> : vector<1000x128xf32>
    %dot_general3A_5 = tpu.matmul %get3A_1, %get3A_4, %dot_general3A {dimension_numbers = #tpu.dot_dimension_numbers<[1], [0], [0], [1], [0, 0, 1, 1], [], []>, transpose_lhs_hint = false} : vector<1000x128xf32>, vector<128x128xf32>, vector<1000x128xf32> -> vector<1000x128xf32>
    %get3A_6 = arith.constant 0 : index
    %get3A_7 = arith.constant 0 : index
    %get3A_8 = vector.load %arg3[%get3A_6, %get3A_7] : memref<1x128xf32, #tpu.memory_space<vmem>>, vector<1x128xf32>
    %add3A = vector.broadcast %get3A_8 : vector<1x128xf32> to vector<1000x128xf32>
    %add3A_9 = arith.addf %dot_general3A_5, %add3A : vector<1000x128xf32>
    %logistic3A = arith.negf %add3A_9 : vector<1000x128xf32>
    %logistic3A_10 = math.exp %logistic3A : vector<1000x128xf32>
    %logistic3A_11 = arith.constant 1.000000e+00 : f32
    %logistic3A_12 = vector.broadcast %logistic3A_11 : f32 to vector<1000x128xf32>
    %logistic3A_13 = arith.addf %logistic3A_12, %logistic3A_10 : vector<1000x128xf32>
    %logistic3A_14 = arith.divf %logistic3A_12, %logistic3A_13 : vector<1000x128xf32>
    %mul3A = arith.mulf %add3A_9, %logistic3A_14 : vector<1000x128xf32>
    %get3A_15 = arith.constant 0 : index
    %get3A_16 = arith.constant 0 : index
    %get3A_17 = vector.load %arg4[%get3A_15, %get3A_16] : memref<128x512xf32, #tpu.memory_space<vmem>>, vector<128x512xf32>
    %dot_general3A_18 = arith.constant dense<0.000000e+00> : vector<1000x512xf32>
    %dot_general3A_19 = tpu.matmul %mul3A, %get3A_17, %dot_general3A_18 {dimension_numbers = #tpu.dot_dimension_numbers<[1], [0], [0], [1], [0, 0, 1, 1], [], []>, transpose_lhs_hint = false} : vector<1000x128xf32>, vector<128x512xf32>, vector<1000x512xf32> -> vector<1000x512xf32>
    %get3A_20 = arith.constant 0 : index
    %get3A_21 = arith.constant 0 : index
    %get3A_22 = vector.load %arg5[%get3A_20, %get3A_21] : memref<1x512xf32, #tpu.memory_space<vmem>>, vector<1x512xf32>
    %add3A_23 = vector.broadcast %get3A_22 : vector<1x512xf32> to vector<1000x512xf32>
    %add3A_24 = arith.addf %dot_general3A_19, %add3A_23 : vector<1000x512xf32>
    %swap3A = arith.constant 0 : index
    %swap3A_25 = arith.constant 0 : index
    %swap3A_26 = vector.load %arg6[%swap3A, %swap3A_25] : memref<1000x512xf32, #tpu.memory_space<vmem>>, vector<1000x512xf32>
    tpu.vector_store %arg6[%swap3A, %swap3A_25], %add3A_24 {strides = array<i32>} : memref<1000x512xf32, #tpu.memory_space<vmem>>, vector<1000x512xf32>,
    return
  }
  func.func @transform_0(%arg0: i32) -> (i32, i32) {
    %c0_i32 = arith.constant 0 : i32
    %c0_i32_0 = arith.constant 0 : i32
    return %arg0, %c0_i32 : i32, i32
  }
  func.func @transform_1(%arg0: i32) -> (i32, i32) {
    %c0_i32 = arith.constant 0 : i32
    %c0_i32_0 = arith.constant 0 : i32
    %c0_i32_1 = arith.constant 0 : i32
    return %c0_i32, %c0_i32_0 : i32, i32
  }
  func.func @transform_2(%arg0: i32) -> (i32, i32) {
    %c0_i32 = arith.constant 0 : i32
    %c0_i32_0 = arith.constant 0 : i32
    %c0_i32_1 = arith.constant 0 : i32
    return %c0_i32, %c0_i32_0 : i32, i32
  }
  func.func @transform_3(%arg0: i32) -> (i32, i32) {
    %c0_i32 = arith.constant 0 : i32
    %c0_i32_0 = arith.constant 0 : i32
    %c0_i32_1 = arith.constant 0 : i32
    return %c0_i32, %c0_i32_0 : i32, i32
  }
  func.func @transform_4(%arg0: i32) -> (i32, i32) {
    %c0_i32 = arith.constant 0 : i32
    %c0_i32_0 = arith.constant 0 : i32
    %c0_i32_1 = arith.constant 0 : i32
    return %c0_i32, %c0_i32_0 : i32, i32
  }
  func.func @transform_5(%arg0: i32) -> (i32, i32) {
    %c0_i32 = arith.constant 0 : i32
    %c0_i32_0 = arith.constant 0 : i32
    return %arg0, %c0_i32 : i32, i32
  }
}

module attributes {stable_mosaic.version = 14 : i64} {
  func.func @_ws_body(%arg0: i32, %arg1: memref<1280x3xf32, #tpu.memory_space<vmem>>, %arg2: memref<20x512xf32, #tpu.memory_space<vmem>>, %arg3: memref<1x512xf32, #tpu.memory_space<vmem>>, %arg4: memref<1280x640xf32, #tpu.memory_space<vmem>>) attributes {dimension_semantics = [#tpu.dimension_semantics<arbitrary>], iteration_bounds = array<i64: 125>, scalar_prefetch = 0 : i64, scratch_operands = 0 : i64, tpu.core_type = #tpu.core_type<tc>, window_params = [{transform_indices = @transform_0, window_bounds = array<i64: 1280, 3>}, {pipeline_mode = #tpu.pipeline_mode<synchronous>, transform_indices = @transform_1, window_bounds = array<i64: 20, 512>}, {pipeline_mode = #tpu.pipeline_mode<synchronous>, transform_indices = @transform_2, window_bounds = array<i64: 1, 512>}, {transform_indices = @transform_3, window_bounds = array<i64: 1280, 640>}]} {
    %get3A = arith.constant 0 : index
    %get3A_0 = arith.constant 0 : index
    %get3A_1 = vector.load %arg1[%get3A, %get3A_0] : memref<1280x3xf32, #tpu.memory_space<vmem>>, vector<1280x3xf32>
    %mul3A = arith.mulf %get3A_1, %get3A_1 : vector<1280x3xf32>
    %add3A = arith.constant 9.99999993E-9 : f32
    %add3A_2 = vector.broadcast %add3A : f32 to vector<1280x3xf32>
    %add3A_3 = arith.addf %mul3A, %add3A_2 : vector<1280x3xf32>
    %reduce_sum3A = arith.constant dense<0.000000e+00> : vector<1280xf32>
    %reduce_sum3A_4 = vector.multi_reduction <add>, %add3A_3, %reduce_sum3A [1] : vector<1280x3xf32> to vector<1280xf32>
    %broadcast_in_dim3A = vector.shape_cast %reduce_sum3A_4 : vector<1280xf32> to vector<1280x1xf32>
    %sqrt3A = math.sqrt %broadcast_in_dim3A : vector<1280x1xf32>
    %div3A = vector.broadcast %sqrt3A : vector<1280x1xf32> to vector<1280x3xf32>
    %div3A_5 = arith.divf %get3A_1, %div3A : vector<1280x3xf32>
    %iota3A = tpu.iota {dimensions = array<i32: 1>} : vector<1x20xi32>
    %convert_element_type3A = arith.sitofp %iota3A : vector<1x20xi32> to vector<1x20xf32>
    %add3A_6 = arith.constant 1.000000e+00 : f32
    %add3A_7 = vector.broadcast %add3A_6 : f32 to vector<1x20xf32>
    %add3A_8 = arith.addf %convert_element_type3A, %add3A_7 : vector<1x20xf32>
    %mul3A_9 = vector.broadcast %sqrt3A : vector<1280x1xf32> to vector<1280x20xf32>
    %mul3A_10 = vector.broadcast %add3A_8 : vector<1x20xf32> to vector<1280x20xf32>
    %mul3A_11 = arith.mulf %mul3A_9, %mul3A_10 : vector<1280x20xf32>
    %mul3A_12 = arith.constant 0.628318548 : f32
    %mul3A_13 = vector.broadcast %mul3A_12 : f32 to vector<1280x20xf32>
    %mul3A_14 = arith.mulf %mul3A_11, %mul3A_13 : vector<1280x20xf32>
    %sin3A = math.sin %mul3A_14 : vector<1280x20xf32>
    %div3A_15 = vector.broadcast %sqrt3A : vector<1280x1xf32> to vector<1280x20xf32>
    %div3A_16 = arith.divf %sin3A, %div3A_15 : vector<1280x20xf32>
    %get3A_17 = arith.constant 0 : index
    %get3A_18 = arith.constant 0 : index
    %get3A_19 = vector.load %arg2[%get3A_17, %get3A_18] : memref<20x512xf32, #tpu.memory_space<vmem>>, vector<20x512xf32>
    %dot_general3A = arith.constant dense<0.000000e+00> : vector<1280x512xf32>
    %dot_general3A_20 = tpu.matmul %div3A_16, %get3A_19, %dot_general3A {dimension_numbers = #tpu.dot_dimension_numbers<[1], [0], [0], [1], [0, 0, 1, 1], [], []>, transpose_lhs_hint = false} : vector<1280x20xf32>, vector<20x512xf32>, vector<1280x512xf32> -> vector<1280x512xf32>
    %get3A_21 = arith.constant 0 : index
    %get3A_22 = arith.constant 0 : index
    %get3A_23 = vector.load %arg3[%get3A_21, %get3A_22] : memref<1x512xf32, #tpu.memory_space<vmem>>, vector<1x512xf32>
    %add3A_24 = vector.broadcast %get3A_23 : vector<1x512xf32> to vector<1280x512xf32>
    %add3A_25 = arith.addf %dot_general3A_20, %add3A_24 : vector<1280x512xf32>
    %lt3A = arith.constant 5.000000e+00 : f32
    %lt3A_26 = vector.broadcast %lt3A : f32 to vector<1280x1xf32>
    %lt3A_27 = arith.cmpf olt, %sqrt3A, %lt3A_26 : vector<1280x1xf32>
    %mul3A_28 = arith.constant 0.628318548 : f32
    %mul3A_29 = vector.broadcast %mul3A_28 : f32 to vector<1280x1xf32>
    %mul3A_30 = arith.mulf %sqrt3A, %mul3A_29 : vector<1280x1xf32>
    %cos3A = math.cos %mul3A_30 : vector<1280x1xf32>
    %add3A_31 = arith.constant 1.000000e+00 : f32
    %add3A_32 = vector.broadcast %add3A_31 : f32 to vector<1280x1xf32>
    %add3A_33 = arith.addf %cos3A, %add3A_32 : vector<1280x1xf32>
    %mul3A_34 = arith.constant 5.000000e-01 : f32
    %mul3A_35 = vector.broadcast %mul3A_34 : f32 to vector<1280x1xf32>
    %mul3A_36 = arith.mulf %mul3A_35, %add3A_33 : vector<1280x1xf32>
    %jit3A = arith.constant 0.000000e+00 : f32
    %broadcast_in_dim3A_37 = vector.broadcast %jit3A : f32 to vector<1280x1xf32>
    %select_n3A = arith.select %lt3A_27, %mul3A_36, %broadcast_in_dim3A_37 : vector<1280x1xi1>, vector<1280x1xf32>
    %mul3A_38 = vector.broadcast %select_n3A : vector<1280x1xf32> to vector<1280x512xf32>
    %mul3A_39 = arith.mulf %add3A_25, %mul3A_38 : vector<1280x512xf32>
    %broadcast_in_dim3A_40 = arith.constant 0.000000e+00 : f32
    %broadcast_in_dim3A_41 = vector.broadcast %broadcast_in_dim3A_40 : f32 to vector<1280x125xf32>
    %concatenate3A = tpu.concatenate %mul3A_39, %div3A_5, %broadcast_in_dim3A_41 in 1 : vector<1280x512xf32>, vector<1280x3xf32>, vector<1280x125xf32> -> vector<1280x640xf32>
    %swap3A = arith.constant 0 : index
    %swap3A_42 = arith.constant 0 : index
    %swap3A_43 = vector.load %arg4[%swap3A, %swap3A_42] : memref<1280x640xf32, #tpu.memory_space<vmem>>, vector<1280x640xf32>
    tpu.vector_store %arg4[%swap3A, %swap3A_42], %concatenate3A {strides = array<i32>} : memref<1280x640xf32, #tpu.memory_space<vmem>>, vector<1280x640xf32>,
    return
  }
  func.func @transform_0(%arg0: i32) -> (i32, i32) {
    %c0_i32 = arith.constant 0 : i32
    %c0_i32_0 = arith.constant 0 : i32
    return %arg0, %c0_i32 : i32, i32
  }
  func.func @transform_1(%arg0: i32) -> (i32, i32) {
    %c0_i32 = arith.constant 0 : i32
    %c0_i32_0 = arith.constant 0 : i32
    %c0_i32_1 = arith.constant 0 : i32
    return %c0_i32, %c0_i32_0 : i32, i32
  }
  func.func @transform_2(%arg0: i32) -> (i32, i32) {
    %c0_i32 = arith.constant 0 : i32
    %c0_i32_0 = arith.constant 0 : i32
    %c0_i32_1 = arith.constant 0 : i32
    return %c0_i32, %c0_i32_0 : i32, i32
  }
  func.func @transform_3(%arg0: i32) -> (i32, i32) {
    %c0_i32 = arith.constant 0 : i32
    %c0_i32_0 = arith.constant 0 : i32
    return %arg0, %c0_i32 : i32, i32
  }
}

</mosaic_0001>

<sc_bundles>
// kernel: kernel.5.cloned.1.call-start
scs
__scs_entry_jumppad:
0x0: {  	(pc) =	sbr.rel $0x88, $3  }
0x1: {  	(tag) =	ssettag $0x0;
	lr =	simm.s32 $0x1  }
0x2: {  	[smem:$0x3F97] =	sst lr;
	_ =	strace $0xD0000000  }
0x3: {  	_ = 	snop  }
0x4: {  	_ = 	snop  }
0x5: {  	_ = 	snop  }
0x6: {  	_ = 	snop  }
0x7: {  	_ = 	snop  }
__scs_overlays_trampoline_lowered:
0x8: {  	[smem:$0x3FA6] =	sst s0  }
0x9: {  	[smem:$0x3FA7] =	sst s1  }
0xa: {  	[smem:$0x3FA8] =	sst s2  }
0xb: {  	[smem:$0x3FA9] =	sst s3  }
0xc: {  	[smem:$0x3FAA] =	sst s4  }
0xd: {  	[smem:$0x3FAB] =	sst s5  }
0xe: {  	[smem:$0x3FAC] =	sst s6  }
0xf: {  	[smem:$0x3FAD] =	sst s7  }
0x10: {  	[smem:$0x3FAE] =	sst s8  }
0x11: {  	[smem:$0x3FAF] =	sst s9;
	s0 =	simm.s32 @!p0 $0x0  }
0x12: {  	s1 =	sld [smem:$0x3F95];
	s0 =	simm.s32 @p0 $0x1  }
0x13: {  	[smem:$0x3FB0] =	sst s0;
	s0 =	simm.s32 @!p1 $0x0  }
0x14: {  	s2 =	sld [smem:$0x3F94];
	s0 =	simm.s32 @p1 $0x1  }
0x15: {  	[smem:$0x3FB1] =	sst s0;
	s0 =	simm.s32 @!p2 $0x0  }
0x16: {  	s3 =	sld [smem:$0x3FDB];
	s0 =	simm.s32 @p2 $0x1  }
0x17: {  	s4 =	simm.s32 $0x1BF5;
	[smem:$0x3FB3] =	sst s0  }
0x18: {  	s0 =	sld [smem:$0x3F96];
	_ =	swait.ge [sflag:s4], $0x0  }
0x19: {  	s7 =	sld [smem:$0x3F97]  }
0x1a: {  	s8 =	sadd.s32 $0xFFFFE003, lr  }
0x1b: {  	s9 =	sadd.s32 $0xFFFFFEF7, lr;
	s5 =	simm.s32 $0xFFFFFFFF;
	p2 =	slt.u32 s8, $0xFFFFF086  }
0x1c: {  	p1 =	slt.u32 s9, $0xF7A;
	s5 =	simm.s32 @!p2 $0x0  }
0x1d: {  	s5 =	simm.s32 @p1 $0x1;
	p0 =	seq.s32 s7, s2  }
0x1e: {  	s7 =	smul.u32 @!p0 $0xF7A, s2;
	p2 =	seq.s32 @!p0 s5, $0x0  }
0x1f: {  	s9 =	smul.u32 $0xF7A, s1;
	s8 =	simm.s32 @!p0 $0x1BF5;
	p2 =	por !p2, p0  }
0x20: {  	[sflag:s8] =	ssyncset.s32 @!p0 $0xFFFFF086;
	s6 =	sadd.s32 @!p0 s3, s7;
	s7 =	simm.s32 @!p0 $0x108  }
0x21: {  	s3 =	sadd.s32 s3, s9;
	s6 =	sadd.s32 @!p0 $0x88, s6;
	s7 =	simm.s32 @p2 $0x1082  }
0x22: {  	[simem:s7], [sflag:s8] =	dma.local @!p0 [hbm:s6], $0xF7A  }
0x23: {  	s9 =	sor.u32 $0xD0000000, s2;
	s6 =	simm.s32 $0x108;
	_ =	swait.ge @!p0 [sflag:s8], $0x0  }
0x24: {  	s3 =	sadd.s32 $0x88, s3;
	s6 =	simm.s32 @!p1 $0x1082;
	[sflag:s4] =	ssyncset.s32 $0xFFFFF086  }
0x25: {  	[simem:s6], [sflag:s4] =	dma.local [hbm:s3], $0xF7A  }
0x26: {  	[smem:$0x3F97] =	sst s1;
	(tag) =	ssettag s2;
	_ =	strace s9  }
0x27: {  	s1 =	sld [smem:$0x3FA7]  }
0x28: {  	s2 =	sld [smem:$0x3FA8]  }
0x29: {  	s4 =	sld [smem:$0x3FAA]  }
0x2a: {  	p0 =	seq.s32 s5, $0x0;
	s5 =	sld [smem:$0x3FAB]  }
0x2b: {  	s6 =	sld [smem:$0x3FAC]  }
0x2c: {  	s7 =	sld [smem:$0x3FAD]  }
0x2d: {  	s3 =	simm.s32 $0x108;
	s8 =	sld [smem:$0x3FAE]  }
0x2e: {  	s3 =	simm.s32 @!p0 $0x1082;
	s9 =	sld [smem:$0x3FAF]  }
0x2f: {  	lr =	sadd.s32 s0, s3;
	s0 =	sld [smem:$0x3FA6]  }
0x30: {  	s3 =	sld [smem:$0x3FA9]  }
0x31: {  	[smem:$0x3FB2] =	sst s10  }
0x32: {  	s10 =	sld [smem:$0x3FB0];
	_ =	sdelay $0x3  }
0x33: {  	p0 =	seq.s32 s10, $0x1;
	s10 =	sld [smem:$0x3FB2];
	_ =	sdelay $0x3  }
0x34: {  	[smem:$0x3FB2] =	sst s10  }
0x35: {  	s10 =	sld [smem:$0x3FB1];
	_ =	sdelay $0x3  }
0x36: {  	p1 =	seq.s32 s10, $0x1;
	s10 =	sld [smem:$0x3FB2];
	_ =	sdelay $0x3  }
0x37: {  	[smem:$0x3FB2] =	sst s10  }
0x38: {  	s10 =	sld [smem:$0x3FB3]  }
0x39: {  	_ = 	snop;
	(pc) =	sbr.ind lr, $3  }
0x3a: {  	_ = 	snop  }
0x3b: {  	_ = 	snop  }
0x3c: {  	p2 =	seq.s32 s10, $0x1;
	s10 =	sld [smem:$0x3FB2]  }
0x3d: {  	_ =	shalt  }
0x3e: {  	_ =	shalt  }
0x3f: {  	_ =	shalt  }
0x40: {  	_ =	shalt  }
0x41: {  	_ =	shalt  }
0x42: {  	_ =	shalt  }
0x43: {  	_ =	shalt  }
0x44: {  	_ =	shalt  }
0x45: {  	_ =	shalt  }
0x46: {  	_ =	shalt  }
0x47: {  	_ =	shalt  }
0x48: {  	_ =	shalt  }
0x49: {  	_ =	shalt  }
0x4a: {  	_ =	shalt  }
0x4b: {  	_ =	shalt  }
0x4c: {  	_ =	shalt  }
0x4d: {  	_ =	shalt  }
0x4e: {  	_ =	shalt  }
0x4f: {  	_ =	shalt  }
0x50: {  	_ =	shalt  }
0x51: {  	_ =	shalt  }
0x52: {  	_ =	shalt  }
0x53: {  	_ =	shalt  }
0x54: {  	_ =	shalt  }
0x55: {  	_ =	shalt  }
0x56: {  	_ =	shalt  }
0x57: {  	_ =	shalt  }
0x58: {  	_ =	shalt  }
0x59: {  	_ =	shalt  }
0x5a: {  	_ =	shalt  }
0x5b: {  	_ =	shalt  }
0x5c: {  	_ =	shalt  }
0x5d: {  	_ =	shalt  }
0x5e: {  	_ =	shalt  }
0x5f: {  	_ =	shalt  }
0x60: {  	_ =	shalt  }
0x61: {  	_ =	shalt  }
0x62: {  	_ =	shalt  }
0x63: {  	_ =	shalt  }
0x64: {  	_ =	shalt  }
0x65: {  	_ =	shalt  }
0x66: {  	_ =	shalt  }
0x67: {  	_ =	shalt  }
0x68: {  	_ =	shalt  }
0x69: {  	_ =	shalt  }
0x6a: {  	_ =	shalt  }
0x6b: {  	_ =	shalt  }
0x6c: {  	_ =	shalt  }
0x6d: {  	_ =	shalt  }
0x6e: {  	_ =	shalt  }
0x6f: {  	_ =	shalt  }
0x70: {  	_ =	shalt  }
0x71: {  	_ =	shalt  }
0x72: {  	_ =	shalt  }
0x73: {  	_ =	shalt  }
0x74: {  	_ =	shalt  }
0x75: {  	_ =	shalt  }
0x76: {  	_ =	shalt  }
0x77: {  	_ =	shalt  }
0x78: {  	_ =	shalt  }
0x79: {  	_ =	shalt  }
0x7a: {  	_ =	shalt  }
0x7b: {  	_ =	shalt  }
0x7c: {  	_ =	shalt  }
0x7d: {  	_ =	shalt  }
0x7e: {  	_ =	shalt  }
0x7f: {  	_ =	shalt  }
0x80: {  	_ =	shalt  }
0x81: {  	_ =	shalt  }
0x82: {  	_ =	shalt  }
0x83: {  	_ =	shalt  }
0x84: {  	_ =	shalt  }
0x85: {  	_ =	shalt  }
0x86: {  	_ =	shalt  }
0x87: {  	_ =	shalt  }
.Lfunc_end0:
.L_simem_size_0:
called_computation_lowered:
.L_overlay_start_0:
0x88: {  	s2 =	sld [smem:$0x3FD9]  }
0x89: {  	s3 =	sld [smem:$0x3FFE];
	_ =	sdelay $0x1  }
0x8a: {  	s1 =	srdreg.scid  }
0x8b: {  	s0 =	sand.u32 $0x1, s1  }
0x8c: {  	s14 =	sshll.u32 s0, $0xA;
	s2 =	sadd.s32 s3, s2  }
0x8d: {  	s2 =	sadd.s32 s2, s14  }
0x8e: {  	[smem:$0x3FBE] =	sst s2  }
0x8f: {  	_ = 	snop  }
0x90: {  	s2 =	sld [smem:$0x3FD0];
	_ =	sdelay $0x2  }
0x91: {  	s15 =	simm.s32 $0xA;
	s4 =	simm.s32 $0x10  }
0x92: {  	[smem:s4], [sflag:s15] =	dma.local [hbm:s2], $0x1  }
0x93: {  	_ =	swait.eq [sflag:s15], $0x1  }
0x94: {  	[sflag:s15] =	ssyncset.done $0x0  }
0x95: {  	[sflag:s15] =	ssyncadd.s32 $0xFFFFFFFF  }
0x96: {  	s16 =	sld [smem:$0x10];
	(tm) =	ssettm $0x1  }
0x97: {  	s17 =	sld [smem:$0x3FFB];
	_ =	sdelay $0x3  }
0x98: {  	_ =	strace s17  }
0x99: {  	s3 =	sld [smem:$0x3FFC];
	_ =	sdelay $0x3  }
0x9a: {  	_ =	strace s3  }
0x9b: {  	s3 =	sld [smem:$0x3FFD];
	_ =	sdelay $0x3  }
0x9c: {  	_ =	strace s3  }
0x9d: {  	_ =	strace $0x8FFFFFFF  }
0x9e: {  	s18 =	sld [smem:$0x3FDB];
	_ =	sdelay $0x1  }
0x9f: {  	s19 =	simm.s32 $_scs_section_size  }
0xa0: {  	s5 =	simm.s32 $_size__tile_overlayer_lowered;
	s6 =	simm.s32 $_tile_overlayer_lowered  }
0xa1: {  	s22 =	simm.s32 $0x1BFF;
	s21 =	sshll.u32 s6, $0x1;
	s3 =	sadd.s32 s19, s18  }
0xa2: {  	s7 =	simm.s32 $0x0;
	s20 =	sshll.u32 s5, $0x1;
	s5 =	sadd.s32 s21, s3  }
0xa3: {  	[timem:s7], [sflag:s22] =	dma.local [hbm:s5], s20  }
0xa4: {  	_ =	swait.ge [sflag:s22], s20  }
0xa5: {  	s4 =	ssub.s32 $0x0, s20;
	[sflag:s22] =	ssyncset.done $0x0  }
0xa6: {  	[sflag:s22] =	ssyncadd.s32 s4;
	_ =	sdelay $0x1  }
0xa7: {  	s23 =	simm.s32 $0x1B8B  }
0xa8: {  	_ =	swait.ge [sflag:s23], $0x1  }
0xa9: {  	[sflag:s23] =	ssyncset.done $0x0  }
0xaa: {  	s25 =	simm.s32 $0x1B8E;
	s24 =	sld [smem:$0x3FFE];
	[sflag:s23] =	ssyncadd.s32 $0xFFFFFFFF  }
0xab: {  	s26 =	simm.s32 $execute0_lowered;
	[smem:$0x3FD2] =	sst s25  }
0xac: {  	s5 =	sshll.u32 s26, $0x1;
	_ =	strace $0x80000046;
	[dreg:$0x1] =	wrdreg $0xFFFFFFFF  }
0xad: {  	s28 =	simm.s32 $_size_execute0_lowered;
	s3 =	sadd.s32 s3, s5;
	[dreg:$0x0] =	wrdreg $0x0  }
0xae: {  	s5 =	sshll.u32 s28, $0x1;
	[dreg:$0x2] =	wrdreg s3  }
0xaf: {  	[dreg:$0x3] =	wrdreg s5  }
0xb0: {  	[dreg:$0x4] =	wrdreg $0xC0  }
0xb1: {  	_ =	task [dreg:s7], $0x5FFFF  }
0xb2: {  	[dreg:$0x1] =	wrdreg $0xFFFFFFFF  }
0xb3: {  	[dreg:$0x0] =	wrdreg $0x60  }
0xb4: {  	[dreg:$0x2] =	wrdreg s24  }
0xb5: {  	[dreg:$0x3] =	wrdreg s16  }
0xb6: {  	[dreg:$0x4] =	wrdreg $0x9  }
0xb7: {  	_ =	task.clear_ibuf [dreg:s7], $0x5FFFF;
	_ =	strace $0x90000046  }
0xb8: {  	s29 =	simm.s32 $0x9;
	_ =	strace $0x80000048  }
0xb9: {  	_ =	swait.ge [sflag:s29], $0x1  }
0xba: {  	[sflag:s29] =	ssyncadd.s32 $0xFFFFFFFF  }
0xbb: {  	_ =	strace $0x90000048  }
0xbc: {  	_ =	sfence  }
0xbd: {  	s30 =	sld [smem:$0x0];
	_ =	sdelay $0x2  }
0xbe: {  	s31 =	sshll.u32 s1, $0xD;
	s1 =	sshrl.u32 s1, $0x2  }
0xbf: {  	s3 =	sand.u32 $0x4000, s31;
	s1 =	sadd.s32 s1, s30  }
0xc0: {  	s0 =	sor.u32 s3, s0;
	s1 =	sshll.u32 s1, $0x11  }
0xc1: {  	s0 =	sor.u32 s1, s0  }
0xc2: {  	s0 =	sadd.s32 $0x8F2B, s0  }
0xc3: {  	[sflag:s0] =	ssyncadd.remote.s32 $0x1  }
0xc4: {  	_ =	sfence.sel $0xFFFF  }
0xc5: {  	[dreg:$0x0] =	wrdreg $0xFFFFFFFF;
	(pc) =	sbr.abs _section_cstart, $3  }
0xc6: {  	[dreg:$0x1] =	wrdreg $0xFFFFFFFF  }
0xc7: {  	_ =	task.clear_ibuf [dreg:s7], $0x2FFFF;
	_ =	strace $0x9FFFFFFF  }
0xc8: {  	(tm) =	ssettm $0x7FFFFFFF  }
0xc9: {  	_ =	shalt  }
tec
execute0_lowered:
.L_overlay_start_1:
0x0: {  	(tag) =	ssettag $0x1  }
0x1: {  	s0 =	rddreg [dreg:$0x0]  }
0x2: {  	s16 =	simm.s32 $0x0;
	s1 =	srdreg.scid;
	s2 =	stileid.u32  }
0x3: {  	s18 =	simm.s32 $0x15D00;
	s19 =	simm.s32 $0x16380;
	s20 =	simm.s32 $0x16A00  }
0x4: {  	s21 =	simm.s32 $0x1;
	s14 =	simm.s32 $0x1CE00;
	s15 =	simm.s32 $0x1DE00  }
0x5: {  	s17 =	simm.s32 $0x1E600;
	[smem:$0x7FF] =	sst s16;
	s3 =	sadd.s32 $0x1000, s0  }
0x6: {  	s1 =	sand.u32 $0x1, s1;
	s5 =	sadd.s32 $0x42BC00, s0;
	s6 =	sadd.s32 $0x38B800, s0  }
0x7: {  	s7 =	sadd.s32 $0x277000, s0;
	s4 =	sadd.s32 $0x6000, s0;
	s9 =	sadd.s32 $0x42BE00, s0  }
0x8: {  	s2 =	sshll.u32 s2, $0x1;
	s10 =	sadd.s32 $0x38B900, s0;
	s11 =	sadd.s32 $0x277100, s0  }
0x9: {  	_ =	strace $0x80000047;
	s2 =	sor.u32 s1, s2;
	s1 =	ssub.s32 $0x2, s1  }
0xa: {  	[dreg:$0x3] =	wrdreg s3;
	s28 =	smul.u32 $0xA0, s2;
	s8 =	sshrl.u32 s1, $0x1  }
0xb: {  	s3 =	simm.s32 $0x1D200;
	s2 =	smul.u32 $0x2800, s2;
	s1 =	ssub.s32 s1, s8  }
.Ltmp0:
0xc: {  	v3 =	vlaneseq.u32;
	s8 =	sadd.s32 $0x42BD00, s0;
	s12 =	sadd.s32 $0xA0, s28;
	(pc) =	sbr.rel .LBB2_1-.Ltmp0, $4  }
0xd: {  	v5 =	vimm.f32 $0.0e+00;
	v6 =	vimm.s32 $0x0;
	vm0 =	vmmov $0xffff;
	s13 =	sadd.s32 $0x1400, s28;
	s2 =	sadd.s32 s4, s2;
	s30 =	sadd.s32 $0x14A0, s28  }
0xe: {  	vm1 =	vmmov $0xff;
	v8 =	vshrl.u32 v3, $0x3;
	v7 =	vand.u32 $0x7, v3;
	s31 =	smax.u32 s1, $0x1;
	s29 =	sshll.u32 s13, $0x6;
	[dreg:$0x4] =	wrdreg s2  }
0xf: {  	v9 =	vor.u32 $0x8, v3;
	v8 =	vmul.u32 $0x8, v8;
	v0 =	vmov s28;
	s1 =	simm.s32 $0x1DA00;
	[dreg:$0x6] =	wrdreg s31;
	s0 =	sadd.s32 s4, s29  }
0x10: {  	v1 =	vmov s12;
	v2 =	vmov s13;
	v4 =	vmov s30;
	s13 =	simm.s32 $0x1C600;
	s4 =	simm.s32 $0x0;
	[dreg:$0x5] =	wrdreg s0  }
.LBB2_24:
0x11: {  	s16 =	simm.s32 $0x0;
	s0 =	rddreg [dreg:$0x5];
	s2 =	simm.s32 $0x2  }
0x12: {  	[hbm4b:s0+s16] =	stream.linear.scatter [tilespmem:s16], [sflag:$0x2], $0x14000, $0x38;
	[tilespmem:$0x1EA00] =	vst v63  }
0x13: {  	_ =	swait.ge [sflag:s2], $0x14000  }
0x14: {  	s4 =	rddreg [dreg:$0x7]  }
0x15: {  	s31 =	rddreg [dreg:$0x6];
	s4 =	sadd.s32 $0x1, s4  }
0x16: {  	p0 =	sne.s32 s4, s31  }
.Ltmp1:
0x17: {  	_ = 	snop;
	(pc) =	sbr.rel @!p0 .LBB2_25-.Ltmp1, $3  }
0x18: {  	_ =	sdelay $0x1  }
0x19: {  	[sflag:s2] =	ssyncset.done $0x0  }
0x1a: {  	[sflag:s2] =	ssyncadd.s32 $0xFFFEC000  }
.LBB2_1:
0x1b: {  	s0 =	sand.u32 $0x1F000, s16;
	s2 =	sand.u32 $0x380, s16  }
0x1c: {  	s0 =	sor.u32 s2, s0  }
0x1d: {  	[tilespmem:s0+$0xC70] =	vst v5  }
0x1e: {  	[tilespmem:s0+$0x0] =	vst v5  }
0x1f: {  	[tilespmem:s0+$0x10] =	vst v5  }
0x20: {  	[tilespmem:s0+$0x20] =	vst v5  }
0x21: {  	[tilespmem:s0+$0x30] =	vst v5  }
0x22: {  	[tilespmem:s0+$0x40] =	vst v5  }
0x23: {  	[tilespmem:s0+$0x50] =	vst v5  }
0x24: {  	[tilespmem:s0+$0x60] =	vst v5  }
0x25: {  	[tilespmem:s0+$0x70] =	vst v5  }
0x26: {  	[tilespmem:s0+$0x400] =	vst v5  }
0x27: {  	[tilespmem:s0+$0x410] =	vst v5  }
0x28: {  	[tilespmem:s0+$0x420] =	vst v5  }
0x29: {  	[tilespmem:s0+$0x430] =	vst v5  }
0x2a: {  	[tilespmem:s0+$0x440] =	vst v5  }
0x2b: {  	[tilespmem:s0+$0x450] =	vst v5  }
0x2c: {  	[tilespmem:s0+$0x460] =	vst v5  }
0x2d: {  	[tilespmem:s0+$0x470] =	vst v5  }
0x2e: {  	[tilespmem:s0+$0x800] =	vst v5  }
0x2f: {  	[tilespmem:s0+$0x810] =	vst v5  }
0x30: {  	[tilespmem:s0+$0x820] =	vst v5  }
0x31: {  	[tilespmem:s0+$0x830] =	vst v5  }
0x32: {  	[tilespmem:s0+$0x840] =	vst v5  }
0x33: {  	[tilespmem:s0+$0x850] =	vst v5  }
0x34: {  	[tilespmem:s0+$0x860] =	vst v5  }
0x35: {  	[tilespmem:s0+$0x870] =	vst v5  }
0x36: {  	[tilespmem:s0+$0xC00] =	vst v5  }
0x37: {  	[tilespmem:s0+$0xC10] =	vst v5  }
0x38: {  	[tilespmem:s0+$0xC20] =	vst v5  }
0x39: {  	[tilespmem:s0+$0xC30] =	vst v5  }
0x3a: {  	[dreg:$0x7] =	wrdreg s4;
	s31 =	simm.s32 $0x200;
	s2 =	simm.s32 $0x80;
	[tilespmem:s0+$0xC40] =	vst v5  }
0x3b: {  	s4 =	simm.s32 $0x400;
	s12 =	sand.u32 $0x1F000, s31;
	s16 =	sand.u32 $0x380, s2;
	[tilespmem:s0+$0xC50] =	vst v5  }
.LBB2_2:
0x3c: {  	p0 =	sne.s32 s4, $0x14000;
	[tilespmem:s0+$0xC60] =	vst v5;
	s0 =	sor.u32 s16, s12  }
0x3d: {  	[tilespmem:s0+$0xC70] =	vst v5  }
0x3e: {  	[tilespmem:s0+$0x0] =	vst v5  }
0x3f: {  	[tilespmem:s0+$0x10] =	vst v5  }
0x40: {  	[tilespmem:s0+$0x20] =	vst v5  }
0x41: {  	[tilespmem:s0+$0x30] =	vst v5  }
0x42: {  	[tilespmem:s0+$0x40] =	vst v5  }
0x43: {  	[tilespmem:s0+$0x50] =	vst v5  }
0x44: {  	[tilespmem:s0+$0x60] =	vst v5  }
0x45: {  	[tilespmem:s0+$0x70] =	vst v5  }
0x46: {  	[tilespmem:s0+$0x400] =	vst v5  }
0x47: {  	[tilespmem:s0+$0x410] =	vst v5  }
0x48: {  	[tilespmem:s0+$0x420] =	vst v5  }
0x49: {  	[tilespmem:s0+$0x430] =	vst v5  }
0x4a: {  	[tilespmem:s0+$0x440] =	vst v5  }
0x4b: {  	[tilespmem:s0+$0x450] =	vst v5  }
0x4c: {  	[tilespmem:s0+$0x460] =	vst v5  }
0x4d: {  	[tilespmem:s0+$0x470] =	vst v5  }
0x4e: {  	[tilespmem:s0+$0x800] =	vst v5  }
0x4f: {  	[tilespmem:s0+$0x810] =	vst v5  }
0x50: {  	[tilespmem:s0+$0x820] =	vst v5  }
0x51: {  	[tilespmem:s0+$0x830] =	vst v5  }
0x52: {  	[tilespmem:s0+$0x840] =	vst v5  }
0x53: {  	[tilespmem:s0+$0x850] =	vst v5  }
0x54: {  	[tilespmem:s0+$0x860] =	vst v5  }
0x55: {  	[tilespmem:s0+$0x870] =	vst v5  }
0x56: {  	[tilespmem:s0+$0xC00] =	vst v5  }
.Ltmp2:
0x57: {  	[tilespmem:s0+$0xC10] =	vst v5;
	(pc) =	sbr.rel @p0 .LBB2_2-.Ltmp2, $4  }
0x58: {  	[tilespmem:s0+$0xC20] =	vst v5  }
0x59: {  	[tilespmem:s0+$0xC30] =	vst v5  }
0x5a: {  	s2 =	sadd.s32 $0x80, s2;
	[tilespmem:s0+$0xC40] =	vst v5  }
0x5b: {  	s12 =	sand.u32 $0x1F000, s4;
	s4 =	sadd.s32 $0x200, s4;
	s16 =	sand.u32 $0x380, s2;
	[tilespmem:s0+$0xC50] =	vst v5  }
0x5c: {  	s2 =	sor.u32 s16, s12;
	[tilespmem:s0+$0xC60] =	vst v5  }
0x5d: {  	[tilespmem:s2+$0xC70] =	vst v5  }
0x5e: {  	[tilespmem:s2+$0x0] =	vst v5  }
0x5f: {  	[tilespmem:s2+$0x10] =	vst v5  }
0x60: {  	[tilespmem:s2+$0x20] =	vst v5  }
0x61: {  	[tilespmem:s2+$0x30] =	vst v5  }
0x62: {  	[tilespmem:s2+$0x40] =	vst v5  }
0x63: {  	[tilespmem:s2+$0x50] =	vst v5  }
0x64: {  	[tilespmem:s2+$0x60] =	vst v5  }
0x65: {  	[tilespmem:s2+$0x70] =	vst v5  }
0x66: {  	[tilespmem:s2+$0x400] =	vst v5  }
0x67: {  	[tilespmem:s2+$0x410] =	vst v5  }
0x68: {  	[tilespmem:s2+$0x420] =	vst v5  }
0x69: {  	[tilespmem:s2+$0x430] =	vst v5  }
0x6a: {  	[tilespmem:s2+$0x440] =	vst v5  }
0x6b: {  	[tilespmem:s2+$0x450] =	vst v5  }
0x6c: {  	[tilespmem:s2+$0x460] =	vst v5  }
0x6d: {  	[tilespmem:s2+$0x470] =	vst v5  }
0x6e: {  	[tilespmem:s2+$0x800] =	vst v5  }
0x6f: {  	[tilespmem:s2+$0x810] =	vst v5  }
0x70: {  	[tilespmem:s2+$0x820] =	vst v5  }
0x71: {  	[tilespmem:s2+$0x830] =	vst v5  }
0x72: {  	[tilespmem:s2+$0x840] =	vst v5  }
0x73: {  	[tilespmem:s2+$0x850] =	vst v5  }
0x74: {  	[tilespmem:s2+$0x860] =	vst v5  }
0x75: {  	[tilespmem:s2+$0x870] =	vst v5  }
0x76: {  	[tilespmem:s2+$0xC00] =	vst v5  }
0x77: {  	[tilespmem:s2+$0xC10] =	vst v5  }
.Ltmp3:
0x78: {  	[tilespmem:s2+$0xC20] =	vst v5;
	(pc) =	sbr.rel .LBB2_4-.Ltmp3, $4  }
0x79: {  	[tilespmem:s2+$0xC30] =	vst v5  }
0x7a: {  	[tilespmem:s2+$0xC40] =	vst v5  }
0x7b: {  	[tilespmem:s2+$0xC50] =	vst v5  }
0x7c: {  	s16 =	simm.s32 $0x0;
	s4 =	simm.s32 $0x0;
	s24 =	simm.s32 $0x0;
	[tilespmem:s2+$0xC60] =	vst v5  }
.LBB2_13:
0x7d: {  	s24 =	rddreg [dreg:$0x9]  }
0x7e: {  	s24 =	sadd.s32 $0x1, s24  }
0x7f: {  	p0 =	sne.s32 s24, $0x64  }
.Ltmp4:
0x80: {  	_ = 	snop;
	(pc) =	sbr.rel @!p0 .LBB2_14-.Ltmp4, $2  }
0x81: {  	_ =	sdelay $0x2  }
0x82: {  	s4 =	sadd.s32 $0x640, s4;
	s16 =	simm.s32 $0x0  }
.LBB2_4:
0x83: {  	s0 =	smul.u32 $0x640, s24;
	_ =	sdelay $0x1  }
0x84: {  	s2 =	rddreg [dreg:$0x3];
	s0 =	sshrl.u32 s0, $0x3  }
0x85: {  	s12 =	simm.s32 $0x15000;
	s29 =	simm.s32 $0x2;
	s2 =	sadd.s32 s2, s0  }
0x86: {  	[tilespmem:s12], [sflag:$0x2] =	stream.linear.gather [hbm4b:s2+s16], $0x640, $0x38;
	[tilespmem:$0x1EA00] =	vst v63  }
0x87: {  	_ =	swait.ge [sflag:s29], $0x640  }
0x88: {  	[sflag:s29] =	ssyncset.done $0x0  }
0x89: {  	[sflag:s29] =	ssyncadd.s32 $0xFFFFF9C0  }
0x8a: {  	s30 =	rddreg [dreg:$0x1]  }
0x8b: {  	s31 =	simm.s32 $0x15680;
	p1 =	por $0x1, $0x1;
	s0 =	sadd.s32 s30, s0  }
0x8c: {  	[tilespmem:s31], [sflag:$0x2] =	stream.linear.gather [hbm4b:s0+s16], $0x640, $0x38;
	[tilespmem:$0x1EA00] =	vst v63  }
.Ltmp5:
0x8d: {  	_ = 	snop;
	(pc) =	sbr.rel @!p1 .LBB2_5-.Ltmp5, $4  }
0x8e: {  	_ =	swait.ge [sflag:s29], $0x640  }
0x8f: {  	[sflag:s29] =	ssyncset.done $0x0  }
0x90: {  	s0 =	simm.s32 $0x0;
	[sflag:s29] =	ssyncadd.s32 $0xFFFFF9C0  }
0x91: {  	p0 =	por $0x0, $0x0;
	[dreg:$0x9] =	wrdreg s24;
	v10 =	vld [tilespmem:s0+$0x15000]  }
0x92: {  	_ =	sdelay $0x3  }
0x93: {  	vm2 =	vge.s32 v10, v0;
	vm3 =	vlt.s32 v10, v1  }
0x94: {  	vm2 =	vmand vm2, vm3  }
0x95: {  	v11 =	vmpcnt.ones.xlane vm2  }
0x96: {  	v12 =	vsel vm2, $0x1, v6  }
0x97: {  	(xrf0) =	vadd.scan.msk.s32 $0xffff, v12;
	(v2sf) =	vpush v11, $0x0;
	_ =	sdelay $0x4  }
0x98: {  	v11 =	vsel vm2, $0xFFFFFFFF, v6  }
0x99: {  	v11 =	vadd.s32 s16, v11;
	v12, _, _ =	vpop (xrf0)  }
0x9a: {  	v11 =	vadd.s32 v12, v11;
	_ =	sdelay $0x1  }
0x9b: {  	v63 =	vld [tilespmem:s0+$0x15680]  }
0x9c: {  	p1 =	por $0x1, $0x1  }
.Ltmp6:
0x9d: {  	v13 =	vor.u32 s4, v3;
	(pc) =	sbr.rel @!p1 .LBB2_7-.Ltmp6, $4  }
0x9e: {  	[tilespmem:v11+s18+$0x0] =	vst.idx.msk vm2, v13  }
0x9f: {  	[tilespmem:v11+s19+$0x0] =	vst.idx.msk vm2, v10  }
0xa0: {  	s22 =	simm.s32 $0x80;
	s0 =	simm.s32 $0x10;
	p0 =	por $0x1, $0x1;
	[tilespmem:v11+s20+$0x0] =	vst.idx.msk vm2, v63  }
0xa1: {  	s12 =	simm.s32 $0x0;
	s2 =	smov.u32 s4;
	v10 =	vld [tilespmem:s0+$0x15000];
	s16 =	spop (v2sf)  }
.LBB2_8:
0xa2: {  	s12 =	sadd.s32 s12, s16  }
0xa3: {  	s2 =	sadd.s32 $0x10, s2;
	s16 =	smov.u32 s22;
	s23 =	sadd.s32 $0x40, s22  }
0xa4: {  	p1 =	sne.s32 s22, $0x18C0;
	_ =	sdelay $0x1  }
0xa5: {  	vm2 =	vge.s32 v10, v0;
	vm3 =	vlt.s32 v10, v1  }
0xa6: {  	vm2 =	vmand vm2, vm3  }
0xa7: {  	v11 =	vsel vm2, $0xFFFFFFFF, v6;
	v12 =	vsel vm2, $0x1, v6;
	v13 =	vmpcnt.ones.xlane vm2  }
0xa8: {  	(xrf0) =	vadd.scan.msk.s32 $0xffff, v12  }
0xa9: {  	(v2sf) =	vpush v13, $0x0;
	_ =	sdelay $0x4  }
0xaa: {  	v11 =	vadd.s32 s12, v11;
	v12, _, _ =	vpop (xrf0)  }
0xab: {  	v11 =	vadd.s32 v12, v11;
	_ =	sdelay $0x1  }
0xac: {  	v12 =	vld [tilespmem:s0+$0x15680];
	_ =	sdelay $0x1  }
0xad: {  	v13 =	vor.u32 s2, v3  }
.Ltmp7:
0xae: {  	[tilespmem:v11+s18+$0x0] =	vst.idx.msk vm2, v13;
	(pc) =	sbr.rel @p1 .LBB2_8-.Ltmp7, $4  }
0xaf: {  	[tilespmem:v11+s19+$0x0] =	vst.idx.msk vm2, v10  }
0xb0: {  	s0 =	sshra.s32 s16, $0x2;
	[tilespmem:v11+s20+$0x0] =	vst.idx.msk vm2, v12  }
0xb1: {  	v10 =	vld [tilespmem:s0+$0x15000]  }
0xb2: {  	s22 =	smov.u32 s23;
	s16 =	spop (v2sf)  }
.LBB2_9:
0xb3: {  	_ =	sdelay $0x2  }
0xb4: {  	vm2 =	vge.s32 v10, v0;
	vm3 =	vlt.s32 v10, v1  }
0xb5: {  	vm2 =	vmand vm2, vm3  }
0xb6: {  	v11 =	vmpcnt.ones.xlane vm2;
	_ =	sdelay $0x1  }
0xb7: {  	(v2sf) =	vpush v11, $0x0;
	_ =	sdelay $0xa  }
0xb8: {  	v11 =	vsel vm2, $0x1, v6  }
0xb9: {  	(xrf0) =	vadd.scan.msk.s32 $0xffff, v11;
	_ =	sdelay $0x1  }
0xba: {  	s12 =	sadd.s32 @p0 s12, s16;
	s16 =	simm.s32 $0x0  }
0xbb: {  	s16 =	smov.u32 @p0 s12;
	s29 =	spop (v2sf)  }
0xbc: {  	v11 =	vsel vm2, $0xFFFFFFFF, v6;
	s12 =	sadd.s32 s16, s29  }
0xbd: {  	s2 =	sadd.s32 @p0 $0x10, s2;
	v63 =	vld [tilespmem:s0+$0x15680];
	s0 =	smov.u32 s4;
	v11 =	vadd.s32 s16, v11;
	s16 =	sadd.s32 $0xF, s12  }
0xbe: {  	s0 =	smov.u32 @p0 s2;
	v12, _, _ =	vpop (xrf0);
	s30 =	sand.u32 $0xF, s16  }
0xbf: {  	v11 =	vadd.s32 v12, v11;
	s31 =	sshra.s32 s16, $0x1F;
	p6 =	slt.s32 s16, $0x1;
	p1 =	sne.s32 s30, $0x0  }
0xc0: {  	v13 =	vor.u32 s0, v3;
	s0 =	sshrl.u32 s31, $0x1C;
	p0 =	por !p6, !p1  }
0xc1: {  	s2 =	simm.s32 $0x1;
	s0 =	sadd.s32 s0, s16;
	p0 =	por !p0, !p0  }
0xc2: {  	s0 =	sshra.s32 s0, $0x4;
	s2 =	simm.s32 @!p0 $0x0  }
0xc3: {  	s16 =	ssub.s32 s0, s2  }
0xc4: {  	[tilespmem:v11+s18+$0x0] =	vst.idx.msk vm2, v13;
	p0 =	slt.s32 s16, $0x1  }
.Ltmp8:
0xc5: {  	[tilespmem:v11+s19+$0x0] =	vst.idx.msk vm2, v10;
	(pc) =	sbr.rel @p0 .LBB2_13-.Ltmp8, $4  }
0xc6: {  	[tilespmem:v11+s20+$0x0] =	vst.idx.msk vm2, v63  }
0xc7: {  	[tilespmem:s12+$0x15D00] =	vst v6  }
0xc8: {  	[tilespmem:s12+$0x16380] =	vst v1  }
0xc9: {  	s22 =	simm.s32 $0x0;
	s23 =	simm.s32 $0x0;
	[tilespmem:s12+$0x16A00] =	vst v6  }
.LBB2_10:
0xca: {  	s0 =	sshll.u32 s23, $0x4  }
0xcb: {  	v10 =	vld [tilespmem:s0+$0x15D00];
	_ =	sdelay $0x3  }
0xcc: {  	v11 =	vld [tilespmem:s0+$0x16380]  }
0xcd: {  	v12 =	vld [tilespmem:s0+$0x16A00];
	[tilespmem:$0x17080] =	vst v10  }
0xce: {  	v10 =	vld [tilespmem:$0x17080];
	_ =	sdelay $0x4  }
0xcf: {  	v13 =	vshrl.u32 v10, $0x3  }
0xd0: {  	v13 =	vmul.u32 $0x28, v13  }
0xd1: {  	v10 =	vand.u32 $0x7, v10  }
0xd2: {  	v10 =	vor.u32 v10, v13  }
0xd3: {  	v13 =	vperm.xlane v10, v7;
	_ =	sdelay $0x1  }
0xd4: {  	v13 =	vadd.s32 v8, v13;
	_ =	sdelay $0x2  }
0xd5: {  	[tilespmem:$0x17180] =	vst v12  }
0xd6: {  	s31 =	simm.s32 $0x17200;
	[tilespmem:$0x17100] =	vst v11;
	v10 =	vperm.xlane v10, v9  }
0xd7: {  	[tilespmem:s31], [sflag:$0x1] =	stream.indirect_vreg.gather [hbm4b:s5+s22], $0x80, v13, vm0, $0xb8;
	[tilespmem:$0x1EA00] =	vst v63  }
0xd8: {  	s2 =	simm.s32 $0x17A00;
	v10 =	vadd.s32 v8, v10  }
0xd9: {  	[tilespmem:s2], [sflag:$0x1] =	stream.indirect_vreg.gather [hbm4b:s8+s22], $0x80, v13, vm0, $0xb8;
	[tilespmem:$0x1EA00] =	vst v63  }
0xda: {  	s12 =	simm.s32 $0x18200  }
0xdb: {  	[tilespmem:s12], [sflag:$0x1] =	stream.indirect_vreg.gather [hbm4b:s9+s22], $0x80, v13, vm1, $0xb8;
	[tilespmem:$0x1EA00] =	vst v63  }
0xdc: {  	s24 =	simm.s32 $0x18600  }
0xdd: {  	[tilespmem:s24], [sflag:$0x1] =	stream.indirect_vreg.gather [hbm4b:s5+s22], $0x80, v10, vm0, $0xb8;
	[tilespmem:$0x1EA00] =	vst v63  }
0xde: {  	s25 =	simm.s32 $0x18E00  }
0xdf: {  	[tilespmem:s25], [sflag:$0x1] =	stream.indirect_vreg.gather [hbm4b:s8+s22], $0x80, v10, vm0, $0xb8;
	[tilespmem:$0x1EA00] =	vst v63  }
0xe0: {  	s26 =	simm.s32 $0x19600  }
0xe1: {  	[tilespmem:s26], [sflag:$0x1] =	stream.indirect_vreg.gather [hbm4b:s9+s22], $0x80, v10, vm1, $0xb8;
	[tilespmem:$0x1EA00] =	vst v63  }
0xe2: {  	v10 =	vld [tilespmem:$0x17180];
	_ =	sdelay $0x4  }
0xe3: {  	v62 =	vshll.u32 v10, $0x2  }
0xe4: {  	v10 =	vand.u32 $0x7, v10;
	v12 =	vand.u32 $0xFFFFFFE0, v62  }
0xe5: {  	v10 =	vor.u32 v10, v12  }
0xe6: {  	v12 =	vperm.xlane v10, v7;
	_ =	sdelay $0x1  }
0xe7: {  	v12 =	vadd.s32 v8, v12;
	_ =	sdelay $0x1  }
0xe8: {  	v10 =	vperm.xlane v10, v9;
	_ =	sdelay $0x1  }
0xe9: {  	s28 =	simm.s32 $0x19A00;
	v10 =	vadd.s32 v8, v10  }
0xea: {  	[tilespmem:s28], [sflag:$0x1] =	stream.indirect_vreg.gather [hbm4b:s6+s22], $0x80, v12, vm0, $0xb8;
	[tilespmem:$0x1EA00] =	vst v63  }
0xeb: {  	s29 =	simm.s32 $0x1A200  }
0xec: {  	[tilespmem:s29], [sflag:$0x1] =	stream.indirect_vreg.gather [hbm4b:s10+s22], $0x80, v12, vm0, $0xb8;
	[tilespmem:$0x1EA00] =	vst v63  }
0xed: {  	s30 =	simm.s32 $0x1AA00  }
0xee: {  	[tilespmem:s30], [sflag:$0x1] =	stream.indirect_vreg.gather [hbm4b:s6+s22], $0x80, v10, vm0, $0xb8;
	[tilespmem:$0x1EA00] =	vst v63  }
0xef: {  	s31 =	simm.s32 $0x1B200  }
0xf0: {  	[tilespmem:s31], [sflag:$0x1] =	stream.indirect_vreg.gather [hbm4b:s10+s22], $0x80, v10, vm0, $0xb8;
	[tilespmem:$0x1EA00] =	vst v63  }
0xf1: {  	v10 =	vld [tilespmem:$0x17180];
	_ =	sdelay $0x4  }
0xf2: {  	v63 =	vshrl.u32 v10, $0x3  }
0xf3: {  	v12 =	vmul.u32 $0x18, v63  }
0xf4: {  	v10 =	vand.u32 $0x7, v10  }
0xf5: {  	v10 =	vor.u32 v10, v12  }
0xf6: {  	v11 =	vsub.s32 v11, v0;
	v12 =	vperm.xlane v10, v7  }
0xf7: {  	(v2sf) =	vpush v11, $0x0  }
0xf8: {  	(v2sf) =	vpush v11, $0x1;
	v12 =	vadd.s32 v8, v12  }
0xf9: {  	(v2sf) =	vpush v11, $0x2  }
0xfa: {  	(v2sf) =	vpush v11, $0x3;
	v10 =	vperm.xlane v10, v9  }
0xfb: {  	(v2sf) =	vpush v11, $0x4  }
0xfc: {  	(v2sf) =	vpush v11, $0x5;
	s2 =	simm.s32 $0x1BA00;
	v10 =	vadd.s32 v8, v10  }
0xfd: {  	(v2sf) =	vpush v11, $0x6;
	[tilespmem:s2], [sflag:$0x1] =	stream.indirect_vreg.gather [hbm4b:s7+s22], $0x80, v12, vm0, $0xb8;
	[tilespmem:$0x1EA00] =	vst v63  }
0xfe: {  	(v2sf) =	vpush v11, $0x7;
	s12 =	simm.s32 $0x1C200  }
0xff: {  	(v2sf) =	vpush v11, $0x8;
	[tilespmem:s12], [sflag:$0x1] =	stream.indirect_vreg.gather [hbm4b:s11+s22], $0x80, v12, vm1, $0xb8;
	[tilespmem:$0x1EA00] =	vst v63  }
0x100: {  	(v2sf) =	vpush v11, $0x9  }
0x101: {  	(v2sf) =	vpush v11, $0xA;
	[tilespmem:s13], [sflag:$0x1] =	stream.indirect_vreg.gather [hbm4b:s7+s22], $0x80, v10, vm0, $0xb8;
	[tilespmem:$0x1EA00] =	vst v63  }
0x102: {  	(v2sf) =	vpush v11, $0xB  }
0x103: {  	(v2sf) =	vpush v11, $0xC;
	[tilespmem:s14], [sflag:$0x1] =	stream.indirect_vreg.gather [hbm4b:s11+s22], $0x80, v10, vm1, $0xb8;
	[tilespmem:$0x1EA00] =	vst v63  }
0x104: {  	(v2sf) =	vpush v11, $0xD;
	v10 =	vld [tilespmem:$0x17100];
	_ =	sdelay $0x1  }
0x105: {  	s24 =	spop (v2sf);
	(v2sf) =	vpush v11, $0xE  }
0x106: {  	[smem:$0x0] =	sst s24;
	s2 =	spop (v2sf)  }
0x107: {  	(v2sf) =	vpush v11, $0xF;
	[smem:$0x1] =	sst s2;
	s25 =	spop (v2sf)  }
0x108: {  	s26 =	spop (v2sf);
	[smem:$0x2] =	sst s25;
	v11 =	vshrl.u32 v10, $0x3  }
0x109: {  	s28 =	spop (v2sf);
	[smem:$0x3] =	sst s26;
	v11 =	vmul.u32 $0x18, v11  }
0x10a: {  	s29 =	spop (v2sf);
	[smem:$0x4] =	sst s28;
	v10 =	vand.u32 $0x7, v10  }
0x10b: {  	s30 =	spop (v2sf);
	[smem:$0x5] =	sst s29;
	v10 =	vor.u32 v10, v11  }
0x10c: {  	s31 =	spop (v2sf);
	[smem:$0x6] =	sst s30;
	v11 =	vperm.xlane v10, v7  }
0x10d: {  	s12 =	spop (v2sf);
	[smem:$0x7] =	sst s31  }
0x10e: {  	s24 =	spop (v2sf);
	[smem:$0x8] =	sst s12;
	v11 =	vadd.s32 v8, v11  }
0x10f: {  	s25 =	spop (v2sf);
	[smem:$0x9] =	sst s24  }
0x110: {  	s26 =	spop (v2sf);
	[smem:$0xA] =	sst s25;
	v10 =	vperm.xlane v10, v9  }
0x111: {  	s28 =	spop (v2sf);
	[smem:$0xB] =	sst s26  }
0x112: {  	s29 =	spop (v2sf);
	[smem:$0xC] =	sst s28;
	v10 =	vadd.s32 v8, v10  }
0x113: {  	[tilespmem:s3], [sflag:$0x1] =	stream.indirect_vreg.gather [hbm4b:s7+s22], $0x80, v11, vm0, $0xb8;
	[tilespmem:$0x1EA00] =	vst v63  }
0x114: {  	s30 =	spop (v2sf);
	[smem:$0xD] =	sst s29  }
0x115: {  	[tilespmem:s1], [sflag:$0x1] =	stream.indirect_vreg.gather [hbm4b:s11+s22], $0x80, v11, vm1, $0xb8;
	[tilespmem:$0x1EA00] =	vst v63  }
0x116: {  	[smem:$0xE] =	sst s30;
	s31 =	spop (v2sf)  }
0x117: {  	[tilespmem:s15], [sflag:$0x1] =	stream.indirect_vreg.gather [hbm4b:s7+s22], $0x80, v10, vm0, $0xb8;
	[tilespmem:$0x1EA00] =	vst v63  }
0x118: {  	[smem:$0xF] =	sst s31  }
0x119: {  	[tilespmem:s17], [sflag:$0x1] =	stream.indirect_vreg.gather [hbm4b:s11+s22], $0x80, v10, vm1, $0xb8;
	[tilespmem:$0x1EA00] =	vst v63  }
0x11a: {  	_ =	swait.ge [sflag:s21], $0x2800  }
0x11b: {  	[sflag:s21] =	ssyncset.done $0x0  }
0x11c: {  	[sflag:s21] =	ssyncadd.s32 $0xFFFFD800  }
0x11d: {  	_ =	swait.ge [sflag:s21], $0x2000  }
0x11e: {  	[sflag:s21] =	ssyncset.done $0x0  }
0x11f: {  	[sflag:s21] =	ssyncadd.s32 $0xFFFFE000  }
0x120: {  	_ =	swait.ge [sflag:s21], $0x1800  }
0x121: {  	[sflag:s21] =	ssyncset.done $0x0  }
0x122: {  	[sflag:s21] =	ssyncadd.s32 $0xFFFFE800  }
0x123: {  	_ =	swait.ge [sflag:s21], $0x1800  }
0x124: {  	s24 =	simm.s32 $0x0;
	[sflag:s21] =	ssyncset.done $0x0  }
0x125: {  	s25 =	simm.s32 $0x0;
	s26 =	simm.s32 $0x0;
	[sflag:s21] =	ssyncadd.s32 $0xFFFFE800  }
.LBB2_11:
0x126: {  	s28 =	sshll.u32 s26, $0x9  }
0x127: {  	s2 =	sshrl.u32 s26, $0x3;
	s12 =	sand.u32 $0x380, s25;
	s28 =	sand.u32 $0x3FFFF000, s28  }
0x128: {  	s0 =	smul.u32 $0x5000, s2;
	s28 =	sor.u32 s12, s28  }
0x129: {  	s2 =	smul.u32 $0xC00, s2;
	v10 =	vld [tilespmem:s28+$0x19A00];
	s28 =	sadd.s32 $0x19A00, s28  }
0x12a: {  	v13 =	vld [tilespmem:s28+$0x800]  }
0x12b: {  	s30 =	sor.u32 s12, s2;
	v15 =	vld [tilespmem:s28+$0xC00]  }
0x12c: {  	v17 =	vld [tilespmem:s30+$0x1BE00]  }
0x12d: {  	v18 =	vld [tilespmem:s30+$0x1C200]  }
0x12e: {  	v19 =	vld [tilespmem:s30+$0x1D600]  }
0x12f: {  	v20 =	vld [tilespmem:s30+$0x1DA00]  }
0x130: {  	s0 =	sshra.s32 s0, $0x2;
	v21 =	vld [tilespmem:s30+$0x1BA00]  }
0x131: {  	s0 =	sor.u32 s12, s0;
	v22 =	vld [tilespmem:s30+$0x1D200]  }
0x132: {  	v12 =	vld [tilespmem:s0+$0x18200]  }
0x133: {  	v11 =	vld [tilespmem:s0+$0x17200]  }
0x134: {  	v14 =	vld [tilespmem:s0+$0x17A00]  }
0x135: {  	v16 =	vld [tilespmem:s0+$0x17E00]  }
0x136: {  	v62 =	vmul.f32 v20, v17  }
0x137: {  	s29 =	sld [smem:s24+$0x0];
	v63 =	vmul.f32 v20, v21;
	v28 =	vmul.f32 v22, v18  }
0x138: {  	v22 =	vmul.f32 v22, v17;
	v23 =	vmul.f32 v11, v10  }
0x139: {  	v13 =	vmul.f32 v14, v13;
	v10 =	vbroadcast v12, $0x0  }
0x13a: {  	s31 =	sshll.u32 s29, $0x9;
	s2 =	sshll.u32 s29, $0x7;
	v61 =	vmul.f32 v16, v15;
	v11 =	vmul.f32 v19, v18  }
0x13b: {  	v25 =	vld [tilespmem:s28+$0x400];
	s12 =	sand.u32 $0xFFFFF000, s31;
	s2 =	sand.u32 $0x380, s2;
	v19 =	vmul.f32 v19, v21;
	v24 =	vmul.f32 v13, v10  }
0x13c: {  	v26 =	vld [tilespmem:s0+$0x17600];
	s29 =	sor.u32 s2, s12;
	v15 =	vsub.f32 v11, v62;
	v21 =	vmul.f32 v21, v23;
	v11 =	vbroadcast v12, $0x1  }
0x13d: {  	v29 =	vld [tilespmem:s29+$0x0];
	v16 =	vsub.f32 v63, v28;
	v12 =	vbroadcast v12, $0x2;
	v17 =	vmul.f32 v17, v23  }
0x13e: {  	v33 =	vld [tilespmem:s29+$0xC00];
	v15 =	vmul.f32 v15, v61;
	v30 =	vmul.f32 v13, v11;
	v21 =	vadd.f32 v21, v24  }
0x13f: {  	v31 =	vld [tilespmem:s29+$0x400];
	v19 =	vsub.f32 v22, v19;
	v18 =	vmul.f32 v18, v23;
	v13 =	vmul.f32 v13, v12  }
0x140: {  	v32 =	vld [tilespmem:s29+$0x800];
	v16 =	vmul.f32 v16, v61;
	v17 =	vadd.f32 v17, v30;
	v15 =	vadd.f32 v15, v21  }
0x141: {  	v34 =	vmul.f32 v26, v25;
	v14 =	vmul.f32 v19, v61;
	v13 =	vadd.f32 v18, v13  }
0x142: {  	v16 =	vadd.f32 v16, v17;
	v15 =	vadd.f32 v15, v29  }
0x143: {  	v13 =	vadd.f32 v14, v13;
	v14 =	vadd.f32 v33, v34  }
0x144: {  	v16 =	vadd.f32 v16, v31;
	[tilespmem:s29+$0x0] =	vst v15  }
0x145: {  	v13 =	vadd.f32 v32, v13;
	[tilespmem:s29+$0xC00] =	vst v14  }
0x146: {  	[tilespmem:s29+$0x400] =	vst v16  }
0x147: {  	[tilespmem:s29+$0x800] =	vst v13  }
0x148: {  	s31 =	sadd.s32 $0x17200, s0;
	v13 =	vld [tilespmem:s28+$0x10]  }
0x149: {  	v14 =	vld [tilespmem:s31+$0x10]  }
0x14a: {  	s2 =	sadd.s32 $0x17A00, s0;
	v15 =	vld [tilespmem:s28+$0x810]  }
0x14b: {  	v16 =	vld [tilespmem:s2+$0x10]  }
0x14c: {  	s12 =	sadd.s32 $0x17E00, s0;
	v35 =	vld [tilespmem:s28+$0xC10]  }
0x14d: {  	v36 =	vld [tilespmem:s12+$0x10]  }
0x14e: {  	v37 =	vld [tilespmem:s30+$0x1BE10]  }
0x14f: {  	v38 =	vld [tilespmem:s30+$0x1C210]  }
0x150: {  	v39 =	vld [tilespmem:s30+$0x1D610]  }
0x151: {  	v40 =	vld [tilespmem:s30+$0x1DA10]  }
0x152: {  	v41 =	vld [tilespmem:s30+$0x1BA10]  }
0x153: {  	v42 =	vld [tilespmem:s30+$0x1D210];
	_ =	sdelay $0x1  }
0x154: {  	v13 =	vmul.f32 v14, v13;
	v43 =	vmul.f32 v16, v15  }
0x155: {  	v44 =	vmul.f32 v39, v38;
	v45 =	vmul.f32 v40, v37  }
0x156: {  	s0 =	sadd.s32 $0x17600, s0;
	v49 =	vld [tilespmem:s28+$0x410];
	v17 =	vmul.f32 v36, v35;
	v46 =	vmul.f32 v40, v41  }
0x157: {  	v51 =	vld [tilespmem:s0+$0x10];
	v47 =	vmul.f32 v42, v38;
	v48 =	vmul.f32 v42, v37  }
0x158: {  	v21 =	vmul.f32 v39, v41;
	v15 =	vsub.f32 v44, v45;
	v50 =	vmul.f32 v43, v10  }
0x159: {  	v58 =	vld [tilespmem:s29+$0xC10];
	v16 =	vsub.f32 v46, v47;
	v52 =	vmul.f32 v41, v13;
	v54 =	vmul.f32 v43, v11  }
0x15a: {  	v53 =	vld [tilespmem:s29+$0x10];
	v21 =	vsub.f32 v48, v21;
	v19 =	vmul.f32 v37, v13;
	v14 =	vmul.f32 v43, v12  }
0x15b: {  	v55 =	vld [tilespmem:s29+$0x410];
	v13 =	vmul.f32 v38, v13;
	v15 =	vmul.f32 v15, v17;
	v18 =	vadd.f32 v52, v50  }
0x15c: {  	v56 =	vld [tilespmem:s29+$0x810];
	v59 =	vmul.f32 v51, v49;
	v19 =	vadd.f32 v19, v54;
	v16 =	vmul.f32 v16, v17  }
0x15d: {  	v13 =	vadd.f32 v13, v14;
	v57 =	vmul.f32 v21, v17;
	v15 =	vadd.f32 v15, v18  }
0x15e: {  	v14 =	vadd.f32 v58, v59;
	v16 =	vadd.f32 v16, v19  }
0x15f: {  	v13 =	vadd.f32 v57, v13;
	v15 =	vadd.f32 v15, v53  }
0x160: {  	[tilespmem:s29+$0xC10] =	vst v14;
	v16 =	vadd.f32 v16, v55  }
0x161: {  	v13 =	vadd.f32 v56, v13;
	[tilespmem:s29+$0x10] =	vst v15  }
0x162: {  	[tilespmem:s29+$0x410] =	vst v16  }
0x163: {  	[tilespmem:s29+$0x810] =	vst v13  }
0x164: {  	v13 =	vld [tilespmem:s28+$0x20]  }
0x165: {  	v14 =	vld [tilespmem:s31+$0x20]  }
0x166: {  	v15 =	vld [tilespmem:s28+$0x820]  }
0x167: {  	v16 =	vld [tilespmem:s2+$0x20]  }
0x168: {  	v60 =	vld [tilespmem:s28+$0xC20]  }
0x169: {  	v61 =	vld [tilespmem:s12+$0x20]  }
0x16a: {  	v62 =	vld [tilespmem:s30+$0x1BE20]  }
0x16b: {  	v63 =	vld [tilespmem:s30+$0x1C220]  }
0x16c: {  	v28 =	vld [tilespmem:s30+$0x1D620]  }
0x16d: {  	v29 =	vld [tilespmem:s30+$0x1DA20]  }
0x16e: {  	v30 =	vld [tilespmem:s30+$0x1BA20]  }
0x16f: {  	v31 =	vld [tilespmem:s30+$0x1D220];
	_ =	sdelay $0x1  }
0x170: {  	v13 =	vmul.f32 v14, v13;
	v32 =	vmul.f32 v16, v15  }
0x171: {  	v33 =	vmul.f32 v28, v63;
	v34 =	vmul.f32 v29, v62  }
0x172: {  	v38 =	vld [tilespmem:s28+$0x420];
	v17 =	vmul.f32 v61, v60;
	v35 =	vmul.f32 v29, v30  }
0x173: {  	v40 =	vld [tilespmem:s0+$0x20];
	v36 =	vmul.f32 v31, v63;
	v37 =	vmul.f32 v31, v62  }
0x174: {  	v21 =	vmul.f32 v28, v30;
	v15 =	vsub.f32 v33, v34;
	v39 =	vmul.f32 v32, v10  }
0x175: {  	v47 =	vld [tilespmem:s29+$0xC20];
	v16 =	vsub.f32 v35, v36;
	v41 =	vmul.f32 v30, v13;
	v43 =	vmul.f32 v32, v11  }
0x176: {  	v42 =	vld [tilespmem:s29+$0x20];
	v21 =	vsub.f32 v37, v21;
	v19 =	vmul.f32 v62, v13;
	v14 =	vmul.f32 v32, v12  }
0x177: {  	v44 =	vld [tilespmem:s29+$0x420];
	v13 =	vmul.f32 v63, v13;
	v15 =	vmul.f32 v15, v17;
	v18 =	vadd.f32 v41, v39  }
0x178: {  	v45 =	vld [tilespmem:s29+$0x820];
	v48 =	vmul.f32 v40, v38;
	v19 =	vadd.f32 v19, v43;
	v16 =	vmul.f32 v16, v17  }
0x179: {  	v13 =	vadd.f32 v13, v14;
	v46 =	vmul.f32 v21, v17;
	v15 =	vadd.f32 v15, v18  }
0x17a: {  	v14 =	vadd.f32 v47, v48;
	v16 =	vadd.f32 v16, v19  }
0x17b: {  	v13 =	vadd.f32 v46, v13;
	v15 =	vadd.f32 v15, v42  }
0x17c: {  	[tilespmem:s29+$0xC20] =	vst v14;
	v16 =	vadd.f32 v16, v44  }
0x17d: {  	v13 =	vadd.f32 v45, v13;
	[tilespmem:s29+$0x20] =	vst v15  }
0x17e: {  	[tilespmem:s29+$0x420] =	vst v16  }
0x17f: {  	[tilespmem:s29+$0x820] =	vst v13  }
0x180: {  	v13 =	vld [tilespmem:s28+$0x30]  }
0x181: {  	v14 =	vld [tilespmem:s31+$0x30]  }
0x182: {  	v15 =	vld [tilespmem:s28+$0x830]  }
0x183: {  	v16 =	vld [tilespmem:s2+$0x30]  }
0x184: {  	v49 =	vld [tilespmem:s28+$0xC30]  }
0x185: {  	v50 =	vld [tilespmem:s12+$0x30]  }
0x186: {  	v51 =	vld [tilespmem:s30+$0x1BE30]  }
0x187: {  	v52 =	vld [tilespmem:s30+$0x1C230]  }
0x188: {  	v53 =	vld [tilespmem:s30+$0x1D630]  }
0x189: {  	v54 =	vld [tilespmem:s30+$0x1DA30]  }
0x18a: {  	v55 =	vld [tilespmem:s30+$0x1BA30]  }
0x18b: {  	v56 =	vld [tilespmem:s30+$0x1D230];
	_ =	sdelay $0x1  }
0x18c: {  	v13 =	vmul.f32 v14, v13;
	v57 =	vmul.f32 v16, v15  }
0x18d: {  	v58 =	vmul.f32 v53, v52;
	v59 =	vmul.f32 v54, v51  }
0x18e: {  	v63 =	vld [tilespmem:s28+$0x430];
	v17 =	vmul.f32 v50, v49;
	v60 =	vmul.f32 v54, v55  }
0x18f: {  	v29 =	vld [tilespmem:s0+$0x30];
	v61 =	vmul.f32 v56, v52;
	v62 =	vmul.f32 v56, v51  }
0x190: {  	v21 =	vmul.f32 v53, v55;
	v15 =	vsub.f32 v58, v59;
	v28 =	vmul.f32 v57, v10  }
0x191: {  	v36 =	vld [tilespmem:s29+$0xC30];
	v16 =	vsub.f32 v60, v61;
	v30 =	vmul.f32 v55, v13;
	v32 =	vmul.f32 v57, v11  }
0x192: {  	v31 =	vld [tilespmem:s29+$0x30];
	v21 =	vsub.f32 v62, v21;
	v19 =	vmul.f32 v51, v13;
	v14 =	vmul.f32 v57, v12  }
0x193: {  	v33 =	vld [tilespmem:s29+$0x430];
	v13 =	vmul.f32 v52, v13;
	v15 =	vmul.f32 v15, v17;
	v18 =	vadd.f32 v30, v28  }
0x194: {  	v34 =	vld [tilespmem:s29+$0x830];
	v37 =	vmul.f32 v29, v63;
	v19 =	vadd.f32 v19, v32;
	v16 =	vmul.f32 v16, v17  }
0x195: {  	v13 =	vadd.f32 v13, v14;
	v35 =	vmul.f32 v21, v17;
	v15 =	vadd.f32 v15, v18  }
0x196: {  	v14 =	vadd.f32 v36, v37;
	v16 =	vadd.f32 v16, v19  }
0x197: {  	v13 =	vadd.f32 v35, v13;
	v15 =	vadd.f32 v15, v31  }
0x198: {  	[tilespmem:s29+$0xC30] =	vst v14;
	v16 =	vadd.f32 v16, v33  }
0x199: {  	v13 =	vadd.f32 v34, v13;
	[tilespmem:s29+$0x30] =	vst v15  }
0x19a: {  	[tilespmem:s29+$0x430] =	vst v16  }
0x19b: {  	[tilespmem:s29+$0x830] =	vst v13  }
0x19c: {  	v13 =	vld [tilespmem:s28+$0x40]  }
0x19d: {  	v14 =	vld [tilespmem:s31+$0x40]  }
0x19e: {  	v15 =	vld [tilespmem:s28+$0x840]  }
0x19f: {  	v16 =	vld [tilespmem:s2+$0x40]  }
0x1a0: {  	v38 =	vld [tilespmem:s28+$0xC40]  }
0x1a1: {  	v39 =	vld [tilespmem:s12+$0x40]  }
0x1a2: {  	v40 =	vld [tilespmem:s30+$0x1BE40]  }
0x1a3: {  	v41 =	vld [tilespmem:s30+$0x1C240]  }
0x1a4: {  	v42 =	vld [tilespmem:s30+$0x1D640]  }
0x1a5: {  	v43 =	vld [tilespmem:s30+$0x1DA40]  }
0x1a6: {  	v44 =	vld [tilespmem:s30+$0x1BA40]  }
0x1a7: {  	v45 =	vld [tilespmem:s30+$0x1D240];
	_ =	sdelay $0x1  }
0x1a8: {  	v13 =	vmul.f32 v14, v13;
	v46 =	vmul.f32 v16, v15  }
0x1a9: {  	v47 =	vmul.f32 v42, v41;
	v48 =	vmul.f32 v43, v40  }
0x1aa: {  	v52 =	vld [tilespmem:s28+$0x440];
	v17 =	vmul.f32 v39, v38;
	v49 =	vmul.f32 v43, v44  }
0x1ab: {  	v54 =	vld [tilespmem:s0+$0x40];
	v50 =	vmul.f32 v45, v41;
	v51 =	vmul.f32 v45, v40  }
0x1ac: {  	v21 =	vmul.f32 v42, v44;
	v15 =	vsub.f32 v47, v48;
	v53 =	vmul.f32 v46, v10  }
0x1ad: {  	v61 =	vld [tilespmem:s29+$0xC40];
	v16 =	vsub.f32 v49, v50;
	v55 =	vmul.f32 v44, v13;
	v57 =	vmul.f32 v46, v11  }
0x1ae: {  	v56 =	vld [tilespmem:s29+$0x40];
	v21 =	vsub.f32 v51, v21;
	v19 =	vmul.f32 v40, v13;
	v14 =	vmul.f32 v46, v12  }
0x1af: {  	v58 =	vld [tilespmem:s29+$0x440];
	v13 =	vmul.f32 v41, v13;
	v15 =	vmul.f32 v15, v17;
	v18 =	vadd.f32 v55, v53  }
0x1b0: {  	v59 =	vld [tilespmem:s29+$0x840];
	v62 =	vmul.f32 v54, v52;
	v19 =	vadd.f32 v19, v57;
	v16 =	vmul.f32 v16, v17  }
0x1b1: {  	v13 =	vadd.f32 v13, v14;
	v60 =	vmul.f32 v21, v17;
	v15 =	vadd.f32 v15, v18  }
0x1b2: {  	v14 =	vadd.f32 v61, v62;
	v16 =	vadd.f32 v16, v19  }
0x1b3: {  	v13 =	vadd.f32 v60, v13;
	v15 =	vadd.f32 v15, v56  }
0x1b4: {  	[tilespmem:s29+$0xC40] =	vst v14;
	v16 =	vadd.f32 v16, v58  }
0x1b5: {  	v13 =	vadd.f32 v59, v13;
	[tilespmem:s29+$0x40] =	vst v15  }
0x1b6: {  	[tilespmem:s29+$0x440] =	vst v16  }
0x1b7: {  	[tilespmem:s29+$0x840] =	vst v13  }
0x1b8: {  	v13 =	vld [tilespmem:s28+$0x50]  }
0x1b9: {  	v14 =	vld [tilespmem:s31+$0x50]  }
0x1ba: {  	v15 =	vld [tilespmem:s28+$0x850]  }
0x1bb: {  	v16 =	vld [tilespmem:s2+$0x50]  }
0x1bc: {  	v63 =	vld [tilespmem:s28+$0xC50]  }
0x1bd: {  	v28 =	vld [tilespmem:s12+$0x50]  }
0x1be: {  	v29 =	vld [tilespmem:s30+$0x1BE50]  }
0x1bf: {  	v30 =	vld [tilespmem:s30+$0x1C250]  }
0x1c0: {  	v31 =	vld [tilespmem:s30+$0x1D650]  }
0x1c1: {  	v32 =	vld [tilespmem:s30+$0x1DA50]  }
0x1c2: {  	v33 =	vld [tilespmem:s30+$0x1BA50]  }
0x1c3: {  	v34 =	vld [tilespmem:s30+$0x1D250];
	_ =	sdelay $0x1  }
0x1c4: {  	v13 =	vmul.f32 v14, v13;
	v35 =	vmul.f32 v16, v15  }
0x1c5: {  	v36 =	vmul.f32 v31, v30;
	v37 =	vmul.f32 v32, v29  }
0x1c6: {  	v41 =	vld [tilespmem:s28+$0x450];
	v17 =	vmul.f32 v28, v63;
	v38 =	vmul.f32 v32, v33  }
0x1c7: {  	v43 =	vld [tilespmem:s0+$0x50];
	v39 =	vmul.f32 v34, v30;
	v40 =	vmul.f32 v34, v29  }
0x1c8: {  	v21 =	vmul.f32 v31, v33;
	v15 =	vsub.f32 v36, v37;
	v42 =	vmul.f32 v35, v10  }
0x1c9: {  	v50 =	vld [tilespmem:s29+$0xC50];
	v16 =	vsub.f32 v38, v39;
	v44 =	vmul.f32 v33, v13;
	v46 =	vmul.f32 v35, v11  }
0x1ca: {  	v45 =	vld [tilespmem:s29+$0x50];
	v21 =	vsub.f32 v40, v21;
	v19 =	vmul.f32 v29, v13;
	v14 =	vmul.f32 v35, v12  }
0x1cb: {  	v47 =	vld [tilespmem:s29+$0x450];
	v13 =	vmul.f32 v30, v13;
	v15 =	vmul.f32 v15, v17;
	v18 =	vadd.f32 v44, v42  }
0x1cc: {  	v48 =	vld [tilespmem:s29+$0x850];
	v51 =	vmul.f32 v43, v41;
	v19 =	vadd.f32 v19, v46;
	v16 =	vmul.f32 v16, v17  }
0x1cd: {  	v13 =	vadd.f32 v13, v14;
	v49 =	vmul.f32 v21, v17;
	v15 =	vadd.f32 v15, v18  }
0x1ce: {  	v14 =	vadd.f32 v50, v51;
	v16 =	vadd.f32 v16, v19  }
0x1cf: {  	v13 =	vadd.f32 v49, v13;
	v15 =	vadd.f32 v15, v45  }
0x1d0: {  	[tilespmem:s29+$0xC50] =	vst v14;
	v16 =	vadd.f32 v16, v47  }
0x1d1: {  	v13 =	vadd.f32 v48, v13;
	[tilespmem:s29+$0x50] =	vst v15  }
0x1d2: {  	[tilespmem:s29+$0x450] =	vst v16  }
0x1d3: {  	[tilespmem:s29+$0x850] =	vst v13  }
0x1d4: {  	v13 =	vld [tilespmem:s28+$0x60]  }
0x1d5: {  	v14 =	vld [tilespmem:s31+$0x60]  }
0x1d6: {  	v15 =	vld [tilespmem:s28+$0x860]  }
0x1d7: {  	v16 =	vld [tilespmem:s2+$0x60]  }
0x1d8: {  	v52 =	vld [tilespmem:s28+$0xC60]  }
0x1d9: {  	v53 =	vld [tilespmem:s12+$0x60]  }
0x1da: {  	v54 =	vld [tilespmem:s30+$0x1BE60]  }
0x1db: {  	v55 =	vld [tilespmem:s30+$0x1C260]  }
0x1dc: {  	v56 =	vld [tilespmem:s30+$0x1D660]  }
0x1dd: {  	v57 =	vld [tilespmem:s30+$0x1DA60]  }
0x1de: {  	v58 =	vld [tilespmem:s30+$0x1BA60]  }
0x1df: {  	v59 =	vld [tilespmem:s30+$0x1D260];
	_ =	sdelay $0x1  }
0x1e0: {  	v13 =	vmul.f32 v14, v13;
	v60 =	vmul.f32 v16, v15  }
0x1e1: {  	v61 =	vmul.f32 v56, v55;
	v62 =	vmul.f32 v57, v54  }
0x1e2: {  	v30 =	vld [tilespmem:s28+$0x460];
	v17 =	vmul.f32 v53, v52;
	v63 =	vmul.f32 v57, v58  }
0x1e3: {  	v32 =	vld [tilespmem:s0+$0x60];
	v28 =	vmul.f32 v59, v55;
	v29 =	vmul.f32 v59, v54  }
0x1e4: {  	v21 =	vmul.f32 v56, v58;
	v15 =	vsub.f32 v61, v62;
	v31 =	vmul.f32 v60, v10  }
0x1e5: {  	v39 =	vld [tilespmem:s29+$0xC60];
	v16 =	vsub.f32 v63, v28;
	v33 =	vmul.f32 v58, v13;
	v35 =	vmul.f32 v60, v11  }
0x1e6: {  	v34 =	vld [tilespmem:s29+$0x60];
	v21 =	vsub.f32 v29, v21;
	v19 =	vmul.f32 v54, v13;
	v13 =	vmul.f32 v55, v13  }
0x1e7: {  	v36 =	vld [tilespmem:s29+$0x460];
	v14 =	vmul.f32 v60, v12;
	v15 =	vmul.f32 v15, v17;
	v18 =	vadd.f32 v33, v31  }
0x1e8: {  	v37 =	vld [tilespmem:s29+$0x860];
	v40 =	vmul.f32 v32, v30;
	v19 =	vadd.f32 v19, v35;
	v16 =	vmul.f32 v16, v17  }
0x1e9: {  	v13 =	vadd.f32 v13, v14;
	v38 =	vmul.f32 v21, v17;
	v15 =	vadd.f32 v15, v18  }
0x1ea: {  	v14 =	vadd.f32 v39, v40;
	v16 =	vadd.f32 v16, v19  }
0x1eb: {  	v13 =	vadd.f32 v38, v13;
	v15 =	vadd.f32 v15, v34  }
0x1ec: {  	[tilespmem:s29+$0xC60] =	vst v14;
	v16 =	vadd.f32 v16, v36  }
0x1ed: {  	v13 =	vadd.f32 v37, v13;
	[tilespmem:s29+$0x60] =	vst v15  }
0x1ee: {  	[tilespmem:s29+$0x460] =	vst v16  }
0x1ef: {  	[tilespmem:s29+$0x860] =	vst v13  }
0x1f0: {  	v13 =	vld [tilespmem:s28+$0x70]  }
0x1f1: {  	v14 =	vld [tilespmem:s31+$0x70]  }
0x1f2: {  	v15 =	vld [tilespmem:s28+$0x870]  }
0x1f3: {  	v16 =	vld [tilespmem:s2+$0x70]  }
0x1f4: {  	v41 =	vld [tilespmem:s28+$0xC70]  }
0x1f5: {  	v42 =	vld [tilespmem:s12+$0x70]  }
0x1f6: {  	v43 =	vld [tilespmem:s30+$0x1BE70]  }
0x1f7: {  	v44 =	vld [tilespmem:s30+$0x1C270]  }
0x1f8: {  	v45 =	vld [tilespmem:s30+$0x1D670]  }
0x1f9: {  	v46 =	vld [tilespmem:s30+$0x1DA70]  }
0x1fa: {  	v47 =	vld [tilespmem:s30+$0x1BA70]  }
0x1fb: {  	v48 =	vld [tilespmem:s30+$0x1D270];
	_ =	sdelay $0x1  }
0x1fc: {  	v13 =	vmul.f32 v14, v13;
	v49 =	vmul.f32 v16, v15  }
0x1fd: {  	v50 =	vmul.f32 v45, v44;
	v51 =	vmul.f32 v46, v43  }
0x1fe: {  	v17 =	vmul.f32 v42, v41;
	v52 =	vmul.f32 v46, v47  }
0x1ff: {  	v53 =	vmul.f32 v48, v44;
	v54 =	vmul.f32 v48, v43  }
0x200: {  	v57 =	vld [tilespmem:s29+$0x70];
	v21 =	vmul.f32 v45, v47;
	v15 =	vsub.f32 v50, v51;
	v10 =	vmul.f32 v49, v10  }
0x201: {  	v58 =	vld [tilespmem:s29+$0x470];
	v16 =	vsub.f32 v52, v53;
	v23 =	vmul.f32 v47, v13;
	v11 =	vmul.f32 v49, v11  }
0x202: {  	v55 =	vld [tilespmem:s28+$0x470];
	v21 =	vsub.f32 v54, v21;
	v19 =	vmul.f32 v43, v13;
	v12 =	vmul.f32 v49, v12  }
0x203: {  	v56 =	vld [tilespmem:s0+$0x70];
	v13 =	vmul.f32 v44, v13;
	v15 =	vmul.f32 v15, v17;
	v10 =	vadd.f32 v23, v10  }
0x204: {  	v60 =	vld [tilespmem:s29+$0x870];
	v11 =	vadd.f32 v19, v11;
	v59 =	vmul.f32 v16, v17  }
0x205: {  	v62 =	vld [tilespmem:s29+$0xC70];
	v12 =	vadd.f32 v13, v12;
	v61 =	vmul.f32 v21, v17;
	v10 =	vadd.f32 v15, v10  }
0x206: {  	v11 =	vadd.f32 v59, v11  }
0x207: {  	p0 =	sne.s32 s26, $0xF;
	v12 =	vadd.f32 v61, v12;
	v10 =	vadd.f32 v10, v57  }
.Ltmp9:
0x208: {  	v63 =	vmul.f32 v56, v55;
	v11 =	vadd.f32 v11, v58;
	(pc) =	sbr.rel @p0 .LBB2_11-.Ltmp9, $4  }
0x209: {  	[tilespmem:s29+$0x70] =	vst v10;
	v10 =	vadd.f32 v60, v12  }
0x20a: {  	[tilespmem:s29+$0x470] =	vst v11;
	v11 =	vadd.f32 v62, v63  }
0x20b: {  	[tilespmem:s29+$0x870] =	vst v10  }
0x20c: {  	s25 =	sadd.s32 $0x80, s25;
	s24 =	sadd.s32 $0x1, s24;
	s26 =	sadd.s32 $0x1, s26;
	[tilespmem:s29+$0xC70] =	vst v11  }
0x20d: {  	s23 =	sadd.s32 $0x1, s23  }
0x20e: {  	p0 =	sne.s32 s23, s16  }
.Ltmp10:
0x20f: {  	_ = 	snop;
	(pc) =	sbr.rel @p0 .LBB2_10-.Ltmp10, $4  }
.Ltmp11:
0x210: {  	_ = 	snop;
	(pc) =	sbr.rel @!p0 .LBB2_13-.Ltmp11, $4  }
0x211: {  	_ = 	snop  }
0x212: {  	_ = 	snop  }
0x213: {  	_ = 	snop  }
0x214: {  	_ = 	snop  }
.LBB2_5:
.Ltmp12:
0x215: {  	(pc) =	sbr.rel .LBB2_9-.Ltmp12, $2  }
0x216: {  	_ =	sdelay $0x2  }
0x217: {  	s12 =	simm.s32 $0x0;
	s2 =	smov.u32 s4  }
.LBB2_7:
.Ltmp13:
0x218: {  	(pc) =	sbr.rel .LBB2_9-.Ltmp13, $2  }
0x219: {  	_ =	sdelay $0x2  }
0x21a: {  	s12 =	simm.s32 $0x0;
	s2 =	smov.u32 s4  }
.LBB2_14:
0x21b: {  	s23 =	simm.s32 $0x0;
	s0 =	rddreg [dreg:$0x4];
	s4 =	simm.s32 $0x2  }
0x21c: {  	[hbm4b:s0+s23] =	stream.linear.scatter [tilespmem:s23], [sflag:$0x2], $0x14000, $0x38;
	[tilespmem:$0x1EA00] =	vst v63  }
0x21d: {  	_ =	swait.ge [sflag:s4], $0x14000  }
0x21e: {  	s30 =	sand.u32 $0x1F000, s23;
	s2 =	sand.u32 $0x380, s23;
	[sflag:s4] =	ssyncset.done $0x0  }
0x21f: {  	s0 =	sor.u32 s2, s30;
	[sflag:s4] =	ssyncadd.s32 $0xFFFEC000  }
0x220: {  	[tilespmem:s0+$0xC70] =	vst v5  }
0x221: {  	[tilespmem:s0+$0x0] =	vst v5  }
0x222: {  	[tilespmem:s0+$0x10] =	vst v5  }
0x223: {  	[tilespmem:s0+$0x20] =	vst v5  }
0x224: {  	[tilespmem:s0+$0x30] =	vst v5  }
0x225: {  	[tilespmem:s0+$0x40] =	vst v5  }
0x226: {  	[tilespmem:s0+$0x50] =	vst v5  }
0x227: {  	[tilespmem:s0+$0x60] =	vst v5  }
0x228: {  	[tilespmem:s0+$0x70] =	vst v5  }
0x229: {  	[tilespmem:s0+$0x400] =	vst v5  }
0x22a: {  	[tilespmem:s0+$0x410] =	vst v5  }
0x22b: {  	[tilespmem:s0+$0x420] =	vst v5  }
0x22c: {  	[tilespmem:s0+$0x430] =	vst v5  }
0x22d: {  	[tilespmem:s0+$0x440] =	vst v5  }
0x22e: {  	[tilespmem:s0+$0x450] =	vst v5  }
0x22f: {  	[tilespmem:s0+$0x460] =	vst v5  }
0x230: {  	[tilespmem:s0+$0x470] =	vst v5  }
0x231: {  	[tilespmem:s0+$0x800] =	vst v5  }
0x232: {  	[tilespmem:s0+$0x810] =	vst v5  }
0x233: {  	[tilespmem:s0+$0x820] =	vst v5  }
0x234: {  	[tilespmem:s0+$0x830] =	vst v5  }
0x235: {  	[tilespmem:s0+$0x840] =	vst v5  }
0x236: {  	[tilespmem:s0+$0x850] =	vst v5  }
0x237: {  	[tilespmem:s0+$0x860] =	vst v5  }
0x238: {  	[tilespmem:s0+$0x870] =	vst v5  }
0x239: {  	[tilespmem:s0+$0xC00] =	vst v5  }
0x23a: {  	[tilespmem:s0+$0xC10] =	vst v5  }
0x23b: {  	[tilespmem:s0+$0xC20] =	vst v5  }
0x23c: {  	[tilespmem:s0+$0xC30] =	vst v5  }
0x23d: {  	s31 =	simm.s32 $0x200;
	s2 =	simm.s32 $0x80;
	[tilespmem:s0+$0xC40] =	vst v5  }
0x23e: {  	s12 =	sand.u32 $0x1F000, s31;
	s16 =	sand.u32 $0x380, s2;
	s4 =	simm.s32 $0x400;
	[tilespmem:s0+$0xC50] =	vst v5  }
.LBB2_15:
0x23f: {  	p0 =	sne.s32 s4, $0x14000;
	[tilespmem:s0+$0xC60] =	vst v5;
	s0 =	sor.u32 s16, s12  }
0x240: {  	[tilespmem:s0+$0xC70] =	vst v5  }
0x241: {  	[tilespmem:s0+$0x0] =	vst v5  }
0x242: {  	[tilespmem:s0+$0x10] =	vst v5  }
0x243: {  	[tilespmem:s0+$0x20] =	vst v5  }
0x244: {  	[tilespmem:s0+$0x30] =	vst v5  }
0x245: {  	[tilespmem:s0+$0x40] =	vst v5  }
0x246: {  	[tilespmem:s0+$0x50] =	vst v5  }
0x247: {  	[tilespmem:s0+$0x60] =	vst v5  }
0x248: {  	[tilespmem:s0+$0x70] =	vst v5  }
0x249: {  	[tilespmem:s0+$0x400] =	vst v5  }
0x24a: {  	[tilespmem:s0+$0x410] =	vst v5  }
0x24b: {  	[tilespmem:s0+$0x420] =	vst v5  }
0x24c: {  	[tilespmem:s0+$0x430] =	vst v5  }
0x24d: {  	[tilespmem:s0+$0x440] =	vst v5  }
0x24e: {  	[tilespmem:s0+$0x450] =	vst v5  }
0x24f: {  	[tilespmem:s0+$0x460] =	vst v5  }
0x250: {  	[tilespmem:s0+$0x470] =	vst v5  }
0x251: {  	[tilespmem:s0+$0x800] =	vst v5  }
0x252: {  	[tilespmem:s0+$0x810] =	vst v5  }
0x253: {  	[tilespmem:s0+$0x820] =	vst v5  }
0x254: {  	[tilespmem:s0+$0x830] =	vst v5  }
0x255: {  	[tilespmem:s0+$0x840] =	vst v5  }
0x256: {  	[tilespmem:s0+$0x850] =	vst v5  }
0x257: {  	[tilespmem:s0+$0x860] =	vst v5  }
0x258: {  	[tilespmem:s0+$0x870] =	vst v5  }
0x259: {  	[tilespmem:s0+$0xC00] =	vst v5  }
.Ltmp14:
0x25a: {  	[tilespmem:s0+$0xC10] =	vst v5;
	(pc) =	sbr.rel @p0 .LBB2_15-.Ltmp14, $4  }
0x25b: {  	[tilespmem:s0+$0xC20] =	vst v5  }
0x25c: {  	[tilespmem:s0+$0xC30] =	vst v5  }
0x25d: {  	s2 =	sadd.s32 $0x80, s2;
	[tilespmem:s0+$0xC40] =	vst v5  }
0x25e: {  	s12 =	sand.u32 $0x1F000, s4;
	s4 =	sadd.s32 $0x200, s4;
	s16 =	sand.u32 $0x380, s2;
	[tilespmem:s0+$0xC50] =	vst v5  }
0x25f: {  	s2 =	sor.u32 s16, s12;
	[tilespmem:s0+$0xC60] =	vst v5  }
0x260: {  	[tilespmem:s2+$0xC70] =	vst v5  }
0x261: {  	[tilespmem:s2+$0x0] =	vst v5  }
0x262: {  	[tilespmem:s2+$0x10] =	vst v5  }
0x263: {  	[tilespmem:s2+$0x20] =	vst v5  }
0x264: {  	[tilespmem:s2+$0x30] =	vst v5  }
0x265: {  	[tilespmem:s2+$0x40] =	vst v5  }
0x266: {  	[tilespmem:s2+$0x50] =	vst v5  }
0x267: {  	[tilespmem:s2+$0x60] =	vst v5  }
0x268: {  	[tilespmem:s2+$0x70] =	vst v5  }
0x269: {  	[tilespmem:s2+$0x400] =	vst v5  }
0x26a: {  	[tilespmem:s2+$0x410] =	vst v5  }
0x26b: {  	[tilespmem:s2+$0x420] =	vst v5  }
0x26c: {  	[tilespmem:s2+$0x430] =	vst v5  }
0x26d: {  	[tilespmem:s2+$0x440] =	vst v5  }
0x26e: {  	[tilespmem:s2+$0x450] =	vst v5  }
0x26f: {  	[tilespmem:s2+$0x460] =	vst v5  }
0x270: {  	[tilespmem:s2+$0x470] =	vst v5  }
0x271: {  	[tilespmem:s2+$0x800] =	vst v5  }
0x272: {  	[tilespmem:s2+$0x810] =	vst v5  }
0x273: {  	[tilespmem:s2+$0x820] =	vst v5  }
0x274: {  	[tilespmem:s2+$0x830] =	vst v5  }
0x275: {  	[tilespmem:s2+$0x840] =	vst v5  }
0x276: {  	[tilespmem:s2+$0x850] =	vst v5  }
0x277: {  	[tilespmem:s2+$0x860] =	vst v5  }
0x278: {  	[tilespmem:s2+$0x870] =	vst v5  }
0x279: {  	[tilespmem:s2+$0xC00] =	vst v5  }
0x27a: {  	[tilespmem:s2+$0xC10] =	vst v5  }
.Ltmp15:
0x27b: {  	[tilespmem:s2+$0xC20] =	vst v5;
	(pc) =	sbr.rel .LBB2_17-.Ltmp15, $4  }
0x27c: {  	[tilespmem:s2+$0xC30] =	vst v5  }
0x27d: {  	[tilespmem:s2+$0xC40] =	vst v5  }
0x27e: {  	[tilespmem:s2+$0xC50] =	vst v5  }
0x27f: {  	s16 =	simm.s32 $0x0;
	[tilespmem:s2+$0xC60] =	vst v5  }
.LBB2_23:
0x280: {  	s16 =	sadd.s32 $0x1, s16  }
0x281: {  	p0 =	sne.s32 s16, $0x64  }
.Ltmp16:
0x282: {  	_ = 	snop;
	(pc) =	sbr.rel @!p0 .LBB2_24-.Ltmp16, $3  }
0x283: {  	_ =	sdelay $0x1  }
0x284: {  	s23 =	rddreg [dreg:$0x8]  }
0x285: {  	s23 =	sadd.s32 $0x640, s23  }
.LBB2_17:
0x286: {  	s0 =	smul.u32 $0x640, s16;
	_ =	sdelay $0x1  }
0x287: {  	s26 =	rddreg [dreg:$0x3];
	s12 =	simm.s32 $0x15000;
	s2 =	sshrl.u32 s0, $0x3  }
0x288: {  	s28 =	simm.s32 $0x2;
	s0 =	simm.s32 $0x0;
	s4 =	sadd.s32 s26, s2  }
0x289: {  	[tilespmem:s12], [sflag:$0x2] =	stream.linear.gather [hbm4b:s4+s0], $0x640, $0x38;
	[tilespmem:$0x1EA00] =	vst v63  }
0x28a: {  	_ =	swait.ge [sflag:s28], $0x640  }
0x28b: {  	[sflag:s28] =	ssyncset.done $0x0  }
0x28c: {  	[sflag:s28] =	ssyncadd.s32 $0xFFFFF9C0  }
0x28d: {  	s29 =	rddreg [dreg:$0x1]  }
0x28e: {  	s30 =	simm.s32 $0x15680;
	s2 =	sadd.s32 s29, s2  }
0x28f: {  	[tilespmem:s30], [sflag:$0x2] =	stream.linear.gather [hbm4b:s2+s0], $0x640, $0x38;
	[tilespmem:$0x1EA00] =	vst v63  }
0x290: {  	_ =	swait.ge [sflag:s28], $0x640  }
0x291: {  	[sflag:s28] =	ssyncset.done $0x0  }
0x292: {  	s31 =	simm.s32 $0x0;
	[sflag:s28] =	ssyncadd.s32 $0xFFFFF9C0  }
0x293: {  	v10 =	vld [tilespmem:s31+$0x15000];
	_ =	sdelay $0x4  }
0x294: {  	vm2 =	vge.s32 v10, v2;
	vm3 =	vlt.s32 v10, v4  }
0x295: {  	vm2 =	vmand vm2, vm3  }
0x296: {  	v11 =	vmpcnt.ones.xlane vm2  }
0x297: {  	v12 =	vsel vm2, $0x1, v6  }
0x298: {  	(xrf0) =	vadd.scan.msk.s32 $0xffff, v12;
	(v2sf) =	vpush v11, $0x0;
	_ =	sdelay $0x4  }
0x299: {  	v11 =	vsel vm2, $0xFFFFFFFF, v6  }
0x29a: {  	v11 =	vadd.s32 s0, v11;
	v12, _, _ =	vpop (xrf0)  }
0x29b: {  	v11 =	vadd.s32 v12, v11;
	_ =	sdelay $0x1  }
0x29c: {  	v63 =	vld [tilespmem:s31+$0x15680];
	_ =	sdelay $0x1  }
0x29d: {  	v13 =	vor.u32 s23, v3  }
0x29e: {  	[tilespmem:v11+s18+$0x0] =	vst.idx.msk vm2, v13  }
0x29f: {  	[tilespmem:v11+s19+$0x0] =	vst.idx.msk vm2, v10  }
0x2a0: {  	s22 =	simm.s32 $0x80;
	s4 =	simm.s32 $0x10;
	[tilespmem:v11+s20+$0x0] =	vst.idx.msk vm2, v63  }
0x2a1: {  	s2 =	smov.u32 s23;
	[dreg:$0x8] =	wrdreg s23;
	v10 =	vld [tilespmem:s4+$0x15000];
	s12 =	spop (v2sf)  }
.LBB2_18:
0x2a2: {  	s0 =	sadd.s32 s0, s12  }
0x2a3: {  	s2 =	sadd.s32 $0x10, s2;
	s12 =	smov.u32 s22;
	s23 =	sadd.s32 $0x40, s22  }
0x2a4: {  	p0 =	sne.s32 s22, $0x18C0;
	_ =	sdelay $0x1  }
0x2a5: {  	vm2 =	vge.s32 v10, v2;
	vm3 =	vlt.s32 v10, v4  }
0x2a6: {  	vm2 =	vmand vm2, vm3  }
0x2a7: {  	v11 =	vsel vm2, $0xFFFFFFFF, v6;
	v12 =	vsel vm2, $0x1, v6;
	v13 =	vmpcnt.ones.xlane vm2  }
0x2a8: {  	(xrf0) =	vadd.scan.msk.s32 $0xffff, v12  }
0x2a9: {  	(v2sf) =	vpush v13, $0x0;
	_ =	sdelay $0x4  }
0x2aa: {  	v11 =	vadd.s32 s0, v11;
	v12, _, _ =	vpop (xrf0)  }
0x2ab: {  	v11 =	vadd.s32 v12, v11;
	_ =	sdelay $0x1  }
0x2ac: {  	v12 =	vld [tilespmem:s4+$0x15680];
	_ =	sdelay $0x1  }
0x2ad: {  	v13 =	vor.u32 s2, v3  }
.Ltmp17:
0x2ae: {  	[tilespmem:v11+s18+$0x0] =	vst.idx.msk vm2, v13;
	(pc) =	sbr.rel @p0 .LBB2_18-.Ltmp17, $4  }
0x2af: {  	[tilespmem:v11+s19+$0x0] =	vst.idx.msk vm2, v10  }
0x2b0: {  	s4 =	sshra.s32 s12, $0x2;
	[tilespmem:v11+s20+$0x0] =	vst.idx.msk vm2, v12  }
0x2b1: {  	v10 =	vld [tilespmem:s4+$0x15000]  }
0x2b2: {  	s22 =	smov.u32 s23;
	s12 =	spop (v2sf)  }
0x2b3: {  	_ =	sdelay $0x2  }
0x2b4: {  	vm2 =	vge.s32 v10, v2;
	vm3 =	vlt.s32 v10, v4  }
0x2b5: {  	vm2 =	vmand vm2, vm3  }
0x2b6: {  	v11 =	vmpcnt.ones.xlane vm2;
	_ =	sdelay $0x1  }
0x2b7: {  	(v2sf) =	vpush v11, $0x0;
	_ =	sdelay $0xa  }
0x2b8: {  	v11 =	vsel vm2, $0x1, v6  }
0x2b9: {  	(xrf0) =	vadd.scan.msk.s32 $0xffff, v11;
	_ =	sdelay $0x2  }
0x2ba: {  	s0 =	sadd.s32 s0, s12;
	v11 =	vsel vm2, $0xFFFFFFFF, v6;
	s28 =	spop (v2sf)  }
0x2bb: {  	v11 =	vadd.s32 s0, v11;
	s0 =	sadd.s32 s0, s28  }
0x2bc: {  	s29 =	sadd.s32 $0xF, s0  }
0x2bd: {  	s2 =	sadd.s32 $0x10, s2;
	v12, _, _ =	vpop (xrf0);
	s30 =	sand.u32 $0xF, s29  }
0x2be: {  	v11 =	vadd.s32 v12, v11;
	s31 =	sshra.s32 s29, $0x1F;
	p0 =	slt.s32 s29, $0x1;
	p1 =	sne.s32 s30, $0x0  }
0x2bf: {  	v13 =	vor.u32 s2, v3;
	s2 =	sshrl.u32 s31, $0x1C;
	p0 =	por !p0, !p1  }
0x2c0: {  	v63 =	vld [tilespmem:s4+$0x15680];
	s4 =	simm.s32 $0x1;
	s2 =	sadd.s32 s2, s29;
	p0 =	por !p0, !p0  }
0x2c1: {  	s2 =	sshra.s32 s2, $0x4;
	s4 =	simm.s32 @!p0 $0x0  }
0x2c2: {  	s4 =	ssub.s32 s2, s4  }
0x2c3: {  	[tilespmem:v11+s18+$0x0] =	vst.idx.msk vm2, v13;
	p0 =	slt.s32 s4, $0x1  }
.Ltmp18:
0x2c4: {  	[tilespmem:v11+s19+$0x0] =	vst.idx.msk vm2, v10;
	(pc) =	sbr.rel @p0 .LBB2_23-.Ltmp18, $4  }
0x2c5: {  	[tilespmem:v11+s20+$0x0] =	vst.idx.msk vm2, v63  }
0x2c6: {  	[tilespmem:s0+$0x15D00] =	vst v6  }
0x2c7: {  	[tilespmem:s0+$0x16380] =	vst v4  }
0x2c8: {  	s22 =	simm.s32 $0x0;
	s23 =	simm.s32 $0x0;
	[tilespmem:s0+$0x16A00] =	vst v6  }
.LBB2_20:
0x2c9: {  	s0 =	sshll.u32 s23, $0x4  }
0x2ca: {  	v10 =	vld [tilespmem:s0+$0x15D00];
	_ =	sdelay $0x3  }
0x2cb: {  	v11 =	vld [tilespmem:s0+$0x16380]  }
0x2cc: {  	v12 =	vld [tilespmem:s0+$0x16A00];
	[tilespmem:$0x17080] =	vst v10  }
0x2cd: {  	v10 =	vld [tilespmem:$0x17080];
	_ =	sdelay $0x4  }
0x2ce: {  	v13 =	vshrl.u32 v10, $0x3  }
0x2cf: {  	v13 =	vmul.u32 $0x28, v13  }
0x2d0: {  	v10 =	vand.u32 $0x7, v10  }
0x2d1: {  	v10 =	vor.u32 v10, v13  }
0x2d2: {  	v13 =	vperm.xlane v10, v7;
	_ =	sdelay $0x1  }
0x2d3: {  	v13 =	vadd.s32 v8, v13;
	_ =	sdelay $0x2  }
0x2d4: {  	[tilespmem:$0x17180] =	vst v12  }
0x2d5: {  	s31 =	simm.s32 $0x17200;
	[tilespmem:$0x17100] =	vst v11;
	v10 =	vperm.xlane v10, v9  }
0x2d6: {  	[tilespmem:s31], [sflag:$0x1] =	stream.indirect_vreg.gather [hbm4b:s5+s22], $0x80, v13, vm0, $0xb8;
	[tilespmem:$0x1EA00] =	vst v63  }
0x2d7: {  	s2 =	simm.s32 $0x17A00;
	v10 =	vadd.s32 v8, v10  }
0x2d8: {  	[tilespmem:s2], [sflag:$0x1] =	stream.indirect_vreg.gather [hbm4b:s8+s22], $0x80, v13, vm0, $0xb8;
	[tilespmem:$0x1EA00] =	vst v63  }
0x2d9: {  	s12 =	simm.s32 $0x18200  }
0x2da: {  	[tilespmem:s12], [sflag:$0x1] =	stream.indirect_vreg.gather [hbm4b:s9+s22], $0x80, v13, vm1, $0xb8;
	[tilespmem:$0x1EA00] =	vst v63  }
0x2db: {  	s24 =	simm.s32 $0x18600  }
0x2dc: {  	[tilespmem:s24], [sflag:$0x1] =	stream.indirect_vreg.gather [hbm4b:s5+s22], $0x80, v10, vm0, $0xb8;
	[tilespmem:$0x1EA00] =	vst v63  }
0x2dd: {  	s25 =	simm.s32 $0x18E00  }
0x2de: {  	[tilespmem:s25], [sflag:$0x1] =	stream.indirect_vreg.gather [hbm4b:s8+s22], $0x80, v10, vm0, $0xb8;
	[tilespmem:$0x1EA00] =	vst v63  }
0x2df: {  	s26 =	simm.s32 $0x19600  }
0x2e0: {  	[tilespmem:s26], [sflag:$0x1] =	stream.indirect_vreg.gather [hbm4b:s9+s22], $0x80, v10, vm1, $0xb8;
	[tilespmem:$0x1EA00] =	vst v63  }
0x2e1: {  	v10 =	vld [tilespmem:$0x17180];
	_ =	sdelay $0x4  }
0x2e2: {  	v62 =	vshll.u32 v10, $0x2  }
0x2e3: {  	v10 =	vand.u32 $0x7, v10;
	v12 =	vand.u32 $0xFFFFFFE0, v62  }
0x2e4: {  	v10 =	vor.u32 v10, v12  }
0x2e5: {  	v12 =	vperm.xlane v10, v7;
	_ =	sdelay $0x1  }
0x2e6: {  	v12 =	vadd.s32 v8, v12;
	_ =	sdelay $0x1  }
0x2e7: {  	v10 =	vperm.xlane v10, v9;
	_ =	sdelay $0x1  }
0x2e8: {  	s28 =	simm.s32 $0x19A00;
	v10 =	vadd.s32 v8, v10  }
0x2e9: {  	[tilespmem:s28], [sflag:$0x1] =	stream.indirect_vreg.gather [hbm4b:s6+s22], $0x80, v12, vm0, $0xb8;
	[tilespmem:$0x1EA00] =	vst v63  }
0x2ea: {  	s29 =	simm.s32 $0x1A200  }
0x2eb: {  	[tilespmem:s29], [sflag:$0x1] =	stream.indirect_vreg.gather [hbm4b:s10+s22], $0x80, v12, vm0, $0xb8;
	[tilespmem:$0x1EA00] =	vst v63  }
0x2ec: {  	s30 =	simm.s32 $0x1AA00  }
0x2ed: {  	[tilespmem:s30], [sflag:$0x1] =	stream.indirect_vreg.gather [hbm4b:s6+s22], $0x80, v10, vm0, $0xb8;
	[tilespmem:$0x1EA00] =	vst v63  }
0x2ee: {  	s31 =	simm.s32 $0x1B200  }
0x2ef: {  	[tilespmem:s31], [sflag:$0x1] =	stream.indirect_vreg.gather [hbm4b:s10+s22], $0x80, v10, vm0, $0xb8;
	[tilespmem:$0x1EA00] =	vst v63  }
0x2f0: {  	v10 =	vld [tilespmem:$0x17180];
	_ =	sdelay $0x4  }
0x2f1: {  	v63 =	vshrl.u32 v10, $0x3  }
0x2f2: {  	v12 =	vmul.u32 $0x18, v63  }
0x2f3: {  	v10 =	vand.u32 $0x7, v10  }
0x2f4: {  	v10 =	vor.u32 v10, v12  }
0x2f5: {  	v11 =	vsub.s32 v11, v2;
	v12 =	vperm.xlane v10, v7  }
0x2f6: {  	(v2sf) =	vpush v11, $0x0  }
0x2f7: {  	(v2sf) =	vpush v11, $0x1;
	v12 =	vadd.s32 v8, v12  }
0x2f8: {  	(v2sf) =	vpush v11, $0x2  }
0x2f9: {  	(v2sf) =	vpush v11, $0x3;
	v10 =	vperm.xlane v10, v9  }
0x2fa: {  	(v2sf) =	vpush v11, $0x4  }
0x2fb: {  	(v2sf) =	vpush v11, $0x5;
	s2 =	simm.s32 $0x1BA00;
	v10 =	vadd.s32 v8, v10  }
0x2fc: {  	(v2sf) =	vpush v11, $0x6;
	[tilespmem:s2], [sflag:$0x1] =	stream.indirect_vreg.gather [hbm4b:s7+s22], $0x80, v12, vm0, $0xb8;
	[tilespmem:$0x1EA00] =	vst v63  }
0x2fd: {  	(v2sf) =	vpush v11, $0x7;
	s12 =	simm.s32 $0x1C200  }
0x2fe: {  	(v2sf) =	vpush v11, $0x8;
	[tilespmem:s12], [sflag:$0x1] =	stream.indirect_vreg.gather [hbm4b:s11+s22], $0x80, v12, vm1, $0xb8;
	[tilespmem:$0x1EA00] =	vst v63  }
0x2ff: {  	(v2sf) =	vpush v11, $0x9  }
0x300: {  	(v2sf) =	vpush v11, $0xA;
	[tilespmem:s13], [sflag:$0x1] =	stream.indirect_vreg.gather [hbm4b:s7+s22], $0x80, v10, vm0, $0xb8;
	[tilespmem:$0x1EA00] =	vst v63  }
0x301: {  	(v2sf) =	vpush v11, $0xB  }
0x302: {  	(v2sf) =	vpush v11, $0xC;
	[tilespmem:s14], [sflag:$0x1] =	stream.indirect_vreg.gather [hbm4b:s11+s22], $0x80, v10, vm1, $0xb8;
	[tilespmem:$0x1EA00] =	vst v63  }
0x303: {  	(v2sf) =	vpush v11, $0xD;
	v10 =	vld [tilespmem:$0x17100];
	_ =	sdelay $0x1  }
0x304: {  	s24 =	spop (v2sf);
	(v2sf) =	vpush v11, $0xE  }
0x305: {  	[smem:$0x0] =	sst s24;
	s2 =	spop (v2sf)  }
0x306: {  	(v2sf) =	vpush v11, $0xF;
	[smem:$0x1] =	sst s2;
	s25 =	spop (v2sf)  }
0x307: {  	s26 =	spop (v2sf);
	[smem:$0x2] =	sst s25;
	v11 =	vshrl.u32 v10, $0x3  }
0x308: {  	s28 =	spop (v2sf);
	[smem:$0x3] =	sst s26;
	v11 =	vmul.u32 $0x18, v11  }
0x309: {  	s29 =	spop (v2sf);
	[smem:$0x4] =	sst s28;
	v10 =	vand.u32 $0x7, v10  }
0x30a: {  	s30 =	spop (v2sf);
	[smem:$0x5] =	sst s29;
	v10 =	vor.u32 v10, v11  }
0x30b: {  	s31 =	spop (v2sf);
	[smem:$0x6] =	sst s30;
	v11 =	vperm.xlane v10, v7  }
0x30c: {  	s12 =	spop (v2sf);
	[smem:$0x7] =	sst s31  }
0x30d: {  	s24 =	spop (v2sf);
	[smem:$0x8] =	sst s12;
	v11 =	vadd.s32 v8, v11  }
0x30e: {  	s25 =	spop (v2sf);
	[smem:$0x9] =	sst s24  }
0x30f: {  	s26 =	spop (v2sf);
	[smem:$0xA] =	sst s25;
	v10 =	vperm.xlane v10, v9  }
0x310: {  	s28 =	spop (v2sf);
	[smem:$0xB] =	sst s26  }
0x311: {  	s29 =	spop (v2sf);
	[smem:$0xC] =	sst s28;
	v10 =	vadd.s32 v8, v10  }
0x312: {  	[tilespmem:s3], [sflag:$0x1] =	stream.indirect_vreg.gather [hbm4b:s7+s22], $0x80, v11, vm0, $0xb8;
	[tilespmem:$0x1EA00] =	vst v63  }
0x313: {  	s30 =	spop (v2sf);
	[smem:$0xD] =	sst s29  }
0x314: {  	[tilespmem:s1], [sflag:$0x1] =	stream.indirect_vreg.gather [hbm4b:s11+s22], $0x80, v11, vm1, $0xb8;
	[tilespmem:$0x1EA00] =	vst v63  }
0x315: {  	[smem:$0xE] =	sst s30;
	s31 =	spop (v2sf)  }
0x316: {  	[tilespmem:s15], [sflag:$0x1] =	stream.indirect_vreg.gather [hbm4b:s7+s22], $0x80, v10, vm0, $0xb8;
	[tilespmem:$0x1EA00] =	vst v63  }
0x317: {  	[smem:$0xF] =	sst s31  }
0x318: {  	[tilespmem:s17], [sflag:$0x1] =	stream.indirect_vreg.gather [hbm4b:s11+s22], $0x80, v10, vm1, $0xb8;
	[tilespmem:$0x1EA00] =	vst v63  }
0x319: {  	_ =	swait.ge [sflag:s21], $0x2800  }
0x31a: {  	[sflag:s21] =	ssyncset.done $0x0  }
0x31b: {  	[sflag:s21] =	ssyncadd.s32 $0xFFFFD800  }
0x31c: {  	_ =	swait.ge [sflag:s21], $0x2000  }
0x31d: {  	[sflag:s21] =	ssyncset.done $0x0  }
0x31e: {  	[sflag:s21] =	ssyncadd.s32 $0xFFFFE000  }
0x31f: {  	_ =	swait.ge [sflag:s21], $0x1800  }
0x320: {  	[sflag:s21] =	ssyncset.done $0x0  }
0x321: {  	[sflag:s21] =	ssyncadd.s32 $0xFFFFE800  }
0x322: {  	_ =	swait.ge [sflag:s21], $0x1800  }
0x323: {  	s24 =	simm.s32 $0x0;
	[sflag:s21] =	ssyncset.done $0x0  }
0x324: {  	s25 =	simm.s32 $0x0;
	s26 =	simm.s32 $0x0;
	[sflag:s21] =	ssyncadd.s32 $0xFFFFE800  }
.LBB2_21:
0x325: {  	s0 =	sshrl.u32 s26, $0x3  }
0x326: {  	s2 =	smul.u32 $0x5000, s0;
	_ =	sdelay $0x1  }
0x327: {  	s12 =	sand.u32 $0x380, s25;
	s28 =	sshll.u32 s26, $0x9;
	s2 =	sshra.s32 s2, $0x2  }
0x328: {  	s30 =	sand.u32 $0x3FFFF000, s28;
	s31 =	sor.u32 s12, s2  }
0x329: {  	s2 =	sor.u32 s12, s30;
	v12 =	vld [tilespmem:s31+$0x18200]  }
0x32a: {  	v10 =	vld [tilespmem:s2+$0x19A00]  }
0x32b: {  	s0 =	smul.u32 $0xC00, s0;
	v11 =	vld [tilespmem:s31+$0x17200]  }
0x32c: {  	v14 =	vld [tilespmem:s31+$0x17A00]  }
0x32d: {  	s30 =	sor.u32 s12, s0;
	v16 =	vld [tilespmem:s31+$0x17E00]  }
0x32e: {  	v17 =	vld [tilespmem:s30+$0x1BE00]  }
0x32f: {  	v18 =	vld [tilespmem:s30+$0x1C200]  }
0x330: {  	v19 =	vld [tilespmem:s30+$0x1D600]  }
0x331: {  	v20 =	vld [tilespmem:s30+$0x1DA00]  }
0x332: {  	v21 =	vld [tilespmem:s30+$0x1BA00]  }
0x333: {  	s28 =	sadd.s32 $0x19A00, s2;
	v22 =	vld [tilespmem:s30+$0x1D200]  }
0x334: {  	v13 =	vld [tilespmem:s28+$0x800]  }
0x335: {  	v15 =	vld [tilespmem:s28+$0xC00];
	v23 =	vmul.f32 v11, v10  }
0x336: {  	v11 =	vmul.f32 v19, v18;
	v62 =	vmul.f32 v20, v17  }
0x337: {  	s12 =	sld [smem:s24+$0x0];
	v63 =	vmul.f32 v20, v21;
	v10 =	vbroadcast v12, $0x0  }
0x338: {  	v28 =	vmul.f32 v22, v18;
	v22 =	vmul.f32 v22, v17  }
0x339: {  	v19 =	vmul.f32 v19, v21;
	v13 =	vmul.f32 v14, v13  }
0x33a: {  	v26 =	vld [tilespmem:s31+$0x17600];
	s29 =	sshll.u32 s12, $0x9;
	s0 =	sshll.u32 s12, $0x7;
	v61 =	vmul.f32 v16, v15;
	v21 =	vmul.f32 v21, v23  }
0x33b: {  	v25 =	vld [tilespmem:s28+$0x400];
	s2 =	sand.u32 $0xFFFFF000, s29;
	s0 =	sand.u32 $0x380, s0;
	v15 =	vsub.f32 v11, v62;
	v11 =	vbroadcast v12, $0x1;
	v12 =	vbroadcast v12, $0x2  }
0x33c: {  	s29 =	sor.u32 s0, s2;
	v17 =	vmul.f32 v17, v23;
	v18 =	vmul.f32 v18, v23  }
0x33d: {  	v33 =	vld [tilespmem:s29+$0xC00];
	v16 =	vsub.f32 v63, v28;
	v24 =	vmul.f32 v13, v10;
	v30 =	vmul.f32 v13, v11  }
0x33e: {  	v29 =	vld [tilespmem:s29+$0x0];
	v19 =	vsub.f32 v22, v19;
	v15 =	vmul.f32 v15, v61;
	v13 =	vmul.f32 v13, v12  }
0x33f: {  	v31 =	vld [tilespmem:s29+$0x400];
	v16 =	vmul.f32 v16, v61;
	v21 =	vadd.f32 v21, v24;
	v17 =	vadd.f32 v17, v30  }
0x340: {  	v32 =	vld [tilespmem:s29+$0x800];
	v34 =	vmul.f32 v26, v25;
	v14 =	vmul.f32 v19, v61;
	v13 =	vadd.f32 v18, v13  }
0x341: {  	v15 =	vadd.f32 v15, v21;
	v16 =	vadd.f32 v16, v17  }
0x342: {  	v13 =	vadd.f32 v14, v13;
	v14 =	vadd.f32 v33, v34  }
0x343: {  	v15 =	vadd.f32 v15, v29  }
0x344: {  	v16 =	vadd.f32 v16, v31;
	[tilespmem:s29+$0xC00] =	vst v14  }
0x345: {  	v13 =	vadd.f32 v32, v13;
	[tilespmem:s29+$0x0] =	vst v15  }
0x346: {  	[tilespmem:s29+$0x400] =	vst v16  }
0x347: {  	[tilespmem:s29+$0x800] =	vst v13  }
0x348: {  	s0 =	sadd.s32 $0x17200, s31;
	v13 =	vld [tilespmem:s28+$0x10]  }
0x349: {  	v14 =	vld [tilespmem:s0+$0x10]  }
0x34a: {  	s2 =	sadd.s32 $0x17A00, s31;
	v15 =	vld [tilespmem:s28+$0x810]  }
0x34b: {  	v16 =	vld [tilespmem:s2+$0x10]  }
0x34c: {  	s12 =	sadd.s32 $0x17E00, s31;
	v35 =	vld [tilespmem:s28+$0xC10]  }
0x34d: {  	v36 =	vld [tilespmem:s12+$0x10]  }
0x34e: {  	v37 =	vld [tilespmem:s30+$0x1BE10]  }
0x34f: {  	v38 =	vld [tilespmem:s30+$0x1C210]  }
0x350: {  	v39 =	vld [tilespmem:s30+$0x1D610]  }
0x351: {  	v40 =	vld [tilespmem:s30+$0x1DA10]  }
0x352: {  	v41 =	vld [tilespmem:s30+$0x1BA10]  }
0x353: {  	v42 =	vld [tilespmem:s30+$0x1D210];
	_ =	sdelay $0x1  }
0x354: {  	v13 =	vmul.f32 v14, v13;
	v43 =	vmul.f32 v16, v15  }
0x355: {  	v44 =	vmul.f32 v39, v38;
	v45 =	vmul.f32 v40, v37  }
0x356: {  	s31 =	sadd.s32 $0x17600, s31;
	v49 =	vld [tilespmem:s28+$0x410];
	v17 =	vmul.f32 v36, v35;
	v46 =	vmul.f32 v40, v41  }
0x357: {  	v51 =	vld [tilespmem:s31+$0x10];
	v47 =	vmul.f32 v42, v38;
	v48 =	vmul.f32 v42, v37  }
0x358: {  	v21 =	vmul.f32 v39, v41;
	v15 =	vsub.f32 v44, v45;
	v50 =	vmul.f32 v43, v10  }
0x359: {  	v58 =	vld [tilespmem:s29+$0xC10];
	v16 =	vsub.f32 v46, v47;
	v52 =	vmul.f32 v41, v13;
	v54 =	vmul.f32 v43, v11  }
0x35a: {  	v53 =	vld [tilespmem:s29+$0x10];
	v21 =	vsub.f32 v48, v21;
	v19 =	vmul.f32 v37, v13;
	v14 =	vmul.f32 v43, v12  }
0x35b: {  	v55 =	vld [tilespmem:s29+$0x410];
	v13 =	vmul.f32 v38, v13;
	v15 =	vmul.f32 v15, v17;
	v18 =	vadd.f32 v52, v50  }
0x35c: {  	v56 =	vld [tilespmem:s29+$0x810];
	v59 =	vmul.f32 v51, v49;
	v19 =	vadd.f32 v19, v54;
	v16 =	vmul.f32 v16, v17  }
0x35d: {  	v13 =	vadd.f32 v13, v14;
	v57 =	vmul.f32 v21, v17;
	v15 =	vadd.f32 v15, v18  }
0x35e: {  	v14 =	vadd.f32 v58, v59;
	v16 =	vadd.f32 v16, v19  }
0x35f: {  	v13 =	vadd.f32 v57, v13;
	v15 =	vadd.f32 v15, v53  }
0x360: {  	[tilespmem:s29+$0xC10] =	vst v14;
	v16 =	vadd.f32 v16, v55  }
0x361: {  	v13 =	vadd.f32 v56, v13;
	[tilespmem:s29+$0x10] =	vst v15  }
0x362: {  	[tilespmem:s29+$0x410] =	vst v16  }
0x363: {  	[tilespmem:s29+$0x810] =	vst v13  }
0x364: {  	v13 =	vld [tilespmem:s28+$0x20]  }
0x365: {  	v14 =	vld [tilespmem:s0+$0x20]  }
0x366: {  	v15 =	vld [tilespmem:s28+$0x820]  }
0x367: {  	v16 =	vld [tilespmem:s2+$0x20]  }
0x368: {  	v60 =	vld [tilespmem:s28+$0xC20]  }
0x369: {  	v61 =	vld [tilespmem:s12+$0x20]  }
0x36a: {  	v62 =	vld [tilespmem:s30+$0x1BE20]  }
0x36b: {  	v63 =	vld [tilespmem:s30+$0x1C220]  }
0x36c: {  	v28 =	vld [tilespmem:s30+$0x1D620]  }
0x36d: {  	v29 =	vld [tilespmem:s30+$0x1DA20]  }
0x36e: {  	v30 =	vld [tilespmem:s30+$0x1BA20]  }
0x36f: {  	v31 =	vld [tilespmem:s30+$0x1D220];
	_ =	sdelay $0x1  }
0x370: {  	v13 =	vmul.f32 v14, v13;
	v32 =	vmul.f32 v16, v15  }
0x371: {  	v33 =	vmul.f32 v28, v63;
	v34 =	vmul.f32 v29, v62  }
0x372: {  	v38 =	vld [tilespmem:s28+$0x420];
	v17 =	vmul.f32 v61, v60;
	v35 =	vmul.f32 v29, v30  }
0x373: {  	v40 =	vld [tilespmem:s31+$0x20];
	v36 =	vmul.f32 v31, v63;
	v37 =	vmul.f32 v31, v62  }
0x374: {  	v21 =	vmul.f32 v28, v30;
	v15 =	vsub.f32 v33, v34;
	v39 =	vmul.f32 v32, v10  }
0x375: {  	v47 =	vld [tilespmem:s29+$0xC20];
	v16 =	vsub.f32 v35, v36;
	v41 =	vmul.f32 v30, v13;
	v43 =	vmul.f32 v32, v11  }
0x376: {  	v42 =	vld [tilespmem:s29+$0x20];
	v21 =	vsub.f32 v37, v21;
	v19 =	vmul.f32 v62, v13;
	v14 =	vmul.f32 v32, v12  }
0x377: {  	v44 =	vld [tilespmem:s29+$0x420];
	v13 =	vmul.f32 v63, v13;
	v15 =	vmul.f32 v15, v17;
	v18 =	vadd.f32 v41, v39  }
0x378: {  	v45 =	vld [tilespmem:s29+$0x820];
	v48 =	vmul.f32 v40, v38;
	v19 =	vadd.f32 v19, v43;
	v16 =	vmul.f32 v16, v17  }
0x379: {  	v13 =	vadd.f32 v13, v14;
	v46 =	vmul.f32 v21, v17;
	v15 =	vadd.f32 v15, v18  }
0x37a: {  	v14 =	vadd.f32 v47, v48;
	v16 =	vadd.f32 v16, v19  }
0x37b: {  	v13 =	vadd.f32 v46, v13;
	v15 =	vadd.f32 v15, v42  }
0x37c: {  	[tilespmem:s29+$0xC20] =	vst v14;
	v16 =	vadd.f32 v16, v44  }
0x37d: {  	v13 =	vadd.f32 v45, v13;
	[tilespmem:s29+$0x20] =	vst v15  }
0x37e: {  	[tilespmem:s29+$0x420] =	vst v16  }
0x37f: {  	[tilespmem:s29+$0x820] =	vst v13  }
0x380: {  	v13 =	vld [tilespmem:s28+$0x30]  }
0x381: {  	v14 =	vld [tilespmem:s0+$0x30]  }
0x382: {  	v15 =	vld [tilespmem:s28+$0x830]  }
0x383: {  	v16 =	vld [tilespmem:s2+$0x30]  }
0x384: {  	v49 =	vld [tilespmem:s28+$0xC30]  }
0x385: {  	v50 =	vld [tilespmem:s12+$0x30]  }
0x386: {  	v51 =	vld [tilespmem:s30+$0x1BE30]  }
0x387: {  	v52 =	vld [tilespmem:s30+$0x1C230]  }
0x388: {  	v53 =	vld [tilespmem:s30+$0x1D630]  }
0x389: {  	v54 =	vld [tilespmem:s30+$0x1DA30]  }
0x38a: {  	v55 =	vld [tilespmem:s30+$0x1BA30]  }
0x38b: {  	v56 =	vld [tilespmem:s30+$0x1D230];
	_ =	sdelay $0x1  }
0x38c: {  	v13 =	vmul.f32 v14, v13;
	v57 =	vmul.f32 v16, v15  }
0x38d: {  	v58 =	vmul.f32 v53, v52;
	v59 =	vmul.f32 v54, v51  }
0x38e: {  	v63 =	vld [tilespmem:s28+$0x430];
	v17 =	vmul.f32 v50, v49;
	v60 =	vmul.f32 v54, v55  }
0x38f: {  	v29 =	vld [tilespmem:s31+$0x30];
	v61 =	vmul.f32 v56, v52;
	v62 =	vmul.f32 v56, v51  }
0x390: {  	v21 =	vmul.f32 v53, v55;
	v15 =	vsub.f32 v58, v59;
	v28 =	vmul.f32 v57, v10  }
0x391: {  	v36 =	vld [tilespmem:s29+$0xC30];
	v16 =	vsub.f32 v60, v61;
	v30 =	vmul.f32 v55, v13;
	v32 =	vmul.f32 v57, v11  }
0x392: {  	v31 =	vld [tilespmem:s29+$0x30];
	v21 =	vsub.f32 v62, v21;
	v19 =	vmul.f32 v51, v13;
	v14 =	vmul.f32 v57, v12  }
0x393: {  	v33 =	vld [tilespmem:s29+$0x430];
	v13 =	vmul.f32 v52, v13;
	v15 =	vmul.f32 v15, v17;
	v18 =	vadd.f32 v30, v28  }
0x394: {  	v34 =	vld [tilespmem:s29+$0x830];
	v37 =	vmul.f32 v29, v63;
	v19 =	vadd.f32 v19, v32;
	v16 =	vmul.f32 v16, v17  }
0x395: {  	v13 =	vadd.f32 v13, v14;
	v35 =	vmul.f32 v21, v17;
	v15 =	vadd.f32 v15, v18  }
0x396: {  	v14 =	vadd.f32 v36, v37;
	v16 =	vadd.f32 v16, v19  }
0x397: {  	v13 =	vadd.f32 v35, v13;
	v15 =	vadd.f32 v15, v31  }
0x398: {  	[tilespmem:s29+$0xC30] =	vst v14;
	v16 =	vadd.f32 v16, v33  }
0x399: {  	v13 =	vadd.f32 v34, v13;
	[tilespmem:s29+$0x30] =	vst v15  }
0x39a: {  	[tilespmem:s29+$0x430] =	vst v16  }
0x39b: {  	[tilespmem:s29+$0x830] =	vst v13  }
0x39c: {  	v13 =	vld [tilespmem:s28+$0x40]  }
0x39d: {  	v14 =	vld [tilespmem:s0+$0x40]  }
0x39e: {  	v15 =	vld [tilespmem:s28+$0x840]  }
0x39f: {  	v16 =	vld [tilespmem:s2+$0x40]  }
0x3a0: {  	v38 =	vld [tilespmem:s28+$0xC40]  }
0x3a1: {  	v39 =	vld [tilespmem:s12+$0x40]  }
0x3a2: {  	v40 =	vld [tilespmem:s30+$0x1BE40]  }
0x3a3: {  	v41 =	vld [tilespmem:s30+$0x1C240]  }
0x3a4: {  	v42 =	vld [tilespmem:s30+$0x1D640]  }
0x3a5: {  	v43 =	vld [tilespmem:s30+$0x1DA40]  }
0x3a6: {  	v44 =	vld [tilespmem:s30+$0x1BA40]  }
0x3a7: {  	v45 =	vld [tilespmem:s30+$0x1D240];
	_ =	sdelay $0x1  }
0x3a8: {  	v13 =	vmul.f32 v14, v13;
	v46 =	vmul.f32 v16, v15  }
0x3a9: {  	v47 =	vmul.f32 v42, v41;
	v48 =	vmul.f32 v43, v40  }
0x3aa: {  	v52 =	vld [tilespmem:s28+$0x440];
	v17 =	vmul.f32 v39, v38;
	v49 =	vmul.f32 v43, v44  }
0x3ab: {  	v54 =	vld [tilespmem:s31+$0x40];
	v50 =	vmul.f32 v45, v41;
	v51 =	vmul.f32 v45, v40  }
0x3ac: {  	v21 =	vmul.f32 v42, v44;
	v15 =	vsub.f32 v47, v48;
	v53 =	vmul.f32 v46, v10  }
0x3ad: {  	v61 =	vld [tilespmem:s29+$0xC40];
	v16 =	vsub.f32 v49, v50;
	v55 =	vmul.f32 v44, v13;
	v57 =	vmul.f32 v46, v11  }
0x3ae: {  	v56 =	vld [tilespmem:s29+$0x40];
	v21 =	vsub.f32 v51, v21;
	v19 =	vmul.f32 v40, v13;
	v14 =	vmul.f32 v46, v12  }
0x3af: {  	v58 =	vld [tilespmem:s29+$0x440];
	v13 =	vmul.f32 v41, v13;
	v15 =	vmul.f32 v15, v17;
	v18 =	vadd.f32 v55, v53  }
0x3b0: {  	v59 =	vld [tilespmem:s29+$0x840];
	v62 =	vmul.f32 v54, v52;
	v19 =	vadd.f32 v19, v57;
	v16 =	vmul.f32 v16, v17  }
0x3b1: {  	v13 =	vadd.f32 v13, v14;
	v60 =	vmul.f32 v21, v17;
	v15 =	vadd.f32 v15, v18  }
0x3b2: {  	v14 =	vadd.f32 v61, v62;
	v16 =	vadd.f32 v16, v19  }
0x3b3: {  	v13 =	vadd.f32 v60, v13;
	v15 =	vadd.f32 v15, v56  }
0x3b4: {  	[tilespmem:s29+$0xC40] =	vst v14;
	v16 =	vadd.f32 v16, v58  }
0x3b5: {  	v13 =	vadd.f32 v59, v13;
	[tilespmem:s29+$0x40] =	vst v15  }
0x3b6: {  	[tilespmem:s29+$0x440] =	vst v16  }
0x3b7: {  	[tilespmem:s29+$0x840] =	vst v13  }
0x3b8: {  	v13 =	vld [tilespmem:s28+$0x50]  }
0x3b9: {  	v14 =	vld [tilespmem:s0+$0x50]  }
0x3ba: {  	v15 =	vld [tilespmem:s28+$0x850]  }
0x3bb: {  	v16 =	vld [tilespmem:s2+$0x50]  }
0x3bc: {  	v63 =	vld [tilespmem:s28+$0xC50]  }
0x3bd: {  	v28 =	vld [tilespmem:s12+$0x50]  }
0x3be: {  	v29 =	vld [tilespmem:s30+$0x1BE50]  }
0x3bf: {  	v30 =	vld [tilespmem:s30+$0x1C250]  }
0x3c0: {  	v31 =	vld [tilespmem:s30+$0x1D650]  }
0x3c1: {  	v32 =	vld [tilespmem:s30+$0x1DA50]  }
0x3c2: {  	v33 =	vld [tilespmem:s30+$0x1BA50]  }
0x3c3: {  	v34 =	vld [tilespmem:s30+$0x1D250];
	_ =	sdelay $0x1  }
0x3c4: {  	v13 =	vmul.f32 v14, v13;
	v35 =	vmul.f32 v16, v15  }
0x3c5: {  	v36 =	vmul.f32 v31, v30;
	v37 =	vmul.f32 v32, v29  }
0x3c6: {  	v41 =	vld [tilespmem:s28+$0x450];
	v17 =	vmul.f32 v28, v63;
	v38 =	vmul.f32 v32, v33  }
0x3c7: {  	v43 =	vld [tilespmem:s31+$0x50];
	v39 =	vmul.f32 v34, v30;
	v40 =	vmul.f32 v34, v29  }
0x3c8: {  	v21 =	vmul.f32 v31, v33;
	v15 =	vsub.f32 v36, v37;
	v42 =	vmul.f32 v35, v10  }
0x3c9: {  	v50 =	vld [tilespmem:s29+$0xC50];
	v16 =	vsub.f32 v38, v39;
	v44 =	vmul.f32 v33, v13;
	v46 =	vmul.f32 v35, v11  }
0x3ca: {  	v45 =	vld [tilespmem:s29+$0x50];
	v21 =	vsub.f32 v40, v21;
	v19 =	vmul.f32 v29, v13;
	v14 =	vmul.f32 v35, v12  }
0x3cb: {  	v47 =	vld [tilespmem:s29+$0x450];
	v13 =	vmul.f32 v30, v13;
	v15 =	vmul.f32 v15, v17;
	v18 =	vadd.f32 v44, v42  }
0x3cc: {  	v48 =	vld [tilespmem:s29+$0x850];
	v51 =	vmul.f32 v43, v41;
	v19 =	vadd.f32 v19, v46;
	v16 =	vmul.f32 v16, v17  }
0x3cd: {  	v13 =	vadd.f32 v13, v14;
	v49 =	vmul.f32 v21, v17;
	v15 =	vadd.f32 v15, v18  }
0x3ce: {  	v14 =	vadd.f32 v50, v51;
	v16 =	vadd.f32 v16, v19  }
0x3cf: {  	v13 =	vadd.f32 v49, v13;
	v15 =	vadd.f32 v15, v45  }
0x3d0: {  	[tilespmem:s29+$0xC50] =	vst v14;
	v16 =	vadd.f32 v16, v47  }
0x3d1: {  	v13 =	vadd.f32 v48, v13;
	[tilespmem:s29+$0x50] =	vst v15  }
0x3d2: {  	[tilespmem:s29+$0x450] =	vst v16  }
0x3d3: {  	[tilespmem:s29+$0x850] =	vst v13  }
0x3d4: {  	v13 =	vld [tilespmem:s28+$0x60]  }
0x3d5: {  	v14 =	vld [tilespmem:s0+$0x60]  }
0x3d6: {  	v15 =	vld [tilespmem:s28+$0x860]  }
0x3d7: {  	v16 =	vld [tilespmem:s2+$0x60]  }
0x3d8: {  	v52 =	vld [tilespmem:s28+$0xC60]  }
0x3d9: {  	v53 =	vld [tilespmem:s12+$0x60]  }
0x3da: {  	v54 =	vld [tilespmem:s30+$0x1BE60]  }
0x3db: {  	v55 =	vld [tilespmem:s30+$0x1C260]  }
0x3dc: {  	v56 =	vld [tilespmem:s30+$0x1D660]  }
0x3dd: {  	v57 =	vld [tilespmem:s30+$0x1DA60]  }
0x3de: {  	v58 =	vld [tilespmem:s30+$0x1BA60]  }
0x3df: {  	v59 =	vld [tilespmem:s30+$0x1D260];
	_ =	sdelay $0x1  }
0x3e0: {  	v13 =	vmul.f32 v14, v13;
	v60 =	vmul.f32 v16, v15  }
0x3e1: {  	v61 =	vmul.f32 v56, v55;
	v62 =	vmul.f32 v57, v54  }
0x3e2: {  	v30 =	vld [tilespmem:s28+$0x460];
	v17 =	vmul.f32 v53, v52;
	v63 =	vmul.f32 v57, v58  }
0x3e3: {  	v32 =	vld [tilespmem:s31+$0x60];
	v28 =	vmul.f32 v59, v55;
	v29 =	vmul.f32 v59, v54  }
0x3e4: {  	v21 =	vmul.f32 v56, v58;
	v15 =	vsub.f32 v61, v62;
	v31 =	vmul.f32 v60, v10  }
0x3e5: {  	v39 =	vld [tilespmem:s29+$0xC60];
	v16 =	vsub.f32 v63, v28;
	v33 =	vmul.f32 v58, v13;
	v35 =	vmul.f32 v60, v11  }
0x3e6: {  	v34 =	vld [tilespmem:s29+$0x60];
	v21 =	vsub.f32 v29, v21;
	v19 =	vmul.f32 v54, v13;
	v13 =	vmul.f32 v55, v13  }
0x3e7: {  	v36 =	vld [tilespmem:s29+$0x460];
	v14 =	vmul.f32 v60, v12;
	v15 =	vmul.f32 v15, v17;
	v18 =	vadd.f32 v33, v31  }
0x3e8: {  	v37 =	vld [tilespmem:s29+$0x860];
	v40 =	vmul.f32 v32, v30;
	v19 =	vadd.f32 v19, v35;
	v16 =	vmul.f32 v16, v17  }
0x3e9: {  	v13 =	vadd.f32 v13, v14;
	v38 =	vmul.f32 v21, v17;
	v15 =	vadd.f32 v15, v18  }
0x3ea: {  	v14 =	vadd.f32 v39, v40;
	v16 =	vadd.f32 v16, v19  }
0x3eb: {  	v13 =	vadd.f32 v38, v13;
	v15 =	vadd.f32 v15, v34  }
0x3ec: {  	[tilespmem:s29+$0xC60] =	vst v14;
	v16 =	vadd.f32 v16, v36  }
0x3ed: {  	v13 =	vadd.f32 v37, v13;
	[tilespmem:s29+$0x60] =	vst v15  }
0x3ee: {  	[tilespmem:s29+$0x460] =	vst v16  }
0x3ef: {  	[tilespmem:s29+$0x860] =	vst v13  }
0x3f0: {  	v13 =	vld [tilespmem:s28+$0x70]  }
0x3f1: {  	v14 =	vld [tilespmem:s0+$0x70]  }
0x3f2: {  	v15 =	vld [tilespmem:s28+$0x870]  }
0x3f3: {  	v16 =	vld [tilespmem:s2+$0x70]  }
0x3f4: {  	v41 =	vld [tilespmem:s28+$0xC70]  }
0x3f5: {  	v42 =	vld [tilespmem:s12+$0x70]  }
0x3f6: {  	v43 =	vld [tilespmem:s30+$0x1BE70]  }
0x3f7: {  	v44 =	vld [tilespmem:s30+$0x1C270]  }
0x3f8: {  	v45 =	vld [tilespmem:s30+$0x1D670]  }
0x3f9: {  	v46 =	vld [tilespmem:s30+$0x1DA70]  }
0x3fa: {  	v47 =	vld [tilespmem:s30+$0x1BA70]  }
0x3fb: {  	v48 =	vld [tilespmem:s30+$0x1D270];
	_ =	sdelay $0x1  }
0x3fc: {  	v13 =	vmul.f32 v14, v13;
	v49 =	vmul.f32 v16, v15  }
0x3fd: {  	v50 =	vmul.f32 v45, v44;
	v51 =	vmul.f32 v46, v43  }
0x3fe: {  	v17 =	vmul.f32 v42, v41;
	v52 =	vmul.f32 v46, v47  }
0x3ff: {  	v53 =	vmul.f32 v48, v44;
	v54 =	vmul.f32 v48, v43  }
0x400: {  	v57 =	vld [tilespmem:s29+$0x70];
	v21 =	vmul.f32 v45, v47;
	v15 =	vsub.f32 v50, v51;
	v10 =	vmul.f32 v49, v10  }
0x401: {  	v58 =	vld [tilespmem:s29+$0x470];
	v16 =	vsub.f32 v52, v53;
	v23 =	vmul.f32 v47, v13;
	v11 =	vmul.f32 v49, v11  }
0x402: {  	v55 =	vld [tilespmem:s28+$0x470];
	v21 =	vsub.f32 v54, v21;
	v19 =	vmul.f32 v43, v13;
	v12 =	vmul.f32 v49, v12  }
0x403: {  	v56 =	vld [tilespmem:s31+$0x70];
	v13 =	vmul.f32 v44, v13;
	v15 =	vmul.f32 v15, v17;
	v10 =	vadd.f32 v23, v10  }
0x404: {  	v60 =	vld [tilespmem:s29+$0x870];
	v11 =	vadd.f32 v19, v11;
	v59 =	vmul.f32 v16, v17  }
0x405: {  	v62 =	vld [tilespmem:s29+$0xC70];
	v12 =	vadd.f32 v13, v12;
	v61 =	vmul.f32 v21, v17;
	v10 =	vadd.f32 v15, v10  }
0x406: {  	v11 =	vadd.f32 v59, v11  }
0x407: {  	p0 =	sne.s32 s26, $0xF;
	v12 =	vadd.f32 v61, v12;
	v10 =	vadd.f32 v10, v57  }
.Ltmp19:
0x408: {  	v63 =	vmul.f32 v56, v55;
	v11 =	vadd.f32 v11, v58;
	(pc) =	sbr.rel @p0 .LBB2_21-.Ltmp19, $4  }
0x409: {  	[tilespmem:s29+$0x70] =	vst v10;
	v10 =	vadd.f32 v60, v12  }
0x40a: {  	[tilespmem:s29+$0x470] =	vst v11;
	v11 =	vadd.f32 v62, v63  }
0x40b: {  	[tilespmem:s29+$0x870] =	vst v10  }
0x40c: {  	s25 =	sadd.s32 $0x80, s25;
	s26 =	sadd.s32 $0x1, s26;
	s24 =	sadd.s32 $0x1, s24;
	[tilespmem:s29+$0xC70] =	vst v11  }
0x40d: {  	s23 =	sadd.s32 $0x1, s23  }
0x40e: {  	p0 =	sne.s32 s23, s4  }
.Ltmp20:
0x40f: {  	_ = 	snop;
	(pc) =	sbr.rel @p0 .LBB2_20-.Ltmp20, $4  }
.Ltmp21:
0x410: {  	_ = 	snop;
	(pc) =	sbr.rel @!p0 .LBB2_23-.Ltmp21, $4  }
0x411: {  	_ = 	snop  }
0x412: {  	_ = 	snop  }
0x413: {  	_ = 	snop  }
0x414: {  	_ = 	snop  }
.LBB2_25:
0x415: {  	_ =	sfence.sel $0x180000  }
0x416: {  	[bflag:$0x0] =	sbarrier.arrive $0xFFFF  }
0x417: {  	_ =	strace $0x90000047  }
0x418: {  	s0 =	stileid.u32;
	[bflag:$0x2] =	sbarrier.arrive $0xFFFF  }
0x419: {  	p0 =	sne.s32 s0, $0x0;
	s0 =	rddreg [dreg:$0x2]  }
0x41a: {  	s0 =	sadd.s32 @!p0 $0x100000, s0  }
0x41b: {  	[sflag:s0] =	ssyncadd.tile.s32 @!p0 $0x1;
	_ =	shalt  }
.Lfunc_end2:
_tile_overlayer_lowered:
.L_overlay_start_2:
0x41c: {  	(tag) =	ssettag $0x2  }
0x41d: {  	s0 =	rddreg [dreg:$0x0];
	s2 =	stileid.u32  }
0x41e: {  	s1 =	rddreg [dreg:$0x1];
	p0 =	sne.s32 s2, $0x0  }
0x41f: {  	s3 =	rddreg [dreg:$0x2];
	[bflag:$0x3] =	sbarrier.arrive $0xFFFF;
	s2 =	simm.s32 @!p0 $0x1C02  }
0x420: {  	[timem:s3], [sflag:s2] =	dma.local @!p0 [hbm:s0], s1  }
0x421: {  	s0 =	simm.s32 @!p0 $0x2  }
0x422: {  	_ =	swait.ge @!p0 [sflag:s0], s1  }
0x423: {  	s1 =	ssub.s32 @!p0 $0x0, s1;
	[sflag:s0] =	ssyncset.done @!p0 $0x0  }
0x424: {  	[sflag:s0] =	ssyncadd.s32 @!p0 s1  }
0x425: {  	[bflag:$0x3] =	sbarrier.arrive $0xFFFF  }
0x426: {  	_ =	shalt  }

</sc_bundles>
